<compile_context>
chip_gen: v7x
topology: tpu7x:2x2x1
jax: 0.10.2.dev20260603
libtpu: 0.0.44.dev20260713+nightly
codegen_flags: <defaults>
</compile_context>

<pallas_src>
import functools

import jax
import jax.numpy as jnp
from jax import lax
from jax.experimental import pallas as pl
from jax.experimental.pallas import tpu as pltpu
from jax.experimental.pallas import tpu_sc as plsc

NC = 2
NS = 16
L = 16
NW = NC * NS

EMBED_DIM = 32
BATCH = 16384
BW = BATCH // NW
CHUNK = 128
NCH = BW // CHUNK
GPC = CHUNK // L


def _nsqrt(x):
    xi = lax.bitcast_convert_type(x, jnp.int32)
    yi = lax.shift_right_logical(xi, 1) + jnp.int32(0x1FBD1DF5)
    y = lax.bitcast_convert_type(yi, jnp.float32)
    for _ in range(3):
        y = 0.5 * (y + x / y)
    return -y


def _body(h_hbm, t_hbm, r_hbm, ent_hbm, rel_hbm, out_hbm,
          h_idx, t_idx, r_idx, rows_h, rows_t, rows_r, out_v, sem):
    wid = lax.axis_index("s") * NC + lax.axis_index("c")
    base = wid * BW

    for c in range(NCH):
        off = base + c * CHUNK
        pltpu.sync_copy(h_hbm.at[pl.ds(off, CHUNK)], h_idx.at[c])
        pltpu.sync_copy(t_hbm.at[pl.ds(off, CHUNK)], t_idx.at[c])
        pltpu.sync_copy(r_hbm.at[pl.ds(off, CHUNK)], r_idx.at[c])

    copies = []
    for c in range(NCH):
        copies.append(pltpu.async_copy(ent_hbm.at[h_idx.at[c]], rows_h.at[c], sem))
        copies.append(pltpu.async_copy(ent_hbm.at[t_idx.at[c]], rows_t.at[c], sem))
        copies.append(pltpu.async_copy(rel_hbm.at[r_idx.at[c]], rows_r.at[c], sem))
    for cp in copies:
        cp.wait()

    lane = lax.iota(jnp.int32, L)

    for c in range(NCH):
        def group_body(g, carry):
            rb = g * L
            acc = jnp.zeros((L,), jnp.float32)
            for j in range(L):
                i = rb + j
                h0 = rows_h[c, i, 0:L]
                h1 = rows_h[c, i, L:EMBED_DIM]
                t0 = rows_t[c, i, 0:L]
                t1 = rows_t[c, i, L:EMBED_DIM]
                r0 = rows_r[c, i, 0:L]
                r1 = rows_r[c, i, L:EMBED_DIM]
                d0 = (h0 - t0) + r0
                d1 = (h1 - t1) + r1
                sq = d0 * d0 + d1 * d1
                acc = jnp.where(lane == j, jnp.sum(sq), acc)
            out_v[pl.ds(c * CHUNK + rb, L)] = _nsqrt(acc + 1e-12)
            return carry

        lax.fori_loop(0, GPC, group_body, 0)

    pltpu.sync_copy(out_v, out_hbm.at[pl.ds(base, BW)])


_sc_call = functools.partial(
    pl.kernel,
    mesh=plsc.VectorSubcoreMesh(core_axis_name="c", subcore_axis_name="s"),
    out_type=jax.ShapeDtypeStruct((BATCH,), jnp.float32),
    compiler_params=pltpu.CompilerParams(
        needs_layout_passes=False, use_tc_tiling_on_sc=False
    ),
    scratch_types=[
        pltpu.VMEM((NCH, CHUNK), jnp.int32),
        pltpu.VMEM((NCH, CHUNK), jnp.int32),
        pltpu.VMEM((NCH, CHUNK), jnp.int32),
        pltpu.VMEM((NCH, CHUNK, EMBED_DIM), jnp.float32),
        pltpu.VMEM((NCH, CHUNK, EMBED_DIM), jnp.float32),
        pltpu.VMEM((NCH, CHUNK, EMBED_DIM), jnp.float32),
        pltpu.VMEM((BW,), jnp.float32),
        pltpu.SemaphoreType.DMA,
    ],
)(_body)


@jax.jit
def kernel(triples, entity_table, relation_table):
    h = triples[0]
    t = triples[1]
    r = triples[2]
    return _sc_call(h, t, r, entity_table, relation_table)

# --- scband reference (transcript-rebuilt; emitter-appended) ---
"""Pipeline reference for scband-embedding-model-base-65214783423112 (READ-ONLY COPY).

The authoritative reference and input builder live on the scoring server;
editing this copy changes nothing except your own understanding.
"""

import jax, jax.numpy as jnp
import numpy as np

N_ENTITIES = 1000000
N_RELATIONS = 1000000
EMBED_DIM = 32
BATCH = 16384

def setup_inputs(seed: int = 0) -> dict:
    key = jax.random.key(seed)
    k1, k2, k3 = jax.random.split(key, 3)
    triples = jax.random.randint(k1, (3, BATCH), 0, N_ENTITIES, dtype=jnp.int32)
    entity_table = jax.random.normal(k2, (N_ENTITIES, EMBED_DIM), dtype=jnp.float32) * 0.02
    relation_table = jax.random.normal(k3, (N_RELATIONS, EMBED_DIM), dtype=jnp.float32) * 0.02
    return {"triples": triples, "entity_table": entity_table, "relation_table": relation_table}

def reference(triples, entity_table, relation_table):
    # encode: gather head/tail entity embeddings and relation embeddings
    h = triples[0]
    t = triples[1]
    r = triples[2]
    e_h = jnp.take(entity_table, h, axis=0)
    e_t = jnp.take(entity_table, t, axis=0)
    e_r = jnp.take(relation_table, r, axis=0)
    # score: TransE-style translational distance score (concrete choice for the
    # abstract score() of EmbeddingModelBase): -||e_h + e_r - e_t||_2
    diff = e_h + e_r - e_t
    score = -jnp.sqrt(jnp.sum(diff * diff, axis=-1) + 1e-12)
    return score

if __name__ == "__main__":
    import jax
    _d = setup_inputs()
    print(jax.jit(kernel)(*tuple(_d.values())))

</pallas_src>

<mosaic_0001>
#map = affine_map<(d0, d1) -> (0)>
#map1 = affine_map<(d0, d1) -> (0, 0)>
module attributes {stable_mosaic.version = 14 : i64} {
  func.func @_body(%arg0: i32, %arg1: i32, %arg2: memref<16384xi32, #tpu.memory_space<hbm>>, %arg3: memref<16384xi32, #tpu.memory_space<hbm>>, %arg4: memref<16384xi32, #tpu.memory_space<hbm>>, %arg5: memref<1000000x32xf32, #tpu.memory_space<hbm>>, %arg6: memref<1000000x32xf32, #tpu.memory_space<hbm>>, %arg7: memref<16384xf32, #tpu.memory_space<hbm>>, %arg8: memref<4x128xi32, #tpu.memory_space<vmem>>, %arg9: memref<4x128xi32, #tpu.memory_space<vmem>>, %arg10: memref<4x128xi32, #tpu.memory_space<vmem>>, %arg11: memref<4x128x32xf32, #tpu.memory_space<vmem>>, %arg12: memref<4x128x32xf32, #tpu.memory_space<vmem>>, %arg13: memref<4x128x32xf32, #tpu.memory_space<vmem>>, %arg14: memref<512xf32, #tpu.memory_space<vmem>>, %arg15: memref<!tpu.dma_semaphore, #tpu.memory_space<semaphore_mem>>) attributes {dimension_semantics = [#tpu.dimension_semantics<core_parallel>, #tpu.dimension_semantics<subcore_parallel>], iteration_bounds = array<i64: 2, 16>, scalar_prefetch = 0 : i64, scratch_operands = 8 : i64, tpu.core_type = #tpu.core_type<sc_vector_subcore>, window_params = [{transform_indices = #map}, {transform_indices = #map}, {transform_indices = #map}, {transform_indices = #map1}, {transform_indices = #map1}, {transform_indices = #map}]} {
    %mul3A = arith.constant 2 : i32
    %mul3A_0 = arith.muli %arg1, %mul3A : i32
    %add3A = arith.addi %mul3A_0, %arg0 : i32
    %mul3A_1 = arith.constant 512 : i32
    %mul3A_2 = arith.muli %add3A, %mul3A_1 : i32
    %add3A_3 = arith.constant 0 : i32
    %add3A_4 = arith.addi %mul3A_2, %add3A_3 : i32
    %run_scoped3A = arith.constant 0 : i32
    "tpu.region"() ({
      %run_scoped3A_331 = tpu.sem_alloc : memref<!tpu.dma_semaphore, #tpu.memory_space<semaphore_mem>>
      %dma_start3A_332 = arith.constant 0 : i32
      %dma_start3A_333 = tpu.memref_slice %arg8[%run_scoped3A, %dma_start3A_332] : memref<4x128xi32, #tpu.memory_space<vmem>> -> memref<1x128xi32, #tpu.memory_space<vmem>>
      %dma_start3A_334 = tpu.memref_squeeze %dma_start3A_333 : memref<1x128xi32, #tpu.memory_space<vmem>> -> memref<128xi32, #tpu.memory_space<vmem>>
      %dma_start3A_335 = tpu.memref_slice %arg2[%add3A_4] : memref<16384xi32, #tpu.memory_space<hbm>> -> memref<128xi32, #tpu.memory_space<hbm>>
      %dma_start3A_336 = arith.constant 0 : i32
      %dma_start3A_337 = tpu.memref_slice %arg8[%run_scoped3A, %dma_start3A_336] : memref<4x128xi32, #tpu.memory_space<vmem>> -> memref<1x128xi32, #tpu.memory_space<vmem>>
      %dma_start3A_338 = tpu.memref_squeeze %dma_start3A_337 : memref<1x128xi32, #tpu.memory_space<vmem>> -> memref<128xi32, #tpu.memory_space<vmem>>
      %dma_start3A_339 = tpu.memref_slice %arg2[%add3A_4] : memref<16384xi32, #tpu.memory_space<hbm>> -> memref<128xi32, #tpu.memory_space<hbm>>
      tpu.enqueue_dma source(%dma_start3A_339 : memref<128xi32, #tpu.memory_space<hbm>>) target(%dma_start3A_338 : memref<128xi32, #tpu.memory_space<vmem>>) target_semaphore(%run_scoped3A_331 : memref<!tpu.dma_semaphore, #tpu.memory_space<semaphore_mem>>)
      %dma_wait3A_340 = arith.constant 0 : i32
      %dma_wait3A_341 = tpu.memref_slice %arg8[%run_scoped3A, %dma_wait3A_340] : memref<4x128xi32, #tpu.memory_space<vmem>> -> memref<1x128xi32, #tpu.memory_space<vmem>>
      %dma_wait3A_342 = tpu.memref_squeeze %dma_wait3A_341 : memref<1x128xi32, #tpu.memory_space<vmem>> -> memref<128xi32, #tpu.memory_space<vmem>>
      %dma_wait3A_343 = tpu.memref_slice %arg2[%add3A_4] : memref<16384xi32, #tpu.memory_space<hbm>> -> memref<128xi32, #tpu.memory_space<hbm>>
      %dma_wait3A_344 = arith.constant 0 : i32
      %dma_wait3A_345 = tpu.memref_slice %arg8[%run_scoped3A, %dma_wait3A_344] : memref<4x128xi32, #tpu.memory_space<vmem>> -> memref<1x128xi32, #tpu.memory_space<vmem>>
      %dma_wait3A_346 = tpu.memref_squeeze %dma_wait3A_345 : memref<1x128xi32, #tpu.memory_space<vmem>> -> memref<128xi32, #tpu.memory_space<vmem>>
      %dma_wait3A_347 = tpu.memref_slice %arg2[%add3A_4] : memref<16384xi32, #tpu.memory_space<hbm>> -> memref<128xi32, #tpu.memory_space<hbm>>
      tpu.wait_dma2 semaphore(%run_scoped3A_331 : memref<!tpu.dma_semaphore, #tpu.memory_space<semaphore_mem>>) src(%dma_wait3A_347 : memref<128xi32, #tpu.memory_space<hbm>>) dst(%dma_wait3A_346 : memref<128xi32, #tpu.memory_space<vmem>>)
      tpu.yield
    }) : () -> ()
    %run_scoped3A_5 = arith.constant 0 : i32
    "tpu.region"() ({
      %run_scoped3A_331 = tpu.sem_alloc : memref<!tpu.dma_semaphore, #tpu.memory_space<semaphore_mem>>
      %dma_start3A_332 = arith.constant 0 : i32
      %dma_start3A_333 = tpu.memref_slice %arg9[%run_scoped3A_5, %dma_start3A_332] : memref<4x128xi32, #tpu.memory_space<vmem>> -> memref<1x128xi32, #tpu.memory_space<vmem>>
      %dma_start3A_334 = tpu.memref_squeeze %dma_start3A_333 : memref<1x128xi32, #tpu.memory_space<vmem>> -> memref<128xi32, #tpu.memory_space<vmem>>
      %dma_start3A_335 = tpu.memref_slice %arg3[%add3A_4] : memref<16384xi32, #tpu.memory_space<hbm>> -> memref<128xi32, #tpu.memory_space<hbm>>
      %dma_start3A_336 = arith.constant 0 : i32
      %dma_start3A_337 = tpu.memref_slice %arg9[%run_scoped3A_5, %dma_start3A_336] : memref<4x128xi32, #tpu.memory_space<vmem>> -> memref<1x128xi32, #tpu.memory_space<vmem>>
      %dma_start3A_338 = tpu.memref_squeeze %dma_start3A_337 : memref<1x128xi32, #tpu.memory_space<vmem>> -> memref<128xi32, #tpu.memory_space<vmem>>
      %dma_start3A_339 = tpu.memref_slice %arg3[%add3A_4] : memref<16384xi32, #tpu.memory_space<hbm>> -> memref<128xi32, #tpu.memory_space<hbm>>
      tpu.enqueue_dma source(%dma_start3A_339 : memref<128xi32, #tpu.memory_space<hbm>>) target(%dma_start3A_338 : memref<128xi32, #tpu.memory_space<vmem>>) target_semaphore(%run_scoped3A_331 : memref<!tpu.dma_semaphore, #tpu.memory_space<semaphore_mem>>)
      %dma_wait3A_340 = arith.constant 0 : i32
      %dma_wait3A_341 = tpu.memref_slice %arg9[%run_scoped3A_5, %dma_wait3A_340] : memref<4x128xi32, #tpu.memory_space<vmem>> -> memref<1x128xi32, #tpu.memory_space<vmem>>
      %dma_wait3A_342 = tpu.memref_squeeze %dma_wait3A_341 : memref<1x128xi32, #tpu.memory_space<vmem>> -> memref<128xi32, #tpu.memory_space<vmem>>
      %dma_wait3A_343 = tpu.memref_slice %arg3[%add3A_4] : memref<16384xi32, #tpu.memory_space<hbm>> -> memref<128xi32, #tpu.memory_space<hbm>>
      %dma_wait3A_344 = arith.constant 0 : i32
      %dma_wait3A_345 = tpu.memref_slice %arg9[%run_scoped3A_5, %dma_wait3A_344] : memref<4x128xi32, #tpu.memory_space<vmem>> -> memref<1x128xi32, #tpu.memory_space<vmem>>
      %dma_wait3A_346 = tpu.memref_squeeze %dma_wait3A_345 : memref<1x128xi32, #tpu.memory_space<vmem>> -> memref<128xi32, #tpu.memory_space<vmem>>
      %dma_wait3A_347 = tpu.memref_slice %arg3[%add3A_4] : memref<16384xi32, #tpu.memory_space<hbm>> -> memref<128xi32, #tpu.memory_space<hbm>>
      tpu.wait_dma2 semaphore(%run_scoped3A_331 : memref<!tpu.dma_semaphore, #tpu.memory_space<semaphore_mem>>) src(%dma_wait3A_347 : memref<128xi32, #tpu.memory_space<hbm>>) dst(%dma_wait3A_346 : memref<128xi32, #tpu.memory_space<vmem>>)
      tpu.yield
    }) : () -> ()
    %run_scoped3A_6 = arith.constant 0 : i32
    "tpu.region"() ({
      %run_scoped3A_331 = tpu.sem_alloc : memref<!tpu.dma_semaphore, #tpu.memory_space<semaphore_mem>>
      %dma_start3A_332 = arith.constant 0 : i32
      %dma_start3A_333 = tpu.memref_slice %arg10[%run_scoped3A_6, %dma_start3A_332] : memref<4x128xi32, #tpu.memory_space<vmem>> -> memref<1x128xi32, #tpu.memory_space<vmem>>
      %dma_start3A_334 = tpu.memref_squeeze %dma_start3A_333 : memref<1x128xi32, #tpu.memory_space<vmem>> -> memref<128xi32, #tpu.memory_space<vmem>>
      %dma_start3A_335 = tpu.memref_slice %arg4[%add3A_4] : memref<16384xi32, #tpu.memory_space<hbm>> -> memref<128xi32, #tpu.memory_space<hbm>>
      %dma_start3A_336 = arith.constant 0 : i32
      %dma_start3A_337 = tpu.memref_slice %arg10[%run_scoped3A_6, %dma_start3A_336] : memref<4x128xi32, #tpu.memory_space<vmem>> -> memref<1x128xi32, #tpu.memory_space<vmem>>
      %dma_start3A_338 = tpu.memref_squeeze %dma_start3A_337 : memref<1x128xi32, #tpu.memory_space<vmem>> -> memref<128xi32, #tpu.memory_space<vmem>>
      %dma_start3A_339 = tpu.memref_slice %arg4[%add3A_4] : memref<16384xi32, #tpu.memory_space<hbm>> -> memref<128xi32, #tpu.memory_space<hbm>>
      tpu.enqueue_dma source(%dma_start3A_339 : memref<128xi32, #tpu.memory_space<hbm>>) target(%dma_start3A_338 : memref<128xi32, #tpu.memory_space<vmem>>) target_semaphore(%run_scoped3A_331 : memref<!tpu.dma_semaphore, #tpu.memory_space<semaphore_mem>>)
      %dma_wait3A_340 = arith.constant 0 : i32
      %dma_wait3A_341 = tpu.memref_slice %arg10[%run_scoped3A_6, %dma_wait3A_340] : memref<4x128xi32, #tpu.memory_space<vmem>> -> memref<1x128xi32, #tpu.memory_space<vmem>>
      %dma_wait3A_342 = tpu.memref_squeeze %dma_wait3A_341 : memref<1x128xi32, #tpu.memory_space<vmem>> -> memref<128xi32, #tpu.memory_space<vmem>>
      %dma_wait3A_343 = tpu.memref_slice %arg4[%add3A_4] : memref<16384xi32, #tpu.memory_space<hbm>> -> memref<128xi32, #tpu.memory_space<hbm>>
      %dma_wait3A_344 = arith.constant 0 : i32
      %dma_wait3A_345 = tpu.memref_slice %arg10[%run_scoped3A_6, %dma_wait3A_344] : memref<4x128xi32, #tpu.memory_space<vmem>> -> memref<1x128xi32, #tpu.memory_space<vmem>>
      %dma_wait3A_346 = tpu.memref_squeeze %dma_wait3A_345 : memref<1x128xi32, #tpu.memory_space<vmem>> -> memref<128xi32, #tpu.memory_space<vmem>>
      %dma_wait3A_347 = tpu.memref_slice %arg4[%add3A_4] : memref<16384xi32, #tpu.memory_space<hbm>> -> memref<128xi32, #tpu.memory_space<hbm>>
      tpu.wait_dma2 semaphore(%run_scoped3A_331 : memref<!tpu.dma_semaphore, #tpu.memory_space<semaphore_mem>>) src(%dma_wait3A_347 : memref<128xi32, #tpu.memory_space<hbm>>) dst(%dma_wait3A_346 : memref<128xi32, #tpu.memory_space<vmem>>)
      tpu.yield
    }) : () -> ()
    %add3A_7 = arith.constant 128 : i32
    %add3A_8 = arith.addi %mul3A_2, %add3A_7 : i32
    %run_scoped3A_9 = arith.constant 1 : i32
    "tpu.region"() ({
      %run_scoped3A_331 = tpu.sem_alloc : memref<!tpu.dma_semaphore, #tpu.memory_space<semaphore_mem>>
      %dma_start3A_332 = arith.constant 0 : i32
      %dma_start3A_333 = tpu.memref_slice %arg8[%run_scoped3A_9, %dma_start3A_332] : memref<4x128xi32, #tpu.memory_space<vmem>> -> memref<1x128xi32, #tpu.memory_space<vmem>>
      %dma_start3A_334 = tpu.memref_squeeze %dma_start3A_333 : memref<1x128xi32, #tpu.memory_space<vmem>> -> memref<128xi32, #tpu.memory_space<vmem>>
      %dma_start3A_335 = tpu.memref_slice %arg2[%add3A_8] : memref<16384xi32, #tpu.memory_space<hbm>> -> memref<128xi32, #tpu.memory_space<hbm>>
      %dma_start3A_336 = arith.constant 0 : i32
      %dma_start3A_337 = tpu.memref_slice %arg8[%run_scoped3A_9, %dma_start3A_336] : memref<4x128xi32, #tpu.memory_space<vmem>> -> memref<1x128xi32, #tpu.memory_space<vmem>>
      %dma_start3A_338 = tpu.memref_squeeze %dma_start3A_337 : memref<1x128xi32, #tpu.memory_space<vmem>> -> memref<128xi32, #tpu.memory_space<vmem>>
      %dma_start3A_339 = tpu.memref_slice %arg2[%add3A_8] : memref<16384xi32, #tpu.memory_space<hbm>> -> memref<128xi32, #tpu.memory_space<hbm>>
      tpu.enqueue_dma source(%dma_start3A_339 : memref<128xi32, #tpu.memory_space<hbm>>) target(%dma_start3A_338 : memref<128xi32, #tpu.memory_space<vmem>>) target_semaphore(%run_scoped3A_331 : memref<!tpu.dma_semaphore, #tpu.memory_space<semaphore_mem>>)
      %dma_wait3A_340 = arith.constant 0 : i32
      %dma_wait3A_341 = tpu.memref_slice %arg8[%run_scoped3A_9, %dma_wait3A_340] : memref<4x128xi32, #tpu.memory_space<vmem>> -> memref<1x128xi32, #tpu.memory_space<vmem>>
      %dma_wait3A_342 = tpu.memref_squeeze %dma_wait3A_341 : memref<1x128xi32, #tpu.memory_space<vmem>> -> memref<128xi32, #tpu.memory_space<vmem>>
      %dma_wait3A_343 = tpu.memref_slice %arg2[%add3A_8] : memref<16384xi32, #tpu.memory_space<hbm>> -> memref<128xi32, #tpu.memory_space<hbm>>
      %dma_wait3A_344 = arith.constant 0 : i32
      %dma_wait3A_345 = tpu.memref_slice %arg8[%run_scoped3A_9, %dma_wait3A_344] : memref<4x128xi32, #tpu.memory_space<vmem>> -> memref<1x128xi32, #tpu.memory_space<vmem>>
      %dma_wait3A_346 = tpu.memref_squeeze %dma_wait3A_345 : memref<1x128xi32, #tpu.memory_space<vmem>> -> memref<128xi32, #tpu.memory_space<vmem>>
      %dma_wait3A_347 = tpu.memref_slice %arg2[%add3A_8] : memref<16384xi32, #tpu.memory_space<hbm>> -> memref<128xi32, #tpu.memory_space<hbm>>
      tpu.wait_dma2 semaphore(%run_scoped3A_331 : memref<!tpu.dma_semaphore, #tpu.memory_space<semaphore_mem>>) src(%dma_wait3A_347 : memref<128xi32, #tpu.memory_space<hbm>>) dst(%dma_wait3A_346 : memref<128xi32, #tpu.memory_space<vmem>>)
      tpu.yield
    }) : () -> ()
    %run_scoped3A_10 = arith.constant 1 : i32
    "tpu.region"() ({
      %run_scoped3A_331 = tpu.sem_alloc : memref<!tpu.dma_semaphore, #tpu.memory_space<semaphore_mem>>
      %dma_start3A_332 = arith.constant 0 : i32
      %dma_start3A_333 = tpu.memref_slice %arg9[%run_scoped3A_10, %dma_start3A_332] : memref<4x128xi32, #tpu.memory_space<vmem>> -> memref<1x128xi32, #tpu.memory_space<vmem>>
      %dma_start3A_334 = tpu.memref_squeeze %dma_start3A_333 : memref<1x128xi32, #tpu.memory_space<vmem>> -> memref<128xi32, #tpu.memory_space<vmem>>
      %dma_start3A_335 = tpu.memref_slice %arg3[%add3A_8] : memref<16384xi32, #tpu.memory_space<hbm>> -> memref<128xi32, #tpu.memory_space<hbm>>
      %dma_start3A_336 = arith.constant 0 : i32
      %dma_start3A_337 = tpu.memref_slice %arg9[%run_scoped3A_10, %dma_start3A_336] : memref<4x128xi32, #tpu.memory_space<vmem>> -> memref<1x128xi32, #tpu.memory_space<vmem>>
      %dma_start3A_338 = tpu.memref_squeeze %dma_start3A_337 : memref<1x128xi32, #tpu.memory_space<vmem>> -> memref<128xi32, #tpu.memory_space<vmem>>
      %dma_start3A_339 = tpu.memref_slice %arg3[%add3A_8] : memref<16384xi32, #tpu.memory_space<hbm>> -> memref<128xi32, #tpu.memory_space<hbm>>
      tpu.enqueue_dma source(%dma_start3A_339 : memref<128xi32, #tpu.memory_space<hbm>>) target(%dma_start3A_338 : memref<128xi32, #tpu.memory_space<vmem>>) target_semaphore(%run_scoped3A_331 : memref<!tpu.dma_semaphore, #tpu.memory_space<semaphore_mem>>)
      %dma_wait3A_340 = arith.constant 0 : i32
      %dma_wait3A_341 = tpu.memref_slice %arg9[%run_scoped3A_10, %dma_wait3A_340] : memref<4x128xi32, #tpu.memory_space<vmem>> -> memref<1x128xi32, #tpu.memory_space<vmem>>
      %dma_wait3A_342 = tpu.memref_squeeze %dma_wait3A_341 : memref<1x128xi32, #tpu.memory_space<vmem>> -> memref<128xi32, #tpu.memory_space<vmem>>
      %dma_wait3A_343 = tpu.memref_slice %arg3[%add3A_8] : memref<16384xi32, #tpu.memory_space<hbm>> -> memref<128xi32, #tpu.memory_space<hbm>>
      %dma_wait3A_344 = arith.constant 0 : i32
      %dma_wait3A_345 = tpu.memref_slice %arg9[%run_scoped3A_10, %dma_wait3A_344] : memref<4x128xi32, #tpu.memory_space<vmem>> -> memref<1x128xi32, #tpu.memory_space<vmem>>
      %dma_wait3A_346 = tpu.memref_squeeze %dma_wait3A_345 : memref<1x128xi32, #tpu.memory_space<vmem>> -> memref<128xi32, #tpu.memory_space<vmem>>
      %dma_wait3A_347 = tpu.memref_slice %arg3[%add3A_8] : memref<16384xi32, #tpu.memory_space<hbm>> -> memref<128xi32, #tpu.memory_space<hbm>>
      tpu.wait_dma2 semaphore(%run_scoped3A_331 : memref<!tpu.dma_semaphore, #tpu.memory_space<semaphore_mem>>) src(%dma_wait3A_347 : memref<128xi32, #tpu.memory_space<hbm>>) dst(%dma_wait3A_346 : memref<128xi32, #tpu.memory_space<vmem>>)
      tpu.yield
    }) : () -> ()
    %run_scoped3A_11 = arith.constant 1 : i32
    "tpu.region"() ({
      %run_scoped3A_331 = tpu.sem_alloc : memref<!tpu.dma_semaphore, #tpu.memory_space<semaphore_mem>>
      %dma_start3A_332 = arith.constant 0 : i32
      %dma_start3A_333 = tpu.memref_slice %arg10[%run_scoped3A_11, %dma_start3A_332] : memref<4x128xi32, #tpu.memory_space<vmem>> -> memref<1x128xi32, #tpu.memory_space<vmem>>
      %dma_start3A_334 = tpu.memref_squeeze %dma_start3A_333 : memref<1x128xi32, #tpu.memory_space<vmem>> -> memref<128xi32, #tpu.memory_space<vmem>>
      %dma_start3A_335 = tpu.memref_slice %arg4[%add3A_8] : memref<16384xi32, #tpu.memory_space<hbm>> -> memref<128xi32, #tpu.memory_space<hbm>>
      %dma_start3A_336 = arith.constant 0 : i32
      %dma_start3A_337 = tpu.memref_slice %arg10[%run_scoped3A_11, %dma_start3A_336] : memref<4x128xi32, #tpu.memory_space<vmem>> -> memref<1x128xi32, #tpu.memory_space<vmem>>
      %dma_start3A_338 = tpu.memref_squeeze %dma_start3A_337 : memref<1x128xi32, #tpu.memory_space<vmem>> -> memref<128xi32, #tpu.memory_space<vmem>>
      %dma_start3A_339 = tpu.memref_slice %arg4[%add3A_8] : memref<16384xi32, #tpu.memory_space<hbm>> -> memref<128xi32, #tpu.memory_space<hbm>>
      tpu.enqueue_dma source(%dma_start3A_339 : memref<128xi32, #tpu.memory_space<hbm>>) target(%dma_start3A_338 : memref<128xi32, #tpu.memory_space<vmem>>) target_semaphore(%run_scoped3A_331 : memref<!tpu.dma_semaphore, #tpu.memory_space<semaphore_mem>>)
      %dma_wait3A_340 = arith.constant 0 : i32
      %dma_wait3A_341 = tpu.memref_slice %arg10[%run_scoped3A_11, %dma_wait3A_340] : memref<4x128xi32, #tpu.memory_space<vmem>> -> memref<1x128xi32, #tpu.memory_space<vmem>>
      %dma_wait3A_342 = tpu.memref_squeeze %dma_wait3A_341 : memref<1x128xi32, #tpu.memory_space<vmem>> -> memref<128xi32, #tpu.memory_space<vmem>>
      %dma_wait3A_343 = tpu.memref_slice %arg4[%add3A_8] : memref<16384xi32, #tpu.memory_space<hbm>> -> memref<128xi32, #tpu.memory_space<hbm>>
      %dma_wait3A_344 = arith.constant 0 : i32
      %dma_wait3A_345 = tpu.memref_slice %arg10[%run_scoped3A_11, %dma_wait3A_344] : memref<4x128xi32, #tpu.memory_space<vmem>> -> memref<1x128xi32, #tpu.memory_space<vmem>>
      %dma_wait3A_346 = tpu.memref_squeeze %dma_wait3A_345 : memref<1x128xi32, #tpu.memory_space<vmem>> -> memref<128xi32, #tpu.memory_space<vmem>>
      %dma_wait3A_347 = tpu.memref_slice %arg4[%add3A_8] : memref<16384xi32, #tpu.memory_space<hbm>> -> memref<128xi32, #tpu.memory_space<hbm>>
      tpu.wait_dma2 semaphore(%run_scoped3A_331 : memref<!tpu.dma_semaphore, #tpu.memory_space<semaphore_mem>>) src(%dma_wait3A_347 : memref<128xi32, #tpu.memory_space<hbm>>) dst(%dma_wait3A_346 : memref<128xi32, #tpu.memory_space<vmem>>)
      tpu.yield
    }) : () -> ()
    %add3A_12 = arith.constant 256 : i32
    %add3A_13 = arith.addi %mul3A_2, %add3A_12 : i32
    %run_scoped3A_14 = arith.constant 2 : i32
    "tpu.region"() ({
      %run_scoped3A_331 = tpu.sem_alloc : memref<!tpu.dma_semaphore, #tpu.memory_space<semaphore_mem>>
      %dma_start3A_332 = arith.constant 0 : i32
      %dma_start3A_333 = tpu.memref_slice %arg8[%run_scoped3A_14, %dma_start3A_332] : memref<4x128xi32, #tpu.memory_space<vmem>> -> memref<1x128xi32, #tpu.memory_space<vmem>>
      %dma_start3A_334 = tpu.memref_squeeze %dma_start3A_333 : memref<1x128xi32, #tpu.memory_space<vmem>> -> memref<128xi32, #tpu.memory_space<vmem>>
      %dma_start3A_335 = tpu.memref_slice %arg2[%add3A_13] : memref<16384xi32, #tpu.memory_space<hbm>> -> memref<128xi32, #tpu.memory_space<hbm>>
      %dma_start3A_336 = arith.constant 0 : i32
      %dma_start3A_337 = tpu.memref_slice %arg8[%run_scoped3A_14, %dma_start3A_336] : memref<4x128xi32, #tpu.memory_space<vmem>> -> memref<1x128xi32, #tpu.memory_space<vmem>>
      %dma_start3A_338 = tpu.memref_squeeze %dma_start3A_337 : memref<1x128xi32, #tpu.memory_space<vmem>> -> memref<128xi32, #tpu.memory_space<vmem>>
      %dma_start3A_339 = tpu.memref_slice %arg2[%add3A_13] : memref<16384xi32, #tpu.memory_space<hbm>> -> memref<128xi32, #tpu.memory_space<hbm>>
      tpu.enqueue_dma source(%dma_start3A_339 : memref<128xi32, #tpu.memory_space<hbm>>) target(%dma_start3A_338 : memref<128xi32, #tpu.memory_space<vmem>>) target_semaphore(%run_scoped3A_331 : memref<!tpu.dma_semaphore, #tpu.memory_space<semaphore_mem>>)
      %dma_wait3A_340 = arith.constant 0 : i32
      %dma_wait3A_341 = tpu.memref_slice %arg8[%run_scoped3A_14, %dma_wait3A_340] : memref<4x128xi32, #tpu.memory_space<vmem>> -> memref<1x128xi32, #tpu.memory_space<vmem>>
      %dma_wait3A_342 = tpu.memref_squeeze %dma_wait3A_341 : memref<1x128xi32, #tpu.memory_space<vmem>> -> memref<128xi32, #tpu.memory_space<vmem>>
      %dma_wait3A_343 = tpu.memref_slice %arg2[%add3A_13] : memref<16384xi32, #tpu.memory_space<hbm>> -> memref<128xi32, #tpu.memory_space<hbm>>
      %dma_wait3A_344 = arith.constant 0 : i32
      %dma_wait3A_345 = tpu.memref_slice %arg8[%run_scoped3A_14, %dma_wait3A_344] : memref<4x128xi32, #tpu.memory_space<vmem>> -> memref<1x128xi32, #tpu.memory_space<vmem>>
      %dma_wait3A_346 = tpu.memref_squeeze %dma_wait3A_345 : memref<1x128xi32, #tpu.memory_space<vmem>> -> memref<128xi32, #tpu.memory_space<vmem>>
      %dma_wait3A_347 = tpu.memref_slice %arg2[%add3A_13] : memref<16384xi32, #tpu.memory_space<hbm>> -> memref<128xi32, #tpu.memory_space<hbm>>
      tpu.wait_dma2 semaphore(%run_scoped3A_331 : memref<!tpu.dma_semaphore, #tpu.memory_space<semaphore_mem>>) src(%dma_wait3A_347 : memref<128xi32, #tpu.memory_space<hbm>>) dst(%dma_wait3A_346 : memref<128xi32, #tpu.memory_space<vmem>>)
      tpu.yield
    }) : () -> ()
    %run_scoped3A_15 = arith.constant 2 : i32
    "tpu.region"() ({
      %run_scoped3A_331 = tpu.sem_alloc : memref<!tpu.dma_semaphore, #tpu.memory_space<semaphore_mem>>
      %dma_start3A_332 = arith.constant 0 : i32
      %dma_start3A_333 = tpu.memref_slice %arg9[%run_scoped3A_15, %dma_start3A_332] : memref<4x128xi32, #tpu.memory_space<vmem>> -> memref<1x128xi32, #tpu.memory_space<vmem>>
      %dma_start3A_334 = tpu.memref_squeeze %dma_start3A_333 : memref<1x128xi32, #tpu.memory_space<vmem>> -> memref<128xi32, #tpu.memory_space<vmem>>
      %dma_start3A_335 = tpu.memref_slice %arg3[%add3A_13] : memref<16384xi32, #tpu.memory_space<hbm>> -> memref<128xi32, #tpu.memory_space<hbm>>
      %dma_start3A_336 = arith.constant 0 : i32
      %dma_start3A_337 = tpu.memref_slice %arg9[%run_scoped3A_15, %dma_start3A_336] : memref<4x128xi32, #tpu.memory_space<vmem>> -> memref<1x128xi32, #tpu.memory_space<vmem>>
      %dma_start3A_338 = tpu.memref_squeeze %dma_start3A_337 : memref<1x128xi32, #tpu.memory_space<vmem>> -> memref<128xi32, #tpu.memory_space<vmem>>
      %dma_start3A_339 = tpu.memref_slice %arg3[%add3A_13] : memref<16384xi32, #tpu.memory_space<hbm>> -> memref<128xi32, #tpu.memory_space<hbm>>
      tpu.enqueue_dma source(%dma_start3A_339 : memref<128xi32, #tpu.memory_space<hbm>>) target(%dma_start3A_338 : memref<128xi32, #tpu.memory_space<vmem>>) target_semaphore(%run_scoped3A_331 : memref<!tpu.dma_semaphore, #tpu.memory_space<semaphore_mem>>)
      %dma_wait3A_340 = arith.constant 0 : i32
      %dma_wait3A_341 = tpu.memref_slice %arg9[%run_scoped3A_15, %dma_wait3A_340] : memref<4x128xi32, #tpu.memory_space<vmem>> -> memref<1x128xi32, #tpu.memory_space<vmem>>
      %dma_wait3A_342 = tpu.memref_squeeze %dma_wait3A_341 : memref<1x128xi32, #tpu.memory_space<vmem>> -> memref<128xi32, #tpu.memory_space<vmem>>
      %dma_wait3A_343 = tpu.memref_slice %arg3[%add3A_13] : memref<16384xi32, #tpu.memory_space<hbm>> -> memref<128xi32, #tpu.memory_space<hbm>>
      %dma_wait3A_344 = arith.constant 0 : i32
      %dma_wait3A_345 = tpu.memref_slice %arg9[%run_scoped3A_15, %dma_wait3A_344] : memref<4x128xi32, #tpu.memory_space<vmem>> -> memref<1x128xi32, #tpu.memory_space<vmem>>
      %dma_wait3A_346 = tpu.memref_squeeze %dma_wait3A_345 : memref<1x128xi32, #tpu.memory_space<vmem>> -> memref<128xi32, #tpu.memory_space<vmem>>
      %dma_wait3A_347 = tpu.memref_slice %arg3[%add3A_13] : memref<16384xi32, #tpu.memory_space<hbm>> -> memref<128xi32, #tpu.memory_space<hbm>>
      tpu.wait_dma2 semaphore(%run_scoped3A_331 : memref<!tpu.dma_semaphore, #tpu.memory_space<semaphore_mem>>) src(%dma_wait3A_347 : memref<128xi32, #tpu.memory_space<hbm>>) dst(%dma_wait3A_346 : memref<128xi32, #tpu.memory_space<vmem>>)
      tpu.yield
    }) : () -> ()
    %run_scoped3A_16 = arith.constant 2 : i32
    "tpu.region"() ({
      %run_scoped3A_331 = tpu.sem_alloc : memref<!tpu.dma_semaphore, #tpu.memory_space<semaphore_mem>>
      %dma_start3A_332 = arith.constant 0 : i32
      %dma_start3A_333 = tpu.memref_slice %arg10[%run_scoped3A_16, %dma_start3A_332] : memref<4x128xi32, #tpu.memory_space<vmem>> -> memref<1x128xi32, #tpu.memory_space<vmem>>
      %dma_start3A_334 = tpu.memref_squeeze %dma_start3A_333 : memref<1x128xi32, #tpu.memory_space<vmem>> -> memref<128xi32, #tpu.memory_space<vmem>>
      %dma_start3A_335 = tpu.memref_slice %arg4[%add3A_13] : memref<16384xi32, #tpu.memory_space<hbm>> -> memref<128xi32, #tpu.memory_space<hbm>>
      %dma_start3A_336 = arith.constant 0 : i32
      %dma_start3A_337 = tpu.memref_slice %arg10[%run_scoped3A_16, %dma_start3A_336] : memref<4x128xi32, #tpu.memory_space<vmem>> -> memref<1x128xi32, #tpu.memory_space<vmem>>
      %dma_start3A_338 = tpu.memref_squeeze %dma_start3A_337 : memref<1x128xi32, #tpu.memory_space<vmem>> -> memref<128xi32, #tpu.memory_space<vmem>>
      %dma_start3A_339 = tpu.memref_slice %arg4[%add3A_13] : memref<16384xi32, #tpu.memory_space<hbm>> -> memref<128xi32, #tpu.memory_space<hbm>>
      tpu.enqueue_dma source(%dma_start3A_339 : memref<128xi32, #tpu.memory_space<hbm>>) target(%dma_start3A_338 : memref<128xi32, #tpu.memory_space<vmem>>) target_semaphore(%run_scoped3A_331 : memref<!tpu.dma_semaphore, #tpu.memory_space<semaphore_mem>>)
      %dma_wait3A_340 = arith.constant 0 : i32
      %dma_wait3A_341 = tpu.memref_slice %arg10[%run_scoped3A_16, %dma_wait3A_340] : memref<4x128xi32, #tpu.memory_space<vmem>> -> memref<1x128xi32, #tpu.memory_space<vmem>>
      %dma_wait3A_342 = tpu.memref_squeeze %dma_wait3A_341 : memref<1x128xi32, #tpu.memory_space<vmem>> -> memref<128xi32, #tpu.memory_space<vmem>>
      %dma_wait3A_343 = tpu.memref_slice %arg4[%add3A_13] : memref<16384xi32, #tpu.memory_space<hbm>> -> memref<128xi32, #tpu.memory_space<hbm>>
      %dma_wait3A_344 = arith.constant 0 : i32
      %dma_wait3A_345 = tpu.memref_slice %arg10[%run_scoped3A_16, %dma_wait3A_344] : memref<4x128xi32, #tpu.memory_space<vmem>> -> memref<1x128xi32, #tpu.memory_space<vmem>>
      %dma_wait3A_346 = tpu.memref_squeeze %dma_wait3A_345 : memref<1x128xi32, #tpu.memory_space<vmem>> -> memref<128xi32, #tpu.memory_space<vmem>>
      %dma_wait3A_347 = tpu.memref_slice %arg4[%add3A_13] : memref<16384xi32, #tpu.memory_space<hbm>> -> memref<128xi32, #tpu.memory_space<hbm>>
      tpu.wait_dma2 semaphore(%run_scoped3A_331 : memref<!tpu.dma_semaphore, #tpu.memory_space<semaphore_mem>>) src(%dma_wait3A_347 : memref<128xi32, #tpu.memory_space<hbm>>) dst(%dma_wait3A_346 : memref<128xi32, #tpu.memory_space<vmem>>)
      tpu.yield
    }) : () -> ()
    %add3A_17 = arith.constant 384 : i32
    %add3A_18 = arith.addi %mul3A_2, %add3A_17 : i32
    %run_scoped3A_19 = arith.constant 3 : i32
    "tpu.region"() ({
      %run_scoped3A_331 = tpu.sem_alloc : memref<!tpu.dma_semaphore, #tpu.memory_space<semaphore_mem>>
      %dma_start3A_332 = arith.constant 0 : i32
      %dma_start3A_333 = tpu.memref_slice %arg8[%run_scoped3A_19, %dma_start3A_332] : memref<4x128xi32, #tpu.memory_space<vmem>> -> memref<1x128xi32, #tpu.memory_space<vmem>>
      %dma_start3A_334 = tpu.memref_squeeze %dma_start3A_333 : memref<1x128xi32, #tpu.memory_space<vmem>> -> memref<128xi32, #tpu.memory_space<vmem>>
      %dma_start3A_335 = tpu.memref_slice %arg2[%add3A_18] : memref<16384xi32, #tpu.memory_space<hbm>> -> memref<128xi32, #tpu.memory_space<hbm>>
      %dma_start3A_336 = arith.constant 0 : i32
      %dma_start3A_337 = tpu.memref_slice %arg8[%run_scoped3A_19, %dma_start3A_336] : memref<4x128xi32, #tpu.memory_space<vmem>> -> memref<1x128xi32, #tpu.memory_space<vmem>>
      %dma_start3A_338 = tpu.memref_squeeze %dma_start3A_337 : memref<1x128xi32, #tpu.memory_space<vmem>> -> memref<128xi32, #tpu.memory_space<vmem>>
      %dma_start3A_339 = tpu.memref_slice %arg2[%add3A_18] : memref<16384xi32, #tpu.memory_space<hbm>> -> memref<128xi32, #tpu.memory_space<hbm>>
      tpu.enqueue_dma source(%dma_start3A_339 : memref<128xi32, #tpu.memory_space<hbm>>) target(%dma_start3A_338 : memref<128xi32, #tpu.memory_space<vmem>>) target_semaphore(%run_scoped3A_331 : memref<!tpu.dma_semaphore, #tpu.memory_space<semaphore_mem>>)
      %dma_wait3A_340 = arith.constant 0 : i32
      %dma_wait3A_341 = tpu.memref_slice %arg8[%run_scoped3A_19, %dma_wait3A_340] : memref<4x128xi32, #tpu.memory_space<vmem>> -> memref<1x128xi32, #tpu.memory_space<vmem>>
      %dma_wait3A_342 = tpu.memref_squeeze %dma_wait3A_341 : memref<1x128xi32, #tpu.memory_space<vmem>> -> memref<128xi32, #tpu.memory_space<vmem>>
      %dma_wait3A_343 = tpu.memref_slice %arg2[%add3A_18] : memref<16384xi32, #tpu.memory_space<hbm>> -> memref<128xi32, #tpu.memory_space<hbm>>
      %dma_wait3A_344 = arith.constant 0 : i32
      %dma_wait3A_345 = tpu.memref_slice %arg8[%run_scoped3A_19, %dma_wait3A_344] : memref<4x128xi32, #tpu.memory_space<vmem>> -> memref<1x128xi32, #tpu.memory_space<vmem>>
      %dma_wait3A_346 = tpu.memref_squeeze %dma_wait3A_345 : memref<1x128xi32, #tpu.memory_space<vmem>> -> memref<128xi32, #tpu.memory_space<vmem>>
      %dma_wait3A_347 = tpu.memref_slice %arg2[%add3A_18] : memref<16384xi32, #tpu.memory_space<hbm>> -> memref<128xi32, #tpu.memory_space<hbm>>
      tpu.wait_dma2 semaphore(%run_scoped3A_331 : memref<!tpu.dma_semaphore, #tpu.memory_space<semaphore_mem>>) src(%dma_wait3A_347 : memref<128xi32, #tpu.memory_space<hbm>>) dst(%dma_wait3A_346 : memref<128xi32, #tpu.memory_space<vmem>>)
      tpu.yield
    }) : () -> ()
    %run_scoped3A_20 = arith.constant 3 : i32
    "tpu.region"() ({
      %run_scoped3A_331 = tpu.sem_alloc : memref<!tpu.dma_semaphore, #tpu.memory_space<semaphore_mem>>
      %dma_start3A_332 = arith.constant 0 : i32
      %dma_start3A_333 = tpu.memref_slice %arg9[%run_scoped3A_20, %dma_start3A_332] : memref<4x128xi32, #tpu.memory_space<vmem>> -> memref<1x128xi32, #tpu.memory_space<vmem>>
      %dma_start3A_334 = tpu.memref_squeeze %dma_start3A_333 : memref<1x128xi32, #tpu.memory_space<vmem>> -> memref<128xi32, #tpu.memory_space<vmem>>
      %dma_start3A_335 = tpu.memref_slice %arg3[%add3A_18] : memref<16384xi32, #tpu.memory_space<hbm>> -> memref<128xi32, #tpu.memory_space<hbm>>
      %dma_start3A_336 = arith.constant 0 : i32
      %dma_start3A_337 = tpu.memref_slice %arg9[%run_scoped3A_20, %dma_start3A_336] : memref<4x128xi32, #tpu.memory_space<vmem>> -> memref<1x128xi32, #tpu.memory_space<vmem>>
      %dma_start3A_338 = tpu.memref_squeeze %dma_start3A_337 : memref<1x128xi32, #tpu.memory_space<vmem>> -> memref<128xi32, #tpu.memory_space<vmem>>
      %dma_start3A_339 = tpu.memref_slice %arg3[%add3A_18] : memref<16384xi32, #tpu.memory_space<hbm>> -> memref<128xi32, #tpu.memory_space<hbm>>
      tpu.enqueue_dma source(%dma_start3A_339 : memref<128xi32, #tpu.memory_space<hbm>>) target(%dma_start3A_338 : memref<128xi32, #tpu.memory_space<vmem>>) target_semaphore(%run_scoped3A_331 : memref<!tpu.dma_semaphore, #tpu.memory_space<semaphore_mem>>)
      %dma_wait3A_340 = arith.constant 0 : i32
      %dma_wait3A_341 = tpu.memref_slice %arg9[%run_scoped3A_20, %dma_wait3A_340] : memref<4x128xi32, #tpu.memory_space<vmem>> -> memref<1x128xi32, #tpu.memory_space<vmem>>
      %dma_wait3A_342 = tpu.memref_squeeze %dma_wait3A_341 : memref<1x128xi32, #tpu.memory_space<vmem>> -> memref<128xi32, #tpu.memory_space<vmem>>
      %dma_wait3A_343 = tpu.memref_slice %arg3[%add3A_18] : memref<16384xi32, #tpu.memory_space<hbm>> -> memref<128xi32, #tpu.memory_space<hbm>>
      %dma_wait3A_344 = arith.constant 0 : i32
      %dma_wait3A_345 = tpu.memref_slice %arg9[%run_scoped3A_20, %dma_wait3A_344] : memref<4x128xi32, #tpu.memory_space<vmem>> -> memref<1x128xi32, #tpu.memory_space<vmem>>
      %dma_wait3A_346 = tpu.memref_squeeze %dma_wait3A_345 : memref<1x128xi32, #tpu.memory_space<vmem>> -> memref<128xi32, #tpu.memory_space<vmem>>
      %dma_wait3A_347 = tpu.memref_slice %arg3[%add3A_18] : memref<16384xi32, #tpu.memory_space<hbm>> -> memref<128xi32, #tpu.memory_space<hbm>>
      tpu.wait_dma2 semaphore(%run_scoped3A_331 : memref<!tpu.dma_semaphore, #tpu.memory_space<semaphore_mem>>) src(%dma_wait3A_347 : memref<128xi32, #tpu.memory_space<hbm>>) dst(%dma_wait3A_346 : memref<128xi32, #tpu.memory_space<vmem>>)
      tpu.yield
    }) : () -> ()
    %run_scoped3A_21 = arith.constant 3 : i32
    "tpu.region"() ({
      %run_scoped3A_331 = tpu.sem_alloc : memref<!tpu.dma_semaphore, #tpu.memory_space<semaphore_mem>>
      %dma_start3A_332 = arith.constant 0 : i32
      %dma_start3A_333 = tpu.memref_slice %arg10[%run_scoped3A_21, %dma_start3A_332] : memref<4x128xi32, #tpu.memory_space<vmem>> -> memref<1x128xi32, #tpu.memory_space<vmem>>
      %dma_start3A_334 = tpu.memref_squeeze %dma_start3A_333 : memref<1x128xi32, #tpu.memory_space<vmem>> -> memref<128xi32, #tpu.memory_space<vmem>>
      %dma_start3A_335 = tpu.memref_slice %arg4[%add3A_18] : memref<16384xi32, #tpu.memory_space<hbm>> -> memref<128xi32, #tpu.memory_space<hbm>>
      %dma_start3A_336 = arith.constant 0 : i32
      %dma_start3A_337 = tpu.memref_slice %arg10[%run_scoped3A_21, %dma_start3A_336] : memref<4x128xi32, #tpu.memory_space<vmem>> -> memref<1x128xi32, #tpu.memory_space<vmem>>
      %dma_start3A_338 = tpu.memref_squeeze %dma_start3A_337 : memref<1x128xi32, #tpu.memory_space<vmem>> -> memref<128xi32, #tpu.memory_space<vmem>>
      %dma_start3A_339 = tpu.memref_slice %arg4[%add3A_18] : memref<16384xi32, #tpu.memory_space<hbm>> -> memref<128xi32, #tpu.memory_space<hbm>>
      tpu.enqueue_dma source(%dma_start3A_339 : memref<128xi32, #tpu.memory_space<hbm>>) target(%dma_start3A_338 : memref<128xi32, #tpu.memory_space<vmem>>) target_semaphore(%run_scoped3A_331 : memref<!tpu.dma_semaphore, #tpu.memory_space<semaphore_mem>>)
      %dma_wait3A_340 = arith.constant 0 : i32
      %dma_wait3A_341 = tpu.memref_slice %arg10[%run_scoped3A_21, %dma_wait3A_340] : memref<4x128xi32, #tpu.memory_space<vmem>> -> memref<1x128xi32, #tpu.memory_space<vmem>>
      %dma_wait3A_342 = tpu.memref_squeeze %dma_wait3A_341 : memref<1x128xi32, #tpu.memory_space<vmem>> -> memref<128xi32, #tpu.memory_space<vmem>>
      %dma_wait3A_343 = tpu.memref_slice %arg4[%add3A_18] : memref<16384xi32, #tpu.memory_space<hbm>> -> memref<128xi32, #tpu.memory_space<hbm>>
      %dma_wait3A_344 = arith.constant 0 : i32
      %dma_wait3A_345 = tpu.memref_slice %arg10[%run_scoped3A_21, %dma_wait3A_344] : memref<4x128xi32, #tpu.memory_space<vmem>> -> memref<1x128xi32, #tpu.memory_space<vmem>>
      %dma_wait3A_346 = tpu.memref_squeeze %dma_wait3A_345 : memref<1x128xi32, #tpu.memory_space<vmem>> -> memref<128xi32, #tpu.memory_space<vmem>>
      %dma_wait3A_347 = tpu.memref_slice %arg4[%add3A_18] : memref<16384xi32, #tpu.memory_space<hbm>> -> memref<128xi32, #tpu.memory_space<hbm>>
      tpu.wait_dma2 semaphore(%run_scoped3A_331 : memref<!tpu.dma_semaphore, #tpu.memory_space<semaphore_mem>>) src(%dma_wait3A_347 : memref<128xi32, #tpu.memory_space<hbm>>) dst(%dma_wait3A_346 : memref<128xi32, #tpu.memory_space<vmem>>)
      tpu.yield
    }) : () -> ()
    %dma_start3A = arith.constant 0 : i32
    %dma_start3A_22 = arith.constant 0 : i32
    %dma_start3A_23 = arith.constant 0 : i32
    %dma_start3A_24 = arith.constant 0 : i32
    %dma_start3A_25 = tpu.memref_slice %arg11[%dma_start3A_22, %dma_start3A_23, %dma_start3A_24] : memref<4x128x32xf32, #tpu.memory_space<vmem>> -> memref<1x128x32xf32, #tpu.memory_space<vmem>>
    %dma_start3A_26 = tpu.memref_squeeze %dma_start3A_25 : memref<1x128x32xf32, #tpu.memory_space<vmem>> -> memref<128x32xf32, #tpu.memory_space<vmem>>
    %dma_start3A_27 = arith.constant 0 : i32
    %dma_start3A_28 = tpu.memref_slice %arg8[%dma_start3A, %dma_start3A_27] : memref<4x128xi32, #tpu.memory_space<vmem>> -> memref<1x128xi32, #tpu.memory_space<vmem>>
    %dma_start3A_29 = tpu.memref_squeeze %dma_start3A_28 : memref<1x128xi32, #tpu.memory_space<vmem>> -> memref<128xi32, #tpu.memory_space<vmem>>
    %dma_start3A_30 = arith.constant 0 : i32
    %dma_start3A_31 = arith.constant 0 : i32
    %dma_start3A_32 = tpu.memref_slice %arg5[%dma_start3A_30, %dma_start3A_31] : memref<1000000x32xf32, #tpu.memory_space<hbm>> -> memref<1000000x32xf32, #tpu.memory_space<hbm>>
    tpu.enqueue_indirect_dma source(%dma_start3A_32 : memref<1000000x32xf32, #tpu.memory_space<hbm>>) target(%dma_start3A_26 : memref<128x32xf32, #tpu.memory_space<vmem>>) offsets(%dma_start3A_29 : memref<128xi32, #tpu.memory_space<vmem>>) semaphore(%arg15 : memref<!tpu.dma_semaphore, #tpu.memory_space<semaphore_mem>>)
    %dma_start3A_33 = arith.constant 0 : i32
    %dma_start3A_34 = arith.constant 0 : i32
    %dma_start3A_35 = arith.constant 0 : i32
    %dma_start3A_36 = arith.constant 0 : i32
    %dma_start3A_37 = tpu.memref_slice %arg12[%dma_start3A_34, %dma_start3A_35, %dma_start3A_36] : memref<4x128x32xf32, #tpu.memory_space<vmem>> -> memref<1x128x32xf32, #tpu.memory_space<vmem>>
    %dma_start3A_38 = tpu.memref_squeeze %dma_start3A_37 : memref<1x128x32xf32, #tpu.memory_space<vmem>> -> memref<128x32xf32, #tpu.memory_space<vmem>>
    %dma_start3A_39 = arith.constant 0 : i32
    %dma_start3A_40 = tpu.memref_slice %arg9[%dma_start3A_33, %dma_start3A_39] : memref<4x128xi32, #tpu.memory_space<vmem>> -> memref<1x128xi32, #tpu.memory_space<vmem>>
    %dma_start3A_41 = tpu.memref_squeeze %dma_start3A_40 : memref<1x128xi32, #tpu.memory_space<vmem>> -> memref<128xi32, #tpu.memory_space<vmem>>
    %dma_start3A_42 = arith.constant 0 : i32
    %dma_start3A_43 = arith.constant 0 : i32
    %dma_start3A_44 = tpu.memref_slice %arg5[%dma_start3A_42, %dma_start3A_43] : memref<1000000x32xf32, #tpu.memory_space<hbm>> -> memref<1000000x32xf32, #tpu.memory_space<hbm>>
    tpu.enqueue_indirect_dma source(%dma_start3A_44 : memref<1000000x32xf32, #tpu.memory_space<hbm>>) target(%dma_start3A_38 : memref<128x32xf32, #tpu.memory_space<vmem>>) offsets(%dma_start3A_41 : memref<128xi32, #tpu.memory_space<vmem>>) semaphore(%arg15 : memref<!tpu.dma_semaphore, #tpu.memory_space<semaphore_mem>>)
    %dma_start3A_45 = arith.constant 0 : i32
    %dma_start3A_46 = arith.constant 0 : i32
    %dma_start3A_47 = arith.constant 0 : i32
    %dma_start3A_48 = arith.constant 0 : i32
    %dma_start3A_49 = tpu.memref_slice %arg13[%dma_start3A_46, %dma_start3A_47, %dma_start3A_48] : memref<4x128x32xf32, #tpu.memory_space<vmem>> -> memref<1x128x32xf32, #tpu.memory_space<vmem>>
    %dma_start3A_50 = tpu.memref_squeeze %dma_start3A_49 : memref<1x128x32xf32, #tpu.memory_space<vmem>> -> memref<128x32xf32, #tpu.memory_space<vmem>>
    %dma_start3A_51 = arith.constant 0 : i32
    %dma_start3A_52 = tpu.memref_slice %arg10[%dma_start3A_45, %dma_start3A_51] : memref<4x128xi32, #tpu.memory_space<vmem>> -> memref<1x128xi32, #tpu.memory_space<vmem>>
    %dma_start3A_53 = tpu.memref_squeeze %dma_start3A_52 : memref<1x128xi32, #tpu.memory_space<vmem>> -> memref<128xi32, #tpu.memory_space<vmem>>
    %dma_start3A_54 = arith.constant 0 : i32
    %dma_start3A_55 = arith.constant 0 : i32
    %dma_start3A_56 = tpu.memref_slice %arg6[%dma_start3A_54, %dma_start3A_55] : memref<1000000x32xf32, #tpu.memory_space<hbm>> -> memref<1000000x32xf32, #tpu.memory_space<hbm>>
    tpu.enqueue_indirect_dma source(%dma_start3A_56 : memref<1000000x32xf32, #tpu.memory_space<hbm>>) target(%dma_start3A_50 : memref<128x32xf32, #tpu.memory_space<vmem>>) offsets(%dma_start3A_53 : memref<128xi32, #tpu.memory_space<vmem>>) semaphore(%arg15 : memref<!tpu.dma_semaphore, #tpu.memory_space<semaphore_mem>>)
    %dma_start3A_57 = arith.constant 1 : i32
    %dma_start3A_58 = arith.constant 1 : i32
    %dma_start3A_59 = arith.constant 0 : i32
    %dma_start3A_60 = arith.constant 0 : i32
    %dma_start3A_61 = tpu.memref_slice %arg11[%dma_start3A_58, %dma_start3A_59, %dma_start3A_60] : memref<4x128x32xf32, #tpu.memory_space<vmem>> -> memref<1x128x32xf32, #tpu.memory_space<vmem>>
    %dma_start3A_62 = tpu.memref_squeeze %dma_start3A_61 : memref<1x128x32xf32, #tpu.memory_space<vmem>> -> memref<128x32xf32, #tpu.memory_space<vmem>>
    %dma_start3A_63 = arith.constant 0 : i32
    %dma_start3A_64 = tpu.memref_slice %arg8[%dma_start3A_57, %dma_start3A_63] : memref<4x128xi32, #tpu.memory_space<vmem>> -> memref<1x128xi32, #tpu.memory_space<vmem>>
    %dma_start3A_65 = tpu.memref_squeeze %dma_start3A_64 : memref<1x128xi32, #tpu.memory_space<vmem>> -> memref<128xi32, #tpu.memory_space<vmem>>
    %dma_start3A_66 = arith.constant 0 : i32
    %dma_start3A_67 = arith.constant 0 : i32
    %dma_start3A_68 = tpu.memref_slice %arg5[%dma_start3A_66, %dma_start3A_67] : memref<1000000x32xf32, #tpu.memory_space<hbm>> -> memref<1000000x32xf32, #tpu.memory_space<hbm>>
    tpu.enqueue_indirect_dma source(%dma_start3A_68 : memref<1000000x32xf32, #tpu.memory_space<hbm>>) target(%dma_start3A_62 : memref<128x32xf32, #tpu.memory_space<vmem>>) offsets(%dma_start3A_65 : memref<128xi32, #tpu.memory_space<vmem>>) semaphore(%arg15 : memref<!tpu.dma_semaphore, #tpu.memory_space<semaphore_mem>>)
    %dma_start3A_69 = arith.constant 1 : i32
    %dma_start3A_70 = arith.constant 1 : i32
    %dma_start3A_71 = arith.constant 0 : i32
    %dma_start3A_72 = arith.constant 0 : i32
    %dma_start3A_73 = tpu.memref_slice %arg12[%dma_start3A_70, %dma_start3A_71, %dma_start3A_72] : memref<4x128x32xf32, #tpu.memory_space<vmem>> -> memref<1x128x32xf32, #tpu.memory_space<vmem>>
    %dma_start3A_74 = tpu.memref_squeeze %dma_start3A_73 : memref<1x128x32xf32, #tpu.memory_space<vmem>> -> memref<128x32xf32, #tpu.memory_space<vmem>>
    %dma_start3A_75 = arith.constant 0 : i32
    %dma_start3A_76 = tpu.memref_slice %arg9[%dma_start3A_69, %dma_start3A_75] : memref<4x128xi32, #tpu.memory_space<vmem>> -> memref<1x128xi32, #tpu.memory_space<vmem>>
    %dma_start3A_77 = tpu.memref_squeeze %dma_start3A_76 : memref<1x128xi32, #tpu.memory_space<vmem>> -> memref<128xi32, #tpu.memory_space<vmem>>
    %dma_start3A_78 = arith.constant 0 : i32
    %dma_start3A_79 = arith.constant 0 : i32
    %dma_start3A_80 = tpu.memref_slice %arg5[%dma_start3A_78, %dma_start3A_79] : memref<1000000x32xf32, #tpu.memory_space<hbm>> -> memref<1000000x32xf32, #tpu.memory_space<hbm>>
    tpu.enqueue_indirect_dma source(%dma_start3A_80 : memref<1000000x32xf32, #tpu.memory_space<hbm>>) target(%dma_start3A_74 : memref<128x32xf32, #tpu.memory_space<vmem>>) offsets(%dma_start3A_77 : memref<128xi32, #tpu.memory_space<vmem>>) semaphore(%arg15 : memref<!tpu.dma_semaphore, #tpu.memory_space<semaphore_mem>>)
    %dma_start3A_81 = arith.constant 1 : i32
    %dma_start3A_82 = arith.constant 1 : i32
    %dma_start3A_83 = arith.constant 0 : i32
    %dma_start3A_84 = arith.constant 0 : i32
    %dma_start3A_85 = tpu.memref_slice %arg13[%dma_start3A_82, %dma_start3A_83, %dma_start3A_84] : memref<4x128x32xf32, #tpu.memory_space<vmem>> -> memref<1x128x32xf32, #tpu.memory_space<vmem>>
    %dma_start3A_86 = tpu.memref_squeeze %dma_start3A_85 : memref<1x128x32xf32, #tpu.memory_space<vmem>> -> memref<128x32xf32, #tpu.memory_space<vmem>>
    %dma_start3A_87 = arith.constant 0 : i32
    %dma_start3A_88 = tpu.memref_slice %arg10[%dma_start3A_81, %dma_start3A_87] : memref<4x128xi32, #tpu.memory_space<vmem>> -> memref<1x128xi32, #tpu.memory_space<vmem>>
    %dma_start3A_89 = tpu.memref_squeeze %dma_start3A_88 : memref<1x128xi32, #tpu.memory_space<vmem>> -> memref<128xi32, #tpu.memory_space<vmem>>
    %dma_start3A_90 = arith.constant 0 : i32
    %dma_start3A_91 = arith.constant 0 : i32
    %dma_start3A_92 = tpu.memref_slice %arg6[%dma_start3A_90, %dma_start3A_91] : memref<1000000x32xf32, #tpu.memory_space<hbm>> -> memref<1000000x32xf32, #tpu.memory_space<hbm>>
    tpu.enqueue_indirect_dma source(%dma_start3A_92 : memref<1000000x32xf32, #tpu.memory_space<hbm>>) target(%dma_start3A_86 : memref<128x32xf32, #tpu.memory_space<vmem>>) offsets(%dma_start3A_89 : memref<128xi32, #tpu.memory_space<vmem>>) semaphore(%arg15 : memref<!tpu.dma_semaphore, #tpu.memory_space<semaphore_mem>>)
    %dma_start3A_93 = arith.constant 2 : i32
    %dma_start3A_94 = arith.constant 2 : i32
    %dma_start3A_95 = arith.constant 0 : i32
    %dma_start3A_96 = arith.constant 0 : i32
    %dma_start3A_97 = tpu.memref_slice %arg11[%dma_start3A_94, %dma_start3A_95, %dma_start3A_96] : memref<4x128x32xf32, #tpu.memory_space<vmem>> -> memref<1x128x32xf32, #tpu.memory_space<vmem>>
    %dma_start3A_98 = tpu.memref_squeeze %dma_start3A_97 : memref<1x128x32xf32, #tpu.memory_space<vmem>> -> memref<128x32xf32, #tpu.memory_space<vmem>>
    %dma_start3A_99 = arith.constant 0 : i32
    %dma_start3A_100 = tpu.memref_slice %arg8[%dma_start3A_93, %dma_start3A_99] : memref<4x128xi32, #tpu.memory_space<vmem>> -> memref<1x128xi32, #tpu.memory_space<vmem>>
    %dma_start3A_101 = tpu.memref_squeeze %dma_start3A_100 : memref<1x128xi32, #tpu.memory_space<vmem>> -> memref<128xi32, #tpu.memory_space<vmem>>
    %dma_start3A_102 = arith.constant 0 : i32
    %dma_start3A_103 = arith.constant 0 : i32
    %dma_start3A_104 = tpu.memref_slice %arg5[%dma_start3A_102, %dma_start3A_103] : memref<1000000x32xf32, #tpu.memory_space<hbm>> -> memref<1000000x32xf32, #tpu.memory_space<hbm>>
    tpu.enqueue_indirect_dma source(%dma_start3A_104 : memref<1000000x32xf32, #tpu.memory_space<hbm>>) target(%dma_start3A_98 : memref<128x32xf32, #tpu.memory_space<vmem>>) offsets(%dma_start3A_101 : memref<128xi32, #tpu.memory_space<vmem>>) semaphore(%arg15 : memref<!tpu.dma_semaphore, #tpu.memory_space<semaphore_mem>>)
    %dma_start3A_105 = arith.constant 2 : i32
    %dma_start3A_106 = arith.constant 2 : i32
    %dma_start3A_107 = arith.constant 0 : i32
    %dma_start3A_108 = arith.constant 0 : i32
    %dma_start3A_109 = tpu.memref_slice %arg12[%dma_start3A_106, %dma_start3A_107, %dma_start3A_108] : memref<4x128x32xf32, #tpu.memory_space<vmem>> -> memref<1x128x32xf32, #tpu.memory_space<vmem>>
    %dma_start3A_110 = tpu.memref_squeeze %dma_start3A_109 : memref<1x128x32xf32, #tpu.memory_space<vmem>> -> memref<128x32xf32, #tpu.memory_space<vmem>>
    %dma_start3A_111 = arith.constant 0 : i32
    %dma_start3A_112 = tpu.memref_slice %arg9[%dma_start3A_105, %dma_start3A_111] : memref<4x128xi32, #tpu.memory_space<vmem>> -> memref<1x128xi32, #tpu.memory_space<vmem>>
    %dma_start3A_113 = tpu.memref_squeeze %dma_start3A_112 : memref<1x128xi32, #tpu.memory_space<vmem>> -> memref<128xi32, #tpu.memory_space<vmem>>
    %dma_start3A_114 = arith.constant 0 : i32
    %dma_start3A_115 = arith.constant 0 : i32
    %dma_start3A_116 = tpu.memref_slice %arg5[%dma_start3A_114, %dma_start3A_115] : memref<1000000x32xf32, #tpu.memory_space<hbm>> -> memref<1000000x32xf32, #tpu.memory_space<hbm>>
    tpu.enqueue_indirect_dma source(%dma_start3A_116 : memref<1000000x32xf32, #tpu.memory_space<hbm>>) target(%dma_start3A_110 : memref<128x32xf32, #tpu.memory_space<vmem>>) offsets(%dma_start3A_113 : memref<128xi32, #tpu.memory_space<vmem>>) semaphore(%arg15 : memref<!tpu.dma_semaphore, #tpu.memory_space<semaphore_mem>>)
    %dma_start3A_117 = arith.constant 2 : i32
    %dma_start3A_118 = arith.constant 2 : i32
    %dma_start3A_119 = arith.constant 0 : i32
    %dma_start3A_120 = arith.constant 0 : i32
    %dma_start3A_121 = tpu.memref_slice %arg13[%dma_start3A_118, %dma_start3A_119, %dma_start3A_120] : memref<4x128x32xf32, #tpu.memory_space<vmem>> -> memref<1x128x32xf32, #tpu.memory_space<vmem>>
    %dma_start3A_122 = tpu.memref_squeeze %dma_start3A_121 : memref<1x128x32xf32, #tpu.memory_space<vmem>> -> memref<128x32xf32, #tpu.memory_space<vmem>>
    %dma_start3A_123 = arith.constant 0 : i32
    %dma_start3A_124 = tpu.memref_slice %arg10[%dma_start3A_117, %dma_start3A_123] : memref<4x128xi32, #tpu.memory_space<vmem>> -> memref<1x128xi32, #tpu.memory_space<vmem>>
    %dma_start3A_125 = tpu.memref_squeeze %dma_start3A_124 : memref<1x128xi32, #tpu.memory_space<vmem>> -> memref<128xi32, #tpu.memory_space<vmem>>
    %dma_start3A_126 = arith.constant 0 : i32
    %dma_start3A_127 = arith.constant 0 : i32
    %dma_start3A_128 = tpu.memref_slice %arg6[%dma_start3A_126, %dma_start3A_127] : memref<1000000x32xf32, #tpu.memory_space<hbm>> -> memref<1000000x32xf32, #tpu.memory_space<hbm>>
    tpu.enqueue_indirect_dma source(%dma_start3A_128 : memref<1000000x32xf32, #tpu.memory_space<hbm>>) target(%dma_start3A_122 : memref<128x32xf32, #tpu.memory_space<vmem>>) offsets(%dma_start3A_125 : memref<128xi32, #tpu.memory_space<vmem>>) semaphore(%arg15 : memref<!tpu.dma_semaphore, #tpu.memory_space<semaphore_mem>>)
    %dma_start3A_129 = arith.constant 3 : i32
    %dma_start3A_130 = arith.constant 3 : i32
    %dma_start3A_131 = arith.constant 0 : i32
    %dma_start3A_132 = arith.constant 0 : i32
    %dma_start3A_133 = tpu.memref_slice %arg11[%dma_start3A_130, %dma_start3A_131, %dma_start3A_132] : memref<4x128x32xf32, #tpu.memory_space<vmem>> -> memref<1x128x32xf32, #tpu.memory_space<vmem>>
    %dma_start3A_134 = tpu.memref_squeeze %dma_start3A_133 : memref<1x128x32xf32, #tpu.memory_space<vmem>> -> memref<128x32xf32, #tpu.memory_space<vmem>>
    %dma_start3A_135 = arith.constant 0 : i32
    %dma_start3A_136 = tpu.memref_slice %arg8[%dma_start3A_129, %dma_start3A_135] : memref<4x128xi32, #tpu.memory_space<vmem>> -> memref<1x128xi32, #tpu.memory_space<vmem>>
    %dma_start3A_137 = tpu.memref_squeeze %dma_start3A_136 : memref<1x128xi32, #tpu.memory_space<vmem>> -> memref<128xi32, #tpu.memory_space<vmem>>
    %dma_start3A_138 = arith.constant 0 : i32
    %dma_start3A_139 = arith.constant 0 : i32
    %dma_start3A_140 = tpu.memref_slice %arg5[%dma_start3A_138, %dma_start3A_139] : memref<1000000x32xf32, #tpu.memory_space<hbm>> -> memref<1000000x32xf32, #tpu.memory_space<hbm>>
    tpu.enqueue_indirect_dma source(%dma_start3A_140 : memref<1000000x32xf32, #tpu.memory_space<hbm>>) target(%dma_start3A_134 : memref<128x32xf32, #tpu.memory_space<vmem>>) offsets(%dma_start3A_137 : memref<128xi32, #tpu.memory_space<vmem>>) semaphore(%arg15 : memref<!tpu.dma_semaphore, #tpu.memory_space<semaphore_mem>>)
    %dma_start3A_141 = arith.constant 3 : i32
    %dma_start3A_142 = arith.constant 3 : i32
    %dma_start3A_143 = arith.constant 0 : i32
    %dma_start3A_144 = arith.constant 0 : i32
    %dma_start3A_145 = tpu.memref_slice %arg12[%dma_start3A_142, %dma_start3A_143, %dma_start3A_144] : memref<4x128x32xf32, #tpu.memory_space<vmem>> -> memref<1x128x32xf32, #tpu.memory_space<vmem>>
    %dma_start3A_146 = tpu.memref_squeeze %dma_start3A_145 : memref<1x128x32xf32, #tpu.memory_space<vmem>> -> memref<128x32xf32, #tpu.memory_space<vmem>>
    %dma_start3A_147 = arith.constant 0 : i32
    %dma_start3A_148 = tpu.memref_slice %arg9[%dma_start3A_141, %dma_start3A_147] : memref<4x128xi32, #tpu.memory_space<vmem>> -> memref<1x128xi32, #tpu.memory_space<vmem>>
    %dma_start3A_149 = tpu.memref_squeeze %dma_start3A_148 : memref<1x128xi32, #tpu.memory_space<vmem>> -> memref<128xi32, #tpu.memory_space<vmem>>
    %dma_start3A_150 = arith.constant 0 : i32
    %dma_start3A_151 = arith.constant 0 : i32
    %dma_start3A_152 = tpu.memref_slice %arg5[%dma_start3A_150, %dma_start3A_151] : memref<1000000x32xf32, #tpu.memory_space<hbm>> -> memref<1000000x32xf32, #tpu.memory_space<hbm>>
    tpu.enqueue_indirect_dma source(%dma_start3A_152 : memref<1000000x32xf32, #tpu.memory_space<hbm>>) target(%dma_start3A_146 : memref<128x32xf32, #tpu.memory_space<vmem>>) offsets(%dma_start3A_149 : memref<128xi32, #tpu.memory_space<vmem>>) semaphore(%arg15 : memref<!tpu.dma_semaphore, #tpu.memory_space<semaphore_mem>>)
    %dma_start3A_153 = arith.constant 3 : i32
    %dma_start3A_154 = arith.constant 3 : i32
    %dma_start3A_155 = arith.constant 0 : i32
    %dma_start3A_156 = arith.constant 0 : i32
    %dma_start3A_157 = tpu.memref_slice %arg13[%dma_start3A_154, %dma_start3A_155, %dma_start3A_156] : memref<4x128x32xf32, #tpu.memory_space<vmem>> -> memref<1x128x32xf32, #tpu.memory_space<vmem>>
    %dma_start3A_158 = tpu.memref_squeeze %dma_start3A_157 : memref<1x128x32xf32, #tpu.memory_space<vmem>> -> memref<128x32xf32, #tpu.memory_space<vmem>>
    %dma_start3A_159 = arith.constant 0 : i32
    %dma_start3A_160 = tpu.memref_slice %arg10[%dma_start3A_153, %dma_start3A_159] : memref<4x128xi32, #tpu.memory_space<vmem>> -> memref<1x128xi32, #tpu.memory_space<vmem>>
    %dma_start3A_161 = tpu.memref_squeeze %dma_start3A_160 : memref<1x128xi32, #tpu.memory_space<vmem>> -> memref<128xi32, #tpu.memory_space<vmem>>
    %dma_start3A_162 = arith.constant 0 : i32
    %dma_start3A_163 = arith.constant 0 : i32
    %dma_start3A_164 = tpu.memref_slice %arg6[%dma_start3A_162, %dma_start3A_163] : memref<1000000x32xf32, #tpu.memory_space<hbm>> -> memref<1000000x32xf32, #tpu.memory_space<hbm>>
    tpu.enqueue_indirect_dma source(%dma_start3A_164 : memref<1000000x32xf32, #tpu.memory_space<hbm>>) target(%dma_start3A_158 : memref<128x32xf32, #tpu.memory_space<vmem>>) offsets(%dma_start3A_161 : memref<128xi32, #tpu.memory_space<vmem>>) semaphore(%arg15 : memref<!tpu.dma_semaphore, #tpu.memory_space<semaphore_mem>>)
    %dma_wait3A = arith.constant 0 : i32
    %dma_wait3A_165 = arith.constant 0 : i32
    %dma_wait3A_166 = arith.constant 0 : i32
    %dma_wait3A_167 = arith.constant 0 : i32
    %dma_wait3A_168 = tpu.memref_slice %arg11[%dma_wait3A_165, %dma_wait3A_166, %dma_wait3A_167] : memref<4x128x32xf32, #tpu.memory_space<vmem>> -> memref<1x128x32xf32, #tpu.memory_space<vmem>>
    %dma_wait3A_169 = tpu.memref_squeeze %dma_wait3A_168 : memref<1x128x32xf32, #tpu.memory_space<vmem>> -> memref<128x32xf32, #tpu.memory_space<vmem>>
    %dma_wait3A_170 = arith.constant 0 : i32
    %dma_wait3A_171 = tpu.memref_slice %arg8[%dma_wait3A, %dma_wait3A_170] : memref<4x128xi32, #tpu.memory_space<vmem>> -> memref<1x128xi32, #tpu.memory_space<vmem>>
    %dma_wait3A_172 = tpu.memref_squeeze %dma_wait3A_171 : memref<1x128xi32, #tpu.memory_space<vmem>> -> memref<128xi32, #tpu.memory_space<vmem>>
    %dma_wait3A_173 = arith.constant 0 : i32
    %dma_wait3A_174 = arith.constant 0 : i32
    %dma_wait3A_175 = tpu.memref_slice %arg5[%dma_wait3A_173, %dma_wait3A_174] : memref<1000000x32xf32, #tpu.memory_space<hbm>> -> memref<1000000x32xf32, #tpu.memory_space<hbm>>
    tpu.wait_indirect_dma semaphore(%arg15 : memref<!tpu.dma_semaphore, #tpu.memory_space<semaphore_mem>>) src(%dma_wait3A_175 : memref<1000000x32xf32, #tpu.memory_space<hbm>>) dst(%dma_wait3A_169 : memref<128x32xf32, #tpu.memory_space<vmem>>)
    %dma_wait3A_176 = arith.constant 0 : i32
    %dma_wait3A_177 = arith.constant 0 : i32
    %dma_wait3A_178 = arith.constant 0 : i32
    %dma_wait3A_179 = arith.constant 0 : i32
    %dma_wait3A_180 = tpu.memref_slice %arg12[%dma_wait3A_177, %dma_wait3A_178, %dma_wait3A_179] : memref<4x128x32xf32, #tpu.memory_space<vmem>> -> memref<1x128x32xf32, #tpu.memory_space<vmem>>
    %dma_wait3A_181 = tpu.memref_squeeze %dma_wait3A_180 : memref<1x128x32xf32, #tpu.memory_space<vmem>> -> memref<128x32xf32, #tpu.memory_space<vmem>>
    %dma_wait3A_182 = arith.constant 0 : i32
    %dma_wait3A_183 = tpu.memref_slice %arg9[%dma_wait3A_176, %dma_wait3A_182] : memref<4x128xi32, #tpu.memory_space<vmem>> -> memref<1x128xi32, #tpu.memory_space<vmem>>
    %dma_wait3A_184 = tpu.memref_squeeze %dma_wait3A_183 : memref<1x128xi32, #tpu.memory_space<vmem>> -> memref<128xi32, #tpu.memory_space<vmem>>
    %dma_wait3A_185 = arith.constant 0 : i32
    %dma_wait3A_186 = arith.constant 0 : i32
    %dma_wait3A_187 = tpu.memref_slice %arg5[%dma_wait3A_185, %dma_wait3A_186] : memref<1000000x32xf32, #tpu.memory_space<hbm>> -> memref<1000000x32xf32, #tpu.memory_space<hbm>>
    tpu.wait_indirect_dma semaphore(%arg15 : memref<!tpu.dma_semaphore, #tpu.memory_space<semaphore_mem>>) src(%dma_wait3A_187 : memref<1000000x32xf32, #tpu.memory_space<hbm>>) dst(%dma_wait3A_181 : memref<128x32xf32, #tpu.memory_space<vmem>>)
    %dma_wait3A_188 = arith.constant 0 : i32
    %dma_wait3A_189 = arith.constant 0 : i32
    %dma_wait3A_190 = arith.constant 0 : i32
    %dma_wait3A_191 = arith.constant 0 : i32
    %dma_wait3A_192 = tpu.memref_slice %arg13[%dma_wait3A_189, %dma_wait3A_190, %dma_wait3A_191] : memref<4x128x32xf32, #tpu.memory_space<vmem>> -> memref<1x128x32xf32, #tpu.memory_space<vmem>>
    %dma_wait3A_193 = tpu.memref_squeeze %dma_wait3A_192 : memref<1x128x32xf32, #tpu.memory_space<vmem>> -> memref<128x32xf32, #tpu.memory_space<vmem>>
    %dma_wait3A_194 = arith.constant 0 : i32
    %dma_wait3A_195 = tpu.memref_slice %arg10[%dma_wait3A_188, %dma_wait3A_194] : memref<4x128xi32, #tpu.memory_space<vmem>> -> memref<1x128xi32, #tpu.memory_space<vmem>>
    %dma_wait3A_196 = tpu.memref_squeeze %dma_wait3A_195 : memref<1x128xi32, #tpu.memory_space<vmem>> -> memref<128xi32, #tpu.memory_space<vmem>>
    %dma_wait3A_197 = arith.constant 0 : i32
    %dma_wait3A_198 = arith.constant 0 : i32
    %dma_wait3A_199 = tpu.memref_slice %arg6[%dma_wait3A_197, %dma_wait3A_198] : memref<1000000x32xf32, #tpu.memory_space<hbm>> -> memref<1000000x32xf32, #tpu.memory_space<hbm>>
    tpu.wait_indirect_dma semaphore(%arg15 : memref<!tpu.dma_semaphore, #tpu.memory_space<semaphore_mem>>) src(%dma_wait3A_199 : memref<1000000x32xf32, #tpu.memory_space<hbm>>) dst(%dma_wait3A_193 : memref<128x32xf32, #tpu.memory_space<vmem>>)
    %dma_wait3A_200 = arith.constant 1 : i32
    %dma_wait3A_201 = arith.constant 1 : i32
    %dma_wait3A_202 = arith.constant 0 : i32
    %dma_wait3A_203 = arith.constant 0 : i32
    %dma_wait3A_204 = tpu.memref_slice %arg11[%dma_wait3A_201, %dma_wait3A_202, %dma_wait3A_203] : memref<4x128x32xf32, #tpu.memory_space<vmem>> -> memref<1x128x32xf32, #tpu.memory_space<vmem>>
    %dma_wait3A_205 = tpu.memref_squeeze %dma_wait3A_204 : memref<1x128x32xf32, #tpu.memory_space<vmem>> -> memref<128x32xf32, #tpu.memory_space<vmem>>
    %dma_wait3A_206 = arith.constant 0 : i32
    %dma_wait3A_207 = tpu.memref_slice %arg8[%dma_wait3A_200, %dma_wait3A_206] : memref<4x128xi32, #tpu.memory_space<vmem>> -> memref<1x128xi32, #tpu.memory_space<vmem>>
    %dma_wait3A_208 = tpu.memref_squeeze %dma_wait3A_207 : memref<1x128xi32, #tpu.memory_space<vmem>> -> memref<128xi32, #tpu.memory_space<vmem>>
    %dma_wait3A_209 = arith.constant 0 : i32
    %dma_wait3A_210 = arith.constant 0 : i32
    %dma_wait3A_211 = tpu.memref_slice %arg5[%dma_wait3A_209, %dma_wait3A_210] : memref<1000000x32xf32, #tpu.memory_space<hbm>> -> memref<1000000x32xf32, #tpu.memory_space<hbm>>
    tpu.wait_indirect_dma semaphore(%arg15 : memref<!tpu.dma_semaphore, #tpu.memory_space<semaphore_mem>>) src(%dma_wait3A_211 : memref<1000000x32xf32, #tpu.memory_space<hbm>>) dst(%dma_wait3A_205 : memref<128x32xf32, #tpu.memory_space<vmem>>)
    %dma_wait3A_212 = arith.constant 1 : i32
    %dma_wait3A_213 = arith.constant 1 : i32
    %dma_wait3A_214 = arith.constant 0 : i32
    %dma_wait3A_215 = arith.constant 0 : i32
    %dma_wait3A_216 = tpu.memref_slice %arg12[%dma_wait3A_213, %dma_wait3A_214, %dma_wait3A_215] : memref<4x128x32xf32, #tpu.memory_space<vmem>> -> memref<1x128x32xf32, #tpu.memory_space<vmem>>
    %dma_wait3A_217 = tpu.memref_squeeze %dma_wait3A_216 : memref<1x128x32xf32, #tpu.memory_space<vmem>> -> memref<128x32xf32, #tpu.memory_space<vmem>>
    %dma_wait3A_218 = arith.constant 0 : i32
    %dma_wait3A_219 = tpu.memref_slice %arg9[%dma_wait3A_212, %dma_wait3A_218] : memref<4x128xi32, #tpu.memory_space<vmem>> -> memref<1x128xi32, #tpu.memory_space<vmem>>
    %dma_wait3A_220 = tpu.memref_squeeze %dma_wait3A_219 : memref<1x128xi32, #tpu.memory_space<vmem>> -> memref<128xi32, #tpu.memory_space<vmem>>
    %dma_wait3A_221 = arith.constant 0 : i32
    %dma_wait3A_222 = arith.constant 0 : i32
    %dma_wait3A_223 = tpu.memref_slice %arg5[%dma_wait3A_221, %dma_wait3A_222] : memref<1000000x32xf32, #tpu.memory_space<hbm>> -> memref<1000000x32xf32, #tpu.memory_space<hbm>>
    tpu.wait_indirect_dma semaphore(%arg15 : memref<!tpu.dma_semaphore, #tpu.memory_space<semaphore_mem>>) src(%dma_wait3A_223 : memref<1000000x32xf32, #tpu.memory_space<hbm>>) dst(%dma_wait3A_217 : memref<128x32xf32, #tpu.memory_space<vmem>>)
    %dma_wait3A_224 = arith.constant 1 : i32
    %dma_wait3A_225 = arith.constant 1 : i32
    %dma_wait3A_226 = arith.constant 0 : i32
    %dma_wait3A_227 = arith.constant 0 : i32
    %dma_wait3A_228 = tpu.memref_slice %arg13[%dma_wait3A_225, %dma_wait3A_226, %dma_wait3A_227] : memref<4x128x32xf32, #tpu.memory_space<vmem>> -> memref<1x128x32xf32, #tpu.memory_space<vmem>>
    %dma_wait3A_229 = tpu.memref_squeeze %dma_wait3A_228 : memref<1x128x32xf32, #tpu.memory_space<vmem>> -> memref<128x32xf32, #tpu.memory_space<vmem>>
    %dma_wait3A_230 = arith.constant 0 : i32
    %dma_wait3A_231 = tpu.memref_slice %arg10[%dma_wait3A_224, %dma_wait3A_230] : memref<4x128xi32, #tpu.memory_space<vmem>> -> memref<1x128xi32, #tpu.memory_space<vmem>>
    %dma_wait3A_232 = tpu.memref_squeeze %dma_wait3A_231 : memref<1x128xi32, #tpu.memory_space<vmem>> -> memref<128xi32, #tpu.memory_space<vmem>>
    %dma_wait3A_233 = arith.constant 0 : i32
    %dma_wait3A_234 = arith.constant 0 : i32
    %dma_wait3A_235 = tpu.memref_slice %arg6[%dma_wait3A_233, %dma_wait3A_234] : memref<1000000x32xf32, #tpu.memory_space<hbm>> -> memref<1000000x32xf32, #tpu.memory_space<hbm>>
    tpu.wait_indirect_dma semaphore(%arg15 : memref<!tpu.dma_semaphore, #tpu.memory_space<semaphore_mem>>) src(%dma_wait3A_235 : memref<1000000x32xf32, #tpu.memory_space<hbm>>) dst(%dma_wait3A_229 : memref<128x32xf32, #tpu.memory_space<vmem>>)
    %dma_wait3A_236 = arith.constant 2 : i32
    %dma_wait3A_237 = arith.constant 2 : i32
    %dma_wait3A_238 = arith.constant 0 : i32
    %dma_wait3A_239 = arith.constant 0 : i32
    %dma_wait3A_240 = tpu.memref_slice %arg11[%dma_wait3A_237, %dma_wait3A_238, %dma_wait3A_239] : memref<4x128x32xf32, #tpu.memory_space<vmem>> -> memref<1x128x32xf32, #tpu.memory_space<vmem>>
    %dma_wait3A_241 = tpu.memref_squeeze %dma_wait3A_240 : memref<1x128x32xf32, #tpu.memory_space<vmem>> -> memref<128x32xf32, #tpu.memory_space<vmem>>
    %dma_wait3A_242 = arith.constant 0 : i32
    %dma_wait3A_243 = tpu.memref_slice %arg8[%dma_wait3A_236, %dma_wait3A_242] : memref<4x128xi32, #tpu.memory_space<vmem>> -> memref<1x128xi32, #tpu.memory_space<vmem>>
    %dma_wait3A_244 = tpu.memref_squeeze %dma_wait3A_243 : memref<1x128xi32, #tpu.memory_space<vmem>> -> memref<128xi32, #tpu.memory_space<vmem>>
    %dma_wait3A_245 = arith.constant 0 : i32
    %dma_wait3A_246 = arith.constant 0 : i32
    %dma_wait3A_247 = tpu.memref_slice %arg5[%dma_wait3A_245, %dma_wait3A_246] : memref<1000000x32xf32, #tpu.memory_space<hbm>> -> memref<1000000x32xf32, #tpu.memory_space<hbm>>
    tpu.wait_indirect_dma semaphore(%arg15 : memref<!tpu.dma_semaphore, #tpu.memory_space<semaphore_mem>>) src(%dma_wait3A_247 : memref<1000000x32xf32, #tpu.memory_space<hbm>>) dst(%dma_wait3A_241 : memref<128x32xf32, #tpu.memory_space<vmem>>)
    %dma_wait3A_248 = arith.constant 2 : i32
    %dma_wait3A_249 = arith.constant 2 : i32
    %dma_wait3A_250 = arith.constant 0 : i32
    %dma_wait3A_251 = arith.constant 0 : i32
    %dma_wait3A_252 = tpu.memref_slice %arg12[%dma_wait3A_249, %dma_wait3A_250, %dma_wait3A_251] : memref<4x128x32xf32, #tpu.memory_space<vmem>> -> memref<1x128x32xf32, #tpu.memory_space<vmem>>
    %dma_wait3A_253 = tpu.memref_squeeze %dma_wait3A_252 : memref<1x128x32xf32, #tpu.memory_space<vmem>> -> memref<128x32xf32, #tpu.memory_space<vmem>>
    %dma_wait3A_254 = arith.constant 0 : i32
    %dma_wait3A_255 = tpu.memref_slice %arg9[%dma_wait3A_248, %dma_wait3A_254] : memref<4x128xi32, #tpu.memory_space<vmem>> -> memref<1x128xi32, #tpu.memory_space<vmem>>
    %dma_wait3A_256 = tpu.memref_squeeze %dma_wait3A_255 : memref<1x128xi32, #tpu.memory_space<vmem>> -> memref<128xi32, #tpu.memory_space<vmem>>
    %dma_wait3A_257 = arith.constant 0 : i32
    %dma_wait3A_258 = arith.constant 0 : i32
    %dma_wait3A_259 = tpu.memref_slice %arg5[%dma_wait3A_257, %dma_wait3A_258] : memref<1000000x32xf32, #tpu.memory_space<hbm>> -> memref<1000000x32xf32, #tpu.memory_space<hbm>>
    tpu.wait_indirect_dma semaphore(%arg15 : memref<!tpu.dma_semaphore, #tpu.memory_space<semaphore_mem>>) src(%dma_wait3A_259 : memref<1000000x32xf32, #tpu.memory_space<hbm>>) dst(%dma_wait3A_253 : memref<128x32xf32, #tpu.memory_space<vmem>>)
    %dma_wait3A_260 = arith.constant 2 : i32
    %dma_wait3A_261 = arith.constant 2 : i32
    %dma_wait3A_262 = arith.constant 0 : i32
    %dma_wait3A_263 = arith.constant 0 : i32
    %dma_wait3A_264 = tpu.memref_slice %arg13[%dma_wait3A_261, %dma_wait3A_262, %dma_wait3A_263] : memref<4x128x32xf32, #tpu.memory_space<vmem>> -> memref<1x128x32xf32, #tpu.memory_space<vmem>>
    %dma_wait3A_265 = tpu.memref_squeeze %dma_wait3A_264 : memref<1x128x32xf32, #tpu.memory_space<vmem>> -> memref<128x32xf32, #tpu.memory_space<vmem>>
    %dma_wait3A_266 = arith.constant 0 : i32
    %dma_wait3A_267 = tpu.memref_slice %arg10[%dma_wait3A_260, %dma_wait3A_266] : memref<4x128xi32, #tpu.memory_space<vmem>> -> memref<1x128xi32, #tpu.memory_space<vmem>>
    %dma_wait3A_268 = tpu.memref_squeeze %dma_wait3A_267 : memref<1x128xi32, #tpu.memory_space<vmem>> -> memref<128xi32, #tpu.memory_space<vmem>>
    %dma_wait3A_269 = arith.constant 0 : i32
    %dma_wait3A_270 = arith.constant 0 : i32
    %dma_wait3A_271 = tpu.memref_slice %arg6[%dma_wait3A_269, %dma_wait3A_270] : memref<1000000x32xf32, #tpu.memory_space<hbm>> -> memref<1000000x32xf32, #tpu.memory_space<hbm>>
    tpu.wait_indirect_dma semaphore(%arg15 : memref<!tpu.dma_semaphore, #tpu.memory_space<semaphore_mem>>) src(%dma_wait3A_271 : memref<1000000x32xf32, #tpu.memory_space<hbm>>) dst(%dma_wait3A_265 : memref<128x32xf32, #tpu.memory_space<vmem>>)
    %dma_wait3A_272 = arith.constant 3 : i32
    %dma_wait3A_273 = arith.constant 3 : i32
    %dma_wait3A_274 = arith.constant 0 : i32
    %dma_wait3A_275 = arith.constant 0 : i32
    %dma_wait3A_276 = tpu.memref_slice %arg11[%dma_wait3A_273, %dma_wait3A_274, %dma_wait3A_275] : memref<4x128x32xf32, #tpu.memory_space<vmem>> -> memref<1x128x32xf32, #tpu.memory_space<vmem>>
    %dma_wait3A_277 = tpu.memref_squeeze %dma_wait3A_276 : memref<1x128x32xf32, #tpu.memory_space<vmem>> -> memref<128x32xf32, #tpu.memory_space<vmem>>
    %dma_wait3A_278 = arith.constant 0 : i32
    %dma_wait3A_279 = tpu.memref_slice %arg8[%dma_wait3A_272, %dma_wait3A_278] : memref<4x128xi32, #tpu.memory_space<vmem>> -> memref<1x128xi32, #tpu.memory_space<vmem>>
    %dma_wait3A_280 = tpu.memref_squeeze %dma_wait3A_279 : memref<1x128xi32, #tpu.memory_space<vmem>> -> memref<128xi32, #tpu.memory_space<vmem>>
    %dma_wait3A_281 = arith.constant 0 : i32
    %dma_wait3A_282 = arith.constant 0 : i32
    %dma_wait3A_283 = tpu.memref_slice %arg5[%dma_wait3A_281, %dma_wait3A_282] : memref<1000000x32xf32, #tpu.memory_space<hbm>> -> memref<1000000x32xf32, #tpu.memory_space<hbm>>
    tpu.wait_indirect_dma semaphore(%arg15 : memref<!tpu.dma_semaphore, #tpu.memory_space<semaphore_mem>>) src(%dma_wait3A_283 : memref<1000000x32xf32, #tpu.memory_space<hbm>>) dst(%dma_wait3A_277 : memref<128x32xf32, #tpu.memory_space<vmem>>)
    %dma_wait3A_284 = arith.constant 3 : i32
    %dma_wait3A_285 = arith.constant 3 : i32
    %dma_wait3A_286 = arith.constant 0 : i32
    %dma_wait3A_287 = arith.constant 0 : i32
    %dma_wait3A_288 = tpu.memref_slice %arg12[%dma_wait3A_285, %dma_wait3A_286, %dma_wait3A_287] : memref<4x128x32xf32, #tpu.memory_space<vmem>> -> memref<1x128x32xf32, #tpu.memory_space<vmem>>
    %dma_wait3A_289 = tpu.memref_squeeze %dma_wait3A_288 : memref<1x128x32xf32, #tpu.memory_space<vmem>> -> memref<128x32xf32, #tpu.memory_space<vmem>>
    %dma_wait3A_290 = arith.constant 0 : i32
    %dma_wait3A_291 = tpu.memref_slice %arg9[%dma_wait3A_284, %dma_wait3A_290] : memref<4x128xi32, #tpu.memory_space<vmem>> -> memref<1x128xi32, #tpu.memory_space<vmem>>
    %dma_wait3A_292 = tpu.memref_squeeze %dma_wait3A_291 : memref<1x128xi32, #tpu.memory_space<vmem>> -> memref<128xi32, #tpu.memory_space<vmem>>
    %dma_wait3A_293 = arith.constant 0 : i32
    %dma_wait3A_294 = arith.constant 0 : i32
    %dma_wait3A_295 = tpu.memref_slice %arg5[%dma_wait3A_293, %dma_wait3A_294] : memref<1000000x32xf32, #tpu.memory_space<hbm>> -> memref<1000000x32xf32, #tpu.memory_space<hbm>>
    tpu.wait_indirect_dma semaphore(%arg15 : memref<!tpu.dma_semaphore, #tpu.memory_space<semaphore_mem>>) src(%dma_wait3A_295 : memref<1000000x32xf32, #tpu.memory_space<hbm>>) dst(%dma_wait3A_289 : memref<128x32xf32, #tpu.memory_space<vmem>>)
    %dma_wait3A_296 = arith.constant 3 : i32
    %dma_wait3A_297 = arith.constant 3 : i32
    %dma_wait3A_298 = arith.constant 0 : i32
    %dma_wait3A_299 = arith.constant 0 : i32
    %dma_wait3A_300 = tpu.memref_slice %arg13[%dma_wait3A_297, %dma_wait3A_298, %dma_wait3A_299] : memref<4x128x32xf32, #tpu.memory_space<vmem>> -> memref<1x128x32xf32, #tpu.memory_space<vmem>>
    %dma_wait3A_301 = tpu.memref_squeeze %dma_wait3A_300 : memref<1x128x32xf32, #tpu.memory_space<vmem>> -> memref<128x32xf32, #tpu.memory_space<vmem>>
    %dma_wait3A_302 = arith.constant 0 : i32
    %dma_wait3A_303 = tpu.memref_slice %arg10[%dma_wait3A_296, %dma_wait3A_302] : memref<4x128xi32, #tpu.memory_space<vmem>> -> memref<1x128xi32, #tpu.memory_space<vmem>>
    %dma_wait3A_304 = tpu.memref_squeeze %dma_wait3A_303 : memref<1x128xi32, #tpu.memory_space<vmem>> -> memref<128xi32, #tpu.memory_space<vmem>>
    %dma_wait3A_305 = arith.constant 0 : i32
    %dma_wait3A_306 = arith.constant 0 : i32
    %dma_wait3A_307 = tpu.memref_slice %arg6[%dma_wait3A_305, %dma_wait3A_306] : memref<1000000x32xf32, #tpu.memory_space<hbm>> -> memref<1000000x32xf32, #tpu.memory_space<hbm>>
    tpu.wait_indirect_dma semaphore(%arg15 : memref<!tpu.dma_semaphore, #tpu.memory_space<semaphore_mem>>) src(%dma_wait3A_307 : memref<1000000x32xf32, #tpu.memory_space<hbm>>) dst(%dma_wait3A_301 : memref<128x32xf32, #tpu.memory_space<vmem>>)
    %iota3A = tpu.iota {dimensions = array<i32: 0>} : vector<16xi32>
    %scan3A = arith.constant 0 : i32
    %scan3A_308 = arith.constant 0 : i32
    %scan3A_309 = arith.constant 8 : i32
    %scan3A_310 = arith.addi %scan3A_308, %scan3A_309 : i32
    %scan3A_311 = arith.constant 1 : i32
    scf.for %scan3A_331 = %scan3A_308 to %scan3A_310 step %scan3A_311  : i32 {
      %mul3A_332 = arith.constant 16 : i32
      %mul3A_333 = arith.muli %scan3A_331, %mul3A_332 : i32
      %broadcast_in_dim3A = arith.constant 0.000000e+00 : f32
      %broadcast_in_dim3A_334 = vector.broadcast %broadcast_in_dim3A : f32 to vector<16xf32>
      %add3A_335 = arith.constant 0 : i32
      %add3A_336 = arith.addi %mul3A_333, %add3A_335 : i32
      %get3A = arith.constant 0 : i32
      %get3A_337 = arith.index_cast %get3A : i32 to index
      %get3A_338 = arith.index_cast %add3A_336 : i32 to index
      %get3A_339 = arith.constant 0 : index
      %get3A_340 = tpu.vector_load %arg11[%get3A_337, %get3A_338, %get3A_339] {strides = array<i32>} : memref<4x128x32xf32, #tpu.memory_space<vmem>>, vector<16xf32>,
      %get3A_341 = arith.constant 0 : i32
      %get3A_342 = arith.index_cast %get3A_341 : i32 to index
      %get3A_343 = arith.index_cast %add3A_336 : i32 to index
      %get3A_344 = arith.constant 16 : index
      %get3A_345 = tpu.vector_load %arg11[%get3A_342, %get3A_343, %get3A_344] {strides = array<i32>} : memref<4x128x32xf32, #tpu.memory_space<vmem>>, vector<16xf32>,
      %get3A_346 = arith.constant 0 : i32
      %get3A_347 = arith.index_cast %get3A_346 : i32 to index
      %get3A_348 = arith.index_cast %add3A_336 : i32 to index
      %get3A_349 = arith.constant 0 : index
      %get3A_350 = tpu.vector_load %arg12[%get3A_347, %get3A_348, %get3A_349] {strides = array<i32>} : memref<4x128x32xf32, #tpu.memory_space<vmem>>, vector<16xf32>,
      %get3A_351 = arith.constant 0 : i32
      %get3A_352 = arith.index_cast %get3A_351 : i32 to index
      %get3A_353 = arith.index_cast %add3A_336 : i32 to index
      %get3A_354 = arith.constant 16 : index
      %get3A_355 = tpu.vector_load %arg12[%get3A_352, %get3A_353, %get3A_354] {strides = array<i32>} : memref<4x128x32xf32, #tpu.memory_space<vmem>>, vector<16xf32>,
      %get3A_356 = arith.constant 0 : i32
      %get3A_357 = arith.index_cast %get3A_356 : i32 to index
      %get3A_358 = arith.index_cast %add3A_336 : i32 to index
      %get3A_359 = arith.constant 0 : index
      %get3A_360 = tpu.vector_load %arg13[%get3A_357, %get3A_358, %get3A_359] {strides = array<i32>} : memref<4x128x32xf32, #tpu.memory_space<vmem>>, vector<16xf32>,
      %get3A_361 = arith.constant 0 : i32
      %get3A_362 = arith.index_cast %get3A_361 : i32 to index
      %get3A_363 = arith.index_cast %add3A_336 : i32 to index
      %get3A_364 = arith.constant 16 : index
      %get3A_365 = tpu.vector_load %arg13[%get3A_362, %get3A_363, %get3A_364] {strides = array<i32>} : memref<4x128x32xf32, #tpu.memory_space<vmem>>, vector<16xf32>,
      %sub3A = arith.subf %get3A_340, %get3A_350 : vector<16xf32>
      %add3A_366 = arith.addf %sub3A, %get3A_360 : vector<16xf32>
      %sub3A_367 = arith.subf %get3A_345, %get3A_355 : vector<16xf32>
      %add3A_368 = arith.addf %sub3A_367, %get3A_365 : vector<16xf32>
      %mul3A_369 = arith.mulf %add3A_366, %add3A_366 : vector<16xf32>
      %mul3A_370 = arith.mulf %add3A_368, %add3A_368 : vector<16xf32>
      %add3A_371 = arith.addf %mul3A_369, %mul3A_370 : vector<16xf32>
      %eq3A = arith.constant 0 : i32
      %eq3A_372 = vector.broadcast %eq3A : i32 to vector<16xi32>
      %eq3A_373 = arith.cmpi eq, %iota3A, %eq3A_372 : vector<16xi32>
      %reduce_sum3A = arith.constant true
      %reduce_sum3A_374 = vector.broadcast %reduce_sum3A : i1 to vector<16xi1>
      %reduce_sum3A_375 = tpu.scan <sum>, %add3A_371 masked %reduce_sum3A_374 : vector<16xf32>, vector<16xi1> -> vector<16xf32>
      %reduce_sum3A_376 = vector.extract %reduce_sum3A_375[15] : f32 from vector<16xf32>
      %broadcast_in_dim3A_377 = vector.broadcast %reduce_sum3A_376 : f32 to vector<16xf32>
      %select_n3A = arith.select %eq3A_373, %broadcast_in_dim3A_377, %broadcast_in_dim3A_334 : vector<16xi1>, vector<16xf32>
      %add3A_378 = arith.constant 1 : i32
      %add3A_379 = arith.addi %mul3A_333, %add3A_378 : i32
      %get3A_380 = arith.constant 0 : i32
      %get3A_381 = arith.index_cast %get3A_380 : i32 to index
      %get3A_382 = arith.index_cast %add3A_379 : i32 to index
      %get3A_383 = arith.constant 0 : index
      %get3A_384 = tpu.vector_load %arg11[%get3A_381, %get3A_382, %get3A_383] {strides = array<i32>} : memref<4x128x32xf32, #tpu.memory_space<vmem>>, vector<16xf32>,
      %get3A_385 = arith.constant 0 : i32
      %get3A_386 = arith.index_cast %get3A_385 : i32 to index
      %get3A_387 = arith.index_cast %add3A_379 : i32 to index
      %get3A_388 = arith.constant 16 : index
      %get3A_389 = tpu.vector_load %arg11[%get3A_386, %get3A_387, %get3A_388] {strides = array<i32>} : memref<4x128x32xf32, #tpu.memory_space<vmem>>, vector<16xf32>,
      %get3A_390 = arith.constant 0 : i32
      %get3A_391 = arith.index_cast %get3A_390 : i32 to index
      %get3A_392 = arith.index_cast %add3A_379 : i32 to index
      %get3A_393 = arith.constant 0 : index
      %get3A_394 = tpu.vector_load %arg12[%get3A_391, %get3A_392, %get3A_393] {strides = array<i32>} : memref<4x128x32xf32, #tpu.memory_space<vmem>>, vector<16xf32>,
      %get3A_395 = arith.constant 0 : i32
      %get3A_396 = arith.index_cast %get3A_395 : i32 to index
      %get3A_397 = arith.index_cast %add3A_379 : i32 to index
      %get3A_398 = arith.constant 16 : index
      %get3A_399 = tpu.vector_load %arg12[%get3A_396, %get3A_397, %get3A_398] {strides = array<i32>} : memref<4x128x32xf32, #tpu.memory_space<vmem>>, vector<16xf32>,
      %get3A_400 = arith.constant 0 : i32
      %get3A_401 = arith.index_cast %get3A_400 : i32 to index
      %get3A_402 = arith.index_cast %add3A_379 : i32 to index
      %get3A_403 = arith.constant 0 : index
      %get3A_404 = tpu.vector_load %arg13[%get3A_401, %get3A_402, %get3A_403] {strides = array<i32>} : memref<4x128x32xf32, #tpu.memory_space<vmem>>, vector<16xf32>,
      %get3A_405 = arith.constant 0 : i32
      %get3A_406 = arith.index_cast %get3A_405 : i32 to index
      %get3A_407 = arith.index_cast %add3A_379 : i32 to index
      %get3A_408 = arith.constant 16 : index
      %get3A_409 = tpu.vector_load %arg13[%get3A_406, %get3A_407, %get3A_408] {strides = array<i32>} : memref<4x128x32xf32, #tpu.memory_space<vmem>>, vector<16xf32>,
      %sub3A_410 = arith.subf %get3A_384, %get3A_394 : vector<16xf32>
      %add3A_411 = arith.addf %sub3A_410, %get3A_404 : vector<16xf32>
      %sub3A_412 = arith.subf %get3A_389, %get3A_399 : vector<16xf32>
      %add3A_413 = arith.addf %sub3A_412, %get3A_409 : vector<16xf32>
      %mul3A_414 = arith.mulf %add3A_411, %add3A_411 : vector<16xf32>
      %mul3A_415 = arith.mulf %add3A_413, %add3A_413 : vector<16xf32>
      %add3A_416 = arith.addf %mul3A_414, %mul3A_415 : vector<16xf32>
      %eq3A_417 = arith.constant 1 : i32
      %eq3A_418 = vector.broadcast %eq3A_417 : i32 to vector<16xi32>
      %eq3A_419 = arith.cmpi eq, %iota3A, %eq3A_418 : vector<16xi32>
      %reduce_sum3A_420 = arith.constant true
      %reduce_sum3A_421 = vector.broadcast %reduce_sum3A_420 : i1 to vector<16xi1>
      %reduce_sum3A_422 = tpu.scan <sum>, %add3A_416 masked %reduce_sum3A_421 : vector<16xf32>, vector<16xi1> -> vector<16xf32>
      %reduce_sum3A_423 = vector.extract %reduce_sum3A_422[15] : f32 from vector<16xf32>
      %broadcast_in_dim3A_424 = vector.broadcast %reduce_sum3A_423 : f32 to vector<16xf32>
      %select_n3A_425 = arith.select %eq3A_419, %broadcast_in_dim3A_424, %select_n3A : vector<16xi1>, vector<16xf32>
      %add3A_426 = arith.constant 2 : i32
      %add3A_427 = arith.addi %mul3A_333, %add3A_426 : i32
      %get3A_428 = arith.constant 0 : i32
      %get3A_429 = arith.index_cast %get3A_428 : i32 to index
      %get3A_430 = arith.index_cast %add3A_427 : i32 to index
      %get3A_431 = arith.constant 0 : index
      %get3A_432 = tpu.vector_load %arg11[%get3A_429, %get3A_430, %get3A_431] {strides = array<i32>} : memref<4x128x32xf32, #tpu.memory_space<vmem>>, vector<16xf32>,
      %get3A_433 = arith.constant 0 : i32
      %get3A_434 = arith.index_cast %get3A_433 : i32 to index
      %get3A_435 = arith.index_cast %add3A_427 : i32 to index
      %get3A_436 = arith.constant 16 : index
      %get3A_437 = tpu.vector_load %arg11[%get3A_434, %get3A_435, %get3A_436] {strides = array<i32>} : memref<4x128x32xf32, #tpu.memory_space<vmem>>, vector<16xf32>,
      %get3A_438 = arith.constant 0 : i32
      %get3A_439 = arith.index_cast %get3A_438 : i32 to index
      %get3A_440 = arith.index_cast %add3A_427 : i32 to index
      %get3A_441 = arith.constant 0 : index
      %get3A_442 = tpu.vector_load %arg12[%get3A_439, %get3A_440, %get3A_441] {strides = array<i32>} : memref<4x128x32xf32, #tpu.memory_space<vmem>>, vector<16xf32>,
      %get3A_443 = arith.constant 0 : i32
      %get3A_444 = arith.index_cast %get3A_443 : i32 to index
      %get3A_445 = arith.index_cast %add3A_427 : i32 to index
      %get3A_446 = arith.constant 16 : index
      %get3A_447 = tpu.vector_load %arg12[%get3A_444, %get3A_445, %get3A_446] {strides = array<i32>} : memref<4x128x32xf32, #tpu.memory_space<vmem>>, vector<16xf32>,
      %get3A_448 = arith.constant 0 : i32
      %get3A_449 = arith.index_cast %get3A_448 : i32 to index
      %get3A_450 = arith.index_cast %add3A_427 : i32 to index
      %get3A_451 = arith.constant 0 : index
      %get3A_452 = tpu.vector_load %arg13[%get3A_449, %get3A_450, %get3A_451] {strides = array<i32>} : memref<4x128x32xf32, #tpu.memory_space<vmem>>, vector<16xf32>,
      %get3A_453 = arith.constant 0 : i32
      %get3A_454 = arith.index_cast %get3A_453 : i32 to index
      %get3A_455 = arith.index_cast %add3A_427 : i32 to index
      %get3A_456 = arith.constant 16 : index
      %get3A_457 = tpu.vector_load %arg13[%get3A_454, %get3A_455, %get3A_456] {strides = array<i32>} : memref<4x128x32xf32, #tpu.memory_space<vmem>>, vector<16xf32>,
      %sub3A_458 = arith.subf %get3A_432, %get3A_442 : vector<16xf32>
      %add3A_459 = arith.addf %sub3A_458, %get3A_452 : vector<16xf32>
      %sub3A_460 = arith.subf %get3A_437, %get3A_447 : vector<16xf32>
      %add3A_461 = arith.addf %sub3A_460, %get3A_457 : vector<16xf32>
      %mul3A_462 = arith.mulf %add3A_459, %add3A_459 : vector<16xf32>
      %mul3A_463 = arith.mulf %add3A_461, %add3A_461 : vector<16xf32>
      %add3A_464 = arith.addf %mul3A_462, %mul3A_463 : vector<16xf32>
      %eq3A_465 = arith.constant 2 : i32
      %eq3A_466 = vector.broadcast %eq3A_465 : i32 to vector<16xi32>
      %eq3A_467 = arith.cmpi eq, %iota3A, %eq3A_466 : vector<16xi32>
      %reduce_sum3A_468 = arith.constant true
      %reduce_sum3A_469 = vector.broadcast %reduce_sum3A_468 : i1 to vector<16xi1>
      %reduce_sum3A_470 = tpu.scan <sum>, %add3A_464 masked %reduce_sum3A_469 : vector<16xf32>, vector<16xi1> -> vector<16xf32>
      %reduce_sum3A_471 = vector.extract %reduce_sum3A_470[15] : f32 from vector<16xf32>
      %broadcast_in_dim3A_472 = vector.broadcast %reduce_sum3A_471 : f32 to vector<16xf32>
      %select_n3A_473 = arith.select %eq3A_467, %broadcast_in_dim3A_472, %select_n3A_425 : vector<16xi1>, vector<16xf32>
      %add3A_474 = arith.constant 3 : i32
      %add3A_475 = arith.addi %mul3A_333, %add3A_474 : i32
      %get3A_476 = arith.constant 0 : i32
      %get3A_477 = arith.index_cast %get3A_476 : i32 to index
      %get3A_478 = arith.index_cast %add3A_475 : i32 to index
      %get3A_479 = arith.constant 0 : index
      %get3A_480 = tpu.vector_load %arg11[%get3A_477, %get3A_478, %get3A_479] {strides = array<i32>} : memref<4x128x32xf32, #tpu.memory_space<vmem>>, vector<16xf32>,
      %get3A_481 = arith.constant 0 : i32
      %get3A_482 = arith.index_cast %get3A_481 : i32 to index
      %get3A_483 = arith.index_cast %add3A_475 : i32 to index
      %get3A_484 = arith.constant 16 : index
      %get3A_485 = tpu.vector_load %arg11[%get3A_482, %get3A_483, %get3A_484] {strides = array<i32>} : memref<4x128x32xf32, #tpu.memory_space<vmem>>, vector<16xf32>,
      %get3A_486 = arith.constant 0 : i32
      %get3A_487 = arith.index_cast %get3A_486 : i32 to index
      %get3A_488 = arith.index_cast %add3A_475 : i32 to index
      %get3A_489 = arith.constant 0 : index
      %get3A_490 = tpu.vector_load %arg12[%get3A_487, %get3A_488, %get3A_489] {strides = array<i32>} : memref<4x128x32xf32, #tpu.memory_space<vmem>>, vector<16xf32>,
      %get3A_491 = arith.constant 0 : i32
      %get3A_492 = arith.index_cast %get3A_491 : i32 to index
      %get3A_493 = arith.index_cast %add3A_475 : i32 to index
      %get3A_494 = arith.constant 16 : index
      %get3A_495 = tpu.vector_load %arg12[%get3A_492, %get3A_493, %get3A_494] {strides = array<i32>} : memref<4x128x32xf32, #tpu.memory_space<vmem>>, vector<16xf32>,
      %get3A_496 = arith.constant 0 : i32
      %get3A_497 = arith.index_cast %get3A_496 : i32 to index
      %get3A_498 = arith.index_cast %add3A_475 : i32 to index
      %get3A_499 = arith.constant 0 : index
      %get3A_500 = tpu.vector_load %arg13[%get3A_497, %get3A_498, %get3A_499] {strides = array<i32>} : memref<4x128x32xf32, #tpu.memory_space<vmem>>, vector<16xf32>,
      %get3A_501 = arith.constant 0 : i32
      %get3A_502 = arith.index_cast %get3A_501 : i32 to index
      %get3A_503 = arith.index_cast %add3A_475 : i32 to index
      %get3A_504 = arith.constant 16 : index
      %get3A_505 = tpu.vector_load %arg13[%get3A_502, %get3A_503, %get3A_504] {strides = array<i32>} : memref<4x128x32xf32, #tpu.memory_space<vmem>>, vector<16xf32>,
      %sub3A_506 = arith.subf %get3A_480, %get3A_490 : vector<16xf32>
      %add3A_507 = arith.addf %sub3A_506, %get3A_500 : vector<16xf32>
      %sub3A_508 = arith.subf %get3A_485, %get3A_495 : vector<16xf32>
      %add3A_509 = arith.addf %sub3A_508, %get3A_505 : vector<16xf32>
      %mul3A_510 = arith.mulf %add3A_507, %add3A_507 : vector<16xf32>
      %mul3A_511 = arith.mulf %add3A_509, %add3A_509 : vector<16xf32>
      %add3A_512 = arith.addf %mul3A_510, %mul3A_511 : vector<16xf32>
      %eq3A_513 = arith.constant 3 : i32
      %eq3A_514 = vector.broadcast %eq3A_513 : i32 to vector<16xi32>
      %eq3A_515 = arith.cmpi eq, %iota3A, %eq3A_514 : vector<16xi32>
      %reduce_sum3A_516 = arith.constant true
      %reduce_sum3A_517 = vector.broadcast %reduce_sum3A_516 : i1 to vector<16xi1>
      %reduce_sum3A_518 = tpu.scan <sum>, %add3A_512 masked %reduce_sum3A_517 : vector<16xf32>, vector<16xi1> -> vector<16xf32>
      %reduce_sum3A_519 = vector.extract %reduce_sum3A_518[15] : f32 from vector<16xf32>
      %broadcast_in_dim3A_520 = vector.broadcast %reduce_sum3A_519 : f32 to vector<16xf32>
      %select_n3A_521 = arith.select %eq3A_515, %broadcast_in_dim3A_520, %select_n3A_473 : vector<16xi1>, vector<16xf32>
      %add3A_522 = arith.constant 4 : i32
      %add3A_523 = arith.addi %mul3A_333, %add3A_522 : i32
      %get3A_524 = arith.constant 0 : i32
      %get3A_525 = arith.index_cast %get3A_524 : i32 to index
      %get3A_526 = arith.index_cast %add3A_523 : i32 to index
      %get3A_527 = arith.constant 0 : index
      %get3A_528 = tpu.vector_load %arg11[%get3A_525, %get3A_526, %get3A_527] {strides = array<i32>} : memref<4x128x32xf32, #tpu.memory_space<vmem>>, vector<16xf32>,
      %get3A_529 = arith.constant 0 : i32
      %get3A_530 = arith.index_cast %get3A_529 : i32 to index
      %get3A_531 = arith.index_cast %add3A_523 : i32 to index
      %get3A_532 = arith.constant 16 : index
      %get3A_533 = tpu.vector_load %arg11[%get3A_530, %get3A_531, %get3A_532] {strides = array<i32>} : memref<4x128x32xf32, #tpu.memory_space<vmem>>, vector<16xf32>,
      %get3A_534 = arith.constant 0 : i32
      %get3A_535 = arith.index_cast %get3A_534 : i32 to index
      %get3A_536 = arith.index_cast %add3A_523 : i32 to index
      %get3A_537 = arith.constant 0 : index
      %get3A_538 = tpu.vector_load %arg12[%get3A_535, %get3A_536, %get3A_537] {strides = array<i32>} : memref<4x128x32xf32, #tpu.memory_space<vmem>>, vector<16xf32>,
      %get3A_539 = arith.constant 0 : i32
      %get3A_540 = arith.index_cast %get3A_539 : i32 to index
      %get3A_541 = arith.index_cast %add3A_523 : i32 to index
      %get3A_542 = arith.constant 16 : index
      %get3A_543 = tpu.vector_load %arg12[%get3A_540, %get3A_541, %get3A_542] {strides = array<i32>} : memref<4x128x32xf32, #tpu.memory_space<vmem>>, vector<16xf32>,
      %get3A_544 = arith.constant 0 : i32
      %get3A_545 = arith.index_cast %get3A_544 : i32 to index
      %get3A_546 = arith.index_cast %add3A_523 : i32 to index
      %get3A_547 = arith.constant 0 : index
      %get3A_548 = tpu.vector_load %arg13[%get3A_545, %get3A_546, %get3A_547] {strides = array<i32>} : memref<4x128x32xf32, #tpu.memory_space<vmem>>, vector<16xf32>,
      %get3A_549 = arith.constant 0 : i32
      %get3A_550 = arith.index_cast %get3A_549 : i32 to index
      %get3A_551 = arith.index_cast %add3A_523 : i32 to index
      %get3A_552 = arith.constant 16 : index
      %get3A_553 = tpu.vector_load %arg13[%get3A_550, %get3A_551, %get3A_552] {strides = array<i32>} : memref<4x128x32xf32, #tpu.memory_space<vmem>>, vector<16xf32>,
      %sub3A_554 = arith.subf %get3A_528, %get3A_538 : vector<16xf32>
      %add3A_555 = arith.addf %sub3A_554, %get3A_548 : vector<16xf32>
      %sub3A_556 = arith.subf %get3A_533, %get3A_543 : vector<16xf32>
      %add3A_557 = arith.addf %sub3A_556, %get3A_553 : vector<16xf32>
      %mul3A_558 = arith.mulf %add3A_555, %add3A_555 : vector<16xf32>
      %mul3A_559 = arith.mulf %add3A_557, %add3A_557 : vector<16xf32>
      %add3A_560 = arith.addf %mul3A_558, %mul3A_559 : vector<16xf32>
      %eq3A_561 = arith.constant 4 : i32
      %eq3A_562 = vector.broadcast %eq3A_561 : i32 to vector<16xi32>
      %eq3A_563 = arith.cmpi eq, %iota3A, %eq3A_562 : vector<16xi32>
      %reduce_sum3A_564 = arith.constant true
      %reduce_sum3A_565 = vector.broadcast %reduce_sum3A_564 : i1 to vector<16xi1>
      %reduce_sum3A_566 = tpu.scan <sum>, %add3A_560 masked %reduce_sum3A_565 : vector<16xf32>, vector<16xi1> -> vector<16xf32>
      %reduce_sum3A_567 = vector.extract %reduce_sum3A_566[15] : f32 from vector<16xf32>
      %broadcast_in_dim3A_568 = vector.broadcast %reduce_sum3A_567 : f32 to vector<16xf32>
      %select_n3A_569 = arith.select %eq3A_563, %broadcast_in_dim3A_568, %select_n3A_521 : vector<16xi1>, vector<16xf32>
      %add3A_570 = arith.constant 5 : i32
      %add3A_571 = arith.addi %mul3A_333, %add3A_570 : i32
      %get3A_572 = arith.constant 0 : i32
      %get3A_573 = arith.index_cast %get3A_572 : i32 to index
      %get3A_574 = arith.index_cast %add3A_571 : i32 to index
      %get3A_575 = arith.constant 0 : index
      %get3A_576 = tpu.vector_load %arg11[%get3A_573, %get3A_574, %get3A_575] {strides = array<i32>} : memref<4x128x32xf32, #tpu.memory_space<vmem>>, vector<16xf32>,
      %get3A_577 = arith.constant 0 : i32
      %get3A_578 = arith.index_cast %get3A_577 : i32 to index
      %get3A_579 = arith.index_cast %add3A_571 : i32 to index
      %get3A_580 = arith.constant 16 : index
      %get3A_581 = tpu.vector_load %arg11[%get3A_578, %get3A_579, %get3A_580] {strides = array<i32>} : memref<4x128x32xf32, #tpu.memory_space<vmem>>, vector<16xf32>,
      %get3A_582 = arith.constant 0 : i32
      %get3A_583 = arith.index_cast %get3A_582 : i32 to index
      %get3A_584 = arith.index_cast %add3A_571 : i32 to index
      %get3A_585 = arith.constant 0 : index
      %get3A_586 = tpu.vector_load %arg12[%get3A_583, %get3A_584, %get3A_585] {strides = array<i32>} : memref<4x128x32xf32, #tpu.memory_space<vmem>>, vector<16xf32>,
      %get3A_587 = arith.constant 0 : i32
      %get3A_588 = arith.index_cast %get3A_587 : i32 to index
      %get3A_589 = arith.index_cast %add3A_571 : i32 to index
      %get3A_590 = arith.constant 16 : index
      %get3A_591 = tpu.vector_load %arg12[%get3A_588, %get3A_589, %get3A_590] {strides = array<i32>} : memref<4x128x32xf32, #tpu.memory_space<vmem>>, vector<16xf32>,
      %get3A_592 = arith.constant 0 : i32
      %get3A_593 = arith.index_cast %get3A_592 : i32 to index
      %get3A_594 = arith.index_cast %add3A_571 : i32 to index
      %get3A_595 = arith.constant 0 : index
      %get3A_596 = tpu.vector_load %arg13[%get3A_593, %get3A_594, %get3A_595] {strides = array<i32>} : memref<4x128x32xf32, #tpu.memory_space<vmem>>, vector<16xf32>,
      %get3A_597 = arith.constant 0 : i32
      %get3A_598 = arith.index_cast %get3A_597 : i32 to index
      %get3A_599 = arith.index_cast %add3A_571 : i32 to index
      %get3A_600 = arith.constant 16 : index
      %get3A_601 = tpu.vector_load %arg13[%get3A_598, %get3A_599, %get3A_600] {strides = array<i32>} : memref<4x128x32xf32, #tpu.memory_space<vmem>>, vector<16xf32>,
      %sub3A_602 = arith.subf %get3A_576, %get3A_586 : vector<16xf32>
      %add3A_603 = arith.addf %sub3A_602, %get3A_596 : vector<16xf32>
      %sub3A_604 = arith.subf %get3A_581, %get3A_591 : vector<16xf32>
      %add3A_605 = arith.addf %sub3A_604, %get3A_601 : vector<16xf32>
      %mul3A_606 = arith.mulf %add3A_603, %add3A_603 : vector<16xf32>
      %mul3A_607 = arith.mulf %add3A_605, %add3A_605 : vector<16xf32>
      %add3A_608 = arith.addf %mul3A_606, %mul3A_607 : vector<16xf32>
      %eq3A_609 = arith.constant 5 : i32
      %eq3A_610 = vector.broadcast %eq3A_609 : i32 to vector<16xi32>
      %eq3A_611 = arith.cmpi eq, %iota3A, %eq3A_610 : vector<16xi32>
      %reduce_sum3A_612 = arith.constant true
      %reduce_sum3A_613 = vector.broadcast %reduce_sum3A_612 : i1 to vector<16xi1>
      %reduce_sum3A_614 = tpu.scan <sum>, %add3A_608 masked %reduce_sum3A_613 : vector<16xf32>, vector<16xi1> -> vector<16xf32>
      %reduce_sum3A_615 = vector.extract %reduce_sum3A_614[15] : f32 from vector<16xf32>
      %broadcast_in_dim3A_616 = vector.broadcast %reduce_sum3A_615 : f32 to vector<16xf32>
      %select_n3A_617 = arith.select %eq3A_611, %broadcast_in_dim3A_616, %select_n3A_569 : vector<16xi1>, vector<16xf32>
      %add3A_618 = arith.constant 6 : i32
      %add3A_619 = arith.addi %mul3A_333, %add3A_618 : i32
      %get3A_620 = arith.constant 0 : i32
      %get3A_621 = arith.index_cast %get3A_620 : i32 to index
      %get3A_622 = arith.index_cast %add3A_619 : i32 to index
      %get3A_623 = arith.constant 0 : index
      %get3A_624 = tpu.vector_load %arg11[%get3A_621, %get3A_622, %get3A_623] {strides = array<i32>} : memref<4x128x32xf32, #tpu.memory_space<vmem>>, vector<16xf32>,
      %get3A_625 = arith.constant 0 : i32
      %get3A_626 = arith.index_cast %get3A_625 : i32 to index
      %get3A_627 = arith.index_cast %add3A_619 : i32 to index
      %get3A_628 = arith.constant 16 : index
      %get3A_629 = tpu.vector_load %arg11[%get3A_626, %get3A_627, %get3A_628] {strides = array<i32>} : memref<4x128x32xf32, #tpu.memory_space<vmem>>, vector<16xf32>,
      %get3A_630 = arith.constant 0 : i32
      %get3A_631 = arith.index_cast %get3A_630 : i32 to index
      %get3A_632 = arith.index_cast %add3A_619 : i32 to index
      %get3A_633 = arith.constant 0 : index
      %get3A_634 = tpu.vector_load %arg12[%get3A_631, %get3A_632, %get3A_633] {strides = array<i32>} : memref<4x128x32xf32, #tpu.memory_space<vmem>>, vector<16xf32>,
      %get3A_635 = arith.constant 0 : i32
      %get3A_636 = arith.index_cast %get3A_635 : i32 to index
      %get3A_637 = arith.index_cast %add3A_619 : i32 to index
      %get3A_638 = arith.constant 16 : index
      %get3A_639 = tpu.vector_load %arg12[%get3A_636, %get3A_637, %get3A_638] {strides = array<i32>} : memref<4x128x32xf32, #tpu.memory_space<vmem>>, vector<16xf32>,
      %get3A_640 = arith.constant 0 : i32
      %get3A_641 = arith.index_cast %get3A_640 : i32 to index
      %get3A_642 = arith.index_cast %add3A_619 : i32 to index
      %get3A_643 = arith.constant 0 : index
      %get3A_644 = tpu.vector_load %arg13[%get3A_641, %get3A_642, %get3A_643] {strides = array<i32>} : memref<4x128x32xf32, #tpu.memory_space<vmem>>, vector<16xf32>,
      %get3A_645 = arith.constant 0 : i32
      %get3A_646 = arith.index_cast %get3A_645 : i32 to index
      %get3A_647 = arith.index_cast %add3A_619 : i32 to index
      %get3A_648 = arith.constant 16 : index
      %get3A_649 = tpu.vector_load %arg13[%get3A_646, %get3A_647, %get3A_648] {strides = array<i32>} : memref<4x128x32xf32, #tpu.memory_space<vmem>>, vector<16xf32>,
      %sub3A_650 = arith.subf %get3A_624, %get3A_634 : vector<16xf32>
      %add3A_651 = arith.addf %sub3A_650, %get3A_644 : vector<16xf32>
      %sub3A_652 = arith.subf %get3A_629, %get3A_639 : vector<16xf32>
      %add3A_653 = arith.addf %sub3A_652, %get3A_649 : vector<16xf32>
      %mul3A_654 = arith.mulf %add3A_651, %add3A_651 : vector<16xf32>
      %mul3A_655 = arith.mulf %add3A_653, %add3A_653 : vector<16xf32>
      %add3A_656 = arith.addf %mul3A_654, %mul3A_655 : vector<16xf32>
      %eq3A_657 = arith.constant 6 : i32
      %eq3A_658 = vector.broadcast %eq3A_657 : i32 to vector<16xi32>
      %eq3A_659 = arith.cmpi eq, %iota3A, %eq3A_658 : vector<16xi32>
      %reduce_sum3A_660 = arith.constant true
      %reduce_sum3A_661 = vector.broadcast %reduce_sum3A_660 : i1 to vector<16xi1>
      %reduce_sum3A_662 = tpu.scan <sum>, %add3A_656 masked %reduce_sum3A_661 : vector<16xf32>, vector<16xi1> -> vector<16xf32>
      %reduce_sum3A_663 = vector.extract %reduce_sum3A_662[15] : f32 from vector<16xf32>
      %broadcast_in_dim3A_664 = vector.broadcast %reduce_sum3A_663 : f32 to vector<16xf32>
      %select_n3A_665 = arith.select %eq3A_659, %broadcast_in_dim3A_664, %select_n3A_617 : vector<16xi1>, vector<16xf32>
      %add3A_666 = arith.constant 7 : i32
      %add3A_667 = arith.addi %mul3A_333, %add3A_666 : i32
      %get3A_668 = arith.constant 0 : i32
      %get3A_669 = arith.index_cast %get3A_668 : i32 to index
      %get3A_670 = arith.index_cast %add3A_667 : i32 to index
      %get3A_671 = arith.constant 0 : index
      %get3A_672 = tpu.vector_load %arg11[%get3A_669, %get3A_670, %get3A_671] {strides = array<i32>} : memref<4x128x32xf32, #tpu.memory_space<vmem>>, vector<16xf32>,
      %get3A_673 = arith.constant 0 : i32
      %get3A_674 = arith.index_cast %get3A_673 : i32 to index
      %get3A_675 = arith.index_cast %add3A_667 : i32 to index
      %get3A_676 = arith.constant 16 : index
      %get3A_677 = tpu.vector_load %arg11[%get3A_674, %get3A_675, %get3A_676] {strides = array<i32>} : memref<4x128x32xf32, #tpu.memory_space<vmem>>, vector<16xf32>,
      %get3A_678 = arith.constant 0 : i32
      %get3A_679 = arith.index_cast %get3A_678 : i32 to index
      %get3A_680 = arith.index_cast %add3A_667 : i32 to index
      %get3A_681 = arith.constant 0 : index
      %get3A_682 = tpu.vector_load %arg12[%get3A_679, %get3A_680, %get3A_681] {strides = array<i32>} : memref<4x128x32xf32, #tpu.memory_space<vmem>>, vector<16xf32>,
      %get3A_683 = arith.constant 0 : i32
      %get3A_684 = arith.index_cast %get3A_683 : i32 to index
      %get3A_685 = arith.index_cast %add3A_667 : i32 to index
      %get3A_686 = arith.constant 16 : index
      %get3A_687 = tpu.vector_load %arg12[%get3A_684, %get3A_685, %get3A_686] {strides = array<i32>} : memref<4x128x32xf32, #tpu.memory_space<vmem>>, vector<16xf32>,
      %get3A_688 = arith.constant 0 : i32
      %get3A_689 = arith.index_cast %get3A_688 : i32 to index
      %get3A_690 = arith.index_cast %add3A_667 : i32 to index
      %get3A_691 = arith.constant 0 : index
      %get3A_692 = tpu.vector_load %arg13[%get3A_689, %get3A_690, %get3A_691] {strides = array<i32>} : memref<4x128x32xf32, #tpu.memory_space<vmem>>, vector<16xf32>,
      %get3A_693 = arith.constant 0 : i32
      %get3A_694 = arith.index_cast %get3A_693 : i32 to index
      %get3A_695 = arith.index_cast %add3A_667 : i32 to index
      %get3A_696 = arith.constant 16 : index
      %get3A_697 = tpu.vector_load %arg13[%get3A_694, %get3A_695, %get3A_696] {strides = array<i32>} : memref<4x128x32xf32, #tpu.memory_space<vmem>>, vector<16xf32>,
      %sub3A_698 = arith.subf %get3A_672, %get3A_682 : vector<16xf32>
      %add3A_699 = arith.addf %sub3A_698, %get3A_692 : vector<16xf32>
      %sub3A_700 = arith.subf %get3A_677, %get3A_687 : vector<16xf32>
      %add3A_701 = arith.addf %sub3A_700, %get3A_697 : vector<16xf32>
      %mul3A_702 = arith.mulf %add3A_699, %add3A_699 : vector<16xf32>
      %mul3A_703 = arith.mulf %add3A_701, %add3A_701 : vector<16xf32>
      %add3A_704 = arith.addf %mul3A_702, %mul3A_703 : vector<16xf32>
      %eq3A_705 = arith.constant 7 : i32
      %eq3A_706 = vector.broadcast %eq3A_705 : i32 to vector<16xi32>
      %eq3A_707 = arith.cmpi eq, %iota3A, %eq3A_706 : vector<16xi32>
      %reduce_sum3A_708 = arith.constant true
      %reduce_sum3A_709 = vector.broadcast %reduce_sum3A_708 : i1 to vector<16xi1>
      %reduce_sum3A_710 = tpu.scan <sum>, %add3A_704 masked %reduce_sum3A_709 : vector<16xf32>, vector<16xi1> -> vector<16xf32>
      %reduce_sum3A_711 = vector.extract %reduce_sum3A_710[15] : f32 from vector<16xf32>
      %broadcast_in_dim3A_712 = vector.broadcast %reduce_sum3A_711 : f32 to vector<16xf32>
      %select_n3A_713 = arith.select %eq3A_707, %broadcast_in_dim3A_712, %select_n3A_665 : vector<16xi1>, vector<16xf32>
      %add3A_714 = arith.constant 8 : i32
      %add3A_715 = arith.addi %mul3A_333, %add3A_714 : i32
      %get3A_716 = arith.constant 0 : i32
      %get3A_717 = arith.index_cast %get3A_716 : i32 to index
      %get3A_718 = arith.index_cast %add3A_715 : i32 to index
      %get3A_719 = arith.constant 0 : index
      %get3A_720 = tpu.vector_load %arg11[%get3A_717, %get3A_718, %get3A_719] {strides = array<i32>} : memref<4x128x32xf32, #tpu.memory_space<vmem>>, vector<16xf32>,
      %get3A_721 = arith.constant 0 : i32
      %get3A_722 = arith.index_cast %get3A_721 : i32 to index
      %get3A_723 = arith.index_cast %add3A_715 : i32 to index
      %get3A_724 = arith.constant 16 : index
      %get3A_725 = tpu.vector_load %arg11[%get3A_722, %get3A_723, %get3A_724] {strides = array<i32>} : memref<4x128x32xf32, #tpu.memory_space<vmem>>, vector<16xf32>,
      %get3A_726 = arith.constant 0 : i32
      %get3A_727 = arith.index_cast %get3A_726 : i32 to index
      %get3A_728 = arith.index_cast %add3A_715 : i32 to index
      %get3A_729 = arith.constant 0 : index
      %get3A_730 = tpu.vector_load %arg12[%get3A_727, %get3A_728, %get3A_729] {strides = array<i32>} : memref<4x128x32xf32, #tpu.memory_space<vmem>>, vector<16xf32>,
      %get3A_731 = arith.constant 0 : i32
      %get3A_732 = arith.index_cast %get3A_731 : i32 to index
      %get3A_733 = arith.index_cast %add3A_715 : i32 to index
      %get3A_734 = arith.constant 16 : index
      %get3A_735 = tpu.vector_load %arg12[%get3A_732, %get3A_733, %get3A_734] {strides = array<i32>} : memref<4x128x32xf32, #tpu.memory_space<vmem>>, vector<16xf32>,
      %get3A_736 = arith.constant 0 : i32
      %get3A_737 = arith.index_cast %get3A_736 : i32 to index
      %get3A_738 = arith.index_cast %add3A_715 : i32 to index
      %get3A_739 = arith.constant 0 : index
      %get3A_740 = tpu.vector_load %arg13[%get3A_737, %get3A_738, %get3A_739] {strides = array<i32>} : memref<4x128x32xf32, #tpu.memory_space<vmem>>, vector<16xf32>,
      %get3A_741 = arith.constant 0 : i32
      %get3A_742 = arith.index_cast %get3A_741 : i32 to index
      %get3A_743 = arith.index_cast %add3A_715 : i32 to index
      %get3A_744 = arith.constant 16 : index
      %get3A_745 = tpu.vector_load %arg13[%get3A_742, %get3A_743, %get3A_744] {strides = array<i32>} : memref<4x128x32xf32, #tpu.memory_space<vmem>>, vector<16xf32>,
      %sub3A_746 = arith.subf %get3A_720, %get3A_730 : vector<16xf32>
      %add3A_747 = arith.addf %sub3A_746, %get3A_740 : vector<16xf32>
      %sub3A_748 = arith.subf %get3A_725, %get3A_735 : vector<16xf32>
      %add3A_749 = arith.addf %sub3A_748, %get3A_745 : vector<16xf32>
      %mul3A_750 = arith.mulf %add3A_747, %add3A_747 : vector<16xf32>
      %mul3A_751 = arith.mulf %add3A_749, %add3A_749 : vector<16xf32>
      %add3A_752 = arith.addf %mul3A_750, %mul3A_751 : vector<16xf32>
      %eq3A_753 = arith.constant 8 : i32
      %eq3A_754 = vector.broadcast %eq3A_753 : i32 to vector<16xi32>
      %eq3A_755 = arith.cmpi eq, %iota3A, %eq3A_754 : vector<16xi32>
      %reduce_sum3A_756 = arith.constant true
      %reduce_sum3A_757 = vector.broadcast %reduce_sum3A_756 : i1 to vector<16xi1>
      %reduce_sum3A_758 = tpu.scan <sum>, %add3A_752 masked %reduce_sum3A_757 : vector<16xf32>, vector<16xi1> -> vector<16xf32>
      %reduce_sum3A_759 = vector.extract %reduce_sum3A_758[15] : f32 from vector<16xf32>
      %broadcast_in_dim3A_760 = vector.broadcast %reduce_sum3A_759 : f32 to vector<16xf32>
      %select_n3A_761 = arith.select %eq3A_755, %broadcast_in_dim3A_760, %select_n3A_713 : vector<16xi1>, vector<16xf32>
      %add3A_762 = arith.constant 9 : i32
      %add3A_763 = arith.addi %mul3A_333, %add3A_762 : i32
      %get3A_764 = arith.constant 0 : i32
      %get3A_765 = arith.index_cast %get3A_764 : i32 to index
      %get3A_766 = arith.index_cast %add3A_763 : i32 to index
      %get3A_767 = arith.constant 0 : index
      %get3A_768 = tpu.vector_load %arg11[%get3A_765, %get3A_766, %get3A_767] {strides = array<i32>} : memref<4x128x32xf32, #tpu.memory_space<vmem>>, vector<16xf32>,
      %get3A_769 = arith.constant 0 : i32
      %get3A_770 = arith.index_cast %get3A_769 : i32 to index
      %get3A_771 = arith.index_cast %add3A_763 : i32 to index
      %get3A_772 = arith.constant 16 : index
      %get3A_773 = tpu.vector_load %arg11[%get3A_770, %get3A_771, %get3A_772] {strides = array<i32>} : memref<4x128x32xf32, #tpu.memory_space<vmem>>, vector<16xf32>,
      %get3A_774 = arith.constant 0 : i32
      %get3A_775 = arith.index_cast %get3A_774 : i32 to index
      %get3A_776 = arith.index_cast %add3A_763 : i32 to index
      %get3A_777 = arith.constant 0 : index
      %get3A_778 = tpu.vector_load %arg12[%get3A_775, %get3A_776, %get3A_777] {strides = array<i32>} : memref<4x128x32xf32, #tpu.memory_space<vmem>>, vector<16xf32>,
      %get3A_779 = arith.constant 0 : i32
      %get3A_780 = arith.index_cast %get3A_779 : i32 to index
      %get3A_781 = arith.index_cast %add3A_763 : i32 to index
      %get3A_782 = arith.constant 16 : index
      %get3A_783 = tpu.vector_load %arg12[%get3A_780, %get3A_781, %get3A_782] {strides = array<i32>} : memref<4x128x32xf32, #tpu.memory_space<vmem>>, vector<16xf32>,
      %get3A_784 = arith.constant 0 : i32
      %get3A_785 = arith.index_cast %get3A_784 : i32 to index
      %get3A_786 = arith.index_cast %add3A_763 : i32 to index
      %get3A_787 = arith.constant 0 : index
      %get3A_788 = tpu.vector_load %arg13[%get3A_785, %get3A_786, %get3A_787] {strides = array<i32>} : memref<4x128x32xf32, #tpu.memory_space<vmem>>, vector<16xf32>,
      %get3A_789 = arith.constant 0 : i32
      %get3A_790 = arith.index_cast %get3A_789 : i32 to index
      %get3A_791 = arith.index_cast %add3A_763 : i32 to index
      %get3A_792 = arith.constant 16 : index
      %get3A_793 = tpu.vector_load %arg13[%get3A_790, %get3A_791, %get3A_792] {strides = array<i32>} : memref<4x128x32xf32, #tpu.memory_space<vmem>>, vector<16xf32>,
      %sub3A_794 = arith.subf %get3A_768, %get3A_778 : vector<16xf32>
      %add3A_795 = arith.addf %sub3A_794, %get3A_788 : vector<16xf32>
      %sub3A_796 = arith.subf %get3A_773, %get3A_783 : vector<16xf32>
      %add3A_797 = arith.addf %sub3A_796, %get3A_793 : vector<16xf32>
      %mul3A_798 = arith.mulf %add3A_795, %add3A_795 : vector<16xf32>
      %mul3A_799 = arith.mulf %add3A_797, %add3A_797 : vector<16xf32>
      %add3A_800 = arith.addf %mul3A_798, %mul3A_799 : vector<16xf32>
      %eq3A_801 = arith.constant 9 : i32
      %eq3A_802 = vector.broadcast %eq3A_801 : i32 to vector<16xi32>
      %eq3A_803 = arith.cmpi eq, %iota3A, %eq3A_802 : vector<16xi32>
      %reduce_sum3A_804 = arith.constant true
      %reduce_sum3A_805 = vector.broadcast %reduce_sum3A_804 : i1 to vector<16xi1>
      %reduce_sum3A_806 = tpu.scan <sum>, %add3A_800 masked %reduce_sum3A_805 : vector<16xf32>, vector<16xi1> -> vector<16xf32>
      %reduce_sum3A_807 = vector.extract %reduce_sum3A_806[15] : f32 from vector<16xf32>
      %broadcast_in_dim3A_808 = vector.broadcast %reduce_sum3A_807 : f32 to vector<16xf32>
      %select_n3A_809 = arith.select %eq3A_803, %broadcast_in_dim3A_808, %select_n3A_761 : vector<16xi1>, vector<16xf32>
      %add3A_810 = arith.constant 10 : i32
      %add3A_811 = arith.addi %mul3A_333, %add3A_810 : i32
      %get3A_812 = arith.constant 0 : i32
      %get3A_813 = arith.index_cast %get3A_812 : i32 to index
      %get3A_814 = arith.index_cast %add3A_811 : i32 to index
      %get3A_815 = arith.constant 0 : index
      %get3A_816 = tpu.vector_load %arg11[%get3A_813, %get3A_814, %get3A_815] {strides = array<i32>} : memref<4x128x32xf32, #tpu.memory_space<vmem>>, vector<16xf32>,
      %get3A_817 = arith.constant 0 : i32
      %get3A_818 = arith.index_cast %get3A_817 : i32 to index
      %get3A_819 = arith.index_cast %add3A_811 : i32 to index
      %get3A_820 = arith.constant 16 : index
      %get3A_821 = tpu.vector_load %arg11[%get3A_818, %get3A_819, %get3A_820] {strides = array<i32>} : memref<4x128x32xf32, #tpu.memory_space<vmem>>, vector<16xf32>,
      %get3A_822 = arith.constant 0 : i32
      %get3A_823 = arith.index_cast %get3A_822 : i32 to index
      %get3A_824 = arith.index_cast %add3A_811 : i32 to index
      %get3A_825 = arith.constant 0 : index
      %get3A_826 = tpu.vector_load %arg12[%get3A_823, %get3A_824, %get3A_825] {strides = array<i32>} : memref<4x128x32xf32, #tpu.memory_space<vmem>>, vector<16xf32>,
      %get3A_827 = arith.constant 0 : i32
      %get3A_828 = arith.index_cast %get3A_827 : i32 to index
      %get3A_829 = arith.index_cast %add3A_811 : i32 to index
      %get3A_830 = arith.constant 16 : index
      %get3A_831 = tpu.vector_load %arg12[%get3A_828, %get3A_829, %get3A_830] {strides = array<i32>} : memref<4x128x32xf32, #tpu.memory_space<vmem>>, vector<16xf32>,
      %get3A_832 = arith.constant 0 : i32
      %get3A_833 = arith.index_cast %get3A_832 : i32 to index
      %get3A_834 = arith.index_cast %add3A_811 : i32 to index
      %get3A_835 = arith.constant 0 : index
      %get3A_836 = tpu.vector_load %arg13[%get3A_833, %get3A_834, %get3A_835] {strides = array<i32>} : memref<4x128x32xf32, #tpu.memory_space<vmem>>, vector<16xf32>,
      %get3A_837 = arith.constant 0 : i32
      %get3A_838 = arith.index_cast %get3A_837 : i32 to index
      %get3A_839 = arith.index_cast %add3A_811 : i32 to index
      %get3A_840 = arith.constant 16 : index
      %get3A_841 = tpu.vector_load %arg13[%get3A_838, %get3A_839, %get3A_840] {strides = array<i32>} : memref<4x128x32xf32, #tpu.memory_space<vmem>>, vector<16xf32>,
      %sub3A_842 = arith.subf %get3A_816, %get3A_826 : vector<16xf32>
      %add3A_843 = arith.addf %sub3A_842, %get3A_836 : vector<16xf32>
      %sub3A_844 = arith.subf %get3A_821, %get3A_831 : vector<16xf32>
      %add3A_845 = arith.addf %sub3A_844, %get3A_841 : vector<16xf32>
      %mul3A_846 = arith.mulf %add3A_843, %add3A_843 : vector<16xf32>
      %mul3A_847 = arith.mulf %add3A_845, %add3A_845 : vector<16xf32>
      %add3A_848 = arith.addf %mul3A_846, %mul3A_847 : vector<16xf32>
      %eq3A_849 = arith.constant 10 : i32
      %eq3A_850 = vector.broadcast %eq3A_849 : i32 to vector<16xi32>
      %eq3A_851 = arith.cmpi eq, %iota3A, %eq3A_850 : vector<16xi32>
      %reduce_sum3A_852 = arith.constant true
      %reduce_sum3A_853 = vector.broadcast %reduce_sum3A_852 : i1 to vector<16xi1>
      %reduce_sum3A_854 = tpu.scan <sum>, %add3A_848 masked %reduce_sum3A_853 : vector<16xf32>, vector<16xi1> -> vector<16xf32>
      %reduce_sum3A_855 = vector.extract %reduce_sum3A_854[15] : f32 from vector<16xf32>
      %broadcast_in_dim3A_856 = vector.broadcast %reduce_sum3A_855 : f32 to vector<16xf32>
      %select_n3A_857 = arith.select %eq3A_851, %broadcast_in_dim3A_856, %select_n3A_809 : vector<16xi1>, vector<16xf32>
      %add3A_858 = arith.constant 11 : i32
      %add3A_859 = arith.addi %mul3A_333, %add3A_858 : i32
      %get3A_860 = arith.constant 0 : i32
      %get3A_861 = arith.index_cast %get3A_860 : i32 to index
      %get3A_862 = arith.index_cast %add3A_859 : i32 to index
      %get3A_863 = arith.constant 0 : index
      %get3A_864 = tpu.vector_load %arg11[%get3A_861, %get3A_862, %get3A_863] {strides = array<i32>} : memref<4x128x32xf32, #tpu.memory_space<vmem>>, vector<16xf32>,
      %get3A_865 = arith.constant 0 : i32
      %get3A_866 = arith.index_cast %get3A_865 : i32 to index
      %get3A_867 = arith.index_cast %add3A_859 : i32 to index
      %get3A_868 = arith.constant 16 : index
      %get3A_869 = tpu.vector_load %arg11[%get3A_866, %get3A_867, %get3A_868] {strides = array<i32>} : memref<4x128x32xf32, #tpu.memory_space<vmem>>, vector<16xf32>,
      %get3A_870 = arith.constant 0 : i32
      %get3A_871 = arith.index_cast %get3A_870 : i32 to index
      %get3A_872 = arith.index_cast %add3A_859 : i32 to index
      %get3A_873 = arith.constant 0 : index
      %get3A_874 = tpu.vector_load %arg12[%get3A_871, %get3A_872, %get3A_873] {strides = array<i32>} : memref<4x128x32xf32, #tpu.memory_space<vmem>>, vector<16xf32>,
      %get3A_875 = arith.constant 0 : i32
      %get3A_876 = arith.index_cast %get3A_875 : i32 to index
      %get3A_877 = arith.index_cast %add3A_859 : i32 to index
      %get3A_878 = arith.constant 16 : index
      %get3A_879 = tpu.vector_load %arg12[%get3A_876, %get3A_877, %get3A_878] {strides = array<i32>} : memref<4x128x32xf32, #tpu.memory_space<vmem>>, vector<16xf32>,
      %get3A_880 = arith.constant 0 : i32
      %get3A_881 = arith.index_cast %get3A_880 : i32 to index
      %get3A_882 = arith.index_cast %add3A_859 : i32 to index
      %get3A_883 = arith.constant 0 : index
      %get3A_884 = tpu.vector_load %arg13[%get3A_881, %get3A_882, %get3A_883] {strides = array<i32>} : memref<4x128x32xf32, #tpu.memory_space<vmem>>, vector<16xf32>,
      %get3A_885 = arith.constant 0 : i32
      %get3A_886 = arith.index_cast %get3A_885 : i32 to index
      %get3A_887 = arith.index_cast %add3A_859 : i32 to index
      %get3A_888 = arith.constant 16 : index
      %get3A_889 = tpu.vector_load %arg13[%get3A_886, %get3A_887, %get3A_888] {strides = array<i32>} : memref<4x128x32xf32, #tpu.memory_space<vmem>>, vector<16xf32>,
      %sub3A_890 = arith.subf %get3A_864, %get3A_874 : vector<16xf32>
      %add3A_891 = arith.addf %sub3A_890, %get3A_884 : vector<16xf32>
      %sub3A_892 = arith.subf %get3A_869, %get3A_879 : vector<16xf32>
      %add3A_893 = arith.addf %sub3A_892, %get3A_889 : vector<16xf32>
      %mul3A_894 = arith.mulf %add3A_891, %add3A_891 : vector<16xf32>
      %mul3A_895 = arith.mulf %add3A_893, %add3A_893 : vector<16xf32>
      %add3A_896 = arith.addf %mul3A_894, %mul3A_895 : vector<16xf32>
      %eq3A_897 = arith.constant 11 : i32
      %eq3A_898 = vector.broadcast %eq3A_897 : i32 to vector<16xi32>
      %eq3A_899 = arith.cmpi eq, %iota3A, %eq3A_898 : vector<16xi32>
      %reduce_sum3A_900 = arith.constant true
      %reduce_sum3A_901 = vector.broadcast %reduce_sum3A_900 : i1 to vector<16xi1>
      %reduce_sum3A_902 = tpu.scan <sum>, %add3A_896 masked %reduce_sum3A_901 : vector<16xf32>, vector<16xi1> -> vector<16xf32>
      %reduce_sum3A_903 = vector.extract %reduce_sum3A_902[15] : f32 from vector<16xf32>
      %broadcast_in_dim3A_904 = vector.broadcast %reduce_sum3A_903 : f32 to vector<16xf32>
      %select_n3A_905 = arith.select %eq3A_899, %broadcast_in_dim3A_904, %select_n3A_857 : vector<16xi1>, vector<16xf32>
      %add3A_906 = arith.constant 12 : i32
      %add3A_907 = arith.addi %mul3A_333, %add3A_906 : i32
      %get3A_908 = arith.constant 0 : i32
      %get3A_909 = arith.index_cast %get3A_908 : i32 to index
      %get3A_910 = arith.index_cast %add3A_907 : i32 to index
      %get3A_911 = arith.constant 0 : index
      %get3A_912 = tpu.vector_load %arg11[%get3A_909, %get3A_910, %get3A_911] {strides = array<i32>} : memref<4x128x32xf32, #tpu.memory_space<vmem>>, vector<16xf32>,
      %get3A_913 = arith.constant 0 : i32
      %get3A_914 = arith.index_cast %get3A_913 : i32 to index
      %get3A_915 = arith.index_cast %add3A_907 : i32 to index
      %get3A_916 = arith.constant 16 : index
      %get3A_917 = tpu.vector_load %arg11[%get3A_914, %get3A_915, %get3A_916] {strides = array<i32>} : memref<4x128x32xf32, #tpu.memory_space<vmem>>, vector<16xf32>,
      %get3A_918 = arith.constant 0 : i32
      %get3A_919 = arith.index_cast %get3A_918 : i32 to index
      %get3A_920 = arith.index_cast %add3A_907 : i32 to index
      %get3A_921 = arith.constant 0 : index
      %get3A_922 = tpu.vector_load %arg12[%get3A_919, %get3A_920, %get3A_921] {strides = array<i32>} : memref<4x128x32xf32, #tpu.memory_space<vmem>>, vector<16xf32>,
      %get3A_923 = arith.constant 0 : i32
      %get3A_924 = arith.index_cast %get3A_923 : i32 to index
      %get3A_925 = arith.index_cast %add3A_907 : i32 to index
      %get3A_926 = arith.constant 16 : index
      %get3A_927 = tpu.vector_load %arg12[%get3A_924, %get3A_925, %get3A_926] {strides = array<i32>} : memref<4x128x32xf32, #tpu.memory_space<vmem>>, vector<16xf32>,
      %get3A_928 = arith.constant 0 : i32
      %get3A_929 = arith.index_cast %get3A_928 : i32 to index
      %get3A_930 = arith.index_cast %add3A_907 : i32 to index
      %get3A_931 = arith.constant 0 : index
      %get3A_932 = tpu.vector_load %arg13[%get3A_929, %get3A_930, %get3A_931] {strides = array<i32>} : memref<4x128x32xf32, #tpu.memory_space<vmem>>, vector<16xf32>,
      %get3A_933 = arith.constant 0 : i32
      %get3A_934 = arith.index_cast %get3A_933 : i32 to index
      %get3A_935 = arith.index_cast %add3A_907 : i32 to index
      %get3A_936 = arith.constant 16 : index
      %get3A_937 = tpu.vector_load %arg13[%get3A_934, %get3A_935, %get3A_936] {strides = array<i32>} : memref<4x128x32xf32, #tpu.memory_space<vmem>>, vector<16xf32>,
      %sub3A_938 = arith.subf %get3A_912, %get3A_922 : vector<16xf32>
      %add3A_939 = arith.addf %sub3A_938, %get3A_932 : vector<16xf32>
      %sub3A_940 = arith.subf %get3A_917, %get3A_927 : vector<16xf32>
      %add3A_941 = arith.addf %sub3A_940, %get3A_937 : vector<16xf32>
      %mul3A_942 = arith.mulf %add3A_939, %add3A_939 : vector<16xf32>
      %mul3A_943 = arith.mulf %add3A_941, %add3A_941 : vector<16xf32>
      %add3A_944 = arith.addf %mul3A_942, %mul3A_943 : vector<16xf32>
      %eq3A_945 = arith.constant 12 : i32
      %eq3A_946 = vector.broadcast %eq3A_945 : i32 to vector<16xi32>
      %eq3A_947 = arith.cmpi eq, %iota3A, %eq3A_946 : vector<16xi32>
      %reduce_sum3A_948 = arith.constant true
      %reduce_sum3A_949 = vector.broadcast %reduce_sum3A_948 : i1 to vector<16xi1>
      %reduce_sum3A_950 = tpu.scan <sum>, %add3A_944 masked %reduce_sum3A_949 : vector<16xf32>, vector<16xi1> -> vector<16xf32>
      %reduce_sum3A_951 = vector.extract %reduce_sum3A_950[15] : f32 from vector<16xf32>
      %broadcast_in_dim3A_952 = vector.broadcast %reduce_sum3A_951 : f32 to vector<16xf32>
      %select_n3A_953 = arith.select %eq3A_947, %broadcast_in_dim3A_952, %select_n3A_905 : vector<16xi1>, vector<16xf32>
      %add3A_954 = arith.constant 13 : i32
      %add3A_955 = arith.addi %mul3A_333, %add3A_954 : i32
      %get3A_956 = arith.constant 0 : i32
      %get3A_957 = arith.index_cast %get3A_956 : i32 to index
      %get3A_958 = arith.index_cast %add3A_955 : i32 to index
      %get3A_959 = arith.constant 0 : index
      %get3A_960 = tpu.vector_load %arg11[%get3A_957, %get3A_958, %get3A_959] {strides = array<i32>} : memref<4x128x32xf32, #tpu.memory_space<vmem>>, vector<16xf32>,
      %get3A_961 = arith.constant 0 : i32
      %get3A_962 = arith.index_cast %get3A_961 : i32 to index
      %get3A_963 = arith.index_cast %add3A_955 : i32 to index
      %get3A_964 = arith.constant 16 : index
      %get3A_965 = tpu.vector_load %arg11[%get3A_962, %get3A_963, %get3A_964] {strides = array<i32>} : memref<4x128x32xf32, #tpu.memory_space<vmem>>, vector<16xf32>,
      %get3A_966 = arith.constant 0 : i32
      %get3A_967 = arith.index_cast %get3A_966 : i32 to index
      %get3A_968 = arith.index_cast %add3A_955 : i32 to index
      %get3A_969 = arith.constant 0 : index
      %get3A_970 = tpu.vector_load %arg12[%get3A_967, %get3A_968, %get3A_969] {strides = array<i32>} : memref<4x128x32xf32, #tpu.memory_space<vmem>>, vector<16xf32>,
      %get3A_971 = arith.constant 0 : i32
      %get3A_972 = arith.index_cast %get3A_971 : i32 to index
      %get3A_973 = arith.index_cast %add3A_955 : i32 to index
      %get3A_974 = arith.constant 16 : index
      %get3A_975 = tpu.vector_load %arg12[%get3A_972, %get3A_973, %get3A_974] {strides = array<i32>} : memref<4x128x32xf32, #tpu.memory_space<vmem>>, vector<16xf32>,
      %get3A_976 = arith.constant 0 : i32
      %get3A_977 = arith.index_cast %get3A_976 : i32 to index
      %get3A_978 = arith.index_cast %add3A_955 : i32 to index
      %get3A_979 = arith.constant 0 : index
      %get3A_980 = tpu.vector_load %arg13[%get3A_977, %get3A_978, %get3A_979] {strides = array<i32>} : memref<4x128x32xf32, #tpu.memory_space<vmem>>, vector<16xf32>,
      %get3A_981 = arith.constant 0 : i32
      %get3A_982 = arith.index_cast %get3A_981 : i32 to index
      %get3A_983 = arith.index_cast %add3A_955 : i32 to index
      %get3A_984 = arith.constant 16 : index
      %get3A_985 = tpu.vector_load %arg13[%get3A_982, %get3A_983, %get3A_984] {strides = array<i32>} : memref<4x128x32xf32, #tpu.memory_space<vmem>>, vector<16xf32>,
      %sub3A_986 = arith.subf %get3A_960, %get3A_970 : vector<16xf32>
      %add3A_987 = arith.addf %sub3A_986, %get3A_980 : vector<16xf32>
      %sub3A_988 = arith.subf %get3A_965, %get3A_975 : vector<16xf32>
      %add3A_989 = arith.addf %sub3A_988, %get3A_985 : vector<16xf32>
      %mul3A_990 = arith.mulf %add3A_987, %add3A_987 : vector<16xf32>
      %mul3A_991 = arith.mulf %add3A_989, %add3A_989 : vector<16xf32>
      %add3A_992 = arith.addf %mul3A_990, %mul3A_991 : vector<16xf32>
      %eq3A_993 = arith.constant 13 : i32
      %eq3A_994 = vector.broadcast %eq3A_993 : i32 to vector<16xi32>
      %eq3A_995 = arith.cmpi eq, %iota3A, %eq3A_994 : vector<16xi32>
      %reduce_sum3A_996 = arith.constant true
      %reduce_sum3A_997 = vector.broadcast %reduce_sum3A_996 : i1 to vector<16xi1>
      %reduce_sum3A_998 = tpu.scan <sum>, %add3A_992 masked %reduce_sum3A_997 : vector<16xf32>, vector<16xi1> -> vector<16xf32>
      %reduce_sum3A_999 = vector.extract %reduce_sum3A_998[15] : f32 from vector<16xf32>
      %broadcast_in_dim3A_1000 = vector.broadcast %reduce_sum3A_999 : f32 to vector<16xf32>
      %select_n3A_1001 = arith.select %eq3A_995, %broadcast_in_dim3A_1000, %select_n3A_953 : vector<16xi1>, vector<16xf32>
      %add3A_1002 = arith.constant 14 : i32
      %add3A_1003 = arith.addi %mul3A_333, %add3A_1002 : i32
      %get3A_1004 = arith.constant 0 : i32
      %get3A_1005 = arith.index_cast %get3A_1004 : i32 to index
      %get3A_1006 = arith.index_cast %add3A_1003 : i32 to index
      %get3A_1007 = arith.constant 0 : index
      %get3A_1008 = tpu.vector_load %arg11[%get3A_1005, %get3A_1006, %get3A_1007] {strides = array<i32>} : memref<4x128x32xf32, #tpu.memory_space<vmem>>, vector<16xf32>,
      %get3A_1009 = arith.constant 0 : i32
      %get3A_1010 = arith.index_cast %get3A_1009 : i32 to index
      %get3A_1011 = arith.index_cast %add3A_1003 : i32 to index
      %get3A_1012 = arith.constant 16 : index
      %get3A_1013 = tpu.vector_load %arg11[%get3A_1010, %get3A_1011, %get3A_1012] {strides = array<i32>} : memref<4x128x32xf32, #tpu.memory_space<vmem>>, vector<16xf32>,
      %get3A_1014 = arith.constant 0 : i32
      %get3A_1015 = arith.index_cast %get3A_1014 : i32 to index
      %get3A_1016 = arith.index_cast %add3A_1003 : i32 to index
      %get3A_1017 = arith.constant 0 : index
      %get3A_1018 = tpu.vector_load %arg12[%get3A_1015, %get3A_1016, %get3A_1017] {strides = array<i32>} : memref<4x128x32xf32, #tpu.memory_space<vmem>>, vector<16xf32>,
      %get3A_1019 = arith.constant 0 : i32
      %get3A_1020 = arith.index_cast %get3A_1019 : i32 to index
      %get3A_1021 = arith.index_cast %add3A_1003 : i32 to index
      %get3A_1022 = arith.constant 16 : index
      %get3A_1023 = tpu.vector_load %arg12[%get3A_1020, %get3A_1021, %get3A_1022] {strides = array<i32>} : memref<4x128x32xf32, #tpu.memory_space<vmem>>, vector<16xf32>,
      %get3A_1024 = arith.constant 0 : i32
      %get3A_1025 = arith.index_cast %get3A_1024 : i32 to index
      %get3A_1026 = arith.index_cast %add3A_1003 : i32 to index
      %get3A_1027 = arith.constant 0 : index
      %get3A_1028 = tpu.vector_load %arg13[%get3A_1025, %get3A_1026, %get3A_1027] {strides = array<i32>} : memref<4x128x32xf32, #tpu.memory_space<vmem>>, vector<16xf32>,
      %get3A_1029 = arith.constant 0 : i32
      %get3A_1030 = arith.index_cast %get3A_1029 : i32 to index
      %get3A_1031 = arith.index_cast %add3A_1003 : i32 to index
      %get3A_1032 = arith.constant 16 : index
      %get3A_1033 = tpu.vector_load %arg13[%get3A_1030, %get3A_1031, %get3A_1032] {strides = array<i32>} : memref<4x128x32xf32, #tpu.memory_space<vmem>>, vector<16xf32>,
      %sub3A_1034 = arith.subf %get3A_1008, %get3A_1018 : vector<16xf32>
      %add3A_1035 = arith.addf %sub3A_1034, %get3A_1028 : vector<16xf32>
      %sub3A_1036 = arith.subf %get3A_1013, %get3A_1023 : vector<16xf32>
      %add3A_1037 = arith.addf %sub3A_1036, %get3A_1033 : vector<16xf32>
      %mul3A_1038 = arith.mulf %add3A_1035, %add3A_1035 : vector<16xf32>
      %mul3A_1039 = arith.mulf %add3A_1037, %add3A_1037 : vector<16xf32>
      %add3A_1040 = arith.addf %mul3A_1038, %mul3A_1039 : vector<16xf32>
      %eq3A_1041 = arith.constant 14 : i32
      %eq3A_1042 = vector.broadcast %eq3A_1041 : i32 to vector<16xi32>
      %eq3A_1043 = arith.cmpi eq, %iota3A, %eq3A_1042 : vector<16xi32>
      %reduce_sum3A_1044 = arith.constant true
      %reduce_sum3A_1045 = vector.broadcast %reduce_sum3A_1044 : i1 to vector<16xi1>
      %reduce_sum3A_1046 = tpu.scan <sum>, %add3A_1040 masked %reduce_sum3A_1045 : vector<16xf32>, vector<16xi1> -> vector<16xf32>
      %reduce_sum3A_1047 = vector.extract %reduce_sum3A_1046[15] : f32 from vector<16xf32>
      %broadcast_in_dim3A_1048 = vector.broadcast %reduce_sum3A_1047 : f32 to vector<16xf32>
      %select_n3A_1049 = arith.select %eq3A_1043, %broadcast_in_dim3A_1048, %select_n3A_1001 : vector<16xi1>, vector<16xf32>
      %add3A_1050 = arith.constant 15 : i32
      %add3A_1051 = arith.addi %mul3A_333, %add3A_1050 : i32
      %get3A_1052 = arith.constant 0 : i32
      %get3A_1053 = arith.index_cast %get3A_1052 : i32 to index
      %get3A_1054 = arith.index_cast %add3A_1051 : i32 to index
      %get3A_1055 = arith.constant 0 : index
      %get3A_1056 = tpu.vector_load %arg11[%get3A_1053, %get3A_1054, %get3A_1055] {strides = array<i32>} : memref<4x128x32xf32, #tpu.memory_space<vmem>>, vector<16xf32>,
      %get3A_1057 = arith.constant 0 : i32
      %get3A_1058 = arith.index_cast %get3A_1057 : i32 to index
      %get3A_1059 = arith.index_cast %add3A_1051 : i32 to index
      %get3A_1060 = arith.constant 16 : index
      %get3A_1061 = tpu.vector_load %arg11[%get3A_1058, %get3A_1059, %get3A_1060] {strides = array<i32>} : memref<4x128x32xf32, #tpu.memory_space<vmem>>, vector<16xf32>,
      %get3A_1062 = arith.constant 0 : i32
      %get3A_1063 = arith.index_cast %get3A_1062 : i32 to index
      %get3A_1064 = arith.index_cast %add3A_1051 : i32 to index
      %get3A_1065 = arith.constant 0 : index
      %get3A_1066 = tpu.vector_load %arg12[%get3A_1063, %get3A_1064, %get3A_1065] {strides = array<i32>} : memref<4x128x32xf32, #tpu.memory_space<vmem>>, vector<16xf32>,
      %get3A_1067 = arith.constant 0 : i32
      %get3A_1068 = arith.index_cast %get3A_1067 : i32 to index
      %get3A_1069 = arith.index_cast %add3A_1051 : i32 to index
      %get3A_1070 = arith.constant 16 : index
      %get3A_1071 = tpu.vector_load %arg12[%get3A_1068, %get3A_1069, %get3A_1070] {strides = array<i32>} : memref<4x128x32xf32, #tpu.memory_space<vmem>>, vector<16xf32>,
      %get3A_1072 = arith.constant 0 : i32
      %get3A_1073 = arith.index_cast %get3A_1072 : i32 to index
      %get3A_1074 = arith.index_cast %add3A_1051 : i32 to index
      %get3A_1075 = arith.constant 0 : index
      %get3A_1076 = tpu.vector_load %arg13[%get3A_1073, %get3A_1074, %get3A_1075] {strides = array<i32>} : memref<4x128x32xf32, #tpu.memory_space<vmem>>, vector<16xf32>,
      %get3A_1077 = arith.constant 0 : i32
      %get3A_1078 = arith.index_cast %get3A_1077 : i32 to index
      %get3A_1079 = arith.index_cast %add3A_1051 : i32 to index
      %get3A_1080 = arith.constant 16 : index
      %get3A_1081 = tpu.vector_load %arg13[%get3A_1078, %get3A_1079, %get3A_1080] {strides = array<i32>} : memref<4x128x32xf32, #tpu.memory_space<vmem>>, vector<16xf32>,
      %sub3A_1082 = arith.subf %get3A_1056, %get3A_1066 : vector<16xf32>
      %add3A_1083 = arith.addf %sub3A_1082, %get3A_1076 : vector<16xf32>
      %sub3A_1084 = arith.subf %get3A_1061, %get3A_1071 : vector<16xf32>
      %add3A_1085 = arith.addf %sub3A_1084, %get3A_1081 : vector<16xf32>
      %mul3A_1086 = arith.mulf %add3A_1083, %add3A_1083 : vector<16xf32>
      %mul3A_1087 = arith.mulf %add3A_1085, %add3A_1085 : vector<16xf32>
      %add3A_1088 = arith.addf %mul3A_1086, %mul3A_1087 : vector<16xf32>
      %eq3A_1089 = arith.constant 15 : i32
      %eq3A_1090 = vector.broadcast %eq3A_1089 : i32 to vector<16xi32>
      %eq3A_1091 = arith.cmpi eq, %iota3A, %eq3A_1090 : vector<16xi32>
      %reduce_sum3A_1092 = arith.constant true
      %reduce_sum3A_1093 = vector.broadcast %reduce_sum3A_1092 : i1 to vector<16xi1>
      %reduce_sum3A_1094 = tpu.scan <sum>, %add3A_1088 masked %reduce_sum3A_1093 : vector<16xf32>, vector<16xi1> -> vector<16xf32>
      %reduce_sum3A_1095 = vector.extract %reduce_sum3A_1094[15] : f32 from vector<16xf32>
      %broadcast_in_dim3A_1096 = vector.broadcast %reduce_sum3A_1095 : f32 to vector<16xf32>
      %select_n3A_1097 = arith.select %eq3A_1091, %broadcast_in_dim3A_1096, %select_n3A_1049 : vector<16xi1>, vector<16xf32>
      %add3A_1098 = arith.constant 9.99999996E-13 : f32
      %add3A_1099 = vector.broadcast %add3A_1098 : f32 to vector<16xf32>
      %add3A_1100 = arith.addf %select_n3A_1097, %add3A_1099 : vector<16xf32>
      %bitcast_convert_type3A = tpu.bitcast %add3A_1100 : vector<16xf32> -> vector<16xi32>
      %shift_right_logical3A = arith.constant 1 : i32
      %shift_right_logical3A_1101 = vector.broadcast %shift_right_logical3A : i32 to vector<16xi32>
      %shift_right_logical3A_1102 = arith.shrui %bitcast_convert_type3A, %shift_right_logical3A_1101 : vector<16xi32>
      %add3A_1103 = arith.constant 532487669 : i32
      %add3A_1104 = vector.broadcast %add3A_1103 : i32 to vector<16xi32>
      %add3A_1105 = arith.addi %shift_right_logical3A_1102, %add3A_1104 : vector<16xi32>
      %bitcast_convert_type3A_1106 = tpu.bitcast %add3A_1105 : vector<16xi32> -> vector<16xf32>
      %div3A = arith.divf %add3A_1100, %bitcast_convert_type3A_1106 : vector<16xf32>
      %add3A_1107 = arith.addf %bitcast_convert_type3A_1106, %div3A : vector<16xf32>
      %mul3A_1108 = arith.constant 5.000000e-01 : f32
      %mul3A_1109 = vector.broadcast %mul3A_1108 : f32 to vector<16xf32>
      %mul3A_1110 = arith.mulf %mul3A_1109, %add3A_1107 : vector<16xf32>
      %div3A_1111 = arith.divf %add3A_1100, %mul3A_1110 : vector<16xf32>
      %add3A_1112 = arith.addf %mul3A_1110, %div3A_1111 : vector<16xf32>
      %mul3A_1113 = arith.constant 5.000000e-01 : f32
      %mul3A_1114 = vector.broadcast %mul3A_1113 : f32 to vector<16xf32>
      %mul3A_1115 = arith.mulf %mul3A_1114, %add3A_1112 : vector<16xf32>
      %div3A_1116 = arith.divf %add3A_1100, %mul3A_1115 : vector<16xf32>
      %add3A_1117 = arith.addf %mul3A_1115, %div3A_1116 : vector<16xf32>
      %mul3A_1118 = arith.constant 5.000000e-01 : f32
      %mul3A_1119 = vector.broadcast %mul3A_1118 : f32 to vector<16xf32>
      %mul3A_1120 = arith.mulf %mul3A_1119, %add3A_1117 : vector<16xf32>
      %neg3A = arith.constant 0.000000e+00 : f32
      %neg3A_1121 = vector.broadcast %neg3A : f32 to vector<16xf32>
      %neg3A_1122 = arith.subf %neg3A_1121, %mul3A_1120 : vector<16xf32>
      %add3A_1123 = arith.constant 0 : i32
      %add3A_1124 = arith.addi %add3A_1123, %mul3A_333 : i32
      %swap3A = arith.index_cast %add3A_1124 : i32 to index
      %swap3A_1125 = tpu.vector_load %arg14[%swap3A] {strides = array<i32>} : memref<512xf32, #tpu.memory_space<vmem>>, vector<16xf32>,
      tpu.vector_store %arg14[%swap3A], %neg3A_1122 {strides = array<i32>} : memref<512xf32, #tpu.memory_space<vmem>>, vector<16xf32>,
    }
    %scan3A_312 = arith.constant 8 : i32
    %scan3A_313 = arith.constant 0 : i32
    %scan3A_314 = arith.constant 0 : i32
    %scan3A_315 = arith.constant 8 : i32
    %scan3A_316 = arith.addi %scan3A_314, %scan3A_315 : i32
    %scan3A_317 = arith.constant 1 : i32
    scf.for %scan3A_331 = %scan3A_314 to %scan3A_316 step %scan3A_317  : i32 {
      %mul3A_332 = arith.constant 16 : i32
      %mul3A_333 = arith.muli %scan3A_331, %mul3A_332 : i32
      %broadcast_in_dim3A = arith.constant 0.000000e+00 : f32
      %broadcast_in_dim3A_334 = vector.broadcast %broadcast_in_dim3A : f32 to vector<16xf32>
      %add3A_335 = arith.constant 0 : i32
      %add3A_336 = arith.addi %mul3A_333, %add3A_335 : i32
      %get3A = arith.constant 1 : i32
      %get3A_337 = arith.index_cast %get3A : i32 to index
      %get3A_338 = arith.index_cast %add3A_336 : i32 to index
      %get3A_339 = arith.constant 0 : index
      %get3A_340 = tpu.vector_load %arg11[%get3A_337, %get3A_338, %get3A_339] {strides = array<i32>} : memref<4x128x32xf32, #tpu.memory_space<vmem>>, vector<16xf32>,
      %get3A_341 = arith.constant 1 : i32
      %get3A_342 = arith.index_cast %get3A_341 : i32 to index
      %get3A_343 = arith.index_cast %add3A_336 : i32 to index
      %get3A_344 = arith.constant 16 : index
      %get3A_345 = tpu.vector_load %arg11[%get3A_342, %get3A_343, %get3A_344] {strides = array<i32>} : memref<4x128x32xf32, #tpu.memory_space<vmem>>, vector<16xf32>,
      %get3A_346 = arith.constant 1 : i32
      %get3A_347 = arith.index_cast %get3A_346 : i32 to index
      %get3A_348 = arith.index_cast %add3A_336 : i32 to index
      %get3A_349 = arith.constant 0 : index
      %get3A_350 = tpu.vector_load %arg12[%get3A_347, %get3A_348, %get3A_349] {strides = array<i32>} : memref<4x128x32xf32, #tpu.memory_space<vmem>>, vector<16xf32>,
      %get3A_351 = arith.constant 1 : i32
      %get3A_352 = arith.index_cast %get3A_351 : i32 to index
      %get3A_353 = arith.index_cast %add3A_336 : i32 to index
      %get3A_354 = arith.constant 16 : index
      %get3A_355 = tpu.vector_load %arg12[%get3A_352, %get3A_353, %get3A_354] {strides = array<i32>} : memref<4x128x32xf32, #tpu.memory_space<vmem>>, vector<16xf32>,
      %get3A_356 = arith.constant 1 : i32
      %get3A_357 = arith.index_cast %get3A_356 : i32 to index
      %get3A_358 = arith.index_cast %add3A_336 : i32 to index
      %get3A_359 = arith.constant 0 : index
      %get3A_360 = tpu.vector_load %arg13[%get3A_357, %get3A_358, %get3A_359] {strides = array<i32>} : memref<4x128x32xf32, #tpu.memory_space<vmem>>, vector<16xf32>,
      %get3A_361 = arith.constant 1 : i32
      %get3A_362 = arith.index_cast %get3A_361 : i32 to index
      %get3A_363 = arith.index_cast %add3A_336 : i32 to index
      %get3A_364 = arith.constant 16 : index
      %get3A_365 = tpu.vector_load %arg13[%get3A_362, %get3A_363, %get3A_364] {strides = array<i32>} : memref<4x128x32xf32, #tpu.memory_space<vmem>>, vector<16xf32>,
      %sub3A = arith.subf %get3A_340, %get3A_350 : vector<16xf32>
      %add3A_366 = arith.addf %sub3A, %get3A_360 : vector<16xf32>
      %sub3A_367 = arith.subf %get3A_345, %get3A_355 : vector<16xf32>
      %add3A_368 = arith.addf %sub3A_367, %get3A_365 : vector<16xf32>
      %mul3A_369 = arith.mulf %add3A_366, %add3A_366 : vector<16xf32>
      %mul3A_370 = arith.mulf %add3A_368, %add3A_368 : vector<16xf32>
      %add3A_371 = arith.addf %mul3A_369, %mul3A_370 : vector<16xf32>
      %eq3A = arith.constant 0 : i32
      %eq3A_372 = vector.broadcast %eq3A : i32 to vector<16xi32>
      %eq3A_373 = arith.cmpi eq, %iota3A, %eq3A_372 : vector<16xi32>
      %reduce_sum3A = arith.constant true
      %reduce_sum3A_374 = vector.broadcast %reduce_sum3A : i1 to vector<16xi1>
      %reduce_sum3A_375 = tpu.scan <sum>, %add3A_371 masked %reduce_sum3A_374 : vector<16xf32>, vector<16xi1> -> vector<16xf32>
      %reduce_sum3A_376 = vector.extract %reduce_sum3A_375[15] : f32 from vector<16xf32>
      %broadcast_in_dim3A_377 = vector.broadcast %reduce_sum3A_376 : f32 to vector<16xf32>
      %select_n3A = arith.select %eq3A_373, %broadcast_in_dim3A_377, %broadcast_in_dim3A_334 : vector<16xi1>, vector<16xf32>
      %add3A_378 = arith.constant 1 : i32
      %add3A_379 = arith.addi %mul3A_333, %add3A_378 : i32
      %get3A_380 = arith.constant 1 : i32
      %get3A_381 = arith.index_cast %get3A_380 : i32 to index
      %get3A_382 = arith.index_cast %add3A_379 : i32 to index
      %get3A_383 = arith.constant 0 : index
      %get3A_384 = tpu.vector_load %arg11[%get3A_381, %get3A_382, %get3A_383] {strides = array<i32>} : memref<4x128x32xf32, #tpu.memory_space<vmem>>, vector<16xf32>,
      %get3A_385 = arith.constant 1 : i32
      %get3A_386 = arith.index_cast %get3A_385 : i32 to index
      %get3A_387 = arith.index_cast %add3A_379 : i32 to index
      %get3A_388 = arith.constant 16 : index
      %get3A_389 = tpu.vector_load %arg11[%get3A_386, %get3A_387, %get3A_388] {strides = array<i32>} : memref<4x128x32xf32, #tpu.memory_space<vmem>>, vector<16xf32>,
      %get3A_390 = arith.constant 1 : i32
      %get3A_391 = arith.index_cast %get3A_390 : i32 to index
      %get3A_392 = arith.index_cast %add3A_379 : i32 to index
      %get3A_393 = arith.constant 0 : index
      %get3A_394 = tpu.vector_load %arg12[%get3A_391, %get3A_392, %get3A_393] {strides = array<i32>} : memref<4x128x32xf32, #tpu.memory_space<vmem>>, vector<16xf32>,
      %get3A_395 = arith.constant 1 : i32
      %get3A_396 = arith.index_cast %get3A_395 : i32 to index
      %get3A_397 = arith.index_cast %add3A_379 : i32 to index
      %get3A_398 = arith.constant 16 : index
      %get3A_399 = tpu.vector_load %arg12[%get3A_396, %get3A_397, %get3A_398] {strides = array<i32>} : memref<4x128x32xf32, #tpu.memory_space<vmem>>, vector<16xf32>,
      %get3A_400 = arith.constant 1 : i32
      %get3A_401 = arith.index_cast %get3A_400 : i32 to index
      %get3A_402 = arith.index_cast %add3A_379 : i32 to index
      %get3A_403 = arith.constant 0 : index
      %get3A_404 = tpu.vector_load %arg13[%get3A_401, %get3A_402, %get3A_403] {strides = array<i32>} : memref<4x128x32xf32, #tpu.memory_space<vmem>>, vector<16xf32>,
      %get3A_405 = arith.constant 1 : i32
      %get3A_406 = arith.index_cast %get3A_405 : i32 to index
      %get3A_407 = arith.index_cast %add3A_379 : i32 to index
      %get3A_408 = arith.constant 16 : index
      %get3A_409 = tpu.vector_load %arg13[%get3A_406, %get3A_407, %get3A_408] {strides = array<i32>} : memref<4x128x32xf32, #tpu.memory_space<vmem>>, vector<16xf32>,
      %sub3A_410 = arith.subf %get3A_384, %get3A_394 : vector<16xf32>
      %add3A_411 = arith.addf %sub3A_410, %get3A_404 : vector<16xf32>
      %sub3A_412 = arith.subf %get3A_389, %get3A_399 : vector<16xf32>
      %add3A_413 = arith.addf %sub3A_412, %get3A_409 : vector<16xf32>
      %mul3A_414 = arith.mulf %add3A_411, %add3A_411 : vector<16xf32>
      %mul3A_415 = arith.mulf %add3A_413, %add3A_413 : vector<16xf32>
      %add3A_416 = arith.addf %mul3A_414, %mul3A_415 : vector<16xf32>
      %eq3A_417 = arith.constant 1 : i32
      %eq3A_418 = vector.broadcast %eq3A_417 : i32 to vector<16xi32>
      %eq3A_419 = arith.cmpi eq, %iota3A, %eq3A_418 : vector<16xi32>
      %reduce_sum3A_420 = arith.constant true
      %reduce_sum3A_421 = vector.broadcast %reduce_sum3A_420 : i1 to vector<16xi1>
      %reduce_sum3A_422 = tpu.scan <sum>, %add3A_416 masked %reduce_sum3A_421 : vector<16xf32>, vector<16xi1> -> vector<16xf32>
      %reduce_sum3A_423 = vector.extract %reduce_sum3A_422[15] : f32 from vector<16xf32>
      %broadcast_in_dim3A_424 = vector.broadcast %reduce_sum3A_423 : f32 to vector<16xf32>
      %select_n3A_425 = arith.select %eq3A_419, %broadcast_in_dim3A_424, %select_n3A : vector<16xi1>, vector<16xf32>
      %add3A_426 = arith.constant 2 : i32
      %add3A_427 = arith.addi %mul3A_333, %add3A_426 : i32
      %get3A_428 = arith.constant 1 : i32
      %get3A_429 = arith.index_cast %get3A_428 : i32 to index
      %get3A_430 = arith.index_cast %add3A_427 : i32 to index
      %get3A_431 = arith.constant 0 : index
      %get3A_432 = tpu.vector_load %arg11[%get3A_429, %get3A_430, %get3A_431] {strides = array<i32>} : memref<4x128x32xf32, #tpu.memory_space<vmem>>, vector<16xf32>,
      %get3A_433 = arith.constant 1 : i32
      %get3A_434 = arith.index_cast %get3A_433 : i32 to index
      %get3A_435 = arith.index_cast %add3A_427 : i32 to index
      %get3A_436 = arith.constant 16 : index
      %get3A_437 = tpu.vector_load %arg11[%get3A_434, %get3A_435, %get3A_436] {strides = array<i32>} : memref<4x128x32xf32, #tpu.memory_space<vmem>>, vector<16xf32>,
      %get3A_438 = arith.constant 1 : i32
      %get3A_439 = arith.index_cast %get3A_438 : i32 to index
      %get3A_440 = arith.index_cast %add3A_427 : i32 to index
      %get3A_441 = arith.constant 0 : index
      %get3A_442 = tpu.vector_load %arg12[%get3A_439, %get3A_440, %get3A_441] {strides = array<i32>} : memref<4x128x32xf32, #tpu.memory_space<vmem>>, vector<16xf32>,
      %get3A_443 = arith.constant 1 : i32
      %get3A_444 = arith.index_cast %get3A_443 : i32 to index
      %get3A_445 = arith.index_cast %add3A_427 : i32 to index
      %get3A_446 = arith.constant 16 : index
      %get3A_447 = tpu.vector_load %arg12[%get3A_444, %get3A_445, %get3A_446] {strides = array<i32>} : memref<4x128x32xf32, #tpu.memory_space<vmem>>, vector<16xf32>,
      %get3A_448 = arith.constant 1 : i32
      %get3A_449 = arith.index_cast %get3A_448 : i32 to index
      %get3A_450 = arith.index_cast %add3A_427 : i32 to index
      %get3A_451 = arith.constant 0 : index
      %get3A_452 = tpu.vector_load %arg13[%get3A_449, %get3A_450, %get3A_451] {strides = array<i32>} : memref<4x128x32xf32, #tpu.memory_space<vmem>>, vector<16xf32>,
      %get3A_453 = arith.constant 1 : i32
      %get3A_454 = arith.index_cast %get3A_453 : i32 to index
      %get3A_455 = arith.index_cast %add3A_427 : i32 to index
      %get3A_456 = arith.constant 16 : index
      %get3A_457 = tpu.vector_load %arg13[%get3A_454, %get3A_455, %get3A_456] {strides = array<i32>} : memref<4x128x32xf32, #tpu.memory_space<vmem>>, vector<16xf32>,
      %sub3A_458 = arith.subf %get3A_432, %get3A_442 : vector<16xf32>
      %add3A_459 = arith.addf %sub3A_458, %get3A_452 : vector<16xf32>
      %sub3A_460 = arith.subf %get3A_437, %get3A_447 : vector<16xf32>
      %add3A_461 = arith.addf %sub3A_460, %get3A_457 : vector<16xf32>
      %mul3A_462 = arith.mulf %add3A_459, %add3A_459 : vector<16xf32>
      %mul3A_463 = arith.mulf %add3A_461, %add3A_461 : vector<16xf32>
      %add3A_464 = arith.addf %mul3A_462, %mul3A_463 : vector<16xf32>
      %eq3A_465 = arith.constant 2 : i32
      %eq3A_466 = vector.broadcast %eq3A_465 : i32 to vector<16xi32>
      %eq3A_467 = arith.cmpi eq, %iota3A, %eq3A_466 : vector<16xi32>
      %reduce_sum3A_468 = arith.constant true
      %reduce_sum3A_469 = vector.broadcast %reduce_sum3A_468 : i1 to vector<16xi1>
      %reduce_sum3A_470 = tpu.scan <sum>, %add3A_464 masked %reduce_sum3A_469 : vector<16xf32>, vector<16xi1> -> vector<16xf32>
      %reduce_sum3A_471 = vector.extract %reduce_sum3A_470[15] : f32 from vector<16xf32>
      %broadcast_in_dim3A_472 = vector.broadcast %reduce_sum3A_471 : f32 to vector<16xf32>
      %select_n3A_473 = arith.select %eq3A_467, %broadcast_in_dim3A_472, %select_n3A_425 : vector<16xi1>, vector<16xf32>
      %add3A_474 = arith.constant 3 : i32
      %add3A_475 = arith.addi %mul3A_333, %add3A_474 : i32
      %get3A_476 = arith.constant 1 : i32
      %get3A_477 = arith.index_cast %get3A_476 : i32 to index
      %get3A_478 = arith.index_cast %add3A_475 : i32 to index
      %get3A_479 = arith.constant 0 : index
      %get3A_480 = tpu.vector_load %arg11[%get3A_477, %get3A_478, %get3A_479] {strides = array<i32>} : memref<4x128x32xf32, #tpu.memory_space<vmem>>, vector<16xf32>,
      %get3A_481 = arith.constant 1 : i32
      %get3A_482 = arith.index_cast %get3A_481 : i32 to index
      %get3A_483 = arith.index_cast %add3A_475 : i32 to index
      %get3A_484 = arith.constant 16 : index
      %get3A_485 = tpu.vector_load %arg11[%get3A_482, %get3A_483, %get3A_484] {strides = array<i32>} : memref<4x128x32xf32, #tpu.memory_space<vmem>>, vector<16xf32>,
      %get3A_486 = arith.constant 1 : i32
      %get3A_487 = arith.index_cast %get3A_486 : i32 to index
      %get3A_488 = arith.index_cast %add3A_475 : i32 to index
      %get3A_489 = arith.constant 0 : index
      %get3A_490 = tpu.vector_load %arg12[%get3A_487, %get3A_488, %get3A_489] {strides = array<i32>} : memref<4x128x32xf32, #tpu.memory_space<vmem>>, vector<16xf32>,
      %get3A_491 = arith.constant 1 : i32
      %get3A_492 = arith.index_cast %get3A_491 : i32 to index
      %get3A_493 = arith.index_cast %add3A_475 : i32 to index
      %get3A_494 = arith.constant 16 : index
      %get3A_495 = tpu.vector_load %arg12[%get3A_492, %get3A_493, %get3A_494] {strides = array<i32>} : memref<4x128x32xf32, #tpu.memory_space<vmem>>, vector<16xf32>,
      %get3A_496 = arith.constant 1 : i32
      %get3A_497 = arith.index_cast %get3A_496 : i32 to index
      %get3A_498 = arith.index_cast %add3A_475 : i32 to index
      %get3A_499 = arith.constant 0 : index
      %get3A_500 = tpu.vector_load %arg13[%get3A_497, %get3A_498, %get3A_499] {strides = array<i32>} : memref<4x128x32xf32, #tpu.memory_space<vmem>>, vector<16xf32>,
      %get3A_501 = arith.constant 1 : i32
      %get3A_502 = arith.index_cast %get3A_501 : i32 to index
      %get3A_503 = arith.index_cast %add3A_475 : i32 to index
      %get3A_504 = arith.constant 16 : index
      %get3A_505 = tpu.vector_load %arg13[%get3A_502, %get3A_503, %get3A_504] {strides = array<i32>} : memref<4x128x32xf32, #tpu.memory_space<vmem>>, vector<16xf32>,
      %sub3A_506 = arith.subf %get3A_480, %get3A_490 : vector<16xf32>
      %add3A_507 = arith.addf %sub3A_506, %get3A_500 : vector<16xf32>
      %sub3A_508 = arith.subf %get3A_485, %get3A_495 : vector<16xf32>
      %add3A_509 = arith.addf %sub3A_508, %get3A_505 : vector<16xf32>
      %mul3A_510 = arith.mulf %add3A_507, %add3A_507 : vector<16xf32>
      %mul3A_511 = arith.mulf %add3A_509, %add3A_509 : vector<16xf32>
      %add3A_512 = arith.addf %mul3A_510, %mul3A_511 : vector<16xf32>
      %eq3A_513 = arith.constant 3 : i32
      %eq3A_514 = vector.broadcast %eq3A_513 : i32 to vector<16xi32>
      %eq3A_515 = arith.cmpi eq, %iota3A, %eq3A_514 : vector<16xi32>
      %reduce_sum3A_516 = arith.constant true
      %reduce_sum3A_517 = vector.broadcast %reduce_sum3A_516 : i1 to vector<16xi1>
      %reduce_sum3A_518 = tpu.scan <sum>, %add3A_512 masked %reduce_sum3A_517 : vector<16xf32>, vector<16xi1> -> vector<16xf32>
      %reduce_sum3A_519 = vector.extract %reduce_sum3A_518[15] : f32 from vector<16xf32>
      %broadcast_in_dim3A_520 = vector.broadcast %reduce_sum3A_519 : f32 to vector<16xf32>
      %select_n3A_521 = arith.select %eq3A_515, %broadcast_in_dim3A_520, %select_n3A_473 : vector<16xi1>, vector<16xf32>
      %add3A_522 = arith.constant 4 : i32
      %add3A_523 = arith.addi %mul3A_333, %add3A_522 : i32
      %get3A_524 = arith.constant 1 : i32
      %get3A_525 = arith.index_cast %get3A_524 : i32 to index
      %get3A_526 = arith.index_cast %add3A_523 : i32 to index
      %get3A_527 = arith.constant 0 : index
      %get3A_528 = tpu.vector_load %arg11[%get3A_525, %get3A_526, %get3A_527] {strides = array<i32>} : memref<4x128x32xf32, #tpu.memory_space<vmem>>, vector<16xf32>,
      %get3A_529 = arith.constant 1 : i32
      %get3A_530 = arith.index_cast %get3A_529 : i32 to index
      %get3A_531 = arith.index_cast %add3A_523 : i32 to index
      %get3A_532 = arith.constant 16 : index
      %get3A_533 = tpu.vector_load %arg11[%get3A_530, %get3A_531, %get3A_532] {strides = array<i32>} : memref<4x128x32xf32, #tpu.memory_space<vmem>>, vector<16xf32>,
      %get3A_534 = arith.constant 1 : i32
      %get3A_535 = arith.index_cast %get3A_534 : i32 to index
      %get3A_536 = arith.index_cast %add3A_523 : i32 to index
      %get3A_537 = arith.constant 0 : index
      %get3A_538 = tpu.vector_load %arg12[%get3A_535, %get3A_536, %get3A_537] {strides = array<i32>} : memref<4x128x32xf32, #tpu.memory_space<vmem>>, vector<16xf32>,
      %get3A_539 = arith.constant 1 : i32
      %get3A_540 = arith.index_cast %get3A_539 : i32 to index
      %get3A_541 = arith.index_cast %add3A_523 : i32 to index
      %get3A_542 = arith.constant 16 : index
      %get3A_543 = tpu.vector_load %arg12[%get3A_540, %get3A_541, %get3A_542] {strides = array<i32>} : memref<4x128x32xf32, #tpu.memory_space<vmem>>, vector<16xf32>,
      %get3A_544 = arith.constant 1 : i32
      %get3A_545 = arith.index_cast %get3A_544 : i32 to index
      %get3A_546 = arith.index_cast %add3A_523 : i32 to index
      %get3A_547 = arith.constant 0 : index
      %get3A_548 = tpu.vector_load %arg13[%get3A_545, %get3A_546, %get3A_547] {strides = array<i32>} : memref<4x128x32xf32, #tpu.memory_space<vmem>>, vector<16xf32>,
      %get3A_549 = arith.constant 1 : i32
      %get3A_550 = arith.index_cast %get3A_549 : i32 to index
      %get3A_551 = arith.index_cast %add3A_523 : i32 to index
      %get3A_552 = arith.constant 16 : index
      %get3A_553 = tpu.vector_load %arg13[%get3A_550, %get3A_551, %get3A_552] {strides = array<i32>} : memref<4x128x32xf32, #tpu.memory_space<vmem>>, vector<16xf32>,
      %sub3A_554 = arith.subf %get3A_528, %get3A_538 : vector<16xf32>
      %add3A_555 = arith.addf %sub3A_554, %get3A_548 : vector<16xf32>
      %sub3A_556 = arith.subf %get3A_533, %get3A_543 : vector<16xf32>
      %add3A_557 = arith.addf %sub3A_556, %get3A_553 : vector<16xf32>
      %mul3A_558 = arith.mulf %add3A_555, %add3A_555 : vector<16xf32>
      %mul3A_559 = arith.mulf %add3A_557, %add3A_557 : vector<16xf32>
      %add3A_560 = arith.addf %mul3A_558, %mul3A_559 : vector<16xf32>
      %eq3A_561 = arith.constant 4 : i32
      %eq3A_562 = vector.broadcast %eq3A_561 : i32 to vector<16xi32>
      %eq3A_563 = arith.cmpi eq, %iota3A, %eq3A_562 : vector<16xi32>
      %reduce_sum3A_564 = arith.constant true
      %reduce_sum3A_565 = vector.broadcast %reduce_sum3A_564 : i1 to vector<16xi1>
      %reduce_sum3A_566 = tpu.scan <sum>, %add3A_560 masked %reduce_sum3A_565 : vector<16xf32>, vector<16xi1> -> vector<16xf32>
      %reduce_sum3A_567 = vector.extract %reduce_sum3A_566[15] : f32 from vector<16xf32>
      %broadcast_in_dim3A_568 = vector.broadcast %reduce_sum3A_567 : f32 to vector<16xf32>
      %select_n3A_569 = arith.select %eq3A_563, %broadcast_in_dim3A_568, %select_n3A_521 : vector<16xi1>, vector<16xf32>
      %add3A_570 = arith.constant 5 : i32
      %add3A_571 = arith.addi %mul3A_333, %add3A_570 : i32
      %get3A_572 = arith.constant 1 : i32
      %get3A_573 = arith.index_cast %get3A_572 : i32 to index
      %get3A_574 = arith.index_cast %add3A_571 : i32 to index
      %get3A_575 = arith.constant 0 : index
      %get3A_576 = tpu.vector_load %arg11[%get3A_573, %get3A_574, %get3A_575] {strides = array<i32>} : memref<4x128x32xf32, #tpu.memory_space<vmem>>, vector<16xf32>,
      %get3A_577 = arith.constant 1 : i32
      %get3A_578 = arith.index_cast %get3A_577 : i32 to index
      %get3A_579 = arith.index_cast %add3A_571 : i32 to index
      %get3A_580 = arith.constant 16 : index
      %get3A_581 = tpu.vector_load %arg11[%get3A_578, %get3A_579, %get3A_580] {strides = array<i32>} : memref<4x128x32xf32, #tpu.memory_space<vmem>>, vector<16xf32>,
      %get3A_582 = arith.constant 1 : i32
      %get3A_583 = arith.index_cast %get3A_582 : i32 to index
      %get3A_584 = arith.index_cast %add3A_571 : i32 to index
      %get3A_585 = arith.constant 0 : index
      %get3A_586 = tpu.vector_load %arg12[%get3A_583, %get3A_584, %get3A_585] {strides = array<i32>} : memref<4x128x32xf32, #tpu.memory_space<vmem>>, vector<16xf32>,
      %get3A_587 = arith.constant 1 : i32
      %get3A_588 = arith.index_cast %get3A_587 : i32 to index
      %get3A_589 = arith.index_cast %add3A_571 : i32 to index
      %get3A_590 = arith.constant 16 : index
      %get3A_591 = tpu.vector_load %arg12[%get3A_588, %get3A_589, %get3A_590] {strides = array<i32>} : memref<4x128x32xf32, #tpu.memory_space<vmem>>, vector<16xf32>,
      %get3A_592 = arith.constant 1 : i32
      %get3A_593 = arith.index_cast %get3A_592 : i32 to index
      %get3A_594 = arith.index_cast %add3A_571 : i32 to index
      %get3A_595 = arith.constant 0 : index
      %get3A_596 = tpu.vector_load %arg13[%get3A_593, %get3A_594, %get3A_595] {strides = array<i32>} : memref<4x128x32xf32, #tpu.memory_space<vmem>>, vector<16xf32>,
      %get3A_597 = arith.constant 1 : i32
      %get3A_598 = arith.index_cast %get3A_597 : i32 to index
      %get3A_599 = arith.index_cast %add3A_571 : i32 to index
      %get3A_600 = arith.constant 16 : index
      %get3A_601 = tpu.vector_load %arg13[%get3A_598, %get3A_599, %get3A_600] {strides = array<i32>} : memref<4x128x32xf32, #tpu.memory_space<vmem>>, vector<16xf32>,
      %sub3A_602 = arith.subf %get3A_576, %get3A_586 : vector<16xf32>
      %add3A_603 = arith.addf %sub3A_602, %get3A_596 : vector<16xf32>
      %sub3A_604 = arith.subf %get3A_581, %get3A_591 : vector<16xf32>
      %add3A_605 = arith.addf %sub3A_604, %get3A_601 : vector<16xf32>
      %mul3A_606 = arith.mulf %add3A_603, %add3A_603 : vector<16xf32>
      %mul3A_607 = arith.mulf %add3A_605, %add3A_605 : vector<16xf32>
      %add3A_608 = arith.addf %mul3A_606, %mul3A_607 : vector<16xf32>
      %eq3A_609 = arith.constant 5 : i32
      %eq3A_610 = vector.broadcast %eq3A_609 : i32 to vector<16xi32>
      %eq3A_611 = arith.cmpi eq, %iota3A, %eq3A_610 : vector<16xi32>
      %reduce_sum3A_612 = arith.constant true
      %reduce_sum3A_613 = vector.broadcast %reduce_sum3A_612 : i1 to vector<16xi1>
      %reduce_sum3A_614 = tpu.scan <sum>, %add3A_608 masked %reduce_sum3A_613 : vector<16xf32>, vector<16xi1> -> vector<16xf32>
      %reduce_sum3A_615 = vector.extract %reduce_sum3A_614[15] : f32 from vector<16xf32>
      %broadcast_in_dim3A_616 = vector.broadcast %reduce_sum3A_615 : f32 to vector<16xf32>
      %select_n3A_617 = arith.select %eq3A_611, %broadcast_in_dim3A_616, %select_n3A_569 : vector<16xi1>, vector<16xf32>
      %add3A_618 = arith.constant 6 : i32
      %add3A_619 = arith.addi %mul3A_333, %add3A_618 : i32
      %get3A_620 = arith.constant 1 : i32
      %get3A_621 = arith.index_cast %get3A_620 : i32 to index
      %get3A_622 = arith.index_cast %add3A_619 : i32 to index
      %get3A_623 = arith.constant 0 : index
      %get3A_624 = tpu.vector_load %arg11[%get3A_621, %get3A_622, %get3A_623] {strides = array<i32>} : memref<4x128x32xf32, #tpu.memory_space<vmem>>, vector<16xf32>,
      %get3A_625 = arith.constant 1 : i32
      %get3A_626 = arith.index_cast %get3A_625 : i32 to index
      %get3A_627 = arith.index_cast %add3A_619 : i32 to index
      %get3A_628 = arith.constant 16 : index
      %get3A_629 = tpu.vector_load %arg11[%get3A_626, %get3A_627, %get3A_628] {strides = array<i32>} : memref<4x128x32xf32, #tpu.memory_space<vmem>>, vector<16xf32>,
      %get3A_630 = arith.constant 1 : i32
      %get3A_631 = arith.index_cast %get3A_630 : i32 to index
      %get3A_632 = arith.index_cast %add3A_619 : i32 to index
      %get3A_633 = arith.constant 0 : index
      %get3A_634 = tpu.vector_load %arg12[%get3A_631, %get3A_632, %get3A_633] {strides = array<i32>} : memref<4x128x32xf32, #tpu.memory_space<vmem>>, vector<16xf32>,
      %get3A_635 = arith.constant 1 : i32
      %get3A_636 = arith.index_cast %get3A_635 : i32 to index
      %get3A_637 = arith.index_cast %add3A_619 : i32 to index
      %get3A_638 = arith.constant 16 : index
      %get3A_639 = tpu.vector_load %arg12[%get3A_636, %get3A_637, %get3A_638] {strides = array<i32>} : memref<4x128x32xf32, #tpu.memory_space<vmem>>, vector<16xf32>,
      %get3A_640 = arith.constant 1 : i32
      %get3A_641 = arith.index_cast %get3A_640 : i32 to index
      %get3A_642 = arith.index_cast %add3A_619 : i32 to index
      %get3A_643 = arith.constant 0 : index
      %get3A_644 = tpu.vector_load %arg13[%get3A_641, %get3A_642, %get3A_643] {strides = array<i32>} : memref<4x128x32xf32, #tpu.memory_space<vmem>>, vector<16xf32>,
      %get3A_645 = arith.constant 1 : i32
      %get3A_646 = arith.index_cast %get3A_645 : i32 to index
      %get3A_647 = arith.index_cast %add3A_619 : i32 to index
      %get3A_648 = arith.constant 16 : index
      %get3A_649 = tpu.vector_load %arg13[%get3A_646, %get3A_647, %get3A_648] {strides = array<i32>} : memref<4x128x32xf32, #tpu.memory_space<vmem>>, vector<16xf32>,
      %sub3A_650 = arith.subf %get3A_624, %get3A_634 : vector<16xf32>
      %add3A_651 = arith.addf %sub3A_650, %get3A_644 : vector<16xf32>
      %sub3A_652 = arith.subf %get3A_629, %get3A_639 : vector<16xf32>
      %add3A_653 = arith.addf %sub3A_652, %get3A_649 : vector<16xf32>
      %mul3A_654 = arith.mulf %add3A_651, %add3A_651 : vector<16xf32>
      %mul3A_655 = arith.mulf %add3A_653, %add3A_653 : vector<16xf32>
      %add3A_656 = arith.addf %mul3A_654, %mul3A_655 : vector<16xf32>
      %eq3A_657 = arith.constant 6 : i32
      %eq3A_658 = vector.broadcast %eq3A_657 : i32 to vector<16xi32>
      %eq3A_659 = arith.cmpi eq, %iota3A, %eq3A_658 : vector<16xi32>
      %reduce_sum3A_660 = arith.constant true
      %reduce_sum3A_661 = vector.broadcast %reduce_sum3A_660 : i1 to vector<16xi1>
      %reduce_sum3A_662 = tpu.scan <sum>, %add3A_656 masked %reduce_sum3A_661 : vector<16xf32>, vector<16xi1> -> vector<16xf32>
      %reduce_sum3A_663 = vector.extract %reduce_sum3A_662[15] : f32 from vector<16xf32>
      %broadcast_in_dim3A_664 = vector.broadcast %reduce_sum3A_663 : f32 to vector<16xf32>
      %select_n3A_665 = arith.select %eq3A_659, %broadcast_in_dim3A_664, %select_n3A_617 : vector<16xi1>, vector<16xf32>
      %add3A_666 = arith.constant 7 : i32
      %add3A_667 = arith.addi %mul3A_333, %add3A_666 : i32
      %get3A_668 = arith.constant 1 : i32
      %get3A_669 = arith.index_cast %get3A_668 : i32 to index
      %get3A_670 = arith.index_cast %add3A_667 : i32 to index
      %get3A_671 = arith.constant 0 : index
      %get3A_672 = tpu.vector_load %arg11[%get3A_669, %get3A_670, %get3A_671] {strides = array<i32>} : memref<4x128x32xf32, #tpu.memory_space<vmem>>, vector<16xf32>,
      %get3A_673 = arith.constant 1 : i32
      %get3A_674 = arith.index_cast %get3A_673 : i32 to index
      %get3A_675 = arith.index_cast %add3A_667 : i32 to index
      %get3A_676 = arith.constant 16 : index
      %get3A_677 = tpu.vector_load %arg11[%get3A_674, %get3A_675, %get3A_676] {strides = array<i32>} : memref<4x128x32xf32, #tpu.memory_space<vmem>>, vector<16xf32>,
      %get3A_678 = arith.constant 1 : i32
      %get3A_679 = arith.index_cast %get3A_678 : i32 to index
      %get3A_680 = arith.index_cast %add3A_667 : i32 to index
      %get3A_681 = arith.constant 0 : index
      %get3A_682 = tpu.vector_load %arg12[%get3A_679, %get3A_680, %get3A_681] {strides = array<i32>} : memref<4x128x32xf32, #tpu.memory_space<vmem>>, vector<16xf32>,
      %get3A_683 = arith.constant 1 : i32
      %get3A_684 = arith.index_cast %get3A_683 : i32 to index
      %get3A_685 = arith.index_cast %add3A_667 : i32 to index
      %get3A_686 = arith.constant 16 : index
      %get3A_687 = tpu.vector_load %arg12[%get3A_684, %get3A_685, %get3A_686] {strides = array<i32>} : memref<4x128x32xf32, #tpu.memory_space<vmem>>, vector<16xf32>,
      %get3A_688 = arith.constant 1 : i32
      %get3A_689 = arith.index_cast %get3A_688 : i32 to index
      %get3A_690 = arith.index_cast %add3A_667 : i32 to index
      %get3A_691 = arith.constant 0 : index
      %get3A_692 = tpu.vector_load %arg13[%get3A_689, %get3A_690, %get3A_691] {strides = array<i32>} : memref<4x128x32xf32, #tpu.memory_space<vmem>>, vector<16xf32>,
      %get3A_693 = arith.constant 1 : i32
      %get3A_694 = arith.index_cast %get3A_693 : i32 to index
      %get3A_695 = arith.index_cast %add3A_667 : i32 to index
      %get3A_696 = arith.constant 16 : index
      %get3A_697 = tpu.vector_load %arg13[%get3A_694, %get3A_695, %get3A_696] {strides = array<i32>} : memref<4x128x32xf32, #tpu.memory_space<vmem>>, vector<16xf32>,
      %sub3A_698 = arith.subf %get3A_672, %get3A_682 : vector<16xf32>
      %add3A_699 = arith.addf %sub3A_698, %get3A_692 : vector<16xf32>
      %sub3A_700 = arith.subf %get3A_677, %get3A_687 : vector<16xf32>
      %add3A_701 = arith.addf %sub3A_700, %get3A_697 : vector<16xf32>
      %mul3A_702 = arith.mulf %add3A_699, %add3A_699 : vector<16xf32>
      %mul3A_703 = arith.mulf %add3A_701, %add3A_701 : vector<16xf32>
      %add3A_704 = arith.addf %mul3A_702, %mul3A_703 : vector<16xf32>
      %eq3A_705 = arith.constant 7 : i32
      %eq3A_706 = vector.broadcast %eq3A_705 : i32 to vector<16xi32>
      %eq3A_707 = arith.cmpi eq, %iota3A, %eq3A_706 : vector<16xi32>
      %reduce_sum3A_708 = arith.constant true
      %reduce_sum3A_709 = vector.broadcast %reduce_sum3A_708 : i1 to vector<16xi1>
      %reduce_sum3A_710 = tpu.scan <sum>, %add3A_704 masked %reduce_sum3A_709 : vector<16xf32>, vector<16xi1> -> vector<16xf32>
      %reduce_sum3A_711 = vector.extract %reduce_sum3A_710[15] : f32 from vector<16xf32>
      %broadcast_in_dim3A_712 = vector.broadcast %reduce_sum3A_711 : f32 to vector<16xf32>
      %select_n3A_713 = arith.select %eq3A_707, %broadcast_in_dim3A_712, %select_n3A_665 : vector<16xi1>, vector<16xf32>
      %add3A_714 = arith.constant 8 : i32
      %add3A_715 = arith.addi %mul3A_333, %add3A_714 : i32
      %get3A_716 = arith.constant 1 : i32
      %get3A_717 = arith.index_cast %get3A_716 : i32 to index
      %get3A_718 = arith.index_cast %add3A_715 : i32 to index
      %get3A_719 = arith.constant 0 : index
      %get3A_720 = tpu.vector_load %arg11[%get3A_717, %get3A_718, %get3A_719] {strides = array<i32>} : memref<4x128x32xf32, #tpu.memory_space<vmem>>, vector<16xf32>,
      %get3A_721 = arith.constant 1 : i32
      %get3A_722 = arith.index_cast %get3A_721 : i32 to index
      %get3A_723 = arith.index_cast %add3A_715 : i32 to index
      %get3A_724 = arith.constant 16 : index
      %get3A_725 = tpu.vector_load %arg11[%get3A_722, %get3A_723, %get3A_724] {strides = array<i32>} : memref<4x128x32xf32, #tpu.memory_space<vmem>>, vector<16xf32>,
      %get3A_726 = arith.constant 1 : i32
      %get3A_727 = arith.index_cast %get3A_726 : i32 to index
      %get3A_728 = arith.index_cast %add3A_715 : i32 to index
      %get3A_729 = arith.constant 0 : index
      %get3A_730 = tpu.vector_load %arg12[%get3A_727, %get3A_728, %get3A_729] {strides = array<i32>} : memref<4x128x32xf32, #tpu.memory_space<vmem>>, vector<16xf32>,
      %get3A_731 = arith.constant 1 : i32
      %get3A_732 = arith.index_cast %get3A_731 : i32 to index
      %get3A_733 = arith.index_cast %add3A_715 : i32 to index
      %get3A_734 = arith.constant 16 : index
      %get3A_735 = tpu.vector_load %arg12[%get3A_732, %get3A_733, %get3A_734] {strides = array<i32>} : memref<4x128x32xf32, #tpu.memory_space<vmem>>, vector<16xf32>,
      %get3A_736 = arith.constant 1 : i32
      %get3A_737 = arith.index_cast %get3A_736 : i32 to index
      %get3A_738 = arith.index_cast %add3A_715 : i32 to index
      %get3A_739 = arith.constant 0 : index
      %get3A_740 = tpu.vector_load %arg13[%get3A_737, %get3A_738, %get3A_739] {strides = array<i32>} : memref<4x128x32xf32, #tpu.memory_space<vmem>>, vector<16xf32>,
      %get3A_741 = arith.constant 1 : i32
      %get3A_742 = arith.index_cast %get3A_741 : i32 to index
      %get3A_743 = arith.index_cast %add3A_715 : i32 to index
      %get3A_744 = arith.constant 16 : index
      %get3A_745 = tpu.vector_load %arg13[%get3A_742, %get3A_743, %get3A_744] {strides = array<i32>} : memref<4x128x32xf32, #tpu.memory_space<vmem>>, vector<16xf32>,
      %sub3A_746 = arith.subf %get3A_720, %get3A_730 : vector<16xf32>
      %add3A_747 = arith.addf %sub3A_746, %get3A_740 : vector<16xf32>
      %sub3A_748 = arith.subf %get3A_725, %get3A_735 : vector<16xf32>
      %add3A_749 = arith.addf %sub3A_748, %get3A_745 : vector<16xf32>
      %mul3A_750 = arith.mulf %add3A_747, %add3A_747 : vector<16xf32>
      %mul3A_751 = arith.mulf %add3A_749, %add3A_749 : vector<16xf32>
      %add3A_752 = arith.addf %mul3A_750, %mul3A_751 : vector<16xf32>
      %eq3A_753 = arith.constant 8 : i32
      %eq3A_754 = vector.broadcast %eq3A_753 : i32 to vector<16xi32>
      %eq3A_755 = arith.cmpi eq, %iota3A, %eq3A_754 : vector<16xi32>
      %reduce_sum3A_756 = arith.constant true
      %reduce_sum3A_757 = vector.broadcast %reduce_sum3A_756 : i1 to vector<16xi1>
      %reduce_sum3A_758 = tpu.scan <sum>, %add3A_752 masked %reduce_sum3A_757 : vector<16xf32>, vector<16xi1> -> vector<16xf32>
      %reduce_sum3A_759 = vector.extract %reduce_sum3A_758[15] : f32 from vector<16xf32>
      %broadcast_in_dim3A_760 = vector.broadcast %reduce_sum3A_759 : f32 to vector<16xf32>
      %select_n3A_761 = arith.select %eq3A_755, %broadcast_in_dim3A_760, %select_n3A_713 : vector<16xi1>, vector<16xf32>
      %add3A_762 = arith.constant 9 : i32
      %add3A_763 = arith.addi %mul3A_333, %add3A_762 : i32
      %get3A_764 = arith.constant 1 : i32
      %get3A_765 = arith.index_cast %get3A_764 : i32 to index
      %get3A_766 = arith.index_cast %add3A_763 : i32 to index
      %get3A_767 = arith.constant 0 : index
      %get3A_768 = tpu.vector_load %arg11[%get3A_765, %get3A_766, %get3A_767] {strides = array<i32>} : memref<4x128x32xf32, #tpu.memory_space<vmem>>, vector<16xf32>,
      %get3A_769 = arith.constant 1 : i32
      %get3A_770 = arith.index_cast %get3A_769 : i32 to index
      %get3A_771 = arith.index_cast %add3A_763 : i32 to index
      %get3A_772 = arith.constant 16 : index
      %get3A_773 = tpu.vector_load %arg11[%get3A_770, %get3A_771, %get3A_772] {strides = array<i32>} : memref<4x128x32xf32, #tpu.memory_space<vmem>>, vector<16xf32>,
      %get3A_774 = arith.constant 1 : i32
      %get3A_775 = arith.index_cast %get3A_774 : i32 to index
      %get3A_776 = arith.index_cast %add3A_763 : i32 to index
      %get3A_777 = arith.constant 0 : index
      %get3A_778 = tpu.vector_load %arg12[%get3A_775, %get3A_776, %get3A_777] {strides = array<i32>} : memref<4x128x32xf32, #tpu.memory_space<vmem>>, vector<16xf32>,
      %get3A_779 = arith.constant 1 : i32
      %get3A_780 = arith.index_cast %get3A_779 : i32 to index
      %get3A_781 = arith.index_cast %add3A_763 : i32 to index
      %get3A_782 = arith.constant 16 : index
      %get3A_783 = tpu.vector_load %arg12[%get3A_780, %get3A_781, %get3A_782] {strides = array<i32>} : memref<4x128x32xf32, #tpu.memory_space<vmem>>, vector<16xf32>,
      %get3A_784 = arith.constant 1 : i32
      %get3A_785 = arith.index_cast %get3A_784 : i32 to index
      %get3A_786 = arith.index_cast %add3A_763 : i32 to index
      %get3A_787 = arith.constant 0 : index
      %get3A_788 = tpu.vector_load %arg13[%get3A_785, %get3A_786, %get3A_787] {strides = array<i32>} : memref<4x128x32xf32, #tpu.memory_space<vmem>>, vector<16xf32>,
      %get3A_789 = arith.constant 1 : i32
      %get3A_790 = arith.index_cast %get3A_789 : i32 to index
      %get3A_791 = arith.index_cast %add3A_763 : i32 to index
      %get3A_792 = arith.constant 16 : index
      %get3A_793 = tpu.vector_load %arg13[%get3A_790, %get3A_791, %get3A_792] {strides = array<i32>} : memref<4x128x32xf32, #tpu.memory_space<vmem>>, vector<16xf32>,
      %sub3A_794 = arith.subf %get3A_768, %get3A_778 : vector<16xf32>
      %add3A_795 = arith.addf %sub3A_794, %get3A_788 : vector<16xf32>
      %sub3A_796 = arith.subf %get3A_773, %get3A_783 : vector<16xf32>
      %add3A_797 = arith.addf %sub3A_796, %get3A_793 : vector<16xf32>
      %mul3A_798 = arith.mulf %add3A_795, %add3A_795 : vector<16xf32>
      %mul3A_799 = arith.mulf %add3A_797, %add3A_797 : vector<16xf32>
      %add3A_800 = arith.addf %mul3A_798, %mul3A_799 : vector<16xf32>
      %eq3A_801 = arith.constant 9 : i32
      %eq3A_802 = vector.broadcast %eq3A_801 : i32 to vector<16xi32>
      %eq3A_803 = arith.cmpi eq, %iota3A, %eq3A_802 : vector<16xi32>
      %reduce_sum3A_804 = arith.constant true
      %reduce_sum3A_805 = vector.broadcast %reduce_sum3A_804 : i1 to vector<16xi1>
      %reduce_sum3A_806 = tpu.scan <sum>, %add3A_800 masked %reduce_sum3A_805 : vector<16xf32>, vector<16xi1> -> vector<16xf32>
      %reduce_sum3A_807 = vector.extract %reduce_sum3A_806[15] : f32 from vector<16xf32>
      %broadcast_in_dim3A_808 = vector.broadcast %reduce_sum3A_807 : f32 to vector<16xf32>
      %select_n3A_809 = arith.select %eq3A_803, %broadcast_in_dim3A_808, %select_n3A_761 : vector<16xi1>, vector<16xf32>
      %add3A_810 = arith.constant 10 : i32
      %add3A_811 = arith.addi %mul3A_333, %add3A_810 : i32
      %get3A_812 = arith.constant 1 : i32
      %get3A_813 = arith.index_cast %get3A_812 : i32 to index
      %get3A_814 = arith.index_cast %add3A_811 : i32 to index
      %get3A_815 = arith.constant 0 : index
      %get3A_816 = tpu.vector_load %arg11[%get3A_813, %get3A_814, %get3A_815] {strides = array<i32>} : memref<4x128x32xf32, #tpu.memory_space<vmem>>, vector<16xf32>,
      %get3A_817 = arith.constant 1 : i32
      %get3A_818 = arith.index_cast %get3A_817 : i32 to index
      %get3A_819 = arith.index_cast %add3A_811 : i32 to index
      %get3A_820 = arith.constant 16 : index
      %get3A_821 = tpu.vector_load %arg11[%get3A_818, %get3A_819, %get3A_820] {strides = array<i32>} : memref<4x128x32xf32, #tpu.memory_space<vmem>>, vector<16xf32>,
      %get3A_822 = arith.constant 1 : i32
      %get3A_823 = arith.index_cast %get3A_822 : i32 to index
      %get3A_824 = arith.index_cast %add3A_811 : i32 to index
      %get3A_825 = arith.constant 0 : index
      %get3A_826 = tpu.vector_load %arg12[%get3A_823, %get3A_824, %get3A_825] {strides = array<i32>} : memref<4x128x32xf32, #tpu.memory_space<vmem>>, vector<16xf32>,
      %get3A_827 = arith.constant 1 : i32
      %get3A_828 = arith.index_cast %get3A_827 : i32 to index
      %get3A_829 = arith.index_cast %add3A_811 : i32 to index
      %get3A_830 = arith.constant 16 : index
      %get3A_831 = tpu.vector_load %arg12[%get3A_828, %get3A_829, %get3A_830] {strides = array<i32>} : memref<4x128x32xf32, #tpu.memory_space<vmem>>, vector<16xf32>,
      %get3A_832 = arith.constant 1 : i32
      %get3A_833 = arith.index_cast %get3A_832 : i32 to index
      %get3A_834 = arith.index_cast %add3A_811 : i32 to index
      %get3A_835 = arith.constant 0 : index
      %get3A_836 = tpu.vector_load %arg13[%get3A_833, %get3A_834, %get3A_835] {strides = array<i32>} : memref<4x128x32xf32, #tpu.memory_space<vmem>>, vector<16xf32>,
      %get3A_837 = arith.constant 1 : i32
      %get3A_838 = arith.index_cast %get3A_837 : i32 to index
      %get3A_839 = arith.index_cast %add3A_811 : i32 to index
      %get3A_840 = arith.constant 16 : index
      %get3A_841 = tpu.vector_load %arg13[%get3A_838, %get3A_839, %get3A_840] {strides = array<i32>} : memref<4x128x32xf32, #tpu.memory_space<vmem>>, vector<16xf32>,
      %sub3A_842 = arith.subf %get3A_816, %get3A_826 : vector<16xf32>
      %add3A_843 = arith.addf %sub3A_842, %get3A_836 : vector<16xf32>
      %sub3A_844 = arith.subf %get3A_821, %get3A_831 : vector<16xf32>
      %add3A_845 = arith.addf %sub3A_844, %get3A_841 : vector<16xf32>
      %mul3A_846 = arith.mulf %add3A_843, %add3A_843 : vector<16xf32>
      %mul3A_847 = arith.mulf %add3A_845, %add3A_845 : vector<16xf32>
      %add3A_848 = arith.addf %mul3A_846, %mul3A_847 : vector<16xf32>
      %eq3A_849 = arith.constant 10 : i32
      %eq3A_850 = vector.broadcast %eq3A_849 : i32 to vector<16xi32>
      %eq3A_851 = arith.cmpi eq, %iota3A, %eq3A_850 : vector<16xi32>
      %reduce_sum3A_852 = arith.constant true
      %reduce_sum3A_853 = vector.broadcast %reduce_sum3A_852 : i1 to vector<16xi1>
      %reduce_sum3A_854 = tpu.scan <sum>, %add3A_848 masked %reduce_sum3A_853 : vector<16xf32>, vector<16xi1> -> vector<16xf32>
      %reduce_sum3A_855 = vector.extract %reduce_sum3A_854[15] : f32 from vector<16xf32>
      %broadcast_in_dim3A_856 = vector.broadcast %reduce_sum3A_855 : f32 to vector<16xf32>
      %select_n3A_857 = arith.select %eq3A_851, %broadcast_in_dim3A_856, %select_n3A_809 : vector<16xi1>, vector<16xf32>
      %add3A_858 = arith.constant 11 : i32
      %add3A_859 = arith.addi %mul3A_333, %add3A_858 : i32
      %get3A_860 = arith.constant 1 : i32
      %get3A_861 = arith.index_cast %get3A_860 : i32 to index
      %get3A_862 = arith.index_cast %add3A_859 : i32 to index
      %get3A_863 = arith.constant 0 : index
      %get3A_864 = tpu.vector_load %arg11[%get3A_861, %get3A_862, %get3A_863] {strides = array<i32>} : memref<4x128x32xf32, #tpu.memory_space<vmem>>, vector<16xf32>,
      %get3A_865 = arith.constant 1 : i32
      %get3A_866 = arith.index_cast %get3A_865 : i32 to index
      %get3A_867 = arith.index_cast %add3A_859 : i32 to index
      %get3A_868 = arith.constant 16 : index
      %get3A_869 = tpu.vector_load %arg11[%get3A_866, %get3A_867, %get3A_868] {strides = array<i32>} : memref<4x128x32xf32, #tpu.memory_space<vmem>>, vector<16xf32>,
      %get3A_870 = arith.constant 1 : i32
      %get3A_871 = arith.index_cast %get3A_870 : i32 to index
      %get3A_872 = arith.index_cast %add3A_859 : i32 to index
      %get3A_873 = arith.constant 0 : index
      %get3A_874 = tpu.vector_load %arg12[%get3A_871, %get3A_872, %get3A_873] {strides = array<i32>} : memref<4x128x32xf32, #tpu.memory_space<vmem>>, vector<16xf32>,
      %get3A_875 = arith.constant 1 : i32
      %get3A_876 = arith.index_cast %get3A_875 : i32 to index
      %get3A_877 = arith.index_cast %add3A_859 : i32 to index
      %get3A_878 = arith.constant 16 : index
      %get3A_879 = tpu.vector_load %arg12[%get3A_876, %get3A_877, %get3A_878] {strides = array<i32>} : memref<4x128x32xf32, #tpu.memory_space<vmem>>, vector<16xf32>,
      %get3A_880 = arith.constant 1 : i32
      %get3A_881 = arith.index_cast %get3A_880 : i32 to index
      %get3A_882 = arith.index_cast %add3A_859 : i32 to index
      %get3A_883 = arith.constant 0 : index
      %get3A_884 = tpu.vector_load %arg13[%get3A_881, %get3A_882, %get3A_883] {strides = array<i32>} : memref<4x128x32xf32, #tpu.memory_space<vmem>>, vector<16xf32>,
      %get3A_885 = arith.constant 1 : i32
      %get3A_886 = arith.index_cast %get3A_885 : i32 to index
      %get3A_887 = arith.index_cast %add3A_859 : i32 to index
      %get3A_888 = arith.constant 16 : index
      %get3A_889 = tpu.vector_load %arg13[%get3A_886, %get3A_887, %get3A_888] {strides = array<i32>} : memref<4x128x32xf32, #tpu.memory_space<vmem>>, vector<16xf32>,
      %sub3A_890 = arith.subf %get3A_864, %get3A_874 : vector<16xf32>
      %add3A_891 = arith.addf %sub3A_890, %get3A_884 : vector<16xf32>
      %sub3A_892 = arith.subf %get3A_869, %get3A_879 : vector<16xf32>
      %add3A_893 = arith.addf %sub3A_892, %get3A_889 : vector<16xf32>
      %mul3A_894 = arith.mulf %add3A_891, %add3A_891 : vector<16xf32>
      %mul3A_895 = arith.mulf %add3A_893, %add3A_893 : vector<16xf32>
      %add3A_896 = arith.addf %mul3A_894, %mul3A_895 : vector<16xf32>
      %eq3A_897 = arith.constant 11 : i32
      %eq3A_898 = vector.broadcast %eq3A_897 : i32 to vector<16xi32>
      %eq3A_899 = arith.cmpi eq, %iota3A, %eq3A_898 : vector<16xi32>
      %reduce_sum3A_900 = arith.constant true
      %reduce_sum3A_901 = vector.broadcast %reduce_sum3A_900 : i1 to vector<16xi1>
      %reduce_sum3A_902 = tpu.scan <sum>, %add3A_896 masked %reduce_sum3A_901 : vector<16xf32>, vector<16xi1> -> vector<16xf32>
      %reduce_sum3A_903 = vector.extract %reduce_sum3A_902[15] : f32 from vector<16xf32>
      %broadcast_in_dim3A_904 = vector.broadcast %reduce_sum3A_903 : f32 to vector<16xf32>
      %select_n3A_905 = arith.select %eq3A_899, %broadcast_in_dim3A_904, %select_n3A_857 : vector<16xi1>, vector<16xf32>
      %add3A_906 = arith.constant 12 : i32
      %add3A_907 = arith.addi %mul3A_333, %add3A_906 : i32
      %get3A_908 = arith.constant 1 : i32
      %get3A_909 = arith.index_cast %get3A_908 : i32 to index
      %get3A_910 = arith.index_cast %add3A_907 : i32 to index
      %get3A_911 = arith.constant 0 : index
      %get3A_912 = tpu.vector_load %arg11[%get3A_909, %get3A_910, %get3A_911] {strides = array<i32>} : memref<4x128x32xf32, #tpu.memory_space<vmem>>, vector<16xf32>,
      %get3A_913 = arith.constant 1 : i32
      %get3A_914 = arith.index_cast %get3A_913 : i32 to index
      %get3A_915 = arith.index_cast %add3A_907 : i32 to index
      %get3A_916 = arith.constant 16 : index
      %get3A_917 = tpu.vector_load %arg11[%get3A_914, %get3A_915, %get3A_916] {strides = array<i32>} : memref<4x128x32xf32, #tpu.memory_space<vmem>>, vector<16xf32>,
      %get3A_918 = arith.constant 1 : i32
      %get3A_919 = arith.index_cast %get3A_918 : i32 to index
      %get3A_920 = arith.index_cast %add3A_907 : i32 to index
      %get3A_921 = arith.constant 0 : index
      %get3A_922 = tpu.vector_load %arg12[%get3A_919, %get3A_920, %get3A_921] {strides = array<i32>} : memref<4x128x32xf32, #tpu.memory_space<vmem>>, vector<16xf32>,
      %get3A_923 = arith.constant 1 : i32
      %get3A_924 = arith.index_cast %get3A_923 : i32 to index
      %get3A_925 = arith.index_cast %add3A_907 : i32 to index
      %get3A_926 = arith.constant 16 : index
      %get3A_927 = tpu.vector_load %arg12[%get3A_924, %get3A_925, %get3A_926] {strides = array<i32>} : memref<4x128x32xf32, #tpu.memory_space<vmem>>, vector<16xf32>,
      %get3A_928 = arith.constant 1 : i32
      %get3A_929 = arith.index_cast %get3A_928 : i32 to index
      %get3A_930 = arith.index_cast %add3A_907 : i32 to index
      %get3A_931 = arith.constant 0 : index
      %get3A_932 = tpu.vector_load %arg13[%get3A_929, %get3A_930, %get3A_931] {strides = array<i32>} : memref<4x128x32xf32, #tpu.memory_space<vmem>>, vector<16xf32>,
      %get3A_933 = arith.constant 1 : i32
      %get3A_934 = arith.index_cast %get3A_933 : i32 to index
      %get3A_935 = arith.index_cast %add3A_907 : i32 to index
      %get3A_936 = arith.constant 16 : index
      %get3A_937 = tpu.vector_load %arg13[%get3A_934, %get3A_935, %get3A_936] {strides = array<i32>} : memref<4x128x32xf32, #tpu.memory_space<vmem>>, vector<16xf32>,
      %sub3A_938 = arith.subf %get3A_912, %get3A_922 : vector<16xf32>
      %add3A_939 = arith.addf %sub3A_938, %get3A_932 : vector<16xf32>
      %sub3A_940 = arith.subf %get3A_917, %get3A_927 : vector<16xf32>
      %add3A_941 = arith.addf %sub3A_940, %get3A_937 : vector<16xf32>
      %mul3A_942 = arith.mulf %add3A_939, %add3A_939 : vector<16xf32>
      %mul3A_943 = arith.mulf %add3A_941, %add3A_941 : vector<16xf32>
      %add3A_944 = arith.addf %mul3A_942, %mul3A_943 : vector<16xf32>
      %eq3A_945 = arith.constant 12 : i32
      %eq3A_946 = vector.broadcast %eq3A_945 : i32 to vector<16xi32>
      %eq3A_947 = arith.cmpi eq, %iota3A, %eq3A_946 : vector<16xi32>
      %reduce_sum3A_948 = arith.constant true
      %reduce_sum3A_949 = vector.broadcast %reduce_sum3A_948 : i1 to vector<16xi1>
      %reduce_sum3A_950 = tpu.scan <sum>, %add3A_944 masked %reduce_sum3A_949 : vector<16xf32>, vector<16xi1> -> vector<16xf32>
      %reduce_sum3A_951 = vector.extract %reduce_sum3A_950[15] : f32 from vector<16xf32>
      %broadcast_in_dim3A_952 = vector.broadcast %reduce_sum3A_951 : f32 to vector<16xf32>
      %select_n3A_953 = arith.select %eq3A_947, %broadcast_in_dim3A_952, %select_n3A_905 : vector<16xi1>, vector<16xf32>
      %add3A_954 = arith.constant 13 : i32
      %add3A_955 = arith.addi %mul3A_333, %add3A_954 : i32
      %get3A_956 = arith.constant 1 : i32
      %get3A_957 = arith.index_cast %get3A_956 : i32 to index
      %get3A_958 = arith.index_cast %add3A_955 : i32 to index
      %get3A_959 = arith.constant 0 : index
      %get3A_960 = tpu.vector_load %arg11[%get3A_957, %get3A_958, %get3A_959] {strides = array<i32>} : memref<4x128x32xf32, #tpu.memory_space<vmem>>, vector<16xf32>,
      %get3A_961 = arith.constant 1 : i32
      %get3A_962 = arith.index_cast %get3A_961 : i32 to index
      %get3A_963 = arith.index_cast %add3A_955 : i32 to index
      %get3A_964 = arith.constant 16 : index
      %get3A_965 = tpu.vector_load %arg11[%get3A_962, %get3A_963, %get3A_964] {strides = array<i32>} : memref<4x128x32xf32, #tpu.memory_space<vmem>>, vector<16xf32>,
      %get3A_966 = arith.constant 1 : i32
      %get3A_967 = arith.index_cast %get3A_966 : i32 to index
      %get3A_968 = arith.index_cast %add3A_955 : i32 to index
      %get3A_969 = arith.constant 0 : index
      %get3A_970 = tpu.vector_load %arg12[%get3A_967, %get3A_968, %get3A_969] {strides = array<i32>} : memref<4x128x32xf32, #tpu.memory_space<vmem>>, vector<16xf32>,
      %get3A_971 = arith.constant 1 : i32
      %get3A_972 = arith.index_cast %get3A_971 : i32 to index
      %get3A_973 = arith.index_cast %add3A_955 : i32 to index
      %get3A_974 = arith.constant 16 : index
      %get3A_975 = tpu.vector_load %arg12[%get3A_972, %get3A_973, %get3A_974] {strides = array<i32>} : memref<4x128x32xf32, #tpu.memory_space<vmem>>, vector<16xf32>,
      %get3A_976 = arith.constant 1 : i32
      %get3A_977 = arith.index_cast %get3A_976 : i32 to index
      %get3A_978 = arith.index_cast %add3A_955 : i32 to index
      %get3A_979 = arith.constant 0 : index
      %get3A_980 = tpu.vector_load %arg13[%get3A_977, %get3A_978, %get3A_979] {strides = array<i32>} : memref<4x128x32xf32, #tpu.memory_space<vmem>>, vector<16xf32>,
      %get3A_981 = arith.constant 1 : i32
      %get3A_982 = arith.index_cast %get3A_981 : i32 to index
      %get3A_983 = arith.index_cast %add3A_955 : i32 to index
      %get3A_984 = arith.constant 16 : index
      %get3A_985 = tpu.vector_load %arg13[%get3A_982, %get3A_983, %get3A_984] {strides = array<i32>} : memref<4x128x32xf32, #tpu.memory_space<vmem>>, vector<16xf32>,
      %sub3A_986 = arith.subf %get3A_960, %get3A_970 : vector<16xf32>
      %add3A_987 = arith.addf %sub3A_986, %get3A_980 : vector<16xf32>
      %sub3A_988 = arith.subf %get3A_965, %get3A_975 : vector<16xf32>
      %add3A_989 = arith.addf %sub3A_988, %get3A_985 : vector<16xf32>
      %mul3A_990 = arith.mulf %add3A_987, %add3A_987 : vector<16xf32>
      %mul3A_991 = arith.mulf %add3A_989, %add3A_989 : vector<16xf32>
      %add3A_992 = arith.addf %mul3A_990, %mul3A_991 : vector<16xf32>
      %eq3A_993 = arith.constant 13 : i32
      %eq3A_994 = vector.broadcast %eq3A_993 : i32 to vector<16xi32>
      %eq3A_995 = arith.cmpi eq, %iota3A, %eq3A_994 : vector<16xi32>
      %reduce_sum3A_996 = arith.constant true
      %reduce_sum3A_997 = vector.broadcast %reduce_sum3A_996 : i1 to vector<16xi1>
      %reduce_sum3A_998 = tpu.scan <sum>, %add3A_992 masked %reduce_sum3A_997 : vector<16xf32>, vector<16xi1> -> vector<16xf32>
      %reduce_sum3A_999 = vector.extract %reduce_sum3A_998[15] : f32 from vector<16xf32>
      %broadcast_in_dim3A_1000 = vector.broadcast %reduce_sum3A_999 : f32 to vector<16xf32>
      %select_n3A_1001 = arith.select %eq3A_995, %broadcast_in_dim3A_1000, %select_n3A_953 : vector<16xi1>, vector<16xf32>
      %add3A_1002 = arith.constant 14 : i32
      %add3A_1003 = arith.addi %mul3A_333, %add3A_1002 : i32
      %get3A_1004 = arith.constant 1 : i32
      %get3A_1005 = arith.index_cast %get3A_1004 : i32 to index
      %get3A_1006 = arith.index_cast %add3A_1003 : i32 to index
      %get3A_1007 = arith.constant 0 : index
      %get3A_1008 = tpu.vector_load %arg11[%get3A_1005, %get3A_1006, %get3A_1007] {strides = array<i32>} : memref<4x128x32xf32, #tpu.memory_space<vmem>>, vector<16xf32>,
      %get3A_1009 = arith.constant 1 : i32
      %get3A_1010 = arith.index_cast %get3A_1009 : i32 to index
      %get3A_1011 = arith.index_cast %add3A_1003 : i32 to index
      %get3A_1012 = arith.constant 16 : index
      %get3A_1013 = tpu.vector_load %arg11[%get3A_1010, %get3A_1011, %get3A_1012] {strides = array<i32>} : memref<4x128x32xf32, #tpu.memory_space<vmem>>, vector<16xf32>,
      %get3A_1014 = arith.constant 1 : i32
      %get3A_1015 = arith.index_cast %get3A_1014 : i32 to index
      %get3A_1016 = arith.index_cast %add3A_1003 : i32 to index
      %get3A_1017 = arith.constant 0 : index
      %get3A_1018 = tpu.vector_load %arg12[%get3A_1015, %get3A_1016, %get3A_1017] {strides = array<i32>} : memref<4x128x32xf32, #tpu.memory_space<vmem>>, vector<16xf32>,
      %get3A_1019 = arith.constant 1 : i32
      %get3A_1020 = arith.index_cast %get3A_1019 : i32 to index
      %get3A_1021 = arith.index_cast %add3A_1003 : i32 to index
      %get3A_1022 = arith.constant 16 : index
      %get3A_1023 = tpu.vector_load %arg12[%get3A_1020, %get3A_1021, %get3A_1022] {strides = array<i32>} : memref<4x128x32xf32, #tpu.memory_space<vmem>>, vector<16xf32>,
      %get3A_1024 = arith.constant 1 : i32
      %get3A_1025 = arith.index_cast %get3A_1024 : i32 to index
      %get3A_1026 = arith.index_cast %add3A_1003 : i32 to index
      %get3A_1027 = arith.constant 0 : index
      %get3A_1028 = tpu.vector_load %arg13[%get3A_1025, %get3A_1026, %get3A_1027] {strides = array<i32>} : memref<4x128x32xf32, #tpu.memory_space<vmem>>, vector<16xf32>,
      %get3A_1029 = arith.constant 1 : i32
      %get3A_1030 = arith.index_cast %get3A_1029 : i32 to index
      %get3A_1031 = arith.index_cast %add3A_1003 : i32 to index
      %get3A_1032 = arith.constant 16 : index
      %get3A_1033 = tpu.vector_load %arg13[%get3A_1030, %get3A_1031, %get3A_1032] {strides = array<i32>} : memref<4x128x32xf32, #tpu.memory_space<vmem>>, vector<16xf32>,
      %sub3A_1034 = arith.subf %get3A_1008, %get3A_1018 : vector<16xf32>
      %add3A_1035 = arith.addf %sub3A_1034, %get3A_1028 : vector<16xf32>
      %sub3A_1036 = arith.subf %get3A_1013, %get3A_1023 : vector<16xf32>
      %add3A_1037 = arith.addf %sub3A_1036, %get3A_1033 : vector<16xf32>
      %mul3A_1038 = arith.mulf %add3A_1035, %add3A_1035 : vector<16xf32>
      %mul3A_1039 = arith.mulf %add3A_1037, %add3A_1037 : vector<16xf32>
      %add3A_1040 = arith.addf %mul3A_1038, %mul3A_1039 : vector<16xf32>
      %eq3A_1041 = arith.constant 14 : i32
      %eq3A_1042 = vector.broadcast %eq3A_1041 : i32 to vector<16xi32>
      %eq3A_1043 = arith.cmpi eq, %iota3A, %eq3A_1042 : vector<16xi32>
      %reduce_sum3A_1044 = arith.constant true
      %reduce_sum3A_1045 = vector.broadcast %reduce_sum3A_1044 : i1 to vector<16xi1>
      %reduce_sum3A_1046 = tpu.scan <sum>, %add3A_1040 masked %reduce_sum3A_1045 : vector<16xf32>, vector<16xi1> -> vector<16xf32>
      %reduce_sum3A_1047 = vector.extract %reduce_sum3A_1046[15] : f32 from vector<16xf32>
      %broadcast_in_dim3A_1048 = vector.broadcast %reduce_sum3A_1047 : f32 to vector<16xf32>
      %select_n3A_1049 = arith.select %eq3A_1043, %broadcast_in_dim3A_1048, %select_n3A_1001 : vector<16xi1>, vector<16xf32>
      %add3A_1050 = arith.constant 15 : i32
      %add3A_1051 = arith.addi %mul3A_333, %add3A_1050 : i32
      %get3A_1052 = arith.constant 1 : i32
      %get3A_1053 = arith.index_cast %get3A_1052 : i32 to index
      %get3A_1054 = arith.index_cast %add3A_1051 : i32 to index
      %get3A_1055 = arith.constant 0 : index
      %get3A_1056 = tpu.vector_load %arg11[%get3A_1053, %get3A_1054, %get3A_1055] {strides = array<i32>} : memref<4x128x32xf32, #tpu.memory_space<vmem>>, vector<16xf32>,
      %get3A_1057 = arith.constant 1 : i32
      %get3A_1058 = arith.index_cast %get3A_1057 : i32 to index
      %get3A_1059 = arith.index_cast %add3A_1051 : i32 to index
      %get3A_1060 = arith.constant 16 : index
      %get3A_1061 = tpu.vector_load %arg11[%get3A_1058, %get3A_1059, %get3A_1060] {strides = array<i32>} : memref<4x128x32xf32, #tpu.memory_space<vmem>>, vector<16xf32>,
      %get3A_1062 = arith.constant 1 : i32
      %get3A_1063 = arith.index_cast %get3A_1062 : i32 to index
      %get3A_1064 = arith.index_cast %add3A_1051 : i32 to index
      %get3A_1065 = arith.constant 0 : index
      %get3A_1066 = tpu.vector_load %arg12[%get3A_1063, %get3A_1064, %get3A_1065] {strides = array<i32>} : memref<4x128x32xf32, #tpu.memory_space<vmem>>, vector<16xf32>,
      %get3A_1067 = arith.constant 1 : i32
      %get3A_1068 = arith.index_cast %get3A_1067 : i32 to index
      %get3A_1069 = arith.index_cast %add3A_1051 : i32 to index
      %get3A_1070 = arith.constant 16 : index
      %get3A_1071 = tpu.vector_load %arg12[%get3A_1068, %get3A_1069, %get3A_1070] {strides = array<i32>} : memref<4x128x32xf32, #tpu.memory_space<vmem>>, vector<16xf32>,
      %get3A_1072 = arith.constant 1 : i32
      %get3A_1073 = arith.index_cast %get3A_1072 : i32 to index
      %get3A_1074 = arith.index_cast %add3A_1051 : i32 to index
      %get3A_1075 = arith.constant 0 : index
      %get3A_1076 = tpu.vector_load %arg13[%get3A_1073, %get3A_1074, %get3A_1075] {strides = array<i32>} : memref<4x128x32xf32, #tpu.memory_space<vmem>>, vector<16xf32>,
      %get3A_1077 = arith.constant 1 : i32
      %get3A_1078 = arith.index_cast %get3A_1077 : i32 to index
      %get3A_1079 = arith.index_cast %add3A_1051 : i32 to index
      %get3A_1080 = arith.constant 16 : index
      %get3A_1081 = tpu.vector_load %arg13[%get3A_1078, %get3A_1079, %get3A_1080] {strides = array<i32>} : memref<4x128x32xf32, #tpu.memory_space<vmem>>, vector<16xf32>,
      %sub3A_1082 = arith.subf %get3A_1056, %get3A_1066 : vector<16xf32>
      %add3A_1083 = arith.addf %sub3A_1082, %get3A_1076 : vector<16xf32>
      %sub3A_1084 = arith.subf %get3A_1061, %get3A_1071 : vector<16xf32>
      %add3A_1085 = arith.addf %sub3A_1084, %get3A_1081 : vector<16xf32>
      %mul3A_1086 = arith.mulf %add3A_1083, %add3A_1083 : vector<16xf32>
      %mul3A_1087 = arith.mulf %add3A_1085, %add3A_1085 : vector<16xf32>
      %add3A_1088 = arith.addf %mul3A_1086, %mul3A_1087 : vector<16xf32>
      %eq3A_1089 = arith.constant 15 : i32
      %eq3A_1090 = vector.broadcast %eq3A_1089 : i32 to vector<16xi32>
      %eq3A_1091 = arith.cmpi eq, %iota3A, %eq3A_1090 : vector<16xi32>
      %reduce_sum3A_1092 = arith.constant true
      %reduce_sum3A_1093 = vector.broadcast %reduce_sum3A_1092 : i1 to vector<16xi1>
      %reduce_sum3A_1094 = tpu.scan <sum>, %add3A_1088 masked %reduce_sum3A_1093 : vector<16xf32>, vector<16xi1> -> vector<16xf32>
      %reduce_sum3A_1095 = vector.extract %reduce_sum3A_1094[15] : f32 from vector<16xf32>
      %broadcast_in_dim3A_1096 = vector.broadcast %reduce_sum3A_1095 : f32 to vector<16xf32>
      %select_n3A_1097 = arith.select %eq3A_1091, %broadcast_in_dim3A_1096, %select_n3A_1049 : vector<16xi1>, vector<16xf32>
      %add3A_1098 = arith.constant 9.99999996E-13 : f32
      %add3A_1099 = vector.broadcast %add3A_1098 : f32 to vector<16xf32>
      %add3A_1100 = arith.addf %select_n3A_1097, %add3A_1099 : vector<16xf32>
      %bitcast_convert_type3A = tpu.bitcast %add3A_1100 : vector<16xf32> -> vector<16xi32>
      %shift_right_logical3A = arith.constant 1 : i32
      %shift_right_logical3A_1101 = vector.broadcast %shift_right_logical3A : i32 to vector<16xi32>
      %shift_right_logical3A_1102 = arith.shrui %bitcast_convert_type3A, %shift_right_logical3A_1101 : vector<16xi32>
      %add3A_1103 = arith.constant 532487669 : i32
      %add3A_1104 = vector.broadcast %add3A_1103 : i32 to vector<16xi32>
      %add3A_1105 = arith.addi %shift_right_logical3A_1102, %add3A_1104 : vector<16xi32>
      %bitcast_convert_type3A_1106 = tpu.bitcast %add3A_1105 : vector<16xi32> -> vector<16xf32>
      %div3A = arith.divf %add3A_1100, %bitcast_convert_type3A_1106 : vector<16xf32>
      %add3A_1107 = arith.addf %bitcast_convert_type3A_1106, %div3A : vector<16xf32>
      %mul3A_1108 = arith.constant 5.000000e-01 : f32
      %mul3A_1109 = vector.broadcast %mul3A_1108 : f32 to vector<16xf32>
      %mul3A_1110 = arith.mulf %mul3A_1109, %add3A_1107 : vector<16xf32>
      %div3A_1111 = arith.divf %add3A_1100, %mul3A_1110 : vector<16xf32>
      %add3A_1112 = arith.addf %mul3A_1110, %div3A_1111 : vector<16xf32>
      %mul3A_1113 = arith.constant 5.000000e-01 : f32
      %mul3A_1114 = vector.broadcast %mul3A_1113 : f32 to vector<16xf32>
      %mul3A_1115 = arith.mulf %mul3A_1114, %add3A_1112 : vector<16xf32>
      %div3A_1116 = arith.divf %add3A_1100, %mul3A_1115 : vector<16xf32>
      %add3A_1117 = arith.addf %mul3A_1115, %div3A_1116 : vector<16xf32>
      %mul3A_1118 = arith.constant 5.000000e-01 : f32
      %mul3A_1119 = vector.broadcast %mul3A_1118 : f32 to vector<16xf32>
      %mul3A_1120 = arith.mulf %mul3A_1119, %add3A_1117 : vector<16xf32>
      %neg3A = arith.constant 0.000000e+00 : f32
      %neg3A_1121 = vector.broadcast %neg3A : f32 to vector<16xf32>
      %neg3A_1122 = arith.subf %neg3A_1121, %mul3A_1120 : vector<16xf32>
      %add3A_1123 = arith.constant 128 : i32
      %add3A_1124 = arith.addi %add3A_1123, %mul3A_333 : i32
      %swap3A = arith.index_cast %add3A_1124 : i32 to index
      %swap3A_1125 = tpu.vector_load %arg14[%swap3A] {strides = array<i32>} : memref<512xf32, #tpu.memory_space<vmem>>, vector<16xf32>,
      tpu.vector_store %arg14[%swap3A], %neg3A_1122 {strides = array<i32>} : memref<512xf32, #tpu.memory_space<vmem>>, vector<16xf32>,
    }
    %scan3A_318 = arith.constant 8 : i32
    %scan3A_319 = arith.constant 0 : i32
    %scan3A_320 = arith.constant 0 : i32
    %scan3A_321 = arith.constant 8 : i32
    %scan3A_322 = arith.addi %scan3A_320, %scan3A_321 : i32
    %scan3A_323 = arith.constant 1 : i32
    scf.for %scan3A_331 = %scan3A_320 to %scan3A_322 step %scan3A_323  : i32 {
      %mul3A_332 = arith.constant 16 : i32
      %mul3A_333 = arith.muli %scan3A_331, %mul3A_332 : i32
      %broadcast_in_dim3A = arith.constant 0.000000e+00 : f32
      %broadcast_in_dim3A_334 = vector.broadcast %broadcast_in_dim3A : f32 to vector<16xf32>
      %add3A_335 = arith.constant 0 : i32
      %add3A_336 = arith.addi %mul3A_333, %add3A_335 : i32
      %get3A = arith.constant 2 : i32
      %get3A_337 = arith.index_cast %get3A : i32 to index
      %get3A_338 = arith.index_cast %add3A_336 : i32 to index
      %get3A_339 = arith.constant 0 : index
      %get3A_340 = tpu.vector_load %arg11[%get3A_337, %get3A_338, %get3A_339] {strides = array<i32>} : memref<4x128x32xf32, #tpu.memory_space<vmem>>, vector<16xf32>,
      %get3A_341 = arith.constant 2 : i32
      %get3A_342 = arith.index_cast %get3A_341 : i32 to index
      %get3A_343 = arith.index_cast %add3A_336 : i32 to index
      %get3A_344 = arith.constant 16 : index
      %get3A_345 = tpu.vector_load %arg11[%get3A_342, %get3A_343, %get3A_344] {strides = array<i32>} : memref<4x128x32xf32, #tpu.memory_space<vmem>>, vector<16xf32>,
      %get3A_346 = arith.constant 2 : i32
      %get3A_347 = arith.index_cast %get3A_346 : i32 to index
      %get3A_348 = arith.index_cast %add3A_336 : i32 to index
      %get3A_349 = arith.constant 0 : index
      %get3A_350 = tpu.vector_load %arg12[%get3A_347, %get3A_348, %get3A_349] {strides = array<i32>} : memref<4x128x32xf32, #tpu.memory_space<vmem>>, vector<16xf32>,
      %get3A_351 = arith.constant 2 : i32
      %get3A_352 = arith.index_cast %get3A_351 : i32 to index
      %get3A_353 = arith.index_cast %add3A_336 : i32 to index
      %get3A_354 = arith.constant 16 : index
      %get3A_355 = tpu.vector_load %arg12[%get3A_352, %get3A_353, %get3A_354] {strides = array<i32>} : memref<4x128x32xf32, #tpu.memory_space<vmem>>, vector<16xf32>,
      %get3A_356 = arith.constant 2 : i32
      %get3A_357 = arith.index_cast %get3A_356 : i32 to index
      %get3A_358 = arith.index_cast %add3A_336 : i32 to index
      %get3A_359 = arith.constant 0 : index
      %get3A_360 = tpu.vector_load %arg13[%get3A_357, %get3A_358, %get3A_359] {strides = array<i32>} : memref<4x128x32xf32, #tpu.memory_space<vmem>>, vector<16xf32>,
      %get3A_361 = arith.constant 2 : i32
      %get3A_362 = arith.index_cast %get3A_361 : i32 to index
      %get3A_363 = arith.index_cast %add3A_336 : i32 to index
      %get3A_364 = arith.constant 16 : index
      %get3A_365 = tpu.vector_load %arg13[%get3A_362, %get3A_363, %get3A_364] {strides = array<i32>} : memref<4x128x32xf32, #tpu.memory_space<vmem>>, vector<16xf32>,
      %sub3A = arith.subf %get3A_340, %get3A_350 : vector<16xf32>
      %add3A_366 = arith.addf %sub3A, %get3A_360 : vector<16xf32>
      %sub3A_367 = arith.subf %get3A_345, %get3A_355 : vector<16xf32>
      %add3A_368 = arith.addf %sub3A_367, %get3A_365 : vector<16xf32>
      %mul3A_369 = arith.mulf %add3A_366, %add3A_366 : vector<16xf32>
      %mul3A_370 = arith.mulf %add3A_368, %add3A_368 : vector<16xf32>
      %add3A_371 = arith.addf %mul3A_369, %mul3A_370 : vector<16xf32>
      %eq3A = arith.constant 0 : i32
      %eq3A_372 = vector.broadcast %eq3A : i32 to vector<16xi32>
      %eq3A_373 = arith.cmpi eq, %iota3A, %eq3A_372 : vector<16xi32>
      %reduce_sum3A = arith.constant true
      %reduce_sum3A_374 = vector.broadcast %reduce_sum3A : i1 to vector<16xi1>
      %reduce_sum3A_375 = tpu.scan <sum>, %add3A_371 masked %reduce_sum3A_374 : vector<16xf32>, vector<16xi1> -> vector<16xf32>
      %reduce_sum3A_376 = vector.extract %reduce_sum3A_375[15] : f32 from vector<16xf32>
      %broadcast_in_dim3A_377 = vector.broadcast %reduce_sum3A_376 : f32 to vector<16xf32>
      %select_n3A = arith.select %eq3A_373, %broadcast_in_dim3A_377, %broadcast_in_dim3A_334 : vector<16xi1>, vector<16xf32>
      %add3A_378 = arith.constant 1 : i32
      %add3A_379 = arith.addi %mul3A_333, %add3A_378 : i32
      %get3A_380 = arith.constant 2 : i32
      %get3A_381 = arith.index_cast %get3A_380 : i32 to index
      %get3A_382 = arith.index_cast %add3A_379 : i32 to index
      %get3A_383 = arith.constant 0 : index
      %get3A_384 = tpu.vector_load %arg11[%get3A_381, %get3A_382, %get3A_383] {strides = array<i32>} : memref<4x128x32xf32, #tpu.memory_space<vmem>>, vector<16xf32>,
      %get3A_385 = arith.constant 2 : i32
      %get3A_386 = arith.index_cast %get3A_385 : i32 to index
      %get3A_387 = arith.index_cast %add3A_379 : i32 to index
      %get3A_388 = arith.constant 16 : index
      %get3A_389 = tpu.vector_load %arg11[%get3A_386, %get3A_387, %get3A_388] {strides = array<i32>} : memref<4x128x32xf32, #tpu.memory_space<vmem>>, vector<16xf32>,
      %get3A_390 = arith.constant 2 : i32
      %get3A_391 = arith.index_cast %get3A_390 : i32 to index
      %get3A_392 = arith.index_cast %add3A_379 : i32 to index
      %get3A_393 = arith.constant 0 : index
      %get3A_394 = tpu.vector_load %arg12[%get3A_391, %get3A_392, %get3A_393] {strides = array<i32>} : memref<4x128x32xf32, #tpu.memory_space<vmem>>, vector<16xf32>,
      %get3A_395 = arith.constant 2 : i32
      %get3A_396 = arith.index_cast %get3A_395 : i32 to index
      %get3A_397 = arith.index_cast %add3A_379 : i32 to index
      %get3A_398 = arith.constant 16 : index
      %get3A_399 = tpu.vector_load %arg12[%get3A_396, %get3A_397, %get3A_398] {strides = array<i32>} : memref<4x128x32xf32, #tpu.memory_space<vmem>>, vector<16xf32>,
      %get3A_400 = arith.constant 2 : i32
      %get3A_401 = arith.index_cast %get3A_400 : i32 to index
      %get3A_402 = arith.index_cast %add3A_379 : i32 to index
      %get3A_403 = arith.constant 0 : index
      %get3A_404 = tpu.vector_load %arg13[%get3A_401, %get3A_402, %get3A_403] {strides = array<i32>} : memref<4x128x32xf32, #tpu.memory_space<vmem>>, vector<16xf32>,
      %get3A_405 = arith.constant 2 : i32
      %get3A_406 = arith.index_cast %get3A_405 : i32 to index
      %get3A_407 = arith.index_cast %add3A_379 : i32 to index
      %get3A_408 = arith.constant 16 : index
      %get3A_409 = tpu.vector_load %arg13[%get3A_406, %get3A_407, %get3A_408] {strides = array<i32>} : memref<4x128x32xf32, #tpu.memory_space<vmem>>, vector<16xf32>,
      %sub3A_410 = arith.subf %get3A_384, %get3A_394 : vector<16xf32>
      %add3A_411 = arith.addf %sub3A_410, %get3A_404 : vector<16xf32>
      %sub3A_412 = arith.subf %get3A_389, %get3A_399 : vector<16xf32>
      %add3A_413 = arith.addf %sub3A_412, %get3A_409 : vector<16xf32>
      %mul3A_414 = arith.mulf %add3A_411, %add3A_411 : vector<16xf32>
      %mul3A_415 = arith.mulf %add3A_413, %add3A_413 : vector<16xf32>
      %add3A_416 = arith.addf %mul3A_414, %mul3A_415 : vector<16xf32>
      %eq3A_417 = arith.constant 1 : i32
      %eq3A_418 = vector.broadcast %eq3A_417 : i32 to vector<16xi32>
      %eq3A_419 = arith.cmpi eq, %iota3A, %eq3A_418 : vector<16xi32>
      %reduce_sum3A_420 = arith.constant true
      %reduce_sum3A_421 = vector.broadcast %reduce_sum3A_420 : i1 to vector<16xi1>
      %reduce_sum3A_422 = tpu.scan <sum>, %add3A_416 masked %reduce_sum3A_421 : vector<16xf32>, vector<16xi1> -> vector<16xf32>
      %reduce_sum3A_423 = vector.extract %reduce_sum3A_422[15] : f32 from vector<16xf32>
      %broadcast_in_dim3A_424 = vector.broadcast %reduce_sum3A_423 : f32 to vector<16xf32>
      %select_n3A_425 = arith.select %eq3A_419, %broadcast_in_dim3A_424, %select_n3A : vector<16xi1>, vector<16xf32>
      %add3A_426 = arith.constant 2 : i32
      %add3A_427 = arith.addi %mul3A_333, %add3A_426 : i32
      %get3A_428 = arith.constant 2 : i32
      %get3A_429 = arith.index_cast %get3A_428 : i32 to index
      %get3A_430 = arith.index_cast %add3A_427 : i32 to index
      %get3A_431 = arith.constant 0 : index
      %get3A_432 = tpu.vector_load %arg11[%get3A_429, %get3A_430, %get3A_431] {strides = array<i32>} : memref<4x128x32xf32, #tpu.memory_space<vmem>>, vector<16xf32>,
      %get3A_433 = arith.constant 2 : i32
      %get3A_434 = arith.index_cast %get3A_433 : i32 to index
      %get3A_435 = arith.index_cast %add3A_427 : i32 to index
      %get3A_436 = arith.constant 16 : index
      %get3A_437 = tpu.vector_load %arg11[%get3A_434, %get3A_435, %get3A_436] {strides = array<i32>} : memref<4x128x32xf32, #tpu.memory_space<vmem>>, vector<16xf32>,
      %get3A_438 = arith.constant 2 : i32
      %get3A_439 = arith.index_cast %get3A_438 : i32 to index
      %get3A_440 = arith.index_cast %add3A_427 : i32 to index
      %get3A_441 = arith.constant 0 : index
      %get3A_442 = tpu.vector_load %arg12[%get3A_439, %get3A_440, %get3A_441] {strides = array<i32>} : memref<4x128x32xf32, #tpu.memory_space<vmem>>, vector<16xf32>,
      %get3A_443 = arith.constant 2 : i32
      %get3A_444 = arith.index_cast %get3A_443 : i32 to index
      %get3A_445 = arith.index_cast %add3A_427 : i32 to index
      %get3A_446 = arith.constant 16 : index
      %get3A_447 = tpu.vector_load %arg12[%get3A_444, %get3A_445, %get3A_446] {strides = array<i32>} : memref<4x128x32xf32, #tpu.memory_space<vmem>>, vector<16xf32>,
      %get3A_448 = arith.constant 2 : i32
      %get3A_449 = arith.index_cast %get3A_448 : i32 to index
      %get3A_450 = arith.index_cast %add3A_427 : i32 to index
      %get3A_451 = arith.constant 0 : index
      %get3A_452 = tpu.vector_load %arg13[%get3A_449, %get3A_450, %get3A_451] {strides = array<i32>} : memref<4x128x32xf32, #tpu.memory_space<vmem>>, vector<16xf32>,
      %get3A_453 = arith.constant 2 : i32
      %get3A_454 = arith.index_cast %get3A_453 : i32 to index
      %get3A_455 = arith.index_cast %add3A_427 : i32 to index
      %get3A_456 = arith.constant 16 : index
      %get3A_457 = tpu.vector_load %arg13[%get3A_454, %get3A_455, %get3A_456] {strides = array<i32>} : memref<4x128x32xf32, #tpu.memory_space<vmem>>, vector<16xf32>,
      %sub3A_458 = arith.subf %get3A_432, %get3A_442 : vector<16xf32>
      %add3A_459 = arith.addf %sub3A_458, %get3A_452 : vector<16xf32>
      %sub3A_460 = arith.subf %get3A_437, %get3A_447 : vector<16xf32>
      %add3A_461 = arith.addf %sub3A_460, %get3A_457 : vector<16xf32>
      %mul3A_462 = arith.mulf %add3A_459, %add3A_459 : vector<16xf32>
      %mul3A_463 = arith.mulf %add3A_461, %add3A_461 : vector<16xf32>
      %add3A_464 = arith.addf %mul3A_462, %mul3A_463 : vector<16xf32>
      %eq3A_465 = arith.constant 2 : i32
      %eq3A_466 = vector.broadcast %eq3A_465 : i32 to vector<16xi32>
      %eq3A_467 = arith.cmpi eq, %iota3A, %eq3A_466 : vector<16xi32>
      %reduce_sum3A_468 = arith.constant true
      %reduce_sum3A_469 = vector.broadcast %reduce_sum3A_468 : i1 to vector<16xi1>
      %reduce_sum3A_470 = tpu.scan <sum>, %add3A_464 masked %reduce_sum3A_469 : vector<16xf32>, vector<16xi1> -> vector<16xf32>
      %reduce_sum3A_471 = vector.extract %reduce_sum3A_470[15] : f32 from vector<16xf32>
      %broadcast_in_dim3A_472 = vector.broadcast %reduce_sum3A_471 : f32 to vector<16xf32>
      %select_n3A_473 = arith.select %eq3A_467, %broadcast_in_dim3A_472, %select_n3A_425 : vector<16xi1>, vector<16xf32>
      %add3A_474 = arith.constant 3 : i32
      %add3A_475 = arith.addi %mul3A_333, %add3A_474 : i32
      %get3A_476 = arith.constant 2 : i32
      %get3A_477 = arith.index_cast %get3A_476 : i32 to index
      %get3A_478 = arith.index_cast %add3A_475 : i32 to index
      %get3A_479 = arith.constant 0 : index
      %get3A_480 = tpu.vector_load %arg11[%get3A_477, %get3A_478, %get3A_479] {strides = array<i32>} : memref<4x128x32xf32, #tpu.memory_space<vmem>>, vector<16xf32>,
      %get3A_481 = arith.constant 2 : i32
      %get3A_482 = arith.index_cast %get3A_481 : i32 to index
      %get3A_483 = arith.index_cast %add3A_475 : i32 to index
      %get3A_484 = arith.constant 16 : index
      %get3A_485 = tpu.vector_load %arg11[%get3A_482, %get3A_483, %get3A_484] {strides = array<i32>} : memref<4x128x32xf32, #tpu.memory_space<vmem>>, vector<16xf32>,
      %get3A_486 = arith.constant 2 : i32
      %get3A_487 = arith.index_cast %get3A_486 : i32 to index
      %get3A_488 = arith.index_cast %add3A_475 : i32 to index
      %get3A_489 = arith.constant 0 : index
      %get3A_490 = tpu.vector_load %arg12[%get3A_487, %get3A_488, %get3A_489] {strides = array<i32>} : memref<4x128x32xf32, #tpu.memory_space<vmem>>, vector<16xf32>,
      %get3A_491 = arith.constant 2 : i32
      %get3A_492 = arith.index_cast %get3A_491 : i32 to index
      %get3A_493 = arith.index_cast %add3A_475 : i32 to index
      %get3A_494 = arith.constant 16 : index
      %get3A_495 = tpu.vector_load %arg12[%get3A_492, %get3A_493, %get3A_494] {strides = array<i32>} : memref<4x128x32xf32, #tpu.memory_space<vmem>>, vector<16xf32>,
      %get3A_496 = arith.constant 2 : i32
      %get3A_497 = arith.index_cast %get3A_496 : i32 to index
      %get3A_498 = arith.index_cast %add3A_475 : i32 to index
      %get3A_499 = arith.constant 0 : index
      %get3A_500 = tpu.vector_load %arg13[%get3A_497, %get3A_498, %get3A_499] {strides = array<i32>} : memref<4x128x32xf32, #tpu.memory_space<vmem>>, vector<16xf32>,
      %get3A_501 = arith.constant 2 : i32
      %get3A_502 = arith.index_cast %get3A_501 : i32 to index
      %get3A_503 = arith.index_cast %add3A_475 : i32 to index
      %get3A_504 = arith.constant 16 : index
      %get3A_505 = tpu.vector_load %arg13[%get3A_502, %get3A_503, %get3A_504] {strides = array<i32>} : memref<4x128x32xf32, #tpu.memory_space<vmem>>, vector<16xf32>,
      %sub3A_506 = arith.subf %get3A_480, %get3A_490 : vector<16xf32>
      %add3A_507 = arith.addf %sub3A_506, %get3A_500 : vector<16xf32>
      %sub3A_508 = arith.subf %get3A_485, %get3A_495 : vector<16xf32>
      %add3A_509 = arith.addf %sub3A_508, %get3A_505 : vector<16xf32>
      %mul3A_510 = arith.mulf %add3A_507, %add3A_507 : vector<16xf32>
      %mul3A_511 = arith.mulf %add3A_509, %add3A_509 : vector<16xf32>
      %add3A_512 = arith.addf %mul3A_510, %mul3A_511 : vector<16xf32>
      %eq3A_513 = arith.constant 3 : i32
      %eq3A_514 = vector.broadcast %eq3A_513 : i32 to vector<16xi32>
      %eq3A_515 = arith.cmpi eq, %iota3A, %eq3A_514 : vector<16xi32>
      %reduce_sum3A_516 = arith.constant true
      %reduce_sum3A_517 = vector.broadcast %reduce_sum3A_516 : i1 to vector<16xi1>
      %reduce_sum3A_518 = tpu.scan <sum>, %add3A_512 masked %reduce_sum3A_517 : vector<16xf32>, vector<16xi1> -> vector<16xf32>
      %reduce_sum3A_519 = vector.extract %reduce_sum3A_518[15] : f32 from vector<16xf32>
      %broadcast_in_dim3A_520 = vector.broadcast %reduce_sum3A_519 : f32 to vector<16xf32>
      %select_n3A_521 = arith.select %eq3A_515, %broadcast_in_dim3A_520, %select_n3A_473 : vector<16xi1>, vector<16xf32>
      %add3A_522 = arith.constant 4 : i32
      %add3A_523 = arith.addi %mul3A_333, %add3A_522 : i32
      %get3A_524 = arith.constant 2 : i32
      %get3A_525 = arith.index_cast %get3A_524 : i32 to index
      %get3A_526 = arith.index_cast %add3A_523 : i32 to index
      %get3A_527 = arith.constant 0 : index
      %get3A_528 = tpu.vector_load %arg11[%get3A_525, %get3A_526, %get3A_527] {strides = array<i32>} : memref<4x128x32xf32, #tpu.memory_space<vmem>>, vector<16xf32>,
      %get3A_529 = arith.constant 2 : i32
      %get3A_530 = arith.index_cast %get3A_529 : i32 to index
      %get3A_531 = arith.index_cast %add3A_523 : i32 to index
      %get3A_532 = arith.constant 16 : index
      %get3A_533 = tpu.vector_load %arg11[%get3A_530, %get3A_531, %get3A_532] {strides = array<i32>} : memref<4x128x32xf32, #tpu.memory_space<vmem>>, vector<16xf32>,
      %get3A_534 = arith.constant 2 : i32
      %get3A_535 = arith.index_cast %get3A_534 : i32 to index
      %get3A_536 = arith.index_cast %add3A_523 : i32 to index
      %get3A_537 = arith.constant 0 : index
      %get3A_538 = tpu.vector_load %arg12[%get3A_535, %get3A_536, %get3A_537] {strides = array<i32>} : memref<4x128x32xf32, #tpu.memory_space<vmem>>, vector<16xf32>,
      %get3A_539 = arith.constant 2 : i32
      %get3A_540 = arith.index_cast %get3A_539 : i32 to index
      %get3A_541 = arith.index_cast %add3A_523 : i32 to index
      %get3A_542 = arith.constant 16 : index
      %get3A_543 = tpu.vector_load %arg12[%get3A_540, %get3A_541, %get3A_542] {strides = array<i32>} : memref<4x128x32xf32, #tpu.memory_space<vmem>>, vector<16xf32>,
      %get3A_544 = arith.constant 2 : i32
      %get3A_545 = arith.index_cast %get3A_544 : i32 to index
      %get3A_546 = arith.index_cast %add3A_523 : i32 to index
      %get3A_547 = arith.constant 0 : index
      %get3A_548 = tpu.vector_load %arg13[%get3A_545, %get3A_546, %get3A_547] {strides = array<i32>} : memref<4x128x32xf32, #tpu.memory_space<vmem>>, vector<16xf32>,
      %get3A_549 = arith.constant 2 : i32
      %get3A_550 = arith.index_cast %get3A_549 : i32 to index
      %get3A_551 = arith.index_cast %add3A_523 : i32 to index
      %get3A_552 = arith.constant 16 : index
      %get3A_553 = tpu.vector_load %arg13[%get3A_550, %get3A_551, %get3A_552] {strides = array<i32>} : memref<4x128x32xf32, #tpu.memory_space<vmem>>, vector<16xf32>,
      %sub3A_554 = arith.subf %get3A_528, %get3A_538 : vector<16xf32>
      %add3A_555 = arith.addf %sub3A_554, %get3A_548 : vector<16xf32>
      %sub3A_556 = arith.subf %get3A_533, %get3A_543 : vector<16xf32>
      %add3A_557 = arith.addf %sub3A_556, %get3A_553 : vector<16xf32>
      %mul3A_558 = arith.mulf %add3A_555, %add3A_555 : vector<16xf32>
      %mul3A_559 = arith.mulf %add3A_557, %add3A_557 : vector<16xf32>
      %add3A_560 = arith.addf %mul3A_558, %mul3A_559 : vector<16xf32>
      %eq3A_561 = arith.constant 4 : i32
      %eq3A_562 = vector.broadcast %eq3A_561 : i32 to vector<16xi32>
      %eq3A_563 = arith.cmpi eq, %iota3A, %eq3A_562 : vector<16xi32>
      %reduce_sum3A_564 = arith.constant true
      %reduce_sum3A_565 = vector.broadcast %reduce_sum3A_564 : i1 to vector<16xi1>
      %reduce_sum3A_566 = tpu.scan <sum>, %add3A_560 masked %reduce_sum3A_565 : vector<16xf32>, vector<16xi1> -> vector<16xf32>
      %reduce_sum3A_567 = vector.extract %reduce_sum3A_566[15] : f32 from vector<16xf32>
      %broadcast_in_dim3A_568 = vector.broadcast %reduce_sum3A_567 : f32 to vector<16xf32>
      %select_n3A_569 = arith.select %eq3A_563, %broadcast_in_dim3A_568, %select_n3A_521 : vector<16xi1>, vector<16xf32>
      %add3A_570 = arith.constant 5 : i32
      %add3A_571 = arith.addi %mul3A_333, %add3A_570 : i32
      %get3A_572 = arith.constant 2 : i32
      %get3A_573 = arith.index_cast %get3A_572 : i32 to index
      %get3A_574 = arith.index_cast %add3A_571 : i32 to index
      %get3A_575 = arith.constant 0 : index
      %get3A_576 = tpu.vector_load %arg11[%get3A_573, %get3A_574, %get3A_575] {strides = array<i32>} : memref<4x128x32xf32, #tpu.memory_space<vmem>>, vector<16xf32>,
      %get3A_577 = arith.constant 2 : i32
      %get3A_578 = arith.index_cast %get3A_577 : i32 to index
      %get3A_579 = arith.index_cast %add3A_571 : i32 to index
      %get3A_580 = arith.constant 16 : index
      %get3A_581 = tpu.vector_load %arg11[%get3A_578, %get3A_579, %get3A_580] {strides = array<i32>} : memref<4x128x32xf32, #tpu.memory_space<vmem>>, vector<16xf32>,
      %get3A_582 = arith.constant 2 : i32
      %get3A_583 = arith.index_cast %get3A_582 : i32 to index
      %get3A_584 = arith.index_cast %add3A_571 : i32 to index
      %get3A_585 = arith.constant 0 : index
      %get3A_586 = tpu.vector_load %arg12[%get3A_583, %get3A_584, %get3A_585] {strides = array<i32>} : memref<4x128x32xf32, #tpu.memory_space<vmem>>, vector<16xf32>,
      %get3A_587 = arith.constant 2 : i32
      %get3A_588 = arith.index_cast %get3A_587 : i32 to index
      %get3A_589 = arith.index_cast %add3A_571 : i32 to index
      %get3A_590 = arith.constant 16 : index
      %get3A_591 = tpu.vector_load %arg12[%get3A_588, %get3A_589, %get3A_590] {strides = array<i32>} : memref<4x128x32xf32, #tpu.memory_space<vmem>>, vector<16xf32>,
      %get3A_592 = arith.constant 2 : i32
      %get3A_593 = arith.index_cast %get3A_592 : i32 to index
      %get3A_594 = arith.index_cast %add3A_571 : i32 to index
      %get3A_595 = arith.constant 0 : index
      %get3A_596 = tpu.vector_load %arg13[%get3A_593, %get3A_594, %get3A_595] {strides = array<i32>} : memref<4x128x32xf32, #tpu.memory_space<vmem>>, vector<16xf32>,
      %get3A_597 = arith.constant 2 : i32
      %get3A_598 = arith.index_cast %get3A_597 : i32 to index
      %get3A_599 = arith.index_cast %add3A_571 : i32 to index
      %get3A_600 = arith.constant 16 : index
      %get3A_601 = tpu.vector_load %arg13[%get3A_598, %get3A_599, %get3A_600] {strides = array<i32>} : memref<4x128x32xf32, #tpu.memory_space<vmem>>, vector<16xf32>,
      %sub3A_602 = arith.subf %get3A_576, %get3A_586 : vector<16xf32>
      %add3A_603 = arith.addf %sub3A_602, %get3A_596 : vector<16xf32>
      %sub3A_604 = arith.subf %get3A_581, %get3A_591 : vector<16xf32>
      %add3A_605 = arith.addf %sub3A_604, %get3A_601 : vector<16xf32>
      %mul3A_606 = arith.mulf %add3A_603, %add3A_603 : vector<16xf32>
      %mul3A_607 = arith.mulf %add3A_605, %add3A_605 : vector<16xf32>
      %add3A_608 = arith.addf %mul3A_606, %mul3A_607 : vector<16xf32>
      %eq3A_609 = arith.constant 5 : i32
      %eq3A_610 = vector.broadcast %eq3A_609 : i32 to vector<16xi32>
      %eq3A_611 = arith.cmpi eq, %iota3A, %eq3A_610 : vector<16xi32>
      %reduce_sum3A_612 = arith.constant true
      %reduce_sum3A_613 = vector.broadcast %reduce_sum3A_612 : i1 to vector<16xi1>
      %reduce_sum3A_614 = tpu.scan <sum>, %add3A_608 masked %reduce_sum3A_613 : vector<16xf32>, vector<16xi1> -> vector<16xf32>
      %reduce_sum3A_615 = vector.extract %reduce_sum3A_614[15] : f32 from vector<16xf32>
      %broadcast_in_dim3A_616 = vector.broadcast %reduce_sum3A_615 : f32 to vector<16xf32>
      %select_n3A_617 = arith.select %eq3A_611, %broadcast_in_dim3A_616, %select_n3A_569 : vector<16xi1>, vector<16xf32>
      %add3A_618 = arith.constant 6 : i32
      %add3A_619 = arith.addi %mul3A_333, %add3A_618 : i32
      %get3A_620 = arith.constant 2 : i32
      %get3A_621 = arith.index_cast %get3A_620 : i32 to index
      %get3A_622 = arith.index_cast %add3A_619 : i32 to index
      %get3A_623 = arith.constant 0 : index
      %get3A_624 = tpu.vector_load %arg11[%get3A_621, %get3A_622, %get3A_623] {strides = array<i32>} : memref<4x128x32xf32, #tpu.memory_space<vmem>>, vector<16xf32>,
      %get3A_625 = arith.constant 2 : i32
      %get3A_626 = arith.index_cast %get3A_625 : i32 to index
      %get3A_627 = arith.index_cast %add3A_619 : i32 to index
      %get3A_628 = arith.constant 16 : index
      %get3A_629 = tpu.vector_load %arg11[%get3A_626, %get3A_627, %get3A_628] {strides = array<i32>} : memref<4x128x32xf32, #tpu.memory_space<vmem>>, vector<16xf32>,
      %get3A_630 = arith.constant 2 : i32
      %get3A_631 = arith.index_cast %get3A_630 : i32 to index
      %get3A_632 = arith.index_cast %add3A_619 : i32 to index
      %get3A_633 = arith.constant 0 : index
      %get3A_634 = tpu.vector_load %arg12[%get3A_631, %get3A_632, %get3A_633] {strides = array<i32>} : memref<4x128x32xf32, #tpu.memory_space<vmem>>, vector<16xf32>,
      %get3A_635 = arith.constant 2 : i32
      %get3A_636 = arith.index_cast %get3A_635 : i32 to index
      %get3A_637 = arith.index_cast %add3A_619 : i32 to index
      %get3A_638 = arith.constant 16 : index
      %get3A_639 = tpu.vector_load %arg12[%get3A_636, %get3A_637, %get3A_638] {strides = array<i32>} : memref<4x128x32xf32, #tpu.memory_space<vmem>>, vector<16xf32>,
      %get3A_640 = arith.constant 2 : i32
      %get3A_641 = arith.index_cast %get3A_640 : i32 to index
      %get3A_642 = arith.index_cast %add3A_619 : i32 to index
      %get3A_643 = arith.constant 0 : index
      %get3A_644 = tpu.vector_load %arg13[%get3A_641, %get3A_642, %get3A_643] {strides = array<i32>} : memref<4x128x32xf32, #tpu.memory_space<vmem>>, vector<16xf32>,
      %get3A_645 = arith.constant 2 : i32
      %get3A_646 = arith.index_cast %get3A_645 : i32 to index
      %get3A_647 = arith.index_cast %add3A_619 : i32 to index
      %get3A_648 = arith.constant 16 : index
      %get3A_649 = tpu.vector_load %arg13[%get3A_646, %get3A_647, %get3A_648] {strides = array<i32>} : memref<4x128x32xf32, #tpu.memory_space<vmem>>, vector<16xf32>,
      %sub3A_650 = arith.subf %get3A_624, %get3A_634 : vector<16xf32>
      %add3A_651 = arith.addf %sub3A_650, %get3A_644 : vector<16xf32>
      %sub3A_652 = arith.subf %get3A_629, %get3A_639 : vector<16xf32>
      %add3A_653 = arith.addf %sub3A_652, %get3A_649 : vector<16xf32>
      %mul3A_654 = arith.mulf %add3A_651, %add3A_651 : vector<16xf32>
      %mul3A_655 = arith.mulf %add3A_653, %add3A_653 : vector<16xf32>
      %add3A_656 = arith.addf %mul3A_654, %mul3A_655 : vector<16xf32>
      %eq3A_657 = arith.constant 6 : i32
      %eq3A_658 = vector.broadcast %eq3A_657 : i32 to vector<16xi32>
      %eq3A_659 = arith.cmpi eq, %iota3A, %eq3A_658 : vector<16xi32>
      %reduce_sum3A_660 = arith.constant true
      %reduce_sum3A_661 = vector.broadcast %reduce_sum3A_660 : i1 to vector<16xi1>
      %reduce_sum3A_662 = tpu.scan <sum>, %add3A_656 masked %reduce_sum3A_661 : vector<16xf32>, vector<16xi1> -> vector<16xf32>
      %reduce_sum3A_663 = vector.extract %reduce_sum3A_662[15] : f32 from vector<16xf32>
      %broadcast_in_dim3A_664 = vector.broadcast %reduce_sum3A_663 : f32 to vector<16xf32>
      %select_n3A_665 = arith.select %eq3A_659, %broadcast_in_dim3A_664, %select_n3A_617 : vector<16xi1>, vector<16xf32>
      %add3A_666 = arith.constant 7 : i32
      %add3A_667 = arith.addi %mul3A_333, %add3A_666 : i32
      %get3A_668 = arith.constant 2 : i32
      %get3A_669 = arith.index_cast %get3A_668 : i32 to index
      %get3A_670 = arith.index_cast %add3A_667 : i32 to index
      %get3A_671 = arith.constant 0 : index
      %get3A_672 = tpu.vector_load %arg11[%get3A_669, %get3A_670, %get3A_671] {strides = array<i32>} : memref<4x128x32xf32, #tpu.memory_space<vmem>>, vector<16xf32>,
      %get3A_673 = arith.constant 2 : i32
      %get3A_674 = arith.index_cast %get3A_673 : i32 to index
      %get3A_675 = arith.index_cast %add3A_667 : i32 to index
      %get3A_676 = arith.constant 16 : index
      %get3A_677 = tpu.vector_load %arg11[%get3A_674, %get3A_675, %get3A_676] {strides = array<i32>} : memref<4x128x32xf32, #tpu.memory_space<vmem>>, vector<16xf32>,
      %get3A_678 = arith.constant 2 : i32
      %get3A_679 = arith.index_cast %get3A_678 : i32 to index
      %get3A_680 = arith.index_cast %add3A_667 : i32 to index
      %get3A_681 = arith.constant 0 : index
      %get3A_682 = tpu.vector_load %arg12[%get3A_679, %get3A_680, %get3A_681] {strides = array<i32>} : memref<4x128x32xf32, #tpu.memory_space<vmem>>, vector<16xf32>,
      %get3A_683 = arith.constant 2 : i32
      %get3A_684 = arith.index_cast %get3A_683 : i32 to index
      %get3A_685 = arith.index_cast %add3A_667 : i32 to index
      %get3A_686 = arith.constant 16 : index
      %get3A_687 = tpu.vector_load %arg12[%get3A_684, %get3A_685, %get3A_686] {strides = array<i32>} : memref<4x128x32xf32, #tpu.memory_space<vmem>>, vector<16xf32>,
      %get3A_688 = arith.constant 2 : i32
      %get3A_689 = arith.index_cast %get3A_688 : i32 to index
      %get3A_690 = arith.index_cast %add3A_667 : i32 to index
      %get3A_691 = arith.constant 0 : index
      %get3A_692 = tpu.vector_load %arg13[%get3A_689, %get3A_690, %get3A_691] {strides = array<i32>} : memref<4x128x32xf32, #tpu.memory_space<vmem>>, vector<16xf32>,
      %get3A_693 = arith.constant 2 : i32
      %get3A_694 = arith.index_cast %get3A_693 : i32 to index
      %get3A_695 = arith.index_cast %add3A_667 : i32 to index
      %get3A_696 = arith.constant 16 : index
      %get3A_697 = tpu.vector_load %arg13[%get3A_694, %get3A_695, %get3A_696] {strides = array<i32>} : memref<4x128x32xf32, #tpu.memory_space<vmem>>, vector<16xf32>,
      %sub3A_698 = arith.subf %get3A_672, %get3A_682 : vector<16xf32>
      %add3A_699 = arith.addf %sub3A_698, %get3A_692 : vector<16xf32>
      %sub3A_700 = arith.subf %get3A_677, %get3A_687 : vector<16xf32>
      %add3A_701 = arith.addf %sub3A_700, %get3A_697 : vector<16xf32>
      %mul3A_702 = arith.mulf %add3A_699, %add3A_699 : vector<16xf32>
      %mul3A_703 = arith.mulf %add3A_701, %add3A_701 : vector<16xf32>
      %add3A_704 = arith.addf %mul3A_702, %mul3A_703 : vector<16xf32>
      %eq3A_705 = arith.constant 7 : i32
      %eq3A_706 = vector.broadcast %eq3A_705 : i32 to vector<16xi32>
      %eq3A_707 = arith.cmpi eq, %iota3A, %eq3A_706 : vector<16xi32>
      %reduce_sum3A_708 = arith.constant true
      %reduce_sum3A_709 = vector.broadcast %reduce_sum3A_708 : i1 to vector<16xi1>
      %reduce_sum3A_710 = tpu.scan <sum>, %add3A_704 masked %reduce_sum3A_709 : vector<16xf32>, vector<16xi1> -> vector<16xf32>
      %reduce_sum3A_711 = vector.extract %reduce_sum3A_710[15] : f32 from vector<16xf32>
      %broadcast_in_dim3A_712 = vector.broadcast %reduce_sum3A_711 : f32 to vector<16xf32>
      %select_n3A_713 = arith.select %eq3A_707, %broadcast_in_dim3A_712, %select_n3A_665 : vector<16xi1>, vector<16xf32>
      %add3A_714 = arith.constant 8 : i32
      %add3A_715 = arith.addi %mul3A_333, %add3A_714 : i32
      %get3A_716 = arith.constant 2 : i32
      %get3A_717 = arith.index_cast %get3A_716 : i32 to index
      %get3A_718 = arith.index_cast %add3A_715 : i32 to index
      %get3A_719 = arith.constant 0 : index
      %get3A_720 = tpu.vector_load %arg11[%get3A_717, %get3A_718, %get3A_719] {strides = array<i32>} : memref<4x128x32xf32, #tpu.memory_space<vmem>>, vector<16xf32>,
      %get3A_721 = arith.constant 2 : i32
      %get3A_722 = arith.index_cast %get3A_721 : i32 to index
      %get3A_723 = arith.index_cast %add3A_715 : i32 to index
      %get3A_724 = arith.constant 16 : index
      %get3A_725 = tpu.vector_load %arg11[%get3A_722, %get3A_723, %get3A_724] {strides = array<i32>} : memref<4x128x32xf32, #tpu.memory_space<vmem>>, vector<16xf32>,
      %get3A_726 = arith.constant 2 : i32
      %get3A_727 = arith.index_cast %get3A_726 : i32 to index
      %get3A_728 = arith.index_cast %add3A_715 : i32 to index
      %get3A_729 = arith.constant 0 : index
      %get3A_730 = tpu.vector_load %arg12[%get3A_727, %get3A_728, %get3A_729] {strides = array<i32>} : memref<4x128x32xf32, #tpu.memory_space<vmem>>, vector<16xf32>,
      %get3A_731 = arith.constant 2 : i32
      %get3A_732 = arith.index_cast %get3A_731 : i32 to index
      %get3A_733 = arith.index_cast %add3A_715 : i32 to index
      %get3A_734 = arith.constant 16 : index
      %get3A_735 = tpu.vector_load %arg12[%get3A_732, %get3A_733, %get3A_734] {strides = array<i32>} : memref<4x128x32xf32, #tpu.memory_space<vmem>>, vector<16xf32>,
      %get3A_736 = arith.constant 2 : i32
      %get3A_737 = arith.index_cast %get3A_736 : i32 to index
      %get3A_738 = arith.index_cast %add3A_715 : i32 to index
      %get3A_739 = arith.constant 0 : index
      %get3A_740 = tpu.vector_load %arg13[%get3A_737, %get3A_738, %get3A_739] {strides = array<i32>} : memref<4x128x32xf32, #tpu.memory_space<vmem>>, vector<16xf32>,
      %get3A_741 = arith.constant 2 : i32
      %get3A_742 = arith.index_cast %get3A_741 : i32 to index
      %get3A_743 = arith.index_cast %add3A_715 : i32 to index
      %get3A_744 = arith.constant 16 : index
      %get3A_745 = tpu.vector_load %arg13[%get3A_742, %get3A_743, %get3A_744] {strides = array<i32>} : memref<4x128x32xf32, #tpu.memory_space<vmem>>, vector<16xf32>,
      %sub3A_746 = arith.subf %get3A_720, %get3A_730 : vector<16xf32>
      %add3A_747 = arith.addf %sub3A_746, %get3A_740 : vector<16xf32>
      %sub3A_748 = arith.subf %get3A_725, %get3A_735 : vector<16xf32>
      %add3A_749 = arith.addf %sub3A_748, %get3A_745 : vector<16xf32>
      %mul3A_750 = arith.mulf %add3A_747, %add3A_747 : vector<16xf32>
      %mul3A_751 = arith.mulf %add3A_749, %add3A_749 : vector<16xf32>
      %add3A_752 = arith.addf %mul3A_750, %mul3A_751 : vector<16xf32>
      %eq3A_753 = arith.constant 8 : i32
      %eq3A_754 = vector.broadcast %eq3A_753 : i32 to vector<16xi32>
      %eq3A_755 = arith.cmpi eq, %iota3A, %eq3A_754 : vector<16xi32>
      %reduce_sum3A_756 = arith.constant true
      %reduce_sum3A_757 = vector.broadcast %reduce_sum3A_756 : i1 to vector<16xi1>
      %reduce_sum3A_758 = tpu.scan <sum>, %add3A_752 masked %reduce_sum3A_757 : vector<16xf32>, vector<16xi1> -> vector<16xf32>
      %reduce_sum3A_759 = vector.extract %reduce_sum3A_758[15] : f32 from vector<16xf32>
      %broadcast_in_dim3A_760 = vector.broadcast %reduce_sum3A_759 : f32 to vector<16xf32>
      %select_n3A_761 = arith.select %eq3A_755, %broadcast_in_dim3A_760, %select_n3A_713 : vector<16xi1>, vector<16xf32>
      %add3A_762 = arith.constant 9 : i32
      %add3A_763 = arith.addi %mul3A_333, %add3A_762 : i32
      %get3A_764 = arith.constant 2 : i32
      %get3A_765 = arith.index_cast %get3A_764 : i32 to index
      %get3A_766 = arith.index_cast %add3A_763 : i32 to index
      %get3A_767 = arith.constant 0 : index
      %get3A_768 = tpu.vector_load %arg11[%get3A_765, %get3A_766, %get3A_767] {strides = array<i32>} : memref<4x128x32xf32, #tpu.memory_space<vmem>>, vector<16xf32>,
      %get3A_769 = arith.constant 2 : i32
      %get3A_770 = arith.index_cast %get3A_769 : i32 to index
      %get3A_771 = arith.index_cast %add3A_763 : i32 to index
      %get3A_772 = arith.constant 16 : index
      %get3A_773 = tpu.vector_load %arg11[%get3A_770, %get3A_771, %get3A_772] {strides = array<i32>} : memref<4x128x32xf32, #tpu.memory_space<vmem>>, vector<16xf32>,
      %get3A_774 = arith.constant 2 : i32
      %get3A_775 = arith.index_cast %get3A_774 : i32 to index
      %get3A_776 = arith.index_cast %add3A_763 : i32 to index
      %get3A_777 = arith.constant 0 : index
      %get3A_778 = tpu.vector_load %arg12[%get3A_775, %get3A_776, %get3A_777] {strides = array<i32>} : memref<4x128x32xf32, #tpu.memory_space<vmem>>, vector<16xf32>,
      %get3A_779 = arith.constant 2 : i32
      %get3A_780 = arith.index_cast %get3A_779 : i32 to index
      %get3A_781 = arith.index_cast %add3A_763 : i32 to index
      %get3A_782 = arith.constant 16 : index
      %get3A_783 = tpu.vector_load %arg12[%get3A_780, %get3A_781, %get3A_782] {strides = array<i32>} : memref<4x128x32xf32, #tpu.memory_space<vmem>>, vector<16xf32>,
      %get3A_784 = arith.constant 2 : i32
      %get3A_785 = arith.index_cast %get3A_784 : i32 to index
      %get3A_786 = arith.index_cast %add3A_763 : i32 to index
      %get3A_787 = arith.constant 0 : index
      %get3A_788 = tpu.vector_load %arg13[%get3A_785, %get3A_786, %get3A_787] {strides = array<i32>} : memref<4x128x32xf32, #tpu.memory_space<vmem>>, vector<16xf32>,
      %get3A_789 = arith.constant 2 : i32
      %get3A_790 = arith.index_cast %get3A_789 : i32 to index
      %get3A_791 = arith.index_cast %add3A_763 : i32 to index
      %get3A_792 = arith.constant 16 : index
      %get3A_793 = tpu.vector_load %arg13[%get3A_790, %get3A_791, %get3A_792] {strides = array<i32>} : memref<4x128x32xf32, #tpu.memory_space<vmem>>, vector<16xf32>,
      %sub3A_794 = arith.subf %get3A_768, %get3A_778 : vector<16xf32>
      %add3A_795 = arith.addf %sub3A_794, %get3A_788 : vector<16xf32>
      %sub3A_796 = arith.subf %get3A_773, %get3A_783 : vector<16xf32>
      %add3A_797 = arith.addf %sub3A_796, %get3A_793 : vector<16xf32>
      %mul3A_798 = arith.mulf %add3A_795, %add3A_795 : vector<16xf32>
      %mul3A_799 = arith.mulf %add3A_797, %add3A_797 : vector<16xf32>
      %add3A_800 = arith.addf %mul3A_798, %mul3A_799 : vector<16xf32>
      %eq3A_801 = arith.constant 9 : i32
      %eq3A_802 = vector.broadcast %eq3A_801 : i32 to vector<16xi32>
      %eq3A_803 = arith.cmpi eq, %iota3A, %eq3A_802 : vector<16xi32>
      %reduce_sum3A_804 = arith.constant true
      %reduce_sum3A_805 = vector.broadcast %reduce_sum3A_804 : i1 to vector<16xi1>
      %reduce_sum3A_806 = tpu.scan <sum>, %add3A_800 masked %reduce_sum3A_805 : vector<16xf32>, vector<16xi1> -> vector<16xf32>
      %reduce_sum3A_807 = vector.extract %reduce_sum3A_806[15] : f32 from vector<16xf32>
      %broadcast_in_dim3A_808 = vector.broadcast %reduce_sum3A_807 : f32 to vector<16xf32>
      %select_n3A_809 = arith.select %eq3A_803, %broadcast_in_dim3A_808, %select_n3A_761 : vector<16xi1>, vector<16xf32>
      %add3A_810 = arith.constant 10 : i32
      %add3A_811 = arith.addi %mul3A_333, %add3A_810 : i32
      %get3A_812 = arith.constant 2 : i32
      %get3A_813 = arith.index_cast %get3A_812 : i32 to index
      %get3A_814 = arith.index_cast %add3A_811 : i32 to index
      %get3A_815 = arith.constant 0 : index
      %get3A_816 = tpu.vector_load %arg11[%get3A_813, %get3A_814, %get3A_815] {strides = array<i32>} : memref<4x128x32xf32, #tpu.memory_space<vmem>>, vector<16xf32>,
      %get3A_817 = arith.constant 2 : i32
      %get3A_818 = arith.index_cast %get3A_817 : i32 to index
      %get3A_819 = arith.index_cast %add3A_811 : i32 to index
      %get3A_820 = arith.constant 16 : index
      %get3A_821 = tpu.vector_load %arg11[%get3A_818, %get3A_819, %get3A_820] {strides = array<i32>} : memref<4x128x32xf32, #tpu.memory_space<vmem>>, vector<16xf32>,
      %get3A_822 = arith.constant 2 : i32
      %get3A_823 = arith.index_cast %get3A_822 : i32 to index
      %get3A_824 = arith.index_cast %add3A_811 : i32 to index
      %get3A_825 = arith.constant 0 : index
      %get3A_826 = tpu.vector_load %arg12[%get3A_823, %get3A_824, %get3A_825] {strides = array<i32>} : memref<4x128x32xf32, #tpu.memory_space<vmem>>, vector<16xf32>,
      %get3A_827 = arith.constant 2 : i32
      %get3A_828 = arith.index_cast %get3A_827 : i32 to index
      %get3A_829 = arith.index_cast %add3A_811 : i32 to index
      %get3A_830 = arith.constant 16 : index
      %get3A_831 = tpu.vector_load %arg12[%get3A_828, %get3A_829, %get3A_830] {strides = array<i32>} : memref<4x128x32xf32, #tpu.memory_space<vmem>>, vector<16xf32>,
      %get3A_832 = arith.constant 2 : i32
      %get3A_833 = arith.index_cast %get3A_832 : i32 to index
      %get3A_834 = arith.index_cast %add3A_811 : i32 to index
      %get3A_835 = arith.constant 0 : index
      %get3A_836 = tpu.vector_load %arg13[%get3A_833, %get3A_834, %get3A_835] {strides = array<i32>} : memref<4x128x32xf32, #tpu.memory_space<vmem>>, vector<16xf32>,
      %get3A_837 = arith.constant 2 : i32
      %get3A_838 = arith.index_cast %get3A_837 : i32 to index
      %get3A_839 = arith.index_cast %add3A_811 : i32 to index
      %get3A_840 = arith.constant 16 : index
      %get3A_841 = tpu.vector_load %arg13[%get3A_838, %get3A_839, %get3A_840] {strides = array<i32>} : memref<4x128x32xf32, #tpu.memory_space<vmem>>, vector<16xf32>,
      %sub3A_842 = arith.subf %get3A_816, %get3A_826 : vector<16xf32>
      %add3A_843 = arith.addf %sub3A_842, %get3A_836 : vector<16xf32>
      %sub3A_844 = arith.subf %get3A_821, %get3A_831 : vector<16xf32>
      %add3A_845 = arith.addf %sub3A_844, %get3A_841 : vector<16xf32>
      %mul3A_846 = arith.mulf %add3A_843, %add3A_843 : vector<16xf32>
      %mul3A_847 = arith.mulf %add3A_845, %add3A_845 : vector<16xf32>
      %add3A_848 = arith.addf %mul3A_846, %mul3A_847 : vector<16xf32>
      %eq3A_849 = arith.constant 10 : i32
      %eq3A_850 = vector.broadcast %eq3A_849 : i32 to vector<16xi32>
      %eq3A_851 = arith.cmpi eq, %iota3A, %eq3A_850 : vector<16xi32>
      %reduce_sum3A_852 = arith.constant true
      %reduce_sum3A_853 = vector.broadcast %reduce_sum3A_852 : i1 to vector<16xi1>
      %reduce_sum3A_854 = tpu.scan <sum>, %add3A_848 masked %reduce_sum3A_853 : vector<16xf32>, vector<16xi1> -> vector<16xf32>
      %reduce_sum3A_855 = vector.extract %reduce_sum3A_854[15] : f32 from vector<16xf32>
      %broadcast_in_dim3A_856 = vector.broadcast %reduce_sum3A_855 : f32 to vector<16xf32>
      %select_n3A_857 = arith.select %eq3A_851, %broadcast_in_dim3A_856, %select_n3A_809 : vector<16xi1>, vector<16xf32>
      %add3A_858 = arith.constant 11 : i32
      %add3A_859 = arith.addi %mul3A_333, %add3A_858 : i32
      %get3A_860 = arith.constant 2 : i32
      %get3A_861 = arith.index_cast %get3A_860 : i32 to index
      %get3A_862 = arith.index_cast %add3A_859 : i32 to index
      %get3A_863 = arith.constant 0 : index
      %get3A_864 = tpu.vector_load %arg11[%get3A_861, %get3A_862, %get3A_863] {strides = array<i32>} : memref<4x128x32xf32, #tpu.memory_space<vmem>>, vector<16xf32>,
      %get3A_865 = arith.constant 2 : i32
      %get3A_866 = arith.index_cast %get3A_865 : i32 to index
      %get3A_867 = arith.index_cast %add3A_859 : i32 to index
      %get3A_868 = arith.constant 16 : index
      %get3A_869 = tpu.vector_load %arg11[%get3A_866, %get3A_867, %get3A_868] {strides = array<i32>} : memref<4x128x32xf32, #tpu.memory_space<vmem>>, vector<16xf32>,
      %get3A_870 = arith.constant 2 : i32
      %get3A_871 = arith.index_cast %get3A_870 : i32 to index
      %get3A_872 = arith.index_cast %add3A_859 : i32 to index
      %get3A_873 = arith.constant 0 : index
      %get3A_874 = tpu.vector_load %arg12[%get3A_871, %get3A_872, %get3A_873] {strides = array<i32>} : memref<4x128x32xf32, #tpu.memory_space<vmem>>, vector<16xf32>,
      %get3A_875 = arith.constant 2 : i32
      %get3A_876 = arith.index_cast %get3A_875 : i32 to index
      %get3A_877 = arith.index_cast %add3A_859 : i32 to index
      %get3A_878 = arith.constant 16 : index
      %get3A_879 = tpu.vector_load %arg12[%get3A_876, %get3A_877, %get3A_878] {strides = array<i32>} : memref<4x128x32xf32, #tpu.memory_space<vmem>>, vector<16xf32>,
      %get3A_880 = arith.constant 2 : i32
      %get3A_881 = arith.index_cast %get3A_880 : i32 to index
      %get3A_882 = arith.index_cast %add3A_859 : i32 to index
      %get3A_883 = arith.constant 0 : index
      %get3A_884 = tpu.vector_load %arg13[%get3A_881, %get3A_882, %get3A_883] {strides = array<i32>} : memref<4x128x32xf32, #tpu.memory_space<vmem>>, vector<16xf32>,
      %get3A_885 = arith.constant 2 : i32
      %get3A_886 = arith.index_cast %get3A_885 : i32 to index
      %get3A_887 = arith.index_cast %add3A_859 : i32 to index
      %get3A_888 = arith.constant 16 : index
      %get3A_889 = tpu.vector_load %arg13[%get3A_886, %get3A_887, %get3A_888] {strides = array<i32>} : memref<4x128x32xf32, #tpu.memory_space<vmem>>, vector<16xf32>,
      %sub3A_890 = arith.subf %get3A_864, %get3A_874 : vector<16xf32>
      %add3A_891 = arith.addf %sub3A_890, %get3A_884 : vector<16xf32>
      %sub3A_892 = arith.subf %get3A_869, %get3A_879 : vector<16xf32>
      %add3A_893 = arith.addf %sub3A_892, %get3A_889 : vector<16xf32>
      %mul3A_894 = arith.mulf %add3A_891, %add3A_891 : vector<16xf32>
      %mul3A_895 = arith.mulf %add3A_893, %add3A_893 : vector<16xf32>
      %add3A_896 = arith.addf %mul3A_894, %mul3A_895 : vector<16xf32>
      %eq3A_897 = arith.constant 11 : i32
      %eq3A_898 = vector.broadcast %eq3A_897 : i32 to vector<16xi32>
      %eq3A_899 = arith.cmpi eq, %iota3A, %eq3A_898 : vector<16xi32>
      %reduce_sum3A_900 = arith.constant true
      %reduce_sum3A_901 = vector.broadcast %reduce_sum3A_900 : i1 to vector<16xi1>
      %reduce_sum3A_902 = tpu.scan <sum>, %add3A_896 masked %reduce_sum3A_901 : vector<16xf32>, vector<16xi1> -> vector<16xf32>
      %reduce_sum3A_903 = vector.extract %reduce_sum3A_902[15] : f32 from vector<16xf32>
      %broadcast_in_dim3A_904 = vector.broadcast %reduce_sum3A_903 : f32 to vector<16xf32>
      %select_n3A_905 = arith.select %eq3A_899, %broadcast_in_dim3A_904, %select_n3A_857 : vector<16xi1>, vector<16xf32>
      %add3A_906 = arith.constant 12 : i32
      %add3A_907 = arith.addi %mul3A_333, %add3A_906 : i32
      %get3A_908 = arith.constant 2 : i32
      %get3A_909 = arith.index_cast %get3A_908 : i32 to index
      %get3A_910 = arith.index_cast %add3A_907 : i32 to index
      %get3A_911 = arith.constant 0 : index
      %get3A_912 = tpu.vector_load %arg11[%get3A_909, %get3A_910, %get3A_911] {strides = array<i32>} : memref<4x128x32xf32, #tpu.memory_space<vmem>>, vector<16xf32>,
      %get3A_913 = arith.constant 2 : i32
      %get3A_914 = arith.index_cast %get3A_913 : i32 to index
      %get3A_915 = arith.index_cast %add3A_907 : i32 to index
      %get3A_916 = arith.constant 16 : index
      %get3A_917 = tpu.vector_load %arg11[%get3A_914, %get3A_915, %get3A_916] {strides = array<i32>} : memref<4x128x32xf32, #tpu.memory_space<vmem>>, vector<16xf32>,
      %get3A_918 = arith.constant 2 : i32
      %get3A_919 = arith.index_cast %get3A_918 : i32 to index
      %get3A_920 = arith.index_cast %add3A_907 : i32 to index
      %get3A_921 = arith.constant 0 : index
      %get3A_922 = tpu.vector_load %arg12[%get3A_919, %get3A_920, %get3A_921] {strides = array<i32>} : memref<4x128x32xf32, #tpu.memory_space<vmem>>, vector<16xf32>,
      %get3A_923 = arith.constant 2 : i32
      %get3A_924 = arith.index_cast %get3A_923 : i32 to index
      %get3A_925 = arith.index_cast %add3A_907 : i32 to index
      %get3A_926 = arith.constant 16 : index
      %get3A_927 = tpu.vector_load %arg12[%get3A_924, %get3A_925, %get3A_926] {strides = array<i32>} : memref<4x128x32xf32, #tpu.memory_space<vmem>>, vector<16xf32>,
      %get3A_928 = arith.constant 2 : i32
      %get3A_929 = arith.index_cast %get3A_928 : i32 to index
      %get3A_930 = arith.index_cast %add3A_907 : i32 to index
      %get3A_931 = arith.constant 0 : index
      %get3A_932 = tpu.vector_load %arg13[%get3A_929, %get3A_930, %get3A_931] {strides = array<i32>} : memref<4x128x32xf32, #tpu.memory_space<vmem>>, vector<16xf32>,
      %get3A_933 = arith.constant 2 : i32
      %get3A_934 = arith.index_cast %get3A_933 : i32 to index
      %get3A_935 = arith.index_cast %add3A_907 : i32 to index
      %get3A_936 = arith.constant 16 : index
      %get3A_937 = tpu.vector_load %arg13[%get3A_934, %get3A_935, %get3A_936] {strides = array<i32>} : memref<4x128x32xf32, #tpu.memory_space<vmem>>, vector<16xf32>,
      %sub3A_938 = arith.subf %get3A_912, %get3A_922 : vector<16xf32>
      %add3A_939 = arith.addf %sub3A_938, %get3A_932 : vector<16xf32>
      %sub3A_940 = arith.subf %get3A_917, %get3A_927 : vector<16xf32>
      %add3A_941 = arith.addf %sub3A_940, %get3A_937 : vector<16xf32>
      %mul3A_942 = arith.mulf %add3A_939, %add3A_939 : vector<16xf32>
      %mul3A_943 = arith.mulf %add3A_941, %add3A_941 : vector<16xf32>
      %add3A_944 = arith.addf %mul3A_942, %mul3A_943 : vector<16xf32>
      %eq3A_945 = arith.constant 12 : i32
      %eq3A_946 = vector.broadcast %eq3A_945 : i32 to vector<16xi32>
      %eq3A_947 = arith.cmpi eq, %iota3A, %eq3A_946 : vector<16xi32>
      %reduce_sum3A_948 = arith.constant true
      %reduce_sum3A_949 = vector.broadcast %reduce_sum3A_948 : i1 to vector<16xi1>
      %reduce_sum3A_950 = tpu.scan <sum>, %add3A_944 masked %reduce_sum3A_949 : vector<16xf32>, vector<16xi1> -> vector<16xf32>
      %reduce_sum3A_951 = vector.extract %reduce_sum3A_950[15] : f32 from vector<16xf32>
      %broadcast_in_dim3A_952 = vector.broadcast %reduce_sum3A_951 : f32 to vector<16xf32>
      %select_n3A_953 = arith.select %eq3A_947, %broadcast_in_dim3A_952, %select_n3A_905 : vector<16xi1>, vector<16xf32>
      %add3A_954 = arith.constant 13 : i32
      %add3A_955 = arith.addi %mul3A_333, %add3A_954 : i32
      %get3A_956 = arith.constant 2 : i32
      %get3A_957 = arith.index_cast %get3A_956 : i32 to index
      %get3A_958 = arith.index_cast %add3A_955 : i32 to index
      %get3A_959 = arith.constant 0 : index
      %get3A_960 = tpu.vector_load %arg11[%get3A_957, %get3A_958, %get3A_959] {strides = array<i32>} : memref<4x128x32xf32, #tpu.memory_space<vmem>>, vector<16xf32>,
      %get3A_961 = arith.constant 2 : i32
      %get3A_962 = arith.index_cast %get3A_961 : i32 to index
      %get3A_963 = arith.index_cast %add3A_955 : i32 to index
      %get3A_964 = arith.constant 16 : index
      %get3A_965 = tpu.vector_load %arg11[%get3A_962, %get3A_963, %get3A_964] {strides = array<i32>} : memref<4x128x32xf32, #tpu.memory_space<vmem>>, vector<16xf32>,
      %get3A_966 = arith.constant 2 : i32
      %get3A_967 = arith.index_cast %get3A_966 : i32 to index
      %get3A_968 = arith.index_cast %add3A_955 : i32 to index
      %get3A_969 = arith.constant 0 : index
      %get3A_970 = tpu.vector_load %arg12[%get3A_967, %get3A_968, %get3A_969] {strides = array<i32>} : memref<4x128x32xf32, #tpu.memory_space<vmem>>, vector<16xf32>,
      %get3A_971 = arith.constant 2 : i32
      %get3A_972 = arith.index_cast %get3A_971 : i32 to index
      %get3A_973 = arith.index_cast %add3A_955 : i32 to index
      %get3A_974 = arith.constant 16 : index
      %get3A_975 = tpu.vector_load %arg12[%get3A_972, %get3A_973, %get3A_974] {strides = array<i32>} : memref<4x128x32xf32, #tpu.memory_space<vmem>>, vector<16xf32>,
      %get3A_976 = arith.constant 2 : i32
      %get3A_977 = arith.index_cast %get3A_976 : i32 to index
      %get3A_978 = arith.index_cast %add3A_955 : i32 to index
      %get3A_979 = arith.constant 0 : index
      %get3A_980 = tpu.vector_load %arg13[%get3A_977, %get3A_978, %get3A_979] {strides = array<i32>} : memref<4x128x32xf32, #tpu.memory_space<vmem>>, vector<16xf32>,
      %get3A_981 = arith.constant 2 : i32
      %get3A_982 = arith.index_cast %get3A_981 : i32 to index
      %get3A_983 = arith.index_cast %add3A_955 : i32 to index
      %get3A_984 = arith.constant 16 : index
      %get3A_985 = tpu.vector_load %arg13[%get3A_982, %get3A_983, %get3A_984] {strides = array<i32>} : memref<4x128x32xf32, #tpu.memory_space<vmem>>, vector<16xf32>,
      %sub3A_986 = arith.subf %get3A_960, %get3A_970 : vector<16xf32>
      %add3A_987 = arith.addf %sub3A_986, %get3A_980 : vector<16xf32>
      %sub3A_988 = arith.subf %get3A_965, %get3A_975 : vector<16xf32>
      %add3A_989 = arith.addf %sub3A_988, %get3A_985 : vector<16xf32>
      %mul3A_990 = arith.mulf %add3A_987, %add3A_987 : vector<16xf32>
      %mul3A_991 = arith.mulf %add3A_989, %add3A_989 : vector<16xf32>
      %add3A_992 = arith.addf %mul3A_990, %mul3A_991 : vector<16xf32>
      %eq3A_993 = arith.constant 13 : i32
      %eq3A_994 = vector.broadcast %eq3A_993 : i32 to vector<16xi32>
      %eq3A_995 = arith.cmpi eq, %iota3A, %eq3A_994 : vector<16xi32>
      %reduce_sum3A_996 = arith.constant true
      %reduce_sum3A_997 = vector.broadcast %reduce_sum3A_996 : i1 to vector<16xi1>
      %reduce_sum3A_998 = tpu.scan <sum>, %add3A_992 masked %reduce_sum3A_997 : vector<16xf32>, vector<16xi1> -> vector<16xf32>
      %reduce_sum3A_999 = vector.extract %reduce_sum3A_998[15] : f32 from vector<16xf32>
      %broadcast_in_dim3A_1000 = vector.broadcast %reduce_sum3A_999 : f32 to vector<16xf32>
      %select_n3A_1001 = arith.select %eq3A_995, %broadcast_in_dim3A_1000, %select_n3A_953 : vector<16xi1>, vector<16xf32>
      %add3A_1002 = arith.constant 14 : i32
      %add3A_1003 = arith.addi %mul3A_333, %add3A_1002 : i32
      %get3A_1004 = arith.constant 2 : i32
      %get3A_1005 = arith.index_cast %get3A_1004 : i32 to index
      %get3A_1006 = arith.index_cast %add3A_1003 : i32 to index
      %get3A_1007 = arith.constant 0 : index
      %get3A_1008 = tpu.vector_load %arg11[%get3A_1005, %get3A_1006, %get3A_1007] {strides = array<i32>} : memref<4x128x32xf32, #tpu.memory_space<vmem>>, vector<16xf32>,
      %get3A_1009 = arith.constant 2 : i32
      %get3A_1010 = arith.index_cast %get3A_1009 : i32 to index
      %get3A_1011 = arith.index_cast %add3A_1003 : i32 to index
      %get3A_1012 = arith.constant 16 : index
      %get3A_1013 = tpu.vector_load %arg11[%get3A_1010, %get3A_1011, %get3A_1012] {strides = array<i32>} : memref<4x128x32xf32, #tpu.memory_space<vmem>>, vector<16xf32>,
      %get3A_1014 = arith.constant 2 : i32
      %get3A_1015 = arith.index_cast %get3A_1014 : i32 to index
      %get3A_1016 = arith.index_cast %add3A_1003 : i32 to index
      %get3A_1017 = arith.constant 0 : index
      %get3A_1018 = tpu.vector_load %arg12[%get3A_1015, %get3A_1016, %get3A_1017] {strides = array<i32>} : memref<4x128x32xf32, #tpu.memory_space<vmem>>, vector<16xf32>,
      %get3A_1019 = arith.constant 2 : i32
      %get3A_1020 = arith.index_cast %get3A_1019 : i32 to index
      %get3A_1021 = arith.index_cast %add3A_1003 : i32 to index
      %get3A_1022 = arith.constant 16 : index
      %get3A_1023 = tpu.vector_load %arg12[%get3A_1020, %get3A_1021, %get3A_1022] {strides = array<i32>} : memref<4x128x32xf32, #tpu.memory_space<vmem>>, vector<16xf32>,
      %get3A_1024 = arith.constant 2 : i32
      %get3A_1025 = arith.index_cast %get3A_1024 : i32 to index
      %get3A_1026 = arith.index_cast %add3A_1003 : i32 to index
      %get3A_1027 = arith.constant 0 : index
      %get3A_1028 = tpu.vector_load %arg13[%get3A_1025, %get3A_1026, %get3A_1027] {strides = array<i32>} : memref<4x128x32xf32, #tpu.memory_space<vmem>>, vector<16xf32>,
      %get3A_1029 = arith.constant 2 : i32
      %get3A_1030 = arith.index_cast %get3A_1029 : i32 to index
      %get3A_1031 = arith.index_cast %add3A_1003 : i32 to index
      %get3A_1032 = arith.constant 16 : index
      %get3A_1033 = tpu.vector_load %arg13[%get3A_1030, %get3A_1031, %get3A_1032] {strides = array<i32>} : memref<4x128x32xf32, #tpu.memory_space<vmem>>, vector<16xf32>,
      %sub3A_1034 = arith.subf %get3A_1008, %get3A_1018 : vector<16xf32>
      %add3A_1035 = arith.addf %sub3A_1034, %get3A_1028 : vector<16xf32>
      %sub3A_1036 = arith.subf %get3A_1013, %get3A_1023 : vector<16xf32>
      %add3A_1037 = arith.addf %sub3A_1036, %get3A_1033 : vector<16xf32>
      %mul3A_1038 = arith.mulf %add3A_1035, %add3A_1035 : vector<16xf32>
      %mul3A_1039 = arith.mulf %add3A_1037, %add3A_1037 : vector<16xf32>
      %add3A_1040 = arith.addf %mul3A_1038, %mul3A_1039 : vector<16xf32>
      %eq3A_1041 = arith.constant 14 : i32
      %eq3A_1042 = vector.broadcast %eq3A_1041 : i32 to vector<16xi32>
      %eq3A_1043 = arith.cmpi eq, %iota3A, %eq3A_1042 : vector<16xi32>
      %reduce_sum3A_1044 = arith.constant true
      %reduce_sum3A_1045 = vector.broadcast %reduce_sum3A_1044 : i1 to vector<16xi1>
      %reduce_sum3A_1046 = tpu.scan <sum>, %add3A_1040 masked %reduce_sum3A_1045 : vector<16xf32>, vector<16xi1> -> vector<16xf32>
      %reduce_sum3A_1047 = vector.extract %reduce_sum3A_1046[15] : f32 from vector<16xf32>
      %broadcast_in_dim3A_1048 = vector.broadcast %reduce_sum3A_1047 : f32 to vector<16xf32>
      %select_n3A_1049 = arith.select %eq3A_1043, %broadcast_in_dim3A_1048, %select_n3A_1001 : vector<16xi1>, vector<16xf32>
      %add3A_1050 = arith.constant 15 : i32
      %add3A_1051 = arith.addi %mul3A_333, %add3A_1050 : i32
      %get3A_1052 = arith.constant 2 : i32
      %get3A_1053 = arith.index_cast %get3A_1052 : i32 to index
      %get3A_1054 = arith.index_cast %add3A_1051 : i32 to index
      %get3A_1055 = arith.constant 0 : index
      %get3A_1056 = tpu.vector_load %arg11[%get3A_1053, %get3A_1054, %get3A_1055] {strides = array<i32>} : memref<4x128x32xf32, #tpu.memory_space<vmem>>, vector<16xf32>,
      %get3A_1057 = arith.constant 2 : i32
      %get3A_1058 = arith.index_cast %get3A_1057 : i32 to index
      %get3A_1059 = arith.index_cast %add3A_1051 : i32 to index
      %get3A_1060 = arith.constant 16 : index
      %get3A_1061 = tpu.vector_load %arg11[%get3A_1058, %get3A_1059, %get3A_1060] {strides = array<i32>} : memref<4x128x32xf32, #tpu.memory_space<vmem>>, vector<16xf32>,
      %get3A_1062 = arith.constant 2 : i32
      %get3A_1063 = arith.index_cast %get3A_1062 : i32 to index
      %get3A_1064 = arith.index_cast %add3A_1051 : i32 to index
      %get3A_1065 = arith.constant 0 : index
      %get3A_1066 = tpu.vector_load %arg12[%get3A_1063, %get3A_1064, %get3A_1065] {strides = array<i32>} : memref<4x128x32xf32, #tpu.memory_space<vmem>>, vector<16xf32>,
      %get3A_1067 = arith.constant 2 : i32
      %get3A_1068 = arith.index_cast %get3A_1067 : i32 to index
      %get3A_1069 = arith.index_cast %add3A_1051 : i32 to index
      %get3A_1070 = arith.constant 16 : index
      %get3A_1071 = tpu.vector_load %arg12[%get3A_1068, %get3A_1069, %get3A_1070] {strides = array<i32>} : memref<4x128x32xf32, #tpu.memory_space<vmem>>, vector<16xf32>,
      %get3A_1072 = arith.constant 2 : i32
      %get3A_1073 = arith.index_cast %get3A_1072 : i32 to index
      %get3A_1074 = arith.index_cast %add3A_1051 : i32 to index
      %get3A_1075 = arith.constant 0 : index
      %get3A_1076 = tpu.vector_load %arg13[%get3A_1073, %get3A_1074, %get3A_1075] {strides = array<i32>} : memref<4x128x32xf32, #tpu.memory_space<vmem>>, vector<16xf32>,
      %get3A_1077 = arith.constant 2 : i32
      %get3A_1078 = arith.index_cast %get3A_1077 : i32 to index
      %get3A_1079 = arith.index_cast %add3A_1051 : i32 to index
      %get3A_1080 = arith.constant 16 : index
      %get3A_1081 = tpu.vector_load %arg13[%get3A_1078, %get3A_1079, %get3A_1080] {strides = array<i32>} : memref<4x128x32xf32, #tpu.memory_space<vmem>>, vector<16xf32>,
      %sub3A_1082 = arith.subf %get3A_1056, %get3A_1066 : vector<16xf32>
      %add3A_1083 = arith.addf %sub3A_1082, %get3A_1076 : vector<16xf32>
      %sub3A_1084 = arith.subf %get3A_1061, %get3A_1071 : vector<16xf32>
      %add3A_1085 = arith.addf %sub3A_1084, %get3A_1081 : vector<16xf32>
      %mul3A_1086 = arith.mulf %add3A_1083, %add3A_1083 : vector<16xf32>
      %mul3A_1087 = arith.mulf %add3A_1085, %add3A_1085 : vector<16xf32>
      %add3A_1088 = arith.addf %mul3A_1086, %mul3A_1087 : vector<16xf32>
      %eq3A_1089 = arith.constant 15 : i32
      %eq3A_1090 = vector.broadcast %eq3A_1089 : i32 to vector<16xi32>
      %eq3A_1091 = arith.cmpi eq, %iota3A, %eq3A_1090 : vector<16xi32>
      %reduce_sum3A_1092 = arith.constant true
      %reduce_sum3A_1093 = vector.broadcast %reduce_sum3A_1092 : i1 to vector<16xi1>
      %reduce_sum3A_1094 = tpu.scan <sum>, %add3A_1088 masked %reduce_sum3A_1093 : vector<16xf32>, vector<16xi1> -> vector<16xf32>
      %reduce_sum3A_1095 = vector.extract %reduce_sum3A_1094[15] : f32 from vector<16xf32>
      %broadcast_in_dim3A_1096 = vector.broadcast %reduce_sum3A_1095 : f32 to vector<16xf32>
      %select_n3A_1097 = arith.select %eq3A_1091, %broadcast_in_dim3A_1096, %select_n3A_1049 : vector<16xi1>, vector<16xf32>
      %add3A_1098 = arith.constant 9.99999996E-13 : f32
      %add3A_1099 = vector.broadcast %add3A_1098 : f32 to vector<16xf32>
      %add3A_1100 = arith.addf %select_n3A_1097, %add3A_1099 : vector<16xf32>
      %bitcast_convert_type3A = tpu.bitcast %add3A_1100 : vector<16xf32> -> vector<16xi32>
      %shift_right_logical3A = arith.constant 1 : i32
      %shift_right_logical3A_1101 = vector.broadcast %shift_right_logical3A : i32 to vector<16xi32>
      %shift_right_logical3A_1102 = arith.shrui %bitcast_convert_type3A, %shift_right_logical3A_1101 : vector<16xi32>
      %add3A_1103 = arith.constant 532487669 : i32
      %add3A_1104 = vector.broadcast %add3A_1103 : i32 to vector<16xi32>
      %add3A_1105 = arith.addi %shift_right_logical3A_1102, %add3A_1104 : vector<16xi32>
      %bitcast_convert_type3A_1106 = tpu.bitcast %add3A_1105 : vector<16xi32> -> vector<16xf32>
      %div3A = arith.divf %add3A_1100, %bitcast_convert_type3A_1106 : vector<16xf32>
      %add3A_1107 = arith.addf %bitcast_convert_type3A_1106, %div3A : vector<16xf32>
      %mul3A_1108 = arith.constant 5.000000e-01 : f32
      %mul3A_1109 = vector.broadcast %mul3A_1108 : f32 to vector<16xf32>
      %mul3A_1110 = arith.mulf %mul3A_1109, %add3A_1107 : vector<16xf32>
      %div3A_1111 = arith.divf %add3A_1100, %mul3A_1110 : vector<16xf32>
      %add3A_1112 = arith.addf %mul3A_1110, %div3A_1111 : vector<16xf32>
      %mul3A_1113 = arith.constant 5.000000e-01 : f32
      %mul3A_1114 = vector.broadcast %mul3A_1113 : f32 to vector<16xf32>
      %mul3A_1115 = arith.mulf %mul3A_1114, %add3A_1112 : vector<16xf32>
      %div3A_1116 = arith.divf %add3A_1100, %mul3A_1115 : vector<16xf32>
      %add3A_1117 = arith.addf %mul3A_1115, %div3A_1116 : vector<16xf32>
      %mul3A_1118 = arith.constant 5.000000e-01 : f32
      %mul3A_1119 = vector.broadcast %mul3A_1118 : f32 to vector<16xf32>
      %mul3A_1120 = arith.mulf %mul3A_1119, %add3A_1117 : vector<16xf32>
      %neg3A = arith.constant 0.000000e+00 : f32
      %neg3A_1121 = vector.broadcast %neg3A : f32 to vector<16xf32>
      %neg3A_1122 = arith.subf %neg3A_1121, %mul3A_1120 : vector<16xf32>
      %add3A_1123 = arith.constant 256 : i32
      %add3A_1124 = arith.addi %add3A_1123, %mul3A_333 : i32
      %swap3A = arith.index_cast %add3A_1124 : i32 to index
      %swap3A_1125 = tpu.vector_load %arg14[%swap3A] {strides = array<i32>} : memref<512xf32, #tpu.memory_space<vmem>>, vector<16xf32>,
      tpu.vector_store %arg14[%swap3A], %neg3A_1122 {strides = array<i32>} : memref<512xf32, #tpu.memory_space<vmem>>, vector<16xf32>,
    }
    %scan3A_324 = arith.constant 8 : i32
    %scan3A_325 = arith.constant 0 : i32
    %scan3A_326 = arith.constant 0 : i32
    %scan3A_327 = arith.constant 8 : i32
    %scan3A_328 = arith.addi %scan3A_326, %scan3A_327 : i32
    %scan3A_329 = arith.constant 1 : i32
    scf.for %scan3A_331 = %scan3A_326 to %scan3A_328 step %scan3A_329  : i32 {
      %mul3A_332 = arith.constant 16 : i32
      %mul3A_333 = arith.muli %scan3A_331, %mul3A_332 : i32
      %broadcast_in_dim3A = arith.constant 0.000000e+00 : f32
      %broadcast_in_dim3A_334 = vector.broadcast %broadcast_in_dim3A : f32 to vector<16xf32>
      %add3A_335 = arith.constant 0 : i32
      %add3A_336 = arith.addi %mul3A_333, %add3A_335 : i32
      %get3A = arith.constant 3 : i32
      %get3A_337 = arith.index_cast %get3A : i32 to index
      %get3A_338 = arith.index_cast %add3A_336 : i32 to index
      %get3A_339 = arith.constant 0 : index
      %get3A_340 = tpu.vector_load %arg11[%get3A_337, %get3A_338, %get3A_339] {strides = array<i32>} : memref<4x128x32xf32, #tpu.memory_space<vmem>>, vector<16xf32>,
      %get3A_341 = arith.constant 3 : i32
      %get3A_342 = arith.index_cast %get3A_341 : i32 to index
      %get3A_343 = arith.index_cast %add3A_336 : i32 to index
      %get3A_344 = arith.constant 16 : index
      %get3A_345 = tpu.vector_load %arg11[%get3A_342, %get3A_343, %get3A_344] {strides = array<i32>} : memref<4x128x32xf32, #tpu.memory_space<vmem>>, vector<16xf32>,
      %get3A_346 = arith.constant 3 : i32
      %get3A_347 = arith.index_cast %get3A_346 : i32 to index
      %get3A_348 = arith.index_cast %add3A_336 : i32 to index
      %get3A_349 = arith.constant 0 : index
      %get3A_350 = tpu.vector_load %arg12[%get3A_347, %get3A_348, %get3A_349] {strides = array<i32>} : memref<4x128x32xf32, #tpu.memory_space<vmem>>, vector<16xf32>,
      %get3A_351 = arith.constant 3 : i32
      %get3A_352 = arith.index_cast %get3A_351 : i32 to index
      %get3A_353 = arith.index_cast %add3A_336 : i32 to index
      %get3A_354 = arith.constant 16 : index
      %get3A_355 = tpu.vector_load %arg12[%get3A_352, %get3A_353, %get3A_354] {strides = array<i32>} : memref<4x128x32xf32, #tpu.memory_space<vmem>>, vector<16xf32>,
      %get3A_356 = arith.constant 3 : i32
      %get3A_357 = arith.index_cast %get3A_356 : i32 to index
      %get3A_358 = arith.index_cast %add3A_336 : i32 to index
      %get3A_359 = arith.constant 0 : index
      %get3A_360 = tpu.vector_load %arg13[%get3A_357, %get3A_358, %get3A_359] {strides = array<i32>} : memref<4x128x32xf32, #tpu.memory_space<vmem>>, vector<16xf32>,
      %get3A_361 = arith.constant 3 : i32
      %get3A_362 = arith.index_cast %get3A_361 : i32 to index
      %get3A_363 = arith.index_cast %add3A_336 : i32 to index
      %get3A_364 = arith.constant 16 : index
      %get3A_365 = tpu.vector_load %arg13[%get3A_362, %get3A_363, %get3A_364] {strides = array<i32>} : memref<4x128x32xf32, #tpu.memory_space<vmem>>, vector<16xf32>,
      %sub3A = arith.subf %get3A_340, %get3A_350 : vector<16xf32>
      %add3A_366 = arith.addf %sub3A, %get3A_360 : vector<16xf32>
      %sub3A_367 = arith.subf %get3A_345, %get3A_355 : vector<16xf32>
      %add3A_368 = arith.addf %sub3A_367, %get3A_365 : vector<16xf32>
      %mul3A_369 = arith.mulf %add3A_366, %add3A_366 : vector<16xf32>
      %mul3A_370 = arith.mulf %add3A_368, %add3A_368 : vector<16xf32>
      %add3A_371 = arith.addf %mul3A_369, %mul3A_370 : vector<16xf32>
      %eq3A = arith.constant 0 : i32
      %eq3A_372 = vector.broadcast %eq3A : i32 to vector<16xi32>
      %eq3A_373 = arith.cmpi eq, %iota3A, %eq3A_372 : vector<16xi32>
      %reduce_sum3A = arith.constant true
      %reduce_sum3A_374 = vector.broadcast %reduce_sum3A : i1 to vector<16xi1>
      %reduce_sum3A_375 = tpu.scan <sum>, %add3A_371 masked %reduce_sum3A_374 : vector<16xf32>, vector<16xi1> -> vector<16xf32>
      %reduce_sum3A_376 = vector.extract %reduce_sum3A_375[15] : f32 from vector<16xf32>
      %broadcast_in_dim3A_377 = vector.broadcast %reduce_sum3A_376 : f32 to vector<16xf32>
      %select_n3A = arith.select %eq3A_373, %broadcast_in_dim3A_377, %broadcast_in_dim3A_334 : vector<16xi1>, vector<16xf32>
      %add3A_378 = arith.constant 1 : i32
      %add3A_379 = arith.addi %mul3A_333, %add3A_378 : i32
      %get3A_380 = arith.constant 3 : i32
      %get3A_381 = arith.index_cast %get3A_380 : i32 to index
      %get3A_382 = arith.index_cast %add3A_379 : i32 to index
      %get3A_383 = arith.constant 0 : index
      %get3A_384 = tpu.vector_load %arg11[%get3A_381, %get3A_382, %get3A_383] {strides = array<i32>} : memref<4x128x32xf32, #tpu.memory_space<vmem>>, vector<16xf32>,
      %get3A_385 = arith.constant 3 : i32
      %get3A_386 = arith.index_cast %get3A_385 : i32 to index
      %get3A_387 = arith.index_cast %add3A_379 : i32 to index
      %get3A_388 = arith.constant 16 : index
      %get3A_389 = tpu.vector_load %arg11[%get3A_386, %get3A_387, %get3A_388] {strides = array<i32>} : memref<4x128x32xf32, #tpu.memory_space<vmem>>, vector<16xf32>,
      %get3A_390 = arith.constant 3 : i32
      %get3A_391 = arith.index_cast %get3A_390 : i32 to index
      %get3A_392 = arith.index_cast %add3A_379 : i32 to index
      %get3A_393 = arith.constant 0 : index
      %get3A_394 = tpu.vector_load %arg12[%get3A_391, %get3A_392, %get3A_393] {strides = array<i32>} : memref<4x128x32xf32, #tpu.memory_space<vmem>>, vector<16xf32>,
      %get3A_395 = arith.constant 3 : i32
      %get3A_396 = arith.index_cast %get3A_395 : i32 to index
      %get3A_397 = arith.index_cast %add3A_379 : i32 to index
      %get3A_398 = arith.constant 16 : index
      %get3A_399 = tpu.vector_load %arg12[%get3A_396, %get3A_397, %get3A_398] {strides = array<i32>} : memref<4x128x32xf32, #tpu.memory_space<vmem>>, vector<16xf32>,
      %get3A_400 = arith.constant 3 : i32
      %get3A_401 = arith.index_cast %get3A_400 : i32 to index
      %get3A_402 = arith.index_cast %add3A_379 : i32 to index
      %get3A_403 = arith.constant 0 : index
      %get3A_404 = tpu.vector_load %arg13[%get3A_401, %get3A_402, %get3A_403] {strides = array<i32>} : memref<4x128x32xf32, #tpu.memory_space<vmem>>, vector<16xf32>,
      %get3A_405 = arith.constant 3 : i32
      %get3A_406 = arith.index_cast %get3A_405 : i32 to index
      %get3A_407 = arith.index_cast %add3A_379 : i32 to index
      %get3A_408 = arith.constant 16 : index
      %get3A_409 = tpu.vector_load %arg13[%get3A_406, %get3A_407, %get3A_408] {strides = array<i32>} : memref<4x128x32xf32, #tpu.memory_space<vmem>>, vector<16xf32>,
      %sub3A_410 = arith.subf %get3A_384, %get3A_394 : vector<16xf32>
      %add3A_411 = arith.addf %sub3A_410, %get3A_404 : vector<16xf32>
      %sub3A_412 = arith.subf %get3A_389, %get3A_399 : vector<16xf32>
      %add3A_413 = arith.addf %sub3A_412, %get3A_409 : vector<16xf32>
      %mul3A_414 = arith.mulf %add3A_411, %add3A_411 : vector<16xf32>
      %mul3A_415 = arith.mulf %add3A_413, %add3A_413 : vector<16xf32>
      %add3A_416 = arith.addf %mul3A_414, %mul3A_415 : vector<16xf32>
      %eq3A_417 = arith.constant 1 : i32
      %eq3A_418 = vector.broadcast %eq3A_417 : i32 to vector<16xi32>
      %eq3A_419 = arith.cmpi eq, %iota3A, %eq3A_418 : vector<16xi32>
      %reduce_sum3A_420 = arith.constant true
      %reduce_sum3A_421 = vector.broadcast %reduce_sum3A_420 : i1 to vector<16xi1>
      %reduce_sum3A_422 = tpu.scan <sum>, %add3A_416 masked %reduce_sum3A_421 : vector<16xf32>, vector<16xi1> -> vector<16xf32>
      %reduce_sum3A_423 = vector.extract %reduce_sum3A_422[15] : f32 from vector<16xf32>
      %broadcast_in_dim3A_424 = vector.broadcast %reduce_sum3A_423 : f32 to vector<16xf32>
      %select_n3A_425 = arith.select %eq3A_419, %broadcast_in_dim3A_424, %select_n3A : vector<16xi1>, vector<16xf32>
      %add3A_426 = arith.constant 2 : i32
      %add3A_427 = arith.addi %mul3A_333, %add3A_426 : i32
      %get3A_428 = arith.constant 3 : i32
      %get3A_429 = arith.index_cast %get3A_428 : i32 to index
      %get3A_430 = arith.index_cast %add3A_427 : i32 to index
      %get3A_431 = arith.constant 0 : index
      %get3A_432 = tpu.vector_load %arg11[%get3A_429, %get3A_430, %get3A_431] {strides = array<i32>} : memref<4x128x32xf32, #tpu.memory_space<vmem>>, vector<16xf32>,
      %get3A_433 = arith.constant 3 : i32
      %get3A_434 = arith.index_cast %get3A_433 : i32 to index
      %get3A_435 = arith.index_cast %add3A_427 : i32 to index
      %get3A_436 = arith.constant 16 : index
      %get3A_437 = tpu.vector_load %arg11[%get3A_434, %get3A_435, %get3A_436] {strides = array<i32>} : memref<4x128x32xf32, #tpu.memory_space<vmem>>, vector<16xf32>,
      %get3A_438 = arith.constant 3 : i32
      %get3A_439 = arith.index_cast %get3A_438 : i32 to index
      %get3A_440 = arith.index_cast %add3A_427 : i32 to index
      %get3A_441 = arith.constant 0 : index
      %get3A_442 = tpu.vector_load %arg12[%get3A_439, %get3A_440, %get3A_441] {strides = array<i32>} : memref<4x128x32xf32, #tpu.memory_space<vmem>>, vector<16xf32>,
      %get3A_443 = arith.constant 3 : i32
      %get3A_444 = arith.index_cast %get3A_443 : i32 to index
      %get3A_445 = arith.index_cast %add3A_427 : i32 to index
      %get3A_446 = arith.constant 16 : index
      %get3A_447 = tpu.vector_load %arg12[%get3A_444, %get3A_445, %get3A_446] {strides = array<i32>} : memref<4x128x32xf32, #tpu.memory_space<vmem>>, vector<16xf32>,
      %get3A_448 = arith.constant 3 : i32
      %get3A_449 = arith.index_cast %get3A_448 : i32 to index
      %get3A_450 = arith.index_cast %add3A_427 : i32 to index
      %get3A_451 = arith.constant 0 : index
      %get3A_452 = tpu.vector_load %arg13[%get3A_449, %get3A_450, %get3A_451] {strides = array<i32>} : memref<4x128x32xf32, #tpu.memory_space<vmem>>, vector<16xf32>,
      %get3A_453 = arith.constant 3 : i32
      %get3A_454 = arith.index_cast %get3A_453 : i32 to index
      %get3A_455 = arith.index_cast %add3A_427 : i32 to index
      %get3A_456 = arith.constant 16 : index
      %get3A_457 = tpu.vector_load %arg13[%get3A_454, %get3A_455, %get3A_456] {strides = array<i32>} : memref<4x128x32xf32, #tpu.memory_space<vmem>>, vector<16xf32>,
      %sub3A_458 = arith.subf %get3A_432, %get3A_442 : vector<16xf32>
      %add3A_459 = arith.addf %sub3A_458, %get3A_452 : vector<16xf32>
      %sub3A_460 = arith.subf %get3A_437, %get3A_447 : vector<16xf32>
      %add3A_461 = arith.addf %sub3A_460, %get3A_457 : vector<16xf32>
      %mul3A_462 = arith.mulf %add3A_459, %add3A_459 : vector<16xf32>
      %mul3A_463 = arith.mulf %add3A_461, %add3A_461 : vector<16xf32>
      %add3A_464 = arith.addf %mul3A_462, %mul3A_463 : vector<16xf32>
      %eq3A_465 = arith.constant 2 : i32
      %eq3A_466 = vector.broadcast %eq3A_465 : i32 to vector<16xi32>
      %eq3A_467 = arith.cmpi eq, %iota3A, %eq3A_466 : vector<16xi32>
      %reduce_sum3A_468 = arith.constant true
      %reduce_sum3A_469 = vector.broadcast %reduce_sum3A_468 : i1 to vector<16xi1>
      %reduce_sum3A_470 = tpu.scan <sum>, %add3A_464 masked %reduce_sum3A_469 : vector<16xf32>, vector<16xi1> -> vector<16xf32>
      %reduce_sum3A_471 = vector.extract %reduce_sum3A_470[15] : f32 from vector<16xf32>
      %broadcast_in_dim3A_472 = vector.broadcast %reduce_sum3A_471 : f32 to vector<16xf32>
      %select_n3A_473 = arith.select %eq3A_467, %broadcast_in_dim3A_472, %select_n3A_425 : vector<16xi1>, vector<16xf32>
      %add3A_474 = arith.constant 3 : i32
      %add3A_475 = arith.addi %mul3A_333, %add3A_474 : i32
      %get3A_476 = arith.constant 3 : i32
      %get3A_477 = arith.index_cast %get3A_476 : i32 to index
      %get3A_478 = arith.index_cast %add3A_475 : i32 to index
      %get3A_479 = arith.constant 0 : index
      %get3A_480 = tpu.vector_load %arg11[%get3A_477, %get3A_478, %get3A_479] {strides = array<i32>} : memref<4x128x32xf32, #tpu.memory_space<vmem>>, vector<16xf32>,
      %get3A_481 = arith.constant 3 : i32
      %get3A_482 = arith.index_cast %get3A_481 : i32 to index
      %get3A_483 = arith.index_cast %add3A_475 : i32 to index
      %get3A_484 = arith.constant 16 : index
      %get3A_485 = tpu.vector_load %arg11[%get3A_482, %get3A_483, %get3A_484] {strides = array<i32>} : memref<4x128x32xf32, #tpu.memory_space<vmem>>, vector<16xf32>,
      %get3A_486 = arith.constant 3 : i32
      %get3A_487 = arith.index_cast %get3A_486 : i32 to index
      %get3A_488 = arith.index_cast %add3A_475 : i32 to index
      %get3A_489 = arith.constant 0 : index
      %get3A_490 = tpu.vector_load %arg12[%get3A_487, %get3A_488, %get3A_489] {strides = array<i32>} : memref<4x128x32xf32, #tpu.memory_space<vmem>>, vector<16xf32>,
      %get3A_491 = arith.constant 3 : i32
      %get3A_492 = arith.index_cast %get3A_491 : i32 to index
      %get3A_493 = arith.index_cast %add3A_475 : i32 to index
      %get3A_494 = arith.constant 16 : index
      %get3A_495 = tpu.vector_load %arg12[%get3A_492, %get3A_493, %get3A_494] {strides = array<i32>} : memref<4x128x32xf32, #tpu.memory_space<vmem>>, vector<16xf32>,
      %get3A_496 = arith.constant 3 : i32
      %get3A_497 = arith.index_cast %get3A_496 : i32 to index
      %get3A_498 = arith.index_cast %add3A_475 : i32 to index
      %get3A_499 = arith.constant 0 : index
      %get3A_500 = tpu.vector_load %arg13[%get3A_497, %get3A_498, %get3A_499] {strides = array<i32>} : memref<4x128x32xf32, #tpu.memory_space<vmem>>, vector<16xf32>,
      %get3A_501 = arith.constant 3 : i32
      %get3A_502 = arith.index_cast %get3A_501 : i32 to index
      %get3A_503 = arith.index_cast %add3A_475 : i32 to index
      %get3A_504 = arith.constant 16 : index
      %get3A_505 = tpu.vector_load %arg13[%get3A_502, %get3A_503, %get3A_504] {strides = array<i32>} : memref<4x128x32xf32, #tpu.memory_space<vmem>>, vector<16xf32>,
      %sub3A_506 = arith.subf %get3A_480, %get3A_490 : vector<16xf32>
      %add3A_507 = arith.addf %sub3A_506, %get3A_500 : vector<16xf32>
      %sub3A_508 = arith.subf %get3A_485, %get3A_495 : vector<16xf32>
      %add3A_509 = arith.addf %sub3A_508, %get3A_505 : vector<16xf32>
      %mul3A_510 = arith.mulf %add3A_507, %add3A_507 : vector<16xf32>
      %mul3A_511 = arith.mulf %add3A_509, %add3A_509 : vector<16xf32>
      %add3A_512 = arith.addf %mul3A_510, %mul3A_511 : vector<16xf32>
      %eq3A_513 = arith.constant 3 : i32
      %eq3A_514 = vector.broadcast %eq3A_513 : i32 to vector<16xi32>
      %eq3A_515 = arith.cmpi eq, %iota3A, %eq3A_514 : vector<16xi32>
      %reduce_sum3A_516 = arith.constant true
      %reduce_sum3A_517 = vector.broadcast %reduce_sum3A_516 : i1 to vector<16xi1>
      %reduce_sum3A_518 = tpu.scan <sum>, %add3A_512 masked %reduce_sum3A_517 : vector<16xf32>, vector<16xi1> -> vector<16xf32>
      %reduce_sum3A_519 = vector.extract %reduce_sum3A_518[15] : f32 from vector<16xf32>
      %broadcast_in_dim3A_520 = vector.broadcast %reduce_sum3A_519 : f32 to vector<16xf32>
      %select_n3A_521 = arith.select %eq3A_515, %broadcast_in_dim3A_520, %select_n3A_473 : vector<16xi1>, vector<16xf32>
      %add3A_522 = arith.constant 4 : i32
      %add3A_523 = arith.addi %mul3A_333, %add3A_522 : i32
      %get3A_524 = arith.constant 3 : i32
      %get3A_525 = arith.index_cast %get3A_524 : i32 to index
      %get3A_526 = arith.index_cast %add3A_523 : i32 to index
      %get3A_527 = arith.constant 0 : index
      %get3A_528 = tpu.vector_load %arg11[%get3A_525, %get3A_526, %get3A_527] {strides = array<i32>} : memref<4x128x32xf32, #tpu.memory_space<vmem>>, vector<16xf32>,
      %get3A_529 = arith.constant 3 : i32
      %get3A_530 = arith.index_cast %get3A_529 : i32 to index
      %get3A_531 = arith.index_cast %add3A_523 : i32 to index
      %get3A_532 = arith.constant 16 : index
      %get3A_533 = tpu.vector_load %arg11[%get3A_530, %get3A_531, %get3A_532] {strides = array<i32>} : memref<4x128x32xf32, #tpu.memory_space<vmem>>, vector<16xf32>,
      %get3A_534 = arith.constant 3 : i32
      %get3A_535 = arith.index_cast %get3A_534 : i32 to index
      %get3A_536 = arith.index_cast %add3A_523 : i32 to index
      %get3A_537 = arith.constant 0 : index
      %get3A_538 = tpu.vector_load %arg12[%get3A_535, %get3A_536, %get3A_537] {strides = array<i32>} : memref<4x128x32xf32, #tpu.memory_space<vmem>>, vector<16xf32>,
      %get3A_539 = arith.constant 3 : i32
      %get3A_540 = arith.index_cast %get3A_539 : i32 to index
      %get3A_541 = arith.index_cast %add3A_523 : i32 to index
      %get3A_542 = arith.constant 16 : index
      %get3A_543 = tpu.vector_load %arg12[%get3A_540, %get3A_541, %get3A_542] {strides = array<i32>} : memref<4x128x32xf32, #tpu.memory_space<vmem>>, vector<16xf32>,
      %get3A_544 = arith.constant 3 : i32
      %get3A_545 = arith.index_cast %get3A_544 : i32 to index
      %get3A_546 = arith.index_cast %add3A_523 : i32 to index
      %get3A_547 = arith.constant 0 : index
      %get3A_548 = tpu.vector_load %arg13[%get3A_545, %get3A_546, %get3A_547] {strides = array<i32>} : memref<4x128x32xf32, #tpu.memory_space<vmem>>, vector<16xf32>,
      %get3A_549 = arith.constant 3 : i32
      %get3A_550 = arith.index_cast %get3A_549 : i32 to index
      %get3A_551 = arith.index_cast %add3A_523 : i32 to index
      %get3A_552 = arith.constant 16 : index
      %get3A_553 = tpu.vector_load %arg13[%get3A_550, %get3A_551, %get3A_552] {strides = array<i32>} : memref<4x128x32xf32, #tpu.memory_space<vmem>>, vector<16xf32>,
      %sub3A_554 = arith.subf %get3A_528, %get3A_538 : vector<16xf32>
      %add3A_555 = arith.addf %sub3A_554, %get3A_548 : vector<16xf32>
      %sub3A_556 = arith.subf %get3A_533, %get3A_543 : vector<16xf32>
      %add3A_557 = arith.addf %sub3A_556, %get3A_553 : vector<16xf32>
      %mul3A_558 = arith.mulf %add3A_555, %add3A_555 : vector<16xf32>
      %mul3A_559 = arith.mulf %add3A_557, %add3A_557 : vector<16xf32>
      %add3A_560 = arith.addf %mul3A_558, %mul3A_559 : vector<16xf32>
      %eq3A_561 = arith.constant 4 : i32
      %eq3A_562 = vector.broadcast %eq3A_561 : i32 to vector<16xi32>
      %eq3A_563 = arith.cmpi eq, %iota3A, %eq3A_562 : vector<16xi32>
      %reduce_sum3A_564 = arith.constant true
      %reduce_sum3A_565 = vector.broadcast %reduce_sum3A_564 : i1 to vector<16xi1>
      %reduce_sum3A_566 = tpu.scan <sum>, %add3A_560 masked %reduce_sum3A_565 : vector<16xf32>, vector<16xi1> -> vector<16xf32>
      %reduce_sum3A_567 = vector.extract %reduce_sum3A_566[15] : f32 from vector<16xf32>
      %broadcast_in_dim3A_568 = vector.broadcast %reduce_sum3A_567 : f32 to vector<16xf32>
      %select_n3A_569 = arith.select %eq3A_563, %broadcast_in_dim3A_568, %select_n3A_521 : vector<16xi1>, vector<16xf32>
      %add3A_570 = arith.constant 5 : i32
      %add3A_571 = arith.addi %mul3A_333, %add3A_570 : i32
      %get3A_572 = arith.constant 3 : i32
      %get3A_573 = arith.index_cast %get3A_572 : i32 to index
      %get3A_574 = arith.index_cast %add3A_571 : i32 to index
      %get3A_575 = arith.constant 0 : index
      %get3A_576 = tpu.vector_load %arg11[%get3A_573, %get3A_574, %get3A_575] {strides = array<i32>} : memref<4x128x32xf32, #tpu.memory_space<vmem>>, vector<16xf32>,
      %get3A_577 = arith.constant 3 : i32
      %get3A_578 = arith.index_cast %get3A_577 : i32 to index
      %get3A_579 = arith.index_cast %add3A_571 : i32 to index
      %get3A_580 = arith.constant 16 : index
      %get3A_581 = tpu.vector_load %arg11[%get3A_578, %get3A_579, %get3A_580] {strides = array<i32>} : memref<4x128x32xf32, #tpu.memory_space<vmem>>, vector<16xf32>,
      %get3A_582 = arith.constant 3 : i32
      %get3A_583 = arith.index_cast %get3A_582 : i32 to index
      %get3A_584 = arith.index_cast %add3A_571 : i32 to index
      %get3A_585 = arith.constant 0 : index
      %get3A_586 = tpu.vector_load %arg12[%get3A_583, %get3A_584, %get3A_585] {strides = array<i32>} : memref<4x128x32xf32, #tpu.memory_space<vmem>>, vector<16xf32>,
      %get3A_587 = arith.constant 3 : i32
      %get3A_588 = arith.index_cast %get3A_587 : i32 to index
      %get3A_589 = arith.index_cast %add3A_571 : i32 to index
      %get3A_590 = arith.constant 16 : index
      %get3A_591 = tpu.vector_load %arg12[%get3A_588, %get3A_589, %get3A_590] {strides = array<i32>} : memref<4x128x32xf32, #tpu.memory_space<vmem>>, vector<16xf32>,
      %get3A_592 = arith.constant 3 : i32
      %get3A_593 = arith.index_cast %get3A_592 : i32 to index
      %get3A_594 = arith.index_cast %add3A_571 : i32 to index
      %get3A_595 = arith.constant 0 : index
      %get3A_596 = tpu.vector_load %arg13[%get3A_593, %get3A_594, %get3A_595] {strides = array<i32>} : memref<4x128x32xf32, #tpu.memory_space<vmem>>, vector<16xf32>,
      %get3A_597 = arith.constant 3 : i32
      %get3A_598 = arith.index_cast %get3A_597 : i32 to index
      %get3A_599 = arith.index_cast %add3A_571 : i32 to index
      %get3A_600 = arith.constant 16 : index
      %get3A_601 = tpu.vector_load %arg13[%get3A_598, %get3A_599, %get3A_600] {strides = array<i32>} : memref<4x128x32xf32, #tpu.memory_space<vmem>>, vector<16xf32>,
      %sub3A_602 = arith.subf %get3A_576, %get3A_586 : vector<16xf32>
      %add3A_603 = arith.addf %sub3A_602, %get3A_596 : vector<16xf32>
      %sub3A_604 = arith.subf %get3A_581, %get3A_591 : vector<16xf32>
      %add3A_605 = arith.addf %sub3A_604, %get3A_601 : vector<16xf32>
      %mul3A_606 = arith.mulf %add3A_603, %add3A_603 : vector<16xf32>
      %mul3A_607 = arith.mulf %add3A_605, %add3A_605 : vector<16xf32>
      %add3A_608 = arith.addf %mul3A_606, %mul3A_607 : vector<16xf32>
      %eq3A_609 = arith.constant 5 : i32
      %eq3A_610 = vector.broadcast %eq3A_609 : i32 to vector<16xi32>
      %eq3A_611 = arith.cmpi eq, %iota3A, %eq3A_610 : vector<16xi32>
      %reduce_sum3A_612 = arith.constant true
      %reduce_sum3A_613 = vector.broadcast %reduce_sum3A_612 : i1 to vector<16xi1>
      %reduce_sum3A_614 = tpu.scan <sum>, %add3A_608 masked %reduce_sum3A_613 : vector<16xf32>, vector<16xi1> -> vector<16xf32>
      %reduce_sum3A_615 = vector.extract %reduce_sum3A_614[15] : f32 from vector<16xf32>
      %broadcast_in_dim3A_616 = vector.broadcast %reduce_sum3A_615 : f32 to vector<16xf32>
      %select_n3A_617 = arith.select %eq3A_611, %broadcast_in_dim3A_616, %select_n3A_569 : vector<16xi1>, vector<16xf32>
      %add3A_618 = arith.constant 6 : i32
      %add3A_619 = arith.addi %mul3A_333, %add3A_618 : i32
      %get3A_620 = arith.constant 3 : i32
      %get3A_621 = arith.index_cast %get3A_620 : i32 to index
      %get3A_622 = arith.index_cast %add3A_619 : i32 to index
      %get3A_623 = arith.constant 0 : index
      %get3A_624 = tpu.vector_load %arg11[%get3A_621, %get3A_622, %get3A_623] {strides = array<i32>} : memref<4x128x32xf32, #tpu.memory_space<vmem>>, vector<16xf32>,
      %get3A_625 = arith.constant 3 : i32
      %get3A_626 = arith.index_cast %get3A_625 : i32 to index
      %get3A_627 = arith.index_cast %add3A_619 : i32 to index
      %get3A_628 = arith.constant 16 : index
      %get3A_629 = tpu.vector_load %arg11[%get3A_626, %get3A_627, %get3A_628] {strides = array<i32>} : memref<4x128x32xf32, #tpu.memory_space<vmem>>, vector<16xf32>,
      %get3A_630 = arith.constant 3 : i32
      %get3A_631 = arith.index_cast %get3A_630 : i32 to index
      %get3A_632 = arith.index_cast %add3A_619 : i32 to index
      %get3A_633 = arith.constant 0 : index
      %get3A_634 = tpu.vector_load %arg12[%get3A_631, %get3A_632, %get3A_633] {strides = array<i32>} : memref<4x128x32xf32, #tpu.memory_space<vmem>>, vector<16xf32>,
      %get3A_635 = arith.constant 3 : i32
      %get3A_636 = arith.index_cast %get3A_635 : i32 to index
      %get3A_637 = arith.index_cast %add3A_619 : i32 to index
      %get3A_638 = arith.constant 16 : index
      %get3A_639 = tpu.vector_load %arg12[%get3A_636, %get3A_637, %get3A_638] {strides = array<i32>} : memref<4x128x32xf32, #tpu.memory_space<vmem>>, vector<16xf32>,
      %get3A_640 = arith.constant 3 : i32
      %get3A_641 = arith.index_cast %get3A_640 : i32 to index
      %get3A_642 = arith.index_cast %add3A_619 : i32 to index
      %get3A_643 = arith.constant 0 : index
      %get3A_644 = tpu.vector_load %arg13[%get3A_641, %get3A_642, %get3A_643] {strides = array<i32>} : memref<4x128x32xf32, #tpu.memory_space<vmem>>, vector<16xf32>,
      %get3A_645 = arith.constant 3 : i32
      %get3A_646 = arith.index_cast %get3A_645 : i32 to index
      %get3A_647 = arith.index_cast %add3A_619 : i32 to index
      %get3A_648 = arith.constant 16 : index
      %get3A_649 = tpu.vector_load %arg13[%get3A_646, %get3A_647, %get3A_648] {strides = array<i32>} : memref<4x128x32xf32, #tpu.memory_space<vmem>>, vector<16xf32>,
      %sub3A_650 = arith.subf %get3A_624, %get3A_634 : vector<16xf32>
      %add3A_651 = arith.addf %sub3A_650, %get3A_644 : vector<16xf32>
      %sub3A_652 = arith.subf %get3A_629, %get3A_639 : vector<16xf32>
      %add3A_653 = arith.addf %sub3A_652, %get3A_649 : vector<16xf32>
      %mul3A_654 = arith.mulf %add3A_651, %add3A_651 : vector<16xf32>
      %mul3A_655 = arith.mulf %add3A_653, %add3A_653 : vector<16xf32>
      %add3A_656 = arith.addf %mul3A_654, %mul3A_655 : vector<16xf32>
      %eq3A_657 = arith.constant 6 : i32
      %eq3A_658 = vector.broadcast %eq3A_657 : i32 to vector<16xi32>
      %eq3A_659 = arith.cmpi eq, %iota3A, %eq3A_658 : vector<16xi32>
      %reduce_sum3A_660 = arith.constant true
      %reduce_sum3A_661 = vector.broadcast %reduce_sum3A_660 : i1 to vector<16xi1>
      %reduce_sum3A_662 = tpu.scan <sum>, %add3A_656 masked %reduce_sum3A_661 : vector<16xf32>, vector<16xi1> -> vector<16xf32>
      %reduce_sum3A_663 = vector.extract %reduce_sum3A_662[15] : f32 from vector<16xf32>
      %broadcast_in_dim3A_664 = vector.broadcast %reduce_sum3A_663 : f32 to vector<16xf32>
      %select_n3A_665 = arith.select %eq3A_659, %broadcast_in_dim3A_664, %select_n3A_617 : vector<16xi1>, vector<16xf32>
      %add3A_666 = arith.constant 7 : i32
      %add3A_667 = arith.addi %mul3A_333, %add3A_666 : i32
      %get3A_668 = arith.constant 3 : i32
      %get3A_669 = arith.index_cast %get3A_668 : i32 to index
      %get3A_670 = arith.index_cast %add3A_667 : i32 to index
      %get3A_671 = arith.constant 0 : index
      %get3A_672 = tpu.vector_load %arg11[%get3A_669, %get3A_670, %get3A_671] {strides = array<i32>} : memref<4x128x32xf32, #tpu.memory_space<vmem>>, vector<16xf32>,
      %get3A_673 = arith.constant 3 : i32
      %get3A_674 = arith.index_cast %get3A_673 : i32 to index
      %get3A_675 = arith.index_cast %add3A_667 : i32 to index
      %get3A_676 = arith.constant 16 : index
      %get3A_677 = tpu.vector_load %arg11[%get3A_674, %get3A_675, %get3A_676] {strides = array<i32>} : memref<4x128x32xf32, #tpu.memory_space<vmem>>, vector<16xf32>,
      %get3A_678 = arith.constant 3 : i32
      %get3A_679 = arith.index_cast %get3A_678 : i32 to index
      %get3A_680 = arith.index_cast %add3A_667 : i32 to index
      %get3A_681 = arith.constant 0 : index
      %get3A_682 = tpu.vector_load %arg12[%get3A_679, %get3A_680, %get3A_681] {strides = array<i32>} : memref<4x128x32xf32, #tpu.memory_space<vmem>>, vector<16xf32>,
      %get3A_683 = arith.constant 3 : i32
      %get3A_684 = arith.index_cast %get3A_683 : i32 to index
      %get3A_685 = arith.index_cast %add3A_667 : i32 to index
      %get3A_686 = arith.constant 16 : index
      %get3A_687 = tpu.vector_load %arg12[%get3A_684, %get3A_685, %get3A_686] {strides = array<i32>} : memref<4x128x32xf32, #tpu.memory_space<vmem>>, vector<16xf32>,
      %get3A_688 = arith.constant 3 : i32
      %get3A_689 = arith.index_cast %get3A_688 : i32 to index
      %get3A_690 = arith.index_cast %add3A_667 : i32 to index
      %get3A_691 = arith.constant 0 : index
      %get3A_692 = tpu.vector_load %arg13[%get3A_689, %get3A_690, %get3A_691] {strides = array<i32>} : memref<4x128x32xf32, #tpu.memory_space<vmem>>, vector<16xf32>,
      %get3A_693 = arith.constant 3 : i32
      %get3A_694 = arith.index_cast %get3A_693 : i32 to index
      %get3A_695 = arith.index_cast %add3A_667 : i32 to index
      %get3A_696 = arith.constant 16 : index
      %get3A_697 = tpu.vector_load %arg13[%get3A_694, %get3A_695, %get3A_696] {strides = array<i32>} : memref<4x128x32xf32, #tpu.memory_space<vmem>>, vector<16xf32>,
      %sub3A_698 = arith.subf %get3A_672, %get3A_682 : vector<16xf32>
      %add3A_699 = arith.addf %sub3A_698, %get3A_692 : vector<16xf32>
      %sub3A_700 = arith.subf %get3A_677, %get3A_687 : vector<16xf32>
      %add3A_701 = arith.addf %sub3A_700, %get3A_697 : vector<16xf32>
      %mul3A_702 = arith.mulf %add3A_699, %add3A_699 : vector<16xf32>
      %mul3A_703 = arith.mulf %add3A_701, %add3A_701 : vector<16xf32>
      %add3A_704 = arith.addf %mul3A_702, %mul3A_703 : vector<16xf32>
      %eq3A_705 = arith.constant 7 : i32
      %eq3A_706 = vector.broadcast %eq3A_705 : i32 to vector<16xi32>
      %eq3A_707 = arith.cmpi eq, %iota3A, %eq3A_706 : vector<16xi32>
      %reduce_sum3A_708 = arith.constant true
      %reduce_sum3A_709 = vector.broadcast %reduce_sum3A_708 : i1 to vector<16xi1>
      %reduce_sum3A_710 = tpu.scan <sum>, %add3A_704 masked %reduce_sum3A_709 : vector<16xf32>, vector<16xi1> -> vector<16xf32>
      %reduce_sum3A_711 = vector.extract %reduce_sum3A_710[15] : f32 from vector<16xf32>
      %broadcast_in_dim3A_712 = vector.broadcast %reduce_sum3A_711 : f32 to vector<16xf32>
      %select_n3A_713 = arith.select %eq3A_707, %broadcast_in_dim3A_712, %select_n3A_665 : vector<16xi1>, vector<16xf32>
      %add3A_714 = arith.constant 8 : i32
      %add3A_715 = arith.addi %mul3A_333, %add3A_714 : i32
      %get3A_716 = arith.constant 3 : i32
      %get3A_717 = arith.index_cast %get3A_716 : i32 to index
      %get3A_718 = arith.index_cast %add3A_715 : i32 to index
      %get3A_719 = arith.constant 0 : index
      %get3A_720 = tpu.vector_load %arg11[%get3A_717, %get3A_718, %get3A_719] {strides = array<i32>} : memref<4x128x32xf32, #tpu.memory_space<vmem>>, vector<16xf32>,
      %get3A_721 = arith.constant 3 : i32
      %get3A_722 = arith.index_cast %get3A_721 : i32 to index
      %get3A_723 = arith.index_cast %add3A_715 : i32 to index
      %get3A_724 = arith.constant 16 : index
      %get3A_725 = tpu.vector_load %arg11[%get3A_722, %get3A_723, %get3A_724] {strides = array<i32>} : memref<4x128x32xf32, #tpu.memory_space<vmem>>, vector<16xf32>,
      %get3A_726 = arith.constant 3 : i32
      %get3A_727 = arith.index_cast %get3A_726 : i32 to index
      %get3A_728 = arith.index_cast %add3A_715 : i32 to index
      %get3A_729 = arith.constant 0 : index
      %get3A_730 = tpu.vector_load %arg12[%get3A_727, %get3A_728, %get3A_729] {strides = array<i32>} : memref<4x128x32xf32, #tpu.memory_space<vmem>>, vector<16xf32>,
      %get3A_731 = arith.constant 3 : i32
      %get3A_732 = arith.index_cast %get3A_731 : i32 to index
      %get3A_733 = arith.index_cast %add3A_715 : i32 to index
      %get3A_734 = arith.constant 16 : index
      %get3A_735 = tpu.vector_load %arg12[%get3A_732, %get3A_733, %get3A_734] {strides = array<i32>} : memref<4x128x32xf32, #tpu.memory_space<vmem>>, vector<16xf32>,
      %get3A_736 = arith.constant 3 : i32
      %get3A_737 = arith.index_cast %get3A_736 : i32 to index
      %get3A_738 = arith.index_cast %add3A_715 : i32 to index
      %get3A_739 = arith.constant 0 : index
      %get3A_740 = tpu.vector_load %arg13[%get3A_737, %get3A_738, %get3A_739] {strides = array<i32>} : memref<4x128x32xf32, #tpu.memory_space<vmem>>, vector<16xf32>,
      %get3A_741 = arith.constant 3 : i32
      %get3A_742 = arith.index_cast %get3A_741 : i32 to index
      %get3A_743 = arith.index_cast %add3A_715 : i32 to index
      %get3A_744 = arith.constant 16 : index
      %get3A_745 = tpu.vector_load %arg13[%get3A_742, %get3A_743, %get3A_744] {strides = array<i32>} : memref<4x128x32xf32, #tpu.memory_space<vmem>>, vector<16xf32>,
      %sub3A_746 = arith.subf %get3A_720, %get3A_730 : vector<16xf32>
      %add3A_747 = arith.addf %sub3A_746, %get3A_740 : vector<16xf32>
      %sub3A_748 = arith.subf %get3A_725, %get3A_735 : vector<16xf32>
      %add3A_749 = arith.addf %sub3A_748, %get3A_745 : vector<16xf32>
      %mul3A_750 = arith.mulf %add3A_747, %add3A_747 : vector<16xf32>
      %mul3A_751 = arith.mulf %add3A_749, %add3A_749 : vector<16xf32>
      %add3A_752 = arith.addf %mul3A_750, %mul3A_751 : vector<16xf32>
      %eq3A_753 = arith.constant 8 : i32
      %eq3A_754 = vector.broadcast %eq3A_753 : i32 to vector<16xi32>
      %eq3A_755 = arith.cmpi eq, %iota3A, %eq3A_754 : vector<16xi32>
      %reduce_sum3A_756 = arith.constant true
      %reduce_sum3A_757 = vector.broadcast %reduce_sum3A_756 : i1 to vector<16xi1>
      %reduce_sum3A_758 = tpu.scan <sum>, %add3A_752 masked %reduce_sum3A_757 : vector<16xf32>, vector<16xi1> -> vector<16xf32>
      %reduce_sum3A_759 = vector.extract %reduce_sum3A_758[15] : f32 from vector<16xf32>
      %broadcast_in_dim3A_760 = vector.broadcast %reduce_sum3A_759 : f32 to vector<16xf32>
      %select_n3A_761 = arith.select %eq3A_755, %broadcast_in_dim3A_760, %select_n3A_713 : vector<16xi1>, vector<16xf32>
      %add3A_762 = arith.constant 9 : i32
      %add3A_763 = arith.addi %mul3A_333, %add3A_762 : i32
      %get3A_764 = arith.constant 3 : i32
      %get3A_765 = arith.index_cast %get3A_764 : i32 to index
      %get3A_766 = arith.index_cast %add3A_763 : i32 to index
      %get3A_767 = arith.constant 0 : index
      %get3A_768 = tpu.vector_load %arg11[%get3A_765, %get3A_766, %get3A_767] {strides = array<i32>} : memref<4x128x32xf32, #tpu.memory_space<vmem>>, vector<16xf32>,
      %get3A_769 = arith.constant 3 : i32
      %get3A_770 = arith.index_cast %get3A_769 : i32 to index
      %get3A_771 = arith.index_cast %add3A_763 : i32 to index
      %get3A_772 = arith.constant 16 : index
      %get3A_773 = tpu.vector_load %arg11[%get3A_770, %get3A_771, %get3A_772] {strides = array<i32>} : memref<4x128x32xf32, #tpu.memory_space<vmem>>, vector<16xf32>,
      %get3A_774 = arith.constant 3 : i32
      %get3A_775 = arith.index_cast %get3A_774 : i32 to index
      %get3A_776 = arith.index_cast %add3A_763 : i32 to index
      %get3A_777 = arith.constant 0 : index
      %get3A_778 = tpu.vector_load %arg12[%get3A_775, %get3A_776, %get3A_777] {strides = array<i32>} : memref<4x128x32xf32, #tpu.memory_space<vmem>>, vector<16xf32>,
      %get3A_779 = arith.constant 3 : i32
      %get3A_780 = arith.index_cast %get3A_779 : i32 to index
      %get3A_781 = arith.index_cast %add3A_763 : i32 to index
      %get3A_782 = arith.constant 16 : index
      %get3A_783 = tpu.vector_load %arg12[%get3A_780, %get3A_781, %get3A_782] {strides = array<i32>} : memref<4x128x32xf32, #tpu.memory_space<vmem>>, vector<16xf32>,
      %get3A_784 = arith.constant 3 : i32
      %get3A_785 = arith.index_cast %get3A_784 : i32 to index
      %get3A_786 = arith.index_cast %add3A_763 : i32 to index
      %get3A_787 = arith.constant 0 : index
      %get3A_788 = tpu.vector_load %arg13[%get3A_785, %get3A_786, %get3A_787] {strides = array<i32>} : memref<4x128x32xf32, #tpu.memory_space<vmem>>, vector<16xf32>,
      %get3A_789 = arith.constant 3 : i32
      %get3A_790 = arith.index_cast %get3A_789 : i32 to index
      %get3A_791 = arith.index_cast %add3A_763 : i32 to index
      %get3A_792 = arith.constant 16 : index
      %get3A_793 = tpu.vector_load %arg13[%get3A_790, %get3A_791, %get3A_792] {strides = array<i32>} : memref<4x128x32xf32, #tpu.memory_space<vmem>>, vector<16xf32>,
      %sub3A_794 = arith.subf %get3A_768, %get3A_778 : vector<16xf32>
      %add3A_795 = arith.addf %sub3A_794, %get3A_788 : vector<16xf32>
      %sub3A_796 = arith.subf %get3A_773, %get3A_783 : vector<16xf32>
      %add3A_797 = arith.addf %sub3A_796, %get3A_793 : vector<16xf32>
      %mul3A_798 = arith.mulf %add3A_795, %add3A_795 : vector<16xf32>
      %mul3A_799 = arith.mulf %add3A_797, %add3A_797 : vector<16xf32>
      %add3A_800 = arith.addf %mul3A_798, %mul3A_799 : vector<16xf32>
      %eq3A_801 = arith.constant 9 : i32
      %eq3A_802 = vector.broadcast %eq3A_801 : i32 to vector<16xi32>
      %eq3A_803 = arith.cmpi eq, %iota3A, %eq3A_802 : vector<16xi32>
      %reduce_sum3A_804 = arith.constant true
      %reduce_sum3A_805 = vector.broadcast %reduce_sum3A_804 : i1 to vector<16xi1>
      %reduce_sum3A_806 = tpu.scan <sum>, %add3A_800 masked %reduce_sum3A_805 : vector<16xf32>, vector<16xi1> -> vector<16xf32>
      %reduce_sum3A_807 = vector.extract %reduce_sum3A_806[15] : f32 from vector<16xf32>
      %broadcast_in_dim3A_808 = vector.broadcast %reduce_sum3A_807 : f32 to vector<16xf32>
      %select_n3A_809 = arith.select %eq3A_803, %broadcast_in_dim3A_808, %select_n3A_761 : vector<16xi1>, vector<16xf32>
      %add3A_810 = arith.constant 10 : i32
      %add3A_811 = arith.addi %mul3A_333, %add3A_810 : i32
      %get3A_812 = arith.constant 3 : i32
      %get3A_813 = arith.index_cast %get3A_812 : i32 to index
      %get3A_814 = arith.index_cast %add3A_811 : i32 to index
      %get3A_815 = arith.constant 0 : index
      %get3A_816 = tpu.vector_load %arg11[%get3A_813, %get3A_814, %get3A_815] {strides = array<i32>} : memref<4x128x32xf32, #tpu.memory_space<vmem>>, vector<16xf32>,
      %get3A_817 = arith.constant 3 : i32
      %get3A_818 = arith.index_cast %get3A_817 : i32 to index
      %get3A_819 = arith.index_cast %add3A_811 : i32 to index
      %get3A_820 = arith.constant 16 : index
      %get3A_821 = tpu.vector_load %arg11[%get3A_818, %get3A_819, %get3A_820] {strides = array<i32>} : memref<4x128x32xf32, #tpu.memory_space<vmem>>, vector<16xf32>,
      %get3A_822 = arith.constant 3 : i32
      %get3A_823 = arith.index_cast %get3A_822 : i32 to index
      %get3A_824 = arith.index_cast %add3A_811 : i32 to index
      %get3A_825 = arith.constant 0 : index
      %get3A_826 = tpu.vector_load %arg12[%get3A_823, %get3A_824, %get3A_825] {strides = array<i32>} : memref<4x128x32xf32, #tpu.memory_space<vmem>>, vector<16xf32>,
      %get3A_827 = arith.constant 3 : i32
      %get3A_828 = arith.index_cast %get3A_827 : i32 to index
      %get3A_829 = arith.index_cast %add3A_811 : i32 to index
      %get3A_830 = arith.constant 16 : index
      %get3A_831 = tpu.vector_load %arg12[%get3A_828, %get3A_829, %get3A_830] {strides = array<i32>} : memref<4x128x32xf32, #tpu.memory_space<vmem>>, vector<16xf32>,
      %get3A_832 = arith.constant 3 : i32
      %get3A_833 = arith.index_cast %get3A_832 : i32 to index
      %get3A_834 = arith.index_cast %add3A_811 : i32 to index
      %get3A_835 = arith.constant 0 : index
      %get3A_836 = tpu.vector_load %arg13[%get3A_833, %get3A_834, %get3A_835] {strides = array<i32>} : memref<4x128x32xf32, #tpu.memory_space<vmem>>, vector<16xf32>,
      %get3A_837 = arith.constant 3 : i32
      %get3A_838 = arith.index_cast %get3A_837 : i32 to index
      %get3A_839 = arith.index_cast %add3A_811 : i32 to index
      %get3A_840 = arith.constant 16 : index
      %get3A_841 = tpu.vector_load %arg13[%get3A_838, %get3A_839, %get3A_840] {strides = array<i32>} : memref<4x128x32xf32, #tpu.memory_space<vmem>>, vector<16xf32>,
      %sub3A_842 = arith.subf %get3A_816, %get3A_826 : vector<16xf32>
      %add3A_843 = arith.addf %sub3A_842, %get3A_836 : vector<16xf32>
      %sub3A_844 = arith.subf %get3A_821, %get3A_831 : vector<16xf32>
      %add3A_845 = arith.addf %sub3A_844, %get3A_841 : vector<16xf32>
      %mul3A_846 = arith.mulf %add3A_843, %add3A_843 : vector<16xf32>
      %mul3A_847 = arith.mulf %add3A_845, %add3A_845 : vector<16xf32>
      %add3A_848 = arith.addf %mul3A_846, %mul3A_847 : vector<16xf32>
      %eq3A_849 = arith.constant 10 : i32
      %eq3A_850 = vector.broadcast %eq3A_849 : i32 to vector<16xi32>
      %eq3A_851 = arith.cmpi eq, %iota3A, %eq3A_850 : vector<16xi32>
      %reduce_sum3A_852 = arith.constant true
      %reduce_sum3A_853 = vector.broadcast %reduce_sum3A_852 : i1 to vector<16xi1>
      %reduce_sum3A_854 = tpu.scan <sum>, %add3A_848 masked %reduce_sum3A_853 : vector<16xf32>, vector<16xi1> -> vector<16xf32>
      %reduce_sum3A_855 = vector.extract %reduce_sum3A_854[15] : f32 from vector<16xf32>
      %broadcast_in_dim3A_856 = vector.broadcast %reduce_sum3A_855 : f32 to vector<16xf32>
      %select_n3A_857 = arith.select %eq3A_851, %broadcast_in_dim3A_856, %select_n3A_809 : vector<16xi1>, vector<16xf32>
      %add3A_858 = arith.constant 11 : i32
      %add3A_859 = arith.addi %mul3A_333, %add3A_858 : i32
      %get3A_860 = arith.constant 3 : i32
      %get3A_861 = arith.index_cast %get3A_860 : i32 to index
      %get3A_862 = arith.index_cast %add3A_859 : i32 to index
      %get3A_863 = arith.constant 0 : index
      %get3A_864 = tpu.vector_load %arg11[%get3A_861, %get3A_862, %get3A_863] {strides = array<i32>} : memref<4x128x32xf32, #tpu.memory_space<vmem>>, vector<16xf32>,
      %get3A_865 = arith.constant 3 : i32
      %get3A_866 = arith.index_cast %get3A_865 : i32 to index
      %get3A_867 = arith.index_cast %add3A_859 : i32 to index
      %get3A_868 = arith.constant 16 : index
      %get3A_869 = tpu.vector_load %arg11[%get3A_866, %get3A_867, %get3A_868] {strides = array<i32>} : memref<4x128x32xf32, #tpu.memory_space<vmem>>, vector<16xf32>,
      %get3A_870 = arith.constant 3 : i32
      %get3A_871 = arith.index_cast %get3A_870 : i32 to index
      %get3A_872 = arith.index_cast %add3A_859 : i32 to index
      %get3A_873 = arith.constant 0 : index
      %get3A_874 = tpu.vector_load %arg12[%get3A_871, %get3A_872, %get3A_873] {strides = array<i32>} : memref<4x128x32xf32, #tpu.memory_space<vmem>>, vector<16xf32>,
      %get3A_875 = arith.constant 3 : i32
      %get3A_876 = arith.index_cast %get3A_875 : i32 to index
      %get3A_877 = arith.index_cast %add3A_859 : i32 to index
      %get3A_878 = arith.constant 16 : index
      %get3A_879 = tpu.vector_load %arg12[%get3A_876, %get3A_877, %get3A_878] {strides = array<i32>} : memref<4x128x32xf32, #tpu.memory_space<vmem>>, vector<16xf32>,
      %get3A_880 = arith.constant 3 : i32
      %get3A_881 = arith.index_cast %get3A_880 : i32 to index
      %get3A_882 = arith.index_cast %add3A_859 : i32 to index
      %get3A_883 = arith.constant 0 : index
      %get3A_884 = tpu.vector_load %arg13[%get3A_881, %get3A_882, %get3A_883] {strides = array<i32>} : memref<4x128x32xf32, #tpu.memory_space<vmem>>, vector<16xf32>,
      %get3A_885 = arith.constant 3 : i32
      %get3A_886 = arith.index_cast %get3A_885 : i32 to index
      %get3A_887 = arith.index_cast %add3A_859 : i32 to index
      %get3A_888 = arith.constant 16 : index
      %get3A_889 = tpu.vector_load %arg13[%get3A_886, %get3A_887, %get3A_888] {strides = array<i32>} : memref<4x128x32xf32, #tpu.memory_space<vmem>>, vector<16xf32>,
      %sub3A_890 = arith.subf %get3A_864, %get3A_874 : vector<16xf32>
      %add3A_891 = arith.addf %sub3A_890, %get3A_884 : vector<16xf32>
      %sub3A_892 = arith.subf %get3A_869, %get3A_879 : vector<16xf32>
      %add3A_893 = arith.addf %sub3A_892, %get3A_889 : vector<16xf32>
      %mul3A_894 = arith.mulf %add3A_891, %add3A_891 : vector<16xf32>
      %mul3A_895 = arith.mulf %add3A_893, %add3A_893 : vector<16xf32>
      %add3A_896 = arith.addf %mul3A_894, %mul3A_895 : vector<16xf32>
      %eq3A_897 = arith.constant 11 : i32
      %eq3A_898 = vector.broadcast %eq3A_897 : i32 to vector<16xi32>
      %eq3A_899 = arith.cmpi eq, %iota3A, %eq3A_898 : vector<16xi32>
      %reduce_sum3A_900 = arith.constant true
      %reduce_sum3A_901 = vector.broadcast %reduce_sum3A_900 : i1 to vector<16xi1>
      %reduce_sum3A_902 = tpu.scan <sum>, %add3A_896 masked %reduce_sum3A_901 : vector<16xf32>, vector<16xi1> -> vector<16xf32>
      %reduce_sum3A_903 = vector.extract %reduce_sum3A_902[15] : f32 from vector<16xf32>
      %broadcast_in_dim3A_904 = vector.broadcast %reduce_sum3A_903 : f32 to vector<16xf32>
      %select_n3A_905 = arith.select %eq3A_899, %broadcast_in_dim3A_904, %select_n3A_857 : vector<16xi1>, vector<16xf32>
      %add3A_906 = arith.constant 12 : i32
      %add3A_907 = arith.addi %mul3A_333, %add3A_906 : i32
      %get3A_908 = arith.constant 3 : i32
      %get3A_909 = arith.index_cast %get3A_908 : i32 to index
      %get3A_910 = arith.index_cast %add3A_907 : i32 to index
      %get3A_911 = arith.constant 0 : index
      %get3A_912 = tpu.vector_load %arg11[%get3A_909, %get3A_910, %get3A_911] {strides = array<i32>} : memref<4x128x32xf32, #tpu.memory_space<vmem>>, vector<16xf32>,
      %get3A_913 = arith.constant 3 : i32
      %get3A_914 = arith.index_cast %get3A_913 : i32 to index
      %get3A_915 = arith.index_cast %add3A_907 : i32 to index
      %get3A_916 = arith.constant 16 : index
      %get3A_917 = tpu.vector_load %arg11[%get3A_914, %get3A_915, %get3A_916] {strides = array<i32>} : memref<4x128x32xf32, #tpu.memory_space<vmem>>, vector<16xf32>,
      %get3A_918 = arith.constant 3 : i32
      %get3A_919 = arith.index_cast %get3A_918 : i32 to index
      %get3A_920 = arith.index_cast %add3A_907 : i32 to index
      %get3A_921 = arith.constant 0 : index
      %get3A_922 = tpu.vector_load %arg12[%get3A_919, %get3A_920, %get3A_921] {strides = array<i32>} : memref<4x128x32xf32, #tpu.memory_space<vmem>>, vector<16xf32>,
      %get3A_923 = arith.constant 3 : i32
      %get3A_924 = arith.index_cast %get3A_923 : i32 to index
      %get3A_925 = arith.index_cast %add3A_907 : i32 to index
      %get3A_926 = arith.constant 16 : index
      %get3A_927 = tpu.vector_load %arg12[%get3A_924, %get3A_925, %get3A_926] {strides = array<i32>} : memref<4x128x32xf32, #tpu.memory_space<vmem>>, vector<16xf32>,
      %get3A_928 = arith.constant 3 : i32
      %get3A_929 = arith.index_cast %get3A_928 : i32 to index
      %get3A_930 = arith.index_cast %add3A_907 : i32 to index
      %get3A_931 = arith.constant 0 : index
      %get3A_932 = tpu.vector_load %arg13[%get3A_929, %get3A_930, %get3A_931] {strides = array<i32>} : memref<4x128x32xf32, #tpu.memory_space<vmem>>, vector<16xf32>,
      %get3A_933 = arith.constant 3 : i32
      %get3A_934 = arith.index_cast %get3A_933 : i32 to index
      %get3A_935 = arith.index_cast %add3A_907 : i32 to index
      %get3A_936 = arith.constant 16 : index
      %get3A_937 = tpu.vector_load %arg13[%get3A_934, %get3A_935, %get3A_936] {strides = array<i32>} : memref<4x128x32xf32, #tpu.memory_space<vmem>>, vector<16xf32>,
      %sub3A_938 = arith.subf %get3A_912, %get3A_922 : vector<16xf32>
      %add3A_939 = arith.addf %sub3A_938, %get3A_932 : vector<16xf32>
      %sub3A_940 = arith.subf %get3A_917, %get3A_927 : vector<16xf32>
      %add3A_941 = arith.addf %sub3A_940, %get3A_937 : vector<16xf32>
      %mul3A_942 = arith.mulf %add3A_939, %add3A_939 : vector<16xf32>
      %mul3A_943 = arith.mulf %add3A_941, %add3A_941 : vector<16xf32>
      %add3A_944 = arith.addf %mul3A_942, %mul3A_943 : vector<16xf32>
      %eq3A_945 = arith.constant 12 : i32
      %eq3A_946 = vector.broadcast %eq3A_945 : i32 to vector<16xi32>
      %eq3A_947 = arith.cmpi eq, %iota3A, %eq3A_946 : vector<16xi32>
      %reduce_sum3A_948 = arith.constant true
      %reduce_sum3A_949 = vector.broadcast %reduce_sum3A_948 : i1 to vector<16xi1>
      %reduce_sum3A_950 = tpu.scan <sum>, %add3A_944 masked %reduce_sum3A_949 : vector<16xf32>, vector<16xi1> -> vector<16xf32>
      %reduce_sum3A_951 = vector.extract %reduce_sum3A_950[15] : f32 from vector<16xf32>
      %broadcast_in_dim3A_952 = vector.broadcast %reduce_sum3A_951 : f32 to vector<16xf32>
      %select_n3A_953 = arith.select %eq3A_947, %broadcast_in_dim3A_952, %select_n3A_905 : vector<16xi1>, vector<16xf32>
      %add3A_954 = arith.constant 13 : i32
      %add3A_955 = arith.addi %mul3A_333, %add3A_954 : i32
      %get3A_956 = arith.constant 3 : i32
      %get3A_957 = arith.index_cast %get3A_956 : i32 to index
      %get3A_958 = arith.index_cast %add3A_955 : i32 to index
      %get3A_959 = arith.constant 0 : index
      %get3A_960 = tpu.vector_load %arg11[%get3A_957, %get3A_958, %get3A_959] {strides = array<i32>} : memref<4x128x32xf32, #tpu.memory_space<vmem>>, vector<16xf32>,
      %get3A_961 = arith.constant 3 : i32
      %get3A_962 = arith.index_cast %get3A_961 : i32 to index
      %get3A_963 = arith.index_cast %add3A_955 : i32 to index
      %get3A_964 = arith.constant 16 : index
      %get3A_965 = tpu.vector_load %arg11[%get3A_962, %get3A_963, %get3A_964] {strides = array<i32>} : memref<4x128x32xf32, #tpu.memory_space<vmem>>, vector<16xf32>,
      %get3A_966 = arith.constant 3 : i32
      %get3A_967 = arith.index_cast %get3A_966 : i32 to index
      %get3A_968 = arith.index_cast %add3A_955 : i32 to index
      %get3A_969 = arith.constant 0 : index
      %get3A_970 = tpu.vector_load %arg12[%get3A_967, %get3A_968, %get3A_969] {strides = array<i32>} : memref<4x128x32xf32, #tpu.memory_space<vmem>>, vector<16xf32>,
      %get3A_971 = arith.constant 3 : i32
      %get3A_972 = arith.index_cast %get3A_971 : i32 to index
      %get3A_973 = arith.index_cast %add3A_955 : i32 to index
      %get3A_974 = arith.constant 16 : index
      %get3A_975 = tpu.vector_load %arg12[%get3A_972, %get3A_973, %get3A_974] {strides = array<i32>} : memref<4x128x32xf32, #tpu.memory_space<vmem>>, vector<16xf32>,
      %get3A_976 = arith.constant 3 : i32
      %get3A_977 = arith.index_cast %get3A_976 : i32 to index
      %get3A_978 = arith.index_cast %add3A_955 : i32 to index
      %get3A_979 = arith.constant 0 : index
      %get3A_980 = tpu.vector_load %arg13[%get3A_977, %get3A_978, %get3A_979] {strides = array<i32>} : memref<4x128x32xf32, #tpu.memory_space<vmem>>, vector<16xf32>,
      %get3A_981 = arith.constant 3 : i32
      %get3A_982 = arith.index_cast %get3A_981 : i32 to index
      %get3A_983 = arith.index_cast %add3A_955 : i32 to index
      %get3A_984 = arith.constant 16 : index
      %get3A_985 = tpu.vector_load %arg13[%get3A_982, %get3A_983, %get3A_984] {strides = array<i32>} : memref<4x128x32xf32, #tpu.memory_space<vmem>>, vector<16xf32>,
      %sub3A_986 = arith.subf %get3A_960, %get3A_970 : vector<16xf32>
      %add3A_987 = arith.addf %sub3A_986, %get3A_980 : vector<16xf32>
      %sub3A_988 = arith.subf %get3A_965, %get3A_975 : vector<16xf32>
      %add3A_989 = arith.addf %sub3A_988, %get3A_985 : vector<16xf32>
      %mul3A_990 = arith.mulf %add3A_987, %add3A_987 : vector<16xf32>
      %mul3A_991 = arith.mulf %add3A_989, %add3A_989 : vector<16xf32>
      %add3A_992 = arith.addf %mul3A_990, %mul3A_991 : vector<16xf32>
      %eq3A_993 = arith.constant 13 : i32
      %eq3A_994 = vector.broadcast %eq3A_993 : i32 to vector<16xi32>
      %eq3A_995 = arith.cmpi eq, %iota3A, %eq3A_994 : vector<16xi32>
      %reduce_sum3A_996 = arith.constant true
      %reduce_sum3A_997 = vector.broadcast %reduce_sum3A_996 : i1 to vector<16xi1>
      %reduce_sum3A_998 = tpu.scan <sum>, %add3A_992 masked %reduce_sum3A_997 : vector<16xf32>, vector<16xi1> -> vector<16xf32>
      %reduce_sum3A_999 = vector.extract %reduce_sum3A_998[15] : f32 from vector<16xf32>
      %broadcast_in_dim3A_1000 = vector.broadcast %reduce_sum3A_999 : f32 to vector<16xf32>
      %select_n3A_1001 = arith.select %eq3A_995, %broadcast_in_dim3A_1000, %select_n3A_953 : vector<16xi1>, vector<16xf32>
      %add3A_1002 = arith.constant 14 : i32
      %add3A_1003 = arith.addi %mul3A_333, %add3A_1002 : i32
      %get3A_1004 = arith.constant 3 : i32
      %get3A_1005 = arith.index_cast %get3A_1004 : i32 to index
      %get3A_1006 = arith.index_cast %add3A_1003 : i32 to index
      %get3A_1007 = arith.constant 0 : index
      %get3A_1008 = tpu.vector_load %arg11[%get3A_1005, %get3A_1006, %get3A_1007] {strides = array<i32>} : memref<4x128x32xf32, #tpu.memory_space<vmem>>, vector<16xf32>,
      %get3A_1009 = arith.constant 3 : i32
      %get3A_1010 = arith.index_cast %get3A_1009 : i32 to index
      %get3A_1011 = arith.index_cast %add3A_1003 : i32 to index
      %get3A_1012 = arith.constant 16 : index
      %get3A_1013 = tpu.vector_load %arg11[%get3A_1010, %get3A_1011, %get3A_1012] {strides = array<i32>} : memref<4x128x32xf32, #tpu.memory_space<vmem>>, vector<16xf32>,
      %get3A_1014 = arith.constant 3 : i32
      %get3A_1015 = arith.index_cast %get3A_1014 : i32 to index
      %get3A_1016 = arith.index_cast %add3A_1003 : i32 to index
      %get3A_1017 = arith.constant 0 : index
      %get3A_1018 = tpu.vector_load %arg12[%get3A_1015, %get3A_1016, %get3A_1017] {strides = array<i32>} : memref<4x128x32xf32, #tpu.memory_space<vmem>>, vector<16xf32>,
      %get3A_1019 = arith.constant 3 : i32
      %get3A_1020 = arith.index_cast %get3A_1019 : i32 to index
      %get3A_1021 = arith.index_cast %add3A_1003 : i32 to index
      %get3A_1022 = arith.constant 16 : index
      %get3A_1023 = tpu.vector_load %arg12[%get3A_1020, %get3A_1021, %get3A_1022] {strides = array<i32>} : memref<4x128x32xf32, #tpu.memory_space<vmem>>, vector<16xf32>,
      %get3A_1024 = arith.constant 3 : i32
      %get3A_1025 = arith.index_cast %get3A_1024 : i32 to index
      %get3A_1026 = arith.index_cast %add3A_1003 : i32 to index
      %get3A_1027 = arith.constant 0 : index
      %get3A_1028 = tpu.vector_load %arg13[%get3A_1025, %get3A_1026, %get3A_1027] {strides = array<i32>} : memref<4x128x32xf32, #tpu.memory_space<vmem>>, vector<16xf32>,
      %get3A_1029 = arith.constant 3 : i32
      %get3A_1030 = arith.index_cast %get3A_1029 : i32 to index
      %get3A_1031 = arith.index_cast %add3A_1003 : i32 to index
      %get3A_1032 = arith.constant 16 : index
      %get3A_1033 = tpu.vector_load %arg13[%get3A_1030, %get3A_1031, %get3A_1032] {strides = array<i32>} : memref<4x128x32xf32, #tpu.memory_space<vmem>>, vector<16xf32>,
      %sub3A_1034 = arith.subf %get3A_1008, %get3A_1018 : vector<16xf32>
      %add3A_1035 = arith.addf %sub3A_1034, %get3A_1028 : vector<16xf32>
      %sub3A_1036 = arith.subf %get3A_1013, %get3A_1023 : vector<16xf32>
      %add3A_1037 = arith.addf %sub3A_1036, %get3A_1033 : vector<16xf32>
      %mul3A_1038 = arith.mulf %add3A_1035, %add3A_1035 : vector<16xf32>
      %mul3A_1039 = arith.mulf %add3A_1037, %add3A_1037 : vector<16xf32>
      %add3A_1040 = arith.addf %mul3A_1038, %mul3A_1039 : vector<16xf32>
      %eq3A_1041 = arith.constant 14 : i32
      %eq3A_1042 = vector.broadcast %eq3A_1041 : i32 to vector<16xi32>
      %eq3A_1043 = arith.cmpi eq, %iota3A, %eq3A_1042 : vector<16xi32>
      %reduce_sum3A_1044 = arith.constant true
      %reduce_sum3A_1045 = vector.broadcast %reduce_sum3A_1044 : i1 to vector<16xi1>
      %reduce_sum3A_1046 = tpu.scan <sum>, %add3A_1040 masked %reduce_sum3A_1045 : vector<16xf32>, vector<16xi1> -> vector<16xf32>
      %reduce_sum3A_1047 = vector.extract %reduce_sum3A_1046[15] : f32 from vector<16xf32>
      %broadcast_in_dim3A_1048 = vector.broadcast %reduce_sum3A_1047 : f32 to vector<16xf32>
      %select_n3A_1049 = arith.select %eq3A_1043, %broadcast_in_dim3A_1048, %select_n3A_1001 : vector<16xi1>, vector<16xf32>
      %add3A_1050 = arith.constant 15 : i32
      %add3A_1051 = arith.addi %mul3A_333, %add3A_1050 : i32
      %get3A_1052 = arith.constant 3 : i32
      %get3A_1053 = arith.index_cast %get3A_1052 : i32 to index
      %get3A_1054 = arith.index_cast %add3A_1051 : i32 to index
      %get3A_1055 = arith.constant 0 : index
      %get3A_1056 = tpu.vector_load %arg11[%get3A_1053, %get3A_1054, %get3A_1055] {strides = array<i32>} : memref<4x128x32xf32, #tpu.memory_space<vmem>>, vector<16xf32>,
      %get3A_1057 = arith.constant 3 : i32
      %get3A_1058 = arith.index_cast %get3A_1057 : i32 to index
      %get3A_1059 = arith.index_cast %add3A_1051 : i32 to index
      %get3A_1060 = arith.constant 16 : index
      %get3A_1061 = tpu.vector_load %arg11[%get3A_1058, %get3A_1059, %get3A_1060] {strides = array<i32>} : memref<4x128x32xf32, #tpu.memory_space<vmem>>, vector<16xf32>,
      %get3A_1062 = arith.constant 3 : i32
      %get3A_1063 = arith.index_cast %get3A_1062 : i32 to index
      %get3A_1064 = arith.index_cast %add3A_1051 : i32 to index
      %get3A_1065 = arith.constant 0 : index
      %get3A_1066 = tpu.vector_load %arg12[%get3A_1063, %get3A_1064, %get3A_1065] {strides = array<i32>} : memref<4x128x32xf32, #tpu.memory_space<vmem>>, vector<16xf32>,
      %get3A_1067 = arith.constant 3 : i32
      %get3A_1068 = arith.index_cast %get3A_1067 : i32 to index
      %get3A_1069 = arith.index_cast %add3A_1051 : i32 to index
      %get3A_1070 = arith.constant 16 : index
      %get3A_1071 = tpu.vector_load %arg12[%get3A_1068, %get3A_1069, %get3A_1070] {strides = array<i32>} : memref<4x128x32xf32, #tpu.memory_space<vmem>>, vector<16xf32>,
      %get3A_1072 = arith.constant 3 : i32
      %get3A_1073 = arith.index_cast %get3A_1072 : i32 to index
      %get3A_1074 = arith.index_cast %add3A_1051 : i32 to index
      %get3A_1075 = arith.constant 0 : index
      %get3A_1076 = tpu.vector_load %arg13[%get3A_1073, %get3A_1074, %get3A_1075] {strides = array<i32>} : memref<4x128x32xf32, #tpu.memory_space<vmem>>, vector<16xf32>,
      %get3A_1077 = arith.constant 3 : i32
      %get3A_1078 = arith.index_cast %get3A_1077 : i32 to index
      %get3A_1079 = arith.index_cast %add3A_1051 : i32 to index
      %get3A_1080 = arith.constant 16 : index
      %get3A_1081 = tpu.vector_load %arg13[%get3A_1078, %get3A_1079, %get3A_1080] {strides = array<i32>} : memref<4x128x32xf32, #tpu.memory_space<vmem>>, vector<16xf32>,
      %sub3A_1082 = arith.subf %get3A_1056, %get3A_1066 : vector<16xf32>
      %add3A_1083 = arith.addf %sub3A_1082, %get3A_1076 : vector<16xf32>
      %sub3A_1084 = arith.subf %get3A_1061, %get3A_1071 : vector<16xf32>
      %add3A_1085 = arith.addf %sub3A_1084, %get3A_1081 : vector<16xf32>
      %mul3A_1086 = arith.mulf %add3A_1083, %add3A_1083 : vector<16xf32>
      %mul3A_1087 = arith.mulf %add3A_1085, %add3A_1085 : vector<16xf32>
      %add3A_1088 = arith.addf %mul3A_1086, %mul3A_1087 : vector<16xf32>
      %eq3A_1089 = arith.constant 15 : i32
      %eq3A_1090 = vector.broadcast %eq3A_1089 : i32 to vector<16xi32>
      %eq3A_1091 = arith.cmpi eq, %iota3A, %eq3A_1090 : vector<16xi32>
      %reduce_sum3A_1092 = arith.constant true
      %reduce_sum3A_1093 = vector.broadcast %reduce_sum3A_1092 : i1 to vector<16xi1>
      %reduce_sum3A_1094 = tpu.scan <sum>, %add3A_1088 masked %reduce_sum3A_1093 : vector<16xf32>, vector<16xi1> -> vector<16xf32>
      %reduce_sum3A_1095 = vector.extract %reduce_sum3A_1094[15] : f32 from vector<16xf32>
      %broadcast_in_dim3A_1096 = vector.broadcast %reduce_sum3A_1095 : f32 to vector<16xf32>
      %select_n3A_1097 = arith.select %eq3A_1091, %broadcast_in_dim3A_1096, %select_n3A_1049 : vector<16xi1>, vector<16xf32>
      %add3A_1098 = arith.constant 9.99999996E-13 : f32
      %add3A_1099 = vector.broadcast %add3A_1098 : f32 to vector<16xf32>
      %add3A_1100 = arith.addf %select_n3A_1097, %add3A_1099 : vector<16xf32>
      %bitcast_convert_type3A = tpu.bitcast %add3A_1100 : vector<16xf32> -> vector<16xi32>
      %shift_right_logical3A = arith.constant 1 : i32
      %shift_right_logical3A_1101 = vector.broadcast %shift_right_logical3A : i32 to vector<16xi32>
      %shift_right_logical3A_1102 = arith.shrui %bitcast_convert_type3A, %shift_right_logical3A_1101 : vector<16xi32>
      %add3A_1103 = arith.constant 532487669 : i32
      %add3A_1104 = vector.broadcast %add3A_1103 : i32 to vector<16xi32>
      %add3A_1105 = arith.addi %shift_right_logical3A_1102, %add3A_1104 : vector<16xi32>
      %bitcast_convert_type3A_1106 = tpu.bitcast %add3A_1105 : vector<16xi32> -> vector<16xf32>
      %div3A = arith.divf %add3A_1100, %bitcast_convert_type3A_1106 : vector<16xf32>
      %add3A_1107 = arith.addf %bitcast_convert_type3A_1106, %div3A : vector<16xf32>
      %mul3A_1108 = arith.constant 5.000000e-01 : f32
      %mul3A_1109 = vector.broadcast %mul3A_1108 : f32 to vector<16xf32>
      %mul3A_1110 = arith.mulf %mul3A_1109, %add3A_1107 : vector<16xf32>
      %div3A_1111 = arith.divf %add3A_1100, %mul3A_1110 : vector<16xf32>
      %add3A_1112 = arith.addf %mul3A_1110, %div3A_1111 : vector<16xf32>
      %mul3A_1113 = arith.constant 5.000000e-01 : f32
      %mul3A_1114 = vector.broadcast %mul3A_1113 : f32 to vector<16xf32>
      %mul3A_1115 = arith.mulf %mul3A_1114, %add3A_1112 : vector<16xf32>
      %div3A_1116 = arith.divf %add3A_1100, %mul3A_1115 : vector<16xf32>
      %add3A_1117 = arith.addf %mul3A_1115, %div3A_1116 : vector<16xf32>
      %mul3A_1118 = arith.constant 5.000000e-01 : f32
      %mul3A_1119 = vector.broadcast %mul3A_1118 : f32 to vector<16xf32>
      %mul3A_1120 = arith.mulf %mul3A_1119, %add3A_1117 : vector<16xf32>
      %neg3A = arith.constant 0.000000e+00 : f32
      %neg3A_1121 = vector.broadcast %neg3A : f32 to vector<16xf32>
      %neg3A_1122 = arith.subf %neg3A_1121, %mul3A_1120 : vector<16xf32>
      %add3A_1123 = arith.constant 384 : i32
      %add3A_1124 = arith.addi %add3A_1123, %mul3A_333 : i32
      %swap3A = arith.index_cast %add3A_1124 : i32 to index
      %swap3A_1125 = tpu.vector_load %arg14[%swap3A] {strides = array<i32>} : memref<512xf32, #tpu.memory_space<vmem>>, vector<16xf32>,
      tpu.vector_store %arg14[%swap3A], %neg3A_1122 {strides = array<i32>} : memref<512xf32, #tpu.memory_space<vmem>>, vector<16xf32>,
    }
    %scan3A_330 = arith.constant 8 : i32
    "tpu.region"() ({
      %run_scoped3A_331 = tpu.sem_alloc : memref<!tpu.dma_semaphore, #tpu.memory_space<semaphore_mem>>
      %dma_start3A_332 = tpu.memref_slice %arg7[%mul3A_2] : memref<16384xf32, #tpu.memory_space<hbm>> -> memref<512xf32, #tpu.memory_space<hbm>>
      %dma_start3A_333 = tpu.memref_slice %arg7[%mul3A_2] : memref<16384xf32, #tpu.memory_space<hbm>> -> memref<512xf32, #tpu.memory_space<hbm>>
      tpu.enqueue_dma source(%arg14 : memref<512xf32, #tpu.memory_space<vmem>>) target(%dma_start3A_333 : memref<512xf32, #tpu.memory_space<hbm>>) target_semaphore(%run_scoped3A_331 : memref<!tpu.dma_semaphore, #tpu.memory_space<semaphore_mem>>)
      %dma_wait3A_334 = tpu.memref_slice %arg7[%mul3A_2] : memref<16384xf32, #tpu.memory_space<hbm>> -> memref<512xf32, #tpu.memory_space<hbm>>
      %dma_wait3A_335 = tpu.memref_slice %arg7[%mul3A_2] : memref<16384xf32, #tpu.memory_space<hbm>> -> memref<512xf32, #tpu.memory_space<hbm>>
      tpu.wait_dma2 semaphore(%run_scoped3A_331 : memref<!tpu.dma_semaphore, #tpu.memory_space<semaphore_mem>>) src(%arg14 : memref<512xf32, #tpu.memory_space<vmem>>) dst(%dma_wait3A_335 : memref<512xf32, #tpu.memory_space<hbm>>)
      tpu.yield
    }) : () -> ()
    return
  }
}

</mosaic_0001>

<sc_bundles>
// kernel: kernel.3.cloned.1.call-start
scs
__scs_entry_jumppad:
0x0: {  	(pc) =	sbr.rel $0x88, $3  }
0x1: {  	(tag) =	ssettag $0x0;
	lr =	simm.s32 $0x1  }
0x2: {  	[smem:$0x3F9E] =	sst lr;
	_ =	strace $0xD0000000  }
0x3: {  	_ = 	snop  }
0x4: {  	_ = 	snop  }
0x5: {  	_ = 	snop  }
0x6: {  	_ = 	snop  }
0x7: {  	_ = 	snop  }
__scs_overlays_trampoline_lowered:
0x8: {  	[smem:$0x3FAD] =	sst s0  }
0x9: {  	[smem:$0x3FAE] =	sst s1  }
0xa: {  	[smem:$0x3FAF] =	sst s2  }
0xb: {  	[smem:$0x3FB0] =	sst s3  }
0xc: {  	[smem:$0x3FB1] =	sst s4  }
0xd: {  	[smem:$0x3FB2] =	sst s5  }
0xe: {  	[smem:$0x3FB3] =	sst s6  }
0xf: {  	[smem:$0x3FB4] =	sst s7  }
0x10: {  	[smem:$0x3FB5] =	sst s8  }
0x11: {  	[smem:$0x3FB6] =	sst s9;
	s0 =	simm.s32 @!p0 $0x0  }
0x12: {  	s1 =	sld [smem:$0x3F9C];
	s0 =	simm.s32 @p0 $0x1  }
0x13: {  	[smem:$0x3FB7] =	sst s0;
	s0 =	simm.s32 @!p1 $0x0  }
0x14: {  	s2 =	sld [smem:$0x3F9B];
	s0 =	simm.s32 @p1 $0x1  }
0x15: {  	[smem:$0x3FB8] =	sst s0;
	s0 =	simm.s32 @!p2 $0x0  }
0x16: {  	s3 =	sld [smem:$0x3FDB];
	s0 =	simm.s32 @p2 $0x1  }
0x17: {  	s4 =	simm.s32 $0x1BF5;
	[smem:$0x3FBA] =	sst s0  }
0x18: {  	s0 =	sld [smem:$0x3F9D];
	_ =	swait.ge [sflag:s4], $0x0  }
0x19: {  	s7 =	sld [smem:$0x3F9E]  }
0x1a: {  	s8 =	sadd.s32 $0xFFFFE003, lr  }
0x1b: {  	s9 =	sadd.s32 $0xFFFFFEF7, lr;
	s5 =	simm.s32 $0xFFFFFFFF;
	p2 =	slt.u32 s8, $0xFFFFF086  }
0x1c: {  	p1 =	slt.u32 s9, $0xF7A;
	s5 =	simm.s32 @!p2 $0x0  }
0x1d: {  	s5 =	simm.s32 @p1 $0x1;
	p0 =	seq.s32 s7, s2  }
0x1e: {  	s7 =	smul.u32 @!p0 $0xF7A, s2;
	p2 =	seq.s32 @!p0 s5, $0x0  }
0x1f: {  	s9 =	smul.u32 $0xF7A, s1;
	s8 =	simm.s32 @!p0 $0x1BF5;
	p2 =	por !p2, p0  }
0x20: {  	[sflag:s8] =	ssyncset.s32 @!p0 $0xFFFFF086;
	s6 =	sadd.s32 @!p0 s3, s7;
	s7 =	simm.s32 @!p0 $0x108  }
0x21: {  	s3 =	sadd.s32 s3, s9;
	s6 =	sadd.s32 @!p0 $0x88, s6;
	s7 =	simm.s32 @p2 $0x1082  }
0x22: {  	[simem:s7], [sflag:s8] =	dma.local @!p0 [hbm:s6], $0xF7A  }
0x23: {  	s9 =	sor.u32 $0xD0000000, s2;
	s6 =	simm.s32 $0x108;
	_ =	swait.ge @!p0 [sflag:s8], $0x0  }
0x24: {  	s3 =	sadd.s32 $0x88, s3;
	s6 =	simm.s32 @!p1 $0x1082;
	[sflag:s4] =	ssyncset.s32 $0xFFFFF086  }
0x25: {  	[simem:s6], [sflag:s4] =	dma.local [hbm:s3], $0xF7A  }
0x26: {  	[smem:$0x3F9E] =	sst s1;
	(tag) =	ssettag s2;
	_ =	strace s9  }
0x27: {  	s1 =	sld [smem:$0x3FAE]  }
0x28: {  	s2 =	sld [smem:$0x3FAF]  }
0x29: {  	s4 =	sld [smem:$0x3FB1]  }
0x2a: {  	p0 =	seq.s32 s5, $0x0;
	s5 =	sld [smem:$0x3FB2]  }
0x2b: {  	s6 =	sld [smem:$0x3FB3]  }
0x2c: {  	s7 =	sld [smem:$0x3FB4]  }
0x2d: {  	s3 =	simm.s32 $0x108;
	s8 =	sld [smem:$0x3FB5]  }
0x2e: {  	s3 =	simm.s32 @!p0 $0x1082;
	s9 =	sld [smem:$0x3FB6]  }
0x2f: {  	lr =	sadd.s32 s0, s3;
	s0 =	sld [smem:$0x3FAD]  }
0x30: {  	s3 =	sld [smem:$0x3FB0]  }
0x31: {  	[smem:$0x3FB9] =	sst s10  }
0x32: {  	s10 =	sld [smem:$0x3FB7];
	_ =	sdelay $0x3  }
0x33: {  	p0 =	seq.s32 s10, $0x1;
	s10 =	sld [smem:$0x3FB9];
	_ =	sdelay $0x3  }
0x34: {  	[smem:$0x3FB9] =	sst s10  }
0x35: {  	s10 =	sld [smem:$0x3FB8];
	_ =	sdelay $0x3  }
0x36: {  	p1 =	seq.s32 s10, $0x1;
	s10 =	sld [smem:$0x3FB9];
	_ =	sdelay $0x3  }
0x37: {  	[smem:$0x3FB9] =	sst s10  }
0x38: {  	s10 =	sld [smem:$0x3FBA]  }
0x39: {  	_ = 	snop;
	(pc) =	sbr.ind lr, $3  }
0x3a: {  	_ = 	snop  }
0x3b: {  	_ = 	snop  }
0x3c: {  	p2 =	seq.s32 s10, $0x1;
	s10 =	sld [smem:$0x3FB9]  }
0x3d: {  	_ =	shalt  }
0x3e: {  	_ =	shalt  }
0x3f: {  	_ =	shalt  }
0x40: {  	_ =	shalt  }
0x41: {  	_ =	shalt  }
0x42: {  	_ =	shalt  }
0x43: {  	_ =	shalt  }
0x44: {  	_ =	shalt  }
0x45: {  	_ =	shalt  }
0x46: {  	_ =	shalt  }
0x47: {  	_ =	shalt  }
0x48: {  	_ =	shalt  }
0x49: {  	_ =	shalt  }
0x4a: {  	_ =	shalt  }
0x4b: {  	_ =	shalt  }
0x4c: {  	_ =	shalt  }
0x4d: {  	_ =	shalt  }
0x4e: {  	_ =	shalt  }
0x4f: {  	_ =	shalt  }
0x50: {  	_ =	shalt  }
0x51: {  	_ =	shalt  }
0x52: {  	_ =	shalt  }
0x53: {  	_ =	shalt  }
0x54: {  	_ =	shalt  }
0x55: {  	_ =	shalt  }
0x56: {  	_ =	shalt  }
0x57: {  	_ =	shalt  }
0x58: {  	_ =	shalt  }
0x59: {  	_ =	shalt  }
0x5a: {  	_ =	shalt  }
0x5b: {  	_ =	shalt  }
0x5c: {  	_ =	shalt  }
0x5d: {  	_ =	shalt  }
0x5e: {  	_ =	shalt  }
0x5f: {  	_ =	shalt  }
0x60: {  	_ =	shalt  }
0x61: {  	_ =	shalt  }
0x62: {  	_ =	shalt  }
0x63: {  	_ =	shalt  }
0x64: {  	_ =	shalt  }
0x65: {  	_ =	shalt  }
0x66: {  	_ =	shalt  }
0x67: {  	_ =	shalt  }
0x68: {  	_ =	shalt  }
0x69: {  	_ =	shalt  }
0x6a: {  	_ =	shalt  }
0x6b: {  	_ =	shalt  }
0x6c: {  	_ =	shalt  }
0x6d: {  	_ =	shalt  }
0x6e: {  	_ =	shalt  }
0x6f: {  	_ =	shalt  }
0x70: {  	_ =	shalt  }
0x71: {  	_ =	shalt  }
0x72: {  	_ =	shalt  }
0x73: {  	_ =	shalt  }
0x74: {  	_ =	shalt  }
0x75: {  	_ =	shalt  }
0x76: {  	_ =	shalt  }
0x77: {  	_ =	shalt  }
0x78: {  	_ =	shalt  }
0x79: {  	_ =	shalt  }
0x7a: {  	_ =	shalt  }
0x7b: {  	_ =	shalt  }
0x7c: {  	_ =	shalt  }
0x7d: {  	_ =	shalt  }
0x7e: {  	_ =	shalt  }
0x7f: {  	_ =	shalt  }
0x80: {  	_ =	shalt  }
0x81: {  	_ =	shalt  }
0x82: {  	_ =	shalt  }
0x83: {  	_ =	shalt  }
0x84: {  	_ =	shalt  }
0x85: {  	_ =	shalt  }
0x86: {  	_ =	shalt  }
0x87: {  	_ =	shalt  }
.Lfunc_end0:
.L_simem_size_0:
called_computation_lowered:
.L_overlay_start_0:
0x88: {  	s2 =	sld [smem:$0x3FD9]  }
0x89: {  	s3 =	sld [smem:$0x3FFE];
	_ =	sdelay $0x1  }
0x8a: {  	s1 =	srdreg.scid  }
0x8b: {  	s0 =	sand.u32 $0x1, s1  }
0x8c: {  	s17 =	sshll.u32 s0, $0xA;
	s2 =	sadd.s32 s3, s2  }
0x8d: {  	s2 =	sadd.s32 s2, s17  }
0x8e: {  	[smem:$0x3FC5] =	sst s2  }
0x8f: {  	_ = 	snop  }
0x90: {  	s2 =	sld [smem:$0x3FD0];
	(tm) =	ssettm $0x1  }
0x91: {  	s18 =	sld [smem:$0x3FFB];
	_ =	sdelay $0x3  }
0x92: {  	_ =	strace s18  }
0x93: {  	s3 =	sld [smem:$0x3FFC];
	_ =	sdelay $0x3  }
0x94: {  	_ =	strace s3  }
0x95: {  	s3 =	sld [smem:$0x3FFD];
	_ =	sdelay $0x3  }
0x96: {  	_ =	strace s3  }
0x97: {  	_ =	strace $0x8FFFFFFF  }
0x98: {  	s19 =	sld [smem:$0x3FDB];
	_ =	sdelay $0x1  }
0x99: {  	s4 =	simm.s32 $_scs_section_size  }
0x9a: {  	s5 =	simm.s32 $_size__tile_overlayer_lowered;
	s6 =	simm.s32 $_tile_overlayer_lowered  }
0x9b: {  	s22 =	simm.s32 $0x1BFF;
	s21 =	sshll.u32 s6, $0x1;
	s3 =	sadd.s32 s4, s19  }
0x9c: {  	s7 =	simm.s32 $0x0;
	s20 =	sshll.u32 s5, $0x1;
	s5 =	sadd.s32 s21, s3  }
0x9d: {  	[timem:s7], [sflag:s22] =	dma.local [hbm:s5], s20  }
0x9e: {  	_ =	swait.ge [sflag:s22], s20  }
0x9f: {  	s4 =	ssub.s32 $0x0, s20;
	[sflag:s22] =	ssyncset.done $0x0  }
0xa0: {  	[sflag:s22] =	ssyncadd.s32 s4;
	_ =	sdelay $0x1  }
0xa1: {  	s23 =	simm.s32 $0x1B8B  }
0xa2: {  	_ =	swait.ge [sflag:s23], $0x1  }
0xa3: {  	[sflag:s23] =	ssyncset.done $0x0  }
0xa4: {  	s25 =	simm.s32 $0x1B8E;
	s24 =	sld [smem:$0x3FFE];
	[sflag:s23] =	ssyncadd.s32 $0xFFFFFFFF  }
0xa5: {  	s26 =	simm.s32 $execute0_lowered;
	[smem:$0x3FD2] =	sst s25  }
0xa6: {  	s5 =	sshll.u32 s26, $0x1;
	_ =	strace $0x80000046;
	[dreg:$0x1] =	wrdreg $0xFFFFFFFF  }
0xa7: {  	s28 =	simm.s32 $_size_execute0_lowered;
	s3 =	sadd.s32 s3, s5;
	[dreg:$0x0] =	wrdreg $0x0  }
0xa8: {  	s5 =	sshll.u32 s28, $0x1;
	[dreg:$0x2] =	wrdreg s3  }
0xa9: {  	[dreg:$0x3] =	wrdreg s5  }
0xaa: {  	[dreg:$0x4] =	wrdreg $0xC0  }
0xab: {  	_ =	task [dreg:s7], $0x5FFFF  }
0xac: {  	[dreg:$0x1] =	wrdreg $0xFFFFFFFF  }
0xad: {  	[dreg:$0x0] =	wrdreg $0x60  }
0xae: {  	[dreg:$0x2] =	wrdreg s24  }
0xaf: {  	[dreg:$0x3] =	wrdreg s2  }
0xb0: {  	[dreg:$0x4] =	wrdreg $0x9  }
0xb1: {  	_ =	task.clear_ibuf [dreg:s7], $0x5FFFF;
	_ =	strace $0x90000046  }
0xb2: {  	s29 =	simm.s32 $0x9;
	_ =	strace $0x80000048  }
0xb3: {  	_ =	swait.ge [sflag:s29], $0x1  }
0xb4: {  	[sflag:s29] =	ssyncadd.s32 $0xFFFFFFFF  }
0xb5: {  	_ =	strace $0x90000048  }
0xb6: {  	_ =	sfence  }
0xb7: {  	s30 =	sld [smem:$0x0];
	_ =	sdelay $0x2  }
0xb8: {  	s31 =	sshll.u32 s1, $0xD;
	s1 =	sshrl.u32 s1, $0x2  }
0xb9: {  	s3 =	sand.u32 $0x4000, s31;
	s1 =	sadd.s32 s1, s30  }
0xba: {  	s0 =	sor.u32 s3, s0;
	s1 =	sshll.u32 s1, $0x11  }
0xbb: {  	s0 =	sor.u32 s1, s0  }
0xbc: {  	s0 =	sadd.s32 $0x8F2B, s0  }
0xbd: {  	[sflag:s0] =	ssyncadd.remote.s32 $0x1  }
0xbe: {  	_ =	sfence.sel $0xFFFF  }
0xbf: {  	[dreg:$0x0] =	wrdreg $0xFFFFFFFF;
	(pc) =	sbr.abs _section_cstart, $3  }
0xc0: {  	[dreg:$0x1] =	wrdreg $0xFFFFFFFF  }
0xc1: {  	_ =	task.clear_ibuf [dreg:s7], $0x2FFFF;
	_ =	strace $0x9FFFFFFF  }
0xc2: {  	(tm) =	ssettm $0x7FFFFFFF  }
0xc3: {  	_ =	shalt  }
tec
execute0_lowered:
.L_overlay_start_1:
0x0: {  	(tag) =	ssettag $0x1  }
0x1: {  	s0 =	rddreg [dreg:$0x0]  }
0x2: {  	s2 =	rddreg [dreg:$0x1];
	s1 =	simm.s32 $0x0;
	s4 =	srdreg.scid  }
0x3: {  	s6 =	stileid.u32;
	s19 =	simm.s32 $0x2;
	s22 =	simm.s32 $0x80  }
0x4: {  	s20 =	simm.s32 $0x0;
	s28 =	simm.s32 $0x300;
	s29 =	simm.s32 $0x500  }
0x5: {  	s30 =	simm.s32 $0x180;
	s31 =	simm.s32 $0x380;
	[smem:$0x7FF] =	sst s1  }
0x6: {  	s14 =	sadd.s32 $0x1600, s0;
	s15 =	sadd.s32 $0xE00, s0;
	s16 =	sadd.s32 $0x600, s0  }
0x7: {  	s3 =	sadd.s32 $0xF44200, s0;
	s4 =	sand.u32 $0x1, s4;
	s6 =	sshll.u32 s6, $0x7  }
0x8: {  	_ =	strace $0x80000047;
	s5 =	ssub.s32 $0x2, s4;
	s7 =	sshll.u32 s4, $0x6  }
0x9: {  	s4 =	sadd.s32 $0x1314C00, s0;
	s25 =	sshrl.u32 s5, $0x1;
	s17 =	sor.u32 s7, s6  }
0xa: {  	s0 =	ssub.s32 s5, s25;
	s26 =	sadd.s32 s14, s17;
	s10 =	sor.u32 $0x10, s17  }
0xb: {  	s6 =	sadd.s32 s15, s17;
	s7 =	sadd.s32 s16, s17;
	s13 =	sor.u32 $0x20, s17  }
0xc: {  	vm0 =	vmmov $0x1;
	vm1 =	vmmov $0x3;
	vm2 =	vmmov $0x7;
	s18 =	sor.u32 $0x30, s17;
	s17 =	sadd.s32 s2, s17;
	[dreg:$0x3] =	wrdreg s26  }
0xd: {  	vm3 =	vmmov $0xf;
	vm4 =	vmmov $0x1f;
	vm5 =	vmmov $0x3f;
	s8 =	sadd.s32 s14, s10;
	s9 =	sadd.s32 s15, s10;
	s10 =	sadd.s32 s16, s10  }
0xe: {  	vm6 =	vmmov $0x7f;
	vm7 =	vmmov $0xff;
	vm8 =	vmmov $0x1ff;
	s11 =	sadd.s32 s14, s13;
	s12 =	sadd.s32 s15, s13;
	s13 =	sadd.s32 s16, s13  }
0xf: {  	vm9 =	vmmov $0x3ff;
	vm10 =	vmmov $0x7ff;
	vm11 =	vmmov $0xfff;
	s14 =	sadd.s32 s14, s18;
	s15 =	sadd.s32 s15, s18;
	s16 =	sadd.s32 s16, s18  }
0x10: {  	vm12 =	vmmov $0x1fff;
	vm13 =	vmmov $0x3fff;
	vm14 =	vmmov $0x7fff;
	s18 =	smax.u32 s0, $0x1;
	s0 =	simm.s32 $0x1;
	s26 =	simm.s32 $0x100  }
.LBB2_1:
0x11: {  	s2 =	rddreg [dreg:$0x3]  }
0x12: {  	[tilespmem:s1], [sflag:$0x2] =	stream.linear.gather [hbm4b:s2+s1], $0x80, $0x38;
	[tilespmem:$0xC800] =	vst v63  }
0x13: {  	_ =	swait.ge [sflag:s19], $0x80  }
0x14: {  	[sflag:s19] =	ssyncset.done $0x0  }
0x15: {  	s21 =	simm.s32 $0x200;
	[sflag:s19] =	ssyncadd.s32 $0xFFFFFF80  }
0x16: {  	[tilespmem:s21], [sflag:$0x2] =	stream.linear.gather [hbm4b:s6+s1], $0x80, $0x38;
	[tilespmem:$0xC800] =	vst v63  }
0x17: {  	_ =	swait.ge [sflag:s19], $0x80  }
0x18: {  	[sflag:s19] =	ssyncset.done $0x0  }
0x19: {  	s23 =	simm.s32 $0x400;
	[sflag:s19] =	ssyncadd.s32 $0xFFFFFF80  }
0x1a: {  	[tilespmem:s23], [sflag:$0x2] =	stream.linear.gather [hbm4b:s7+s1], $0x80, $0x38;
	[tilespmem:$0xC800] =	vst v63  }
0x1b: {  	_ =	swait.ge [sflag:s19], $0x80  }
0x1c: {  	[sflag:s19] =	ssyncset.done $0x0  }
0x1d: {  	[sflag:s19] =	ssyncadd.s32 $0xFFFFFF80  }
0x1e: {  	[tilespmem:s22], [sflag:$0x2] =	stream.linear.gather [hbm4b:s8+s1], $0x80, $0x38;
	[tilespmem:$0xC800] =	vst v63  }
0x1f: {  	_ =	swait.ge [sflag:s19], $0x80  }
0x20: {  	[sflag:s19] =	ssyncset.done $0x0  }
0x21: {  	s24 =	simm.s32 $0x280;
	[sflag:s19] =	ssyncadd.s32 $0xFFFFFF80  }
0x22: {  	[tilespmem:s24], [sflag:$0x2] =	stream.linear.gather [hbm4b:s9+s1], $0x80, $0x38;
	[tilespmem:$0xC800] =	vst v63  }
0x23: {  	_ =	swait.ge [sflag:s19], $0x80  }
0x24: {  	[sflag:s19] =	ssyncset.done $0x0  }
0x25: {  	s25 =	simm.s32 $0x480;
	[sflag:s19] =	ssyncadd.s32 $0xFFFFFF80  }
0x26: {  	[tilespmem:s25], [sflag:$0x2] =	stream.linear.gather [hbm4b:s10+s1], $0x80, $0x38;
	[tilespmem:$0xC800] =	vst v63  }
0x27: {  	_ =	swait.ge [sflag:s19], $0x80  }
0x28: {  	[sflag:s19] =	ssyncset.done $0x0  }
0x29: {  	[sflag:s19] =	ssyncadd.s32 $0xFFFFFF80  }
0x2a: {  	[tilespmem:s26], [sflag:$0x2] =	stream.linear.gather [hbm4b:s11+s1], $0x80, $0x38;
	[tilespmem:$0xC800] =	vst v63  }
0x2b: {  	_ =	swait.ge [sflag:s19], $0x80  }
0x2c: {  	[sflag:s19] =	ssyncset.done $0x0  }
0x2d: {  	[sflag:s19] =	ssyncadd.s32 $0xFFFFFF80  }
0x2e: {  	[tilespmem:s28], [sflag:$0x2] =	stream.linear.gather [hbm4b:s12+s1], $0x80, $0x38;
	[tilespmem:$0xC800] =	vst v63  }
0x2f: {  	_ =	swait.ge [sflag:s19], $0x80  }
0x30: {  	[sflag:s19] =	ssyncset.done $0x0  }
0x31: {  	[sflag:s19] =	ssyncadd.s32 $0xFFFFFF80  }
0x32: {  	[tilespmem:s29], [sflag:$0x2] =	stream.linear.gather [hbm4b:s13+s1], $0x80, $0x38;
	[tilespmem:$0xC800] =	vst v63  }
0x33: {  	_ =	swait.ge [sflag:s19], $0x80  }
0x34: {  	[sflag:s19] =	ssyncset.done $0x0  }
0x35: {  	[sflag:s19] =	ssyncadd.s32 $0xFFFFFF80  }
0x36: {  	[tilespmem:s30], [sflag:$0x2] =	stream.linear.gather [hbm4b:s14+s1], $0x80, $0x38;
	[tilespmem:$0xC800] =	vst v63  }
0x37: {  	_ =	swait.ge [sflag:s19], $0x80  }
0x38: {  	[sflag:s19] =	ssyncset.done $0x0  }
0x39: {  	[sflag:s19] =	ssyncadd.s32 $0xFFFFFF80  }
0x3a: {  	[tilespmem:s31], [sflag:$0x2] =	stream.linear.gather [hbm4b:s15+s1], $0x80, $0x38;
	[tilespmem:$0xC800] =	vst v63  }
0x3b: {  	_ =	swait.ge [sflag:s19], $0x80  }
0x3c: {  	[sflag:s19] =	ssyncset.done $0x0  }
0x3d: {  	s2 =	simm.s32 $0x580;
	[sflag:s19] =	ssyncadd.s32 $0xFFFFFF80  }
0x3e: {  	[tilespmem:s2], [sflag:$0x2] =	stream.linear.gather [hbm4b:s16+s1], $0x80, $0x38;
	[tilespmem:$0xC800] =	vst v63  }
0x3f: {  	_ =	swait.ge [sflag:s19], $0x80  }
0x40: {  	[sflag:s19] =	ssyncset.done $0x0  }
0x41: {  	s5 =	simm.s32 $0x600;
	[sflag:s19] =	ssyncadd.s32 $0xFFFFFF80  }
0x42: {  	[tilespmem:s5], [sflag:$0x1] =	stream.indirect.gather [hbm4b:s3+s22], $0x20, s1, s22, $0xb8;
	[tilespmem:$0xC800] =	vst v63  }
0x43: {  	s5 =	simm.s32 $0x4600  }
0x44: {  	[tilespmem:s5], [sflag:$0x1] =	stream.indirect.gather [hbm4b:s3+s22], $0x20, s21, s22, $0xb8;
	[tilespmem:$0xC800] =	vst v63  }
0x45: {  	s21 =	simm.s32 $0x8600  }
0x46: {  	[tilespmem:s21], [sflag:$0x1] =	stream.indirect.gather [hbm4b:s4+s22], $0x20, s23, s22, $0xb8;
	[tilespmem:$0xC800] =	vst v63  }
0x47: {  	s21 =	simm.s32 $0x1600  }
0x48: {  	[tilespmem:s21], [sflag:$0x1] =	stream.indirect.gather [hbm4b:s3+s22], $0x20, s22, s22, $0xb8;
	[tilespmem:$0xC800] =	vst v63  }
0x49: {  	s23 =	simm.s32 $0x5600  }
0x4a: {  	[tilespmem:s23], [sflag:$0x1] =	stream.indirect.gather [hbm4b:s3+s22], $0x20, s24, s22, $0xb8;
	[tilespmem:$0xC800] =	vst v63  }
0x4b: {  	s21 =	simm.s32 $0x9600  }
0x4c: {  	[tilespmem:s21], [sflag:$0x1] =	stream.indirect.gather [hbm4b:s4+s22], $0x20, s25, s22, $0xb8;
	[tilespmem:$0xC800] =	vst v63  }
0x4d: {  	s23 =	simm.s32 $0x2600  }
0x4e: {  	[tilespmem:s23], [sflag:$0x1] =	stream.indirect.gather [hbm4b:s3+s22], $0x20, s26, s22, $0xb8;
	[tilespmem:$0xC800] =	vst v63  }
0x4f: {  	s24 =	simm.s32 $0x6600  }
0x50: {  	[tilespmem:s24], [sflag:$0x1] =	stream.indirect.gather [hbm4b:s3+s22], $0x20, s28, s22, $0xb8;
	[tilespmem:$0xC800] =	vst v63  }
0x51: {  	s25 =	simm.s32 $0xA600  }
0x52: {  	[tilespmem:s25], [sflag:$0x1] =	stream.indirect.gather [hbm4b:s4+s22], $0x20, s29, s22, $0xb8;
	[tilespmem:$0xC800] =	vst v63  }
0x53: {  	s21 =	simm.s32 $0x3600  }
0x54: {  	[tilespmem:s21], [sflag:$0x1] =	stream.indirect.gather [hbm4b:s3+s22], $0x20, s30, s22, $0xb8;
	[tilespmem:$0xC800] =	vst v63  }
0x55: {  	s23 =	simm.s32 $0x7600  }
0x56: {  	[tilespmem:s23], [sflag:$0x1] =	stream.indirect.gather [hbm4b:s3+s22], $0x20, s31, s22, $0xb8;
	[tilespmem:$0xC800] =	vst v63  }
0x57: {  	s24 =	simm.s32 $0xB600  }
0x58: {  	[tilespmem:s24], [sflag:$0x1] =	stream.indirect.gather [hbm4b:s4+s22], $0x20, s2, s22, $0xb8;
	[tilespmem:$0xC800] =	vst v63  }
0x59: {  	_ =	swait.ge [sflag:s0], $0x1000  }
0x5a: {  	[sflag:s0] =	ssyncset.done $0x0  }
0x5b: {  	[sflag:s0] =	ssyncadd.s32 $0xFFFFF000  }
0x5c: {  	_ =	swait.ge [sflag:s0], $0x1000  }
0x5d: {  	[sflag:s0] =	ssyncset.done $0x0  }
0x5e: {  	[sflag:s0] =	ssyncadd.s32 $0xFFFFF000  }
0x5f: {  	_ =	swait.ge [sflag:s0], $0x1000  }
0x60: {  	[sflag:s0] =	ssyncset.done $0x0  }
0x61: {  	[sflag:s0] =	ssyncadd.s32 $0xFFFFF000  }
0x62: {  	_ =	swait.ge [sflag:s0], $0x1000  }
0x63: {  	[sflag:s0] =	ssyncset.done $0x0  }
0x64: {  	[sflag:s0] =	ssyncadd.s32 $0xFFFFF000  }
0x65: {  	_ =	swait.ge [sflag:s0], $0x1000  }
0x66: {  	[sflag:s0] =	ssyncset.done $0x0  }
0x67: {  	[sflag:s0] =	ssyncadd.s32 $0xFFFFF000  }
0x68: {  	_ =	swait.ge [sflag:s0], $0x1000  }
0x69: {  	[sflag:s0] =	ssyncset.done $0x0  }
0x6a: {  	[sflag:s0] =	ssyncadd.s32 $0xFFFFF000  }
0x6b: {  	_ =	swait.ge [sflag:s0], $0x1000  }
0x6c: {  	[sflag:s0] =	ssyncset.done $0x0  }
0x6d: {  	[sflag:s0] =	ssyncadd.s32 $0xFFFFF000  }
0x6e: {  	_ =	swait.ge [sflag:s0], $0x1000  }
0x6f: {  	[sflag:s0] =	ssyncset.done $0x0  }
0x70: {  	[sflag:s0] =	ssyncadd.s32 $0xFFFFF000  }
0x71: {  	_ =	swait.ge [sflag:s0], $0x1000  }
0x72: {  	[sflag:s0] =	ssyncset.done $0x0  }
0x73: {  	[sflag:s0] =	ssyncadd.s32 $0xFFFFF000  }
0x74: {  	_ =	swait.ge [sflag:s0], $0x1000  }
0x75: {  	[sflag:s0] =	ssyncset.done $0x0  }
0x76: {  	[sflag:s0] =	ssyncadd.s32 $0xFFFFF000  }
0x77: {  	_ =	swait.ge [sflag:s0], $0x1000  }
0x78: {  	[sflag:s0] =	ssyncset.done $0x0  }
0x79: {  	[sflag:s0] =	ssyncadd.s32 $0xFFFFF000  }
0x7a: {  	_ =	swait.ge [sflag:s0], $0x1000  }
0x7b: {  	[sflag:s0] =	ssyncset.done $0x0  }
0x7c: {  	s25 =	simm.s32 $0x0;
	[sflag:s0] =	ssyncadd.s32 $0xFFFFF000  }
0x7d: {  	v1 =	vld [tilespmem:s25+$0x7E0]  }
0x7e: {  	v2 =	vld [tilespmem:s25+$0x47E0]  }
0x7f: {  	v12 =	vld [tilespmem:s25+$0x87C0]  }
0x80: {  	v13 =	vld [tilespmem:s25+$0x87D0]  }
0x81: {  	v14 =	vld [tilespmem:s25+$0x7C0]  }
0x82: {  	v15 =	vld [tilespmem:s25+$0x47C0]  }
0x83: {  	v16 =	vld [tilespmem:s25+$0x7D0]  }
0x84: {  	v17 =	vld [tilespmem:s25+$0x47D0]  }
0x85: {  	v18 =	vld [tilespmem:s25+$0x8780]  }
0x86: {  	v19 =	vld [tilespmem:s25+$0x8790]  }
0x87: {  	v4 =	vld [tilespmem:s25+$0x7A0]  }
0x88: {  	v5 =	vld [tilespmem:s25+$0x47A0]  }
0x89: {  	v20 =	vld [tilespmem:s25+$0x8760]  }
0x8a: {  	v21 =	vld [tilespmem:s25+$0x8770]  }
0x8b: {  	v22 =	vld [tilespmem:s25+$0x780]  }
0x8c: {  	v23 =	vld [tilespmem:s25+$0x4780]  }
0x8d: {  	v24 =	vld [tilespmem:s25+$0x790]  }
0x8e: {  	v25 =	vld [tilespmem:s25+$0x4790]  }
0x8f: {  	v26 =	vld [tilespmem:s25+$0x760]  }
0x90: {  	v27 =	vld [tilespmem:s25+$0x4760]  }
0x91: {  	v28 =	vld [tilespmem:s25+$0x770]  }
0x92: {  	v29 =	vld [tilespmem:s25+$0x4770]  }
0x93: {  	v30 =	vld [tilespmem:s25+$0x8720]  }
0x94: {  	v31 =	vld [tilespmem:s25+$0x8730]  }
0x95: {  	v7 =	vld [tilespmem:s25+$0x740]  }
0x96: {  	v8 =	vld [tilespmem:s25+$0x4740]  }
0x97: {  	v6 =	vld [tilespmem:s25+$0x750]  }
0x98: {  	v32 =	vld [tilespmem:s25+$0x8700]  }
0x99: {  	v33 =	vld [tilespmem:s25+$0x8710]  }
0x9a: {  	v34 =	vld [tilespmem:s25+$0x720]  }
0x9b: {  	v35 =	vld [tilespmem:s25+$0x4720]  }
0x9c: {  	v36 =	vld [tilespmem:s25+$0x730]  }
0x9d: {  	v37 =	vld [tilespmem:s25+$0x4730]  }
0x9e: {  	v38 =	vld [tilespmem:s25+$0x700]  }
0x9f: {  	v39 =	vld [tilespmem:s25+$0x4700]  }
0xa0: {  	v40 =	vld [tilespmem:s25+$0x710]  }
0xa1: {  	v41 =	vld [tilespmem:s25+$0x4710]  }
0xa2: {  	v42 =	vld [tilespmem:s25+$0x86C0]  }
0xa3: {  	v43 =	vld [tilespmem:s25+$0x86D0]  }
0xa4: {  	v10 =	vld [tilespmem:s25+$0x6E0]  }
0xa5: {  	v11 =	vld [tilespmem:s25+$0x46E0]  }
0xa6: {  	v9 =	vld [tilespmem:s25+$0x6F0]  }
0xa7: {  	v44 =	vld [tilespmem:s25+$0x86A0]  }
0xa8: {  	v45 =	vld [tilespmem:s25+$0x86B0]  }
0xa9: {  	v46 =	vld [tilespmem:s25+$0x6C0]  }
0xaa: {  	v47 =	vld [tilespmem:s25+$0x46C0]  }
0xab: {  	v48 =	vld [tilespmem:s25+$0x6D0]  }
0xac: {  	v49 =	vld [tilespmem:s25+$0x46D0]  }
0xad: {  	v50 =	vld [tilespmem:s25+$0x6A0]  }
0xae: {  	v51 =	vld [tilespmem:s25+$0x46A0]  }
0xaf: {  	v52 =	vld [tilespmem:s25+$0x6B0]  }
0xb0: {  	v53 =	vld [tilespmem:s25+$0x46B0]  }
0xb1: {  	v54 =	vld [tilespmem:s25+$0x8660]  }
0xb2: {  	v63 =	vld [tilespmem:s25+$0x640]  }
0xb3: {  	v56 =	vld [tilespmem:s25+$0x630];
	v14 =	vsub.f32 v14, v15  }
0xb4: {  	v58 =	vld [tilespmem:s25+$0x8620];
	v16 =	vsub.f32 v16, v17;
	v10 =	vsub.f32 v10, v11  }
0xb5: {  	v59 =	vld [tilespmem:s25+$0x8630];
	v7 =	vsub.f32 v7, v8;
	v12 =	vadd.f32 v12, v14  }
0xb6: {  	v15 =	vld [tilespmem:s25+$0x8670];
	v14 =	vsub.f32 v22, v23;
	v13 =	vadd.f32 v13, v16  }
0xb7: {  	v17 =	vld [tilespmem:s25+$0x680];
	v16 =	vsub.f32 v24, v25;
	v25 =	vsub.f32 v28, v29  }
0xb8: {  	v22 =	vld [tilespmem:s25+$0x4680];
	v28 =	vsub.f32 v38, v39;
	v12 =	vmul.f32 v12, v12;
	v14 =	vadd.f32 v18, v14  }
0xb9: {  	v24 =	vld [tilespmem:s25+$0x8650];
	v16 =	vadd.f32 v19, v16;
	v13 =	vmul.f32 v13, v13;
	v19 =	vsub.f32 v26, v27  }
0xba: {  	v29 =	vld [tilespmem:s25+$0x8600];
	v27 =	vsub.f32 v36, v37;
	v28 =	vadd.f32 v32, v28  }
0xbb: {  	v18 =	vld [tilespmem:s25+$0x8640];
	v12 =	vadd.f32 v13, v12;
	v13 =	vadd.f32 v20, v19  }
0xbc: {  	v26 =	vld [tilespmem:s25+$0x660];
	v14 =	vmul.f32 v14, v14;
	v20 =	vadd.f32 v21, v25;
	v21 =	vsub.f32 v34, v35  }
0xbd: {  	v16 =	vmul.f32 v16, v16;
	v19 =	vld [tilespmem:s25+$0x4660];
	v27 =	vadd.f32 v31, v27;
	v17 =	vsub.f32 v17, v22  }
0xbe: {  	v25 =	vld [tilespmem:s25+$0x670];
	v21 =	vadd.f32 v30, v21;
	v30 =	vsub.f32 v40, v41  }
0xbf: {  	v14 =	vadd.f32 v16, v14;
	v16 =	vld [tilespmem:s25+$0x4670];
	v13 =	vmul.f32 v13, v13;
	v20 =	vmul.f32 v20, v20  }
0xc0: {  	v27 =	vmul.f32 v27, v27;
	v41 =	vsub.f32 v46, v47;
	v46 =	vld [tilespmem:s25+$0x4640];
	v30 =	vadd.f32 v33, v30  }
0xc1: {  	v47 =	vld [tilespmem:s25+$0x650];
	v21 =	vmul.f32 v21, v21;
	v13 =	vadd.f32 v20, v13;
	v20 =	vsub.f32 v48, v49  }
0xc2: {  	v48 =	vld [tilespmem:s25+$0x4650];
	v49 =	vsub.f32 v50, v51;
	v50 =	vsub.f32 v52, v53  }
0xc3: {  	v31 =	vld [tilespmem:s25+$0x8610];
	v19 =	vsub.f32 v26, v19;
	v21 =	vadd.f32 v27, v21  }
0xc4: {  	v28 =	vmul.f32 v28, v28;
	v51 =	vld [tilespmem:s25+$0x4600];
	v27 =	vadd.f32 v42, v41;
	v20 =	vadd.f32 v43, v20  }
0xc5: {  	v52 =	vld [tilespmem:s25+$0x610];
	v30 =	vmul.f32 v30, v30;
	v36 =	vadd.f32 v44, v49;
	v16 =	vsub.f32 v25, v16  }
0xc6: {  	v25 =	vld [tilespmem:s25+$0x4610];
	v32 =	vsub.f32 v63, v46;
	v19 =	vadd.f32 v54, v19  }
0xc7: {  	v28 =	vadd.f32 v30, v28;
	v30 =	vld [tilespmem:s25+$0x600];
	v33 =	vsub.f32 v47, v48  }
0xc8: {  	v26 =	vld [tilespmem:s25+$0x620];
	v27 =	vmul.f32 v27, v27;
	v20 =	vmul.f32 v20, v20;
	v15 =	vadd.f32 v15, v16  }
0xc9: {  	v16 =	vld [tilespmem:s25+$0x4620];
	v18 =	vadd.f32 v18, v32;
	v24 =	vadd.f32 v24, v33  }
0xca: {  	v19 =	vmul.f32 v19, v19;
	v20 =	vadd.f32 v20, v27;
	v27 =	vld [tilespmem:s25+$0x4630];
	v15 =	vmul.f32 v15, v15  }
0xcb: {  	v11 =	vld [tilespmem:s25+$0x4750];
	v37 =	vadd.f32 v45, v50;
	v18 =	vmul.f32 v18, v18;
	v24 =	vmul.f32 v24, v24  }
0xcc: {  	v23 =	vld [tilespmem:s25+$0x690];
	(xrf2) =	vadd.scan.msk.f32 $0xffff, v12;
	v25 =	vsub.f32 v52, v25;
	v30 =	vsub.f32 v30, v51  }
0xcd: {  	(xrf2) =	vadd.scan.msk.f32 $0xffff, v14;
	v53 =	vmul.f32 v36, v36;
	v12 =	vadd.f32 v15, v19;
	v15 =	vadd.f32 v24, v18;
	v18 =	vld [tilespmem:s25+$0x4690]  }
0xce: {  	(xrf2) =	vadd.scan.msk.f32 $0xffff, v13;
	v55 =	vmul.f32 v37, v37;
	v19 =	vadd.f32 v31, v25;
	v25 =	vld [tilespmem:s25+$0x8690];
	v14 =	vadd.f32 v29, v30  }
0xcf: {  	(xrf2) =	vadd.scan.msk.f32 $0xffff, v21;
	v13 =	vsub.f32 v26, v16;
	v24 =	vld [tilespmem:s25+$0x8680];
	v16 =	vsub.f32 v56, v27  }
0xd0: {  	v21 =	vld [tilespmem:s25+$0x46F0];
	v57 =	vadd.f32 v55, v53;
	(xrf2) =	vadd.scan.msk.f32 $0xffff, v28;
	v19 =	vmul.f32 v19, v19;
	v14 =	vmul.f32 v14, v14  }
0xd1: {  	v22 =	vld [tilespmem:s25+$0x86E0];
	(xrf2) =	vadd.scan.msk.f32 $0xffff, v20;
	v13 =	vadd.f32 v58, v13;
	v16 =	vadd.f32 v59, v16  }
0xd2: {  	(xrf2) =	vadd.scan.msk.f32 $0xffff, v57;
	v14 =	vadd.f32 v19, v14;
	v19 =	vld [tilespmem:s25+$0x86F0];
	v18 =	vsub.f32 v23, v18  }
0xd3: {  	v3 =	vld [tilespmem:s25+$0x7B0];
	v4 =	vsub.f32 v4, v5;
	(xrf2) =	vadd.scan.msk.f32 $0xffff, v12;
	v13 =	vmul.f32 v13, v13;
	v16 =	vmul.f32 v16, v16  }
0xd4: {  	(xrf2) =	vadd.scan.msk.f32 $0xffff, v15;
	v15 =	vld [tilespmem:s25+$0x8750];
	v12 =	vadd.f32 v24, v17;
	v17 =	vadd.f32 v25, v18  }
0xd5: {  	v8 =	vld [tilespmem:s25+$0x47B0];
	v9 =	vsub.f32 v9, v21;
	v13 =	vadd.f32 v16, v13  }
0xd6: {  	v6 =	vsub.f32 v6, v11;
	(xrf2) =	vadd.scan.msk.f32 $0xffff, v14;
	v18 =	vld [tilespmem:s25+$0x8740];
	v12 =	vmul.f32 v12, v12;
	v14 =	vmul.f32 v17, v17  }
0xd7: {  	v5 =	vld [tilespmem:s25+$0x7F0];
	v10 =	vadd.f32 v22, v10;
	v9 =	vadd.f32 v19, v9  }
0xd8: {  	v11 =	vld [tilespmem:s25+$0x87B0];
	v16, _, _ =	vpop (xrf2);
	v12 =	vadd.f32 v14, v12  }
0xd9: {  	v10 =	vmul.f32 v10, v10;
	v6 =	vadd.f32 v15, v6;
	v15 =	vld [tilespmem:s25+$0x47F0];
	(xrf2) =	vadd.scan.msk.f32 $0xffff, v13;
	v13, _, _ =	vpop (xrf2);
	v9 =	vmul.f32 v9, v9  }
0xda: {  	v17 =	vld [tilespmem:s25+$0x87A0];
	v14, _, _ =	vpop (xrf2)  }
0xdb: {  	v0 =	vld [tilespmem:s25+$0x87E0];
	v7 =	vadd.f32 v18, v7;
	v9 =	vadd.f32 v9, v10;
	v19, _, _ =	vpop (xrf2)  }
0xdc: {  	v1 =	vsub.f32 v1, v2;
	v3 =	vsub.f32 v3, v8;
	(xrf2) =	vadd.scan.msk.f32 $0xffff, v12;
	v12, _, _ =	vpop (xrf2)  }
0xdd: {  	v7 =	vmul.f32 v7, v7;
	v8, _, _ =	vpop (xrf2)  }
0xde: {  	v3 =	vadd.f32 v11, v3;
	v6 =	vmul.f32 v6, v6;
	v10 =	vld [tilespmem:s25+$0x87F0];
	v2, _, _ =	vpop (xrf2)  }
0xdf: {  	v5 =	vsub.f32 v5, v15;
	v4 =	vadd.f32 v17, v4;
	(xrf2) =	vadd.scan.msk.f32 $0xffff, v9;
	v9, _, _ =	vpop (xrf2)  }
0xe0: {  	v0 =	vadd.f32 v0, v1;
	v6 =	vadd.f32 v6, v7;
	v1, _, _ =	vpop (xrf2)  }
0xe1: {  	v3 =	vmul.f32 v3, v3;
	v4 =	vmul.f32 v4, v4;
	v7, _, _ =	vpop (xrf2)  }
0xe2: {  	(xrf2) =	vadd.scan.msk.f32 $0xffff, v6;
	v6 =	vbroadcast v7, $0xF  }
0xe3: {  	v3 =	vadd.f32 v3, v4;
	v4 =	vadd.f32 v10, v5;
	v5, _, _ =	vpop (xrf2)  }
0xe4: {  	v5 =	vbroadcast v5, $0xF  }
0xe5: {  	v1 =	vbroadcast v1, $0xF  }
0xe6: {  	v4 =	vmul.f32 v4, v4;
	(xrf2) =	vadd.scan.msk.f32 $0xffff, v3;
	v3 =	vsel vm0, v6, v5;
	v5 =	vbroadcast v9, $0xF;
	v6, _, _ =	vpop (xrf2)  }
0xe7: {  	v0 =	vmul.f32 v0, v0;
	v1 =	vsel vm1, v3, v1;
	v3 =	vbroadcast v6, $0xF  }
0xe8: {  	v2 =	vbroadcast v2, $0xF;
	v1 =	vsel vm2, v1, v5  }
0xe9: {  	v0 =	vadd.f32 v4, v0;
	v1 =	vsel vm3, v1, v3;
	v3 =	vbroadcast v8, $0xF  }
0xea: {  	v4, _, _ =	vpop (xrf2)  }
0xeb: {  	(xrf2) =	vadd.scan.msk.f32 $0xffff, v0;
	v0 =	vsel vm4, v1, v2;
	v1 =	vbroadcast v4, $0xF  }
0xec: {  	v2 =	vbroadcast v12, $0xF;
	v0 =	vsel vm5, v0, v3  }
0xed: {  	v0 =	vsel vm6, v0, v1;
	v1 =	vbroadcast v19, $0xF;
	v3, _, _ =	vpop (xrf2)  }
0xee: {  	v0 =	vsel vm7, v0, v2;
	v2 =	vbroadcast v3, $0xF  }
0xef: {  	v0 =	vsel vm8, v0, v1;
	v1 =	vbroadcast v14, $0xF  }
0xf0: {  	v3, _, _ =	vpop (xrf2);
	v0 =	vsel vm9, v0, v2  }
0xf1: {  	v2 =	vbroadcast v13, $0xF;
	v0 =	vsel vm10, v0, v1;
	v1 =	vbroadcast v3, $0xF;
	_ =	sdelay $0x1  }
0xf2: {  	v0 =	vsel vm11, v0, v2;
	v2 =	vbroadcast v16, $0xF  }
0xf3: {  	v0 =	vsel vm12, v0, v1  }
0xf4: {  	v0 =	vsel vm13, v0, v2;
	v1, _, _ =	vpop (xrf2)  }
0xf5: {  	v0 =	vsel vm14, v0, v1  }
0xf6: {  	v0 =	vadd.f32 $9.999999960e-13, v0;
	_ =	sdelay $0x1  }
0xf7: {  	v1 =	vshrl.u32 v0, $0x1  }
0xf8: {  	v1 =	vadd.s32 $0x1FBD1DF5, v1  }
0xf9: {  	(erf) = vrcp.f32 v1;
	_ =	sdelay $0x8  }
0xfa: {  	v2 =	vpop (erf)  }
0xfb: {  	v2 =	vmul.f32 v2, v0;
	_ =	sdelay $0x1  }
0xfc: {  	v1 =	vadd.f32 v1, v2;
	_ =	sdelay $0x1  }
0xfd: {  	v1 =	vmul.f32 $5.000000000e-01, v1;
	_ =	sdelay $0x1  }
0xfe: {  	(erf) = vrcp.f32 v1;
	_ =	sdelay $0x8  }
0xff: {  	v2 =	vpop (erf)  }
0x100: {  	v2 =	vmul.f32 v2, v0;
	_ =	sdelay $0x1  }
0x101: {  	v1 =	vadd.f32 v2, v1;
	_ =	sdelay $0x1  }
0x102: {  	v1 =	vmul.f32 $5.000000000e-01, v1;
	_ =	sdelay $0x1  }
0x103: {  	(erf) = vrcp.f32 v1;
	_ =	sdelay $0x8  }
0x104: {  	v2 =	vpop (erf)  }
0x105: {  	v0 =	vmul.f32 v2, v0;
	_ =	sdelay $0x1  }
0x106: {  	v0 =	vadd.f32 v0, v1;
	_ =	sdelay $0x1  }
0x107: {  	v0 =	vmul.f32 $5.000000000e-01, v0;
	_ =	sdelay $0x1  }
0x108: {  	v0 =	vsub.f32 $0.0e+00, v0  }
0x109: {  	s2 =	simm.s32 $0xC600  }
0x10a: {  	s23 =	simm.s32 $0x200;
	[tilespmem:s2+$0x0] =	vst v0  }
0x10b: {  	v0 =	vld [tilespmem:s23+$0x87E0]  }
0x10c: {  	v1 =	vld [tilespmem:s23+$0x7E0]  }
0x10d: {  	v2 =	vld [tilespmem:s23+$0x47E0]  }
0x10e: {  	v10 =	vld [tilespmem:s23+$0x87C0]  }
0x10f: {  	v13 =	vld [tilespmem:s23+$0x87D0]  }
0x110: {  	v14 =	vld [tilespmem:s23+$0x7C0]  }
0x111: {  	v15 =	vld [tilespmem:s23+$0x47C0]  }
0x112: {  	v16 =	vld [tilespmem:s23+$0x7D0]  }
0x113: {  	v17 =	vld [tilespmem:s23+$0x47D0]  }
0x114: {  	v18 =	vld [tilespmem:s23+$0x8780]  }
0x115: {  	v19 =	vld [tilespmem:s23+$0x8790]  }
0x116: {  	v4 =	vld [tilespmem:s23+$0x7A0]  }
0x117: {  	v5 =	vld [tilespmem:s23+$0x47A0]  }
0x118: {  	v3 =	vld [tilespmem:s23+$0x7B0]  }
0x119: {  	v20 =	vld [tilespmem:s23+$0x8760]  }
0x11a: {  	v21 =	vld [tilespmem:s23+$0x8770]  }
0x11b: {  	v22 =	vld [tilespmem:s23+$0x780]  }
0x11c: {  	v23 =	vld [tilespmem:s23+$0x4780]  }
0x11d: {  	v24 =	vld [tilespmem:s23+$0x790]  }
0x11e: {  	v25 =	vld [tilespmem:s23+$0x4790]  }
0x11f: {  	v26 =	vld [tilespmem:s23+$0x760]  }
0x120: {  	v27 =	vld [tilespmem:s23+$0x4760]  }
0x121: {  	v28 =	vld [tilespmem:s23+$0x770]  }
0x122: {  	v29 =	vld [tilespmem:s23+$0x4770]  }
0x123: {  	v30 =	vld [tilespmem:s23+$0x8720]  }
0x124: {  	v31 =	vld [tilespmem:s23+$0x8730]  }
0x125: {  	v7 =	vld [tilespmem:s23+$0x740]  }
0x126: {  	v8 =	vld [tilespmem:s23+$0x4740]  }
0x127: {  	v6 =	vld [tilespmem:s23+$0x750]  }
0x128: {  	v32 =	vld [tilespmem:s23+$0x8700]  }
0x129: {  	v33 =	vld [tilespmem:s23+$0x8710]  }
0x12a: {  	v34 =	vld [tilespmem:s23+$0x720]  }
0x12b: {  	v35 =	vld [tilespmem:s23+$0x4720]  }
0x12c: {  	v36 =	vld [tilespmem:s23+$0x730]  }
0x12d: {  	v37 =	vld [tilespmem:s23+$0x4730]  }
0x12e: {  	v38 =	vld [tilespmem:s23+$0x700]  }
0x12f: {  	v39 =	vld [tilespmem:s23+$0x4700]  }
0x130: {  	v40 =	vld [tilespmem:s23+$0x710]  }
0x131: {  	v41 =	vld [tilespmem:s23+$0x4710]  }
0x132: {  	v42 =	vld [tilespmem:s23+$0x86C0]  }
0x133: {  	v43 =	vld [tilespmem:s23+$0x86D0]  }
0x134: {  	v11 =	vld [tilespmem:s23+$0x6E0]  }
0x135: {  	v12 =	vld [tilespmem:s23+$0x46E0]  }
0x136: {  	v9 =	vld [tilespmem:s23+$0x6F0]  }
0x137: {  	v44 =	vld [tilespmem:s23+$0x86A0]  }
0x138: {  	v45 =	vld [tilespmem:s23+$0x86B0]  }
0x139: {  	v50 =	vld [tilespmem:s23+$0x6A0]  }
0x13a: {  	v60 =	vld [tilespmem:s23+$0x46A0]  }
0x13b: {  	v61 =	vld [tilespmem:s23+$0x6B0]  }
0x13c: {  	v62 =	vld [tilespmem:s23+$0x46B0]  }
0x13d: {  	v46 =	vld [tilespmem:s23+$0x6C0]  }
0x13e: {  	v47 =	vld [tilespmem:s23+$0x46C0]  }
0x13f: {  	v48 =	vld [tilespmem:s23+$0x6D0]  }
0x140: {  	v49 =	vld [tilespmem:s23+$0x46D0];
	v14 =	vsub.f32 v14, v15;
	v16 =	vsub.f32 v16, v17  }
0x141: {  	v63 =	vld [tilespmem:s23+$0x8660];
	v59 =	vsub.f32 v50, v60;
	v60 =	vsub.f32 v61, v62  }
0x142: {  	v55 =	vld [tilespmem:s23+$0x8670];
	v10 =	vadd.f32 v10, v14;
	v14 =	vsub.f32 v22, v23  }
0x143: {  	v13 =	vadd.f32 v13, v16;
	v22 =	vsub.f32 v24, v25;
	v24 =	vld [tilespmem:s23+$0x670]  }
0x144: {  	v25 =	vld [tilespmem:s23+$0x4670];
	v14 =	vadd.f32 v18, v14;
	v18 =	vsub.f32 v26, v27  }
0x145: {  	v56 =	vld [tilespmem:s23+$0x8650];
	v10 =	vmul.f32 v10, v10;
	v19 =	vadd.f32 v19, v22;
	v22 =	vsub.f32 v28, v29  }
0x146: {  	v15 =	vld [tilespmem:s23+$0x680];
	v13 =	vmul.f32 v13, v13;
	v27 =	vsub.f32 v48, v49;
	v18 =	vadd.f32 v20, v18  }
0x147: {  	v17 =	vld [tilespmem:s23+$0x4680];
	v14 =	vmul.f32 v14, v14;
	v20 =	vadd.f32 v21, v22;
	v21 =	vsub.f32 v34, v35  }
0x148: {  	v61 =	vld [tilespmem:s23+$0x4650];
	v19 =	vmul.f32 v19, v19;
	v10 =	vadd.f32 v13, v10;
	v13 =	vsub.f32 v36, v37  }
0x149: {  	v16 =	vld [tilespmem:s23+$0x690];
	v27 =	vadd.f32 v43, v27;
	v25 =	vsub.f32 v24, v25;
	v18 =	vmul.f32 v18, v18  }
0x14a: {  	v23 =	vld [tilespmem:s23+$0x4660];
	v14 =	vadd.f32 v19, v14;
	v21 =	vadd.f32 v30, v21;
	v19 =	vmul.f32 v20, v20;
	(xrf2) =	vadd.scan.msk.f32 $0xffff, v10  }
0x14b: {  	v29 =	vld [tilespmem:s23+$0x8640];
	v13 =	vadd.f32 v31, v13;
	v20 =	vsub.f32 v38, v39  }
0x14c: {  	v28 =	vld [tilespmem:s23+$0x640];
	v10 =	vsub.f32 v40, v41;
	v26 =	vadd.f32 v19, v18  }
0x14d: {  	v22 =	vld [tilespmem:s23+$0x660];
	(xrf2) =	vadd.scan.msk.f32 $0xffff, v14;
	v14 =	vsub.f32 v46, v47;
	v21 =	vmul.f32 v21, v21;
	v13 =	vmul.f32 v13, v13  }
0x14e: {  	v24 =	vld [tilespmem:s23+$0x4610];
	v20 =	vadd.f32 v32, v20;
	v10 =	vadd.f32 v33, v10;
	(xrf2) =	vadd.scan.msk.f32 $0xffff, v26  }
0x14f: {  	v31 =	vld [tilespmem:s23+$0x650];
	v62 =	vadd.f32 v55, v25;
	v13 =	vadd.f32 v13, v21  }
0x150: {  	v25 =	vld [tilespmem:s23+$0x4620];
	v14 =	vadd.f32 v42, v14;
	v30 =	vmul.f32 v20, v20;
	v10 =	vmul.f32 v10, v10  }
0x151: {  	v26 =	vld [tilespmem:s23+$0x4640];
	(xrf2) =	vadd.scan.msk.f32 $0xffff, v13  }
0x152: {  	v27 =	vmul.f32 v27, v27;
	v18 =	vld [tilespmem:s23+$0x8600];
	v14 =	vmul.f32 v14, v14;
	v30 =	vadd.f32 v10, v30  }
0x153: {  	v19 =	vld [tilespmem:s23+$0x8610];
	v32 =	vadd.f32 v44, v59;
	v33 =	vadd.f32 v45, v60  }
0x154: {  	v23 =	vsub.f32 v22, v23;
	v22 =	vld [tilespmem:s23+$0x610];
	v14 =	vadd.f32 v27, v14;
	v10, _, _ =	vpop (xrf2);
	(xrf2) =	vadd.scan.msk.f32 $0xffff, v30  }
0x155: {  	v20 =	vld [tilespmem:s23+$0x4600];
	v32 =	vmul.f32 v32, v32;
	v33 =	vmul.f32 v33, v33;
	v31 =	vsub.f32 v31, v61  }
0x156: {  	v21 =	vld [tilespmem:s23+$0x600];
	v27 =	vadd.f32 v63, v23;
	v63 =	vsub.f32 v28, v26  }
0x157: {  	v31 =	vadd.f32 v56, v31;
	v23 =	vld [tilespmem:s23+$0x620];
	v26 =	vadd.f32 v33, v32;
	v13, _, _ =	vpop (xrf2);
	(xrf2) =	vadd.scan.msk.f32 $0xffff, v14  }
0x158: {  	s21 =	simm.s32 $0xC600;
	s24 =	simm.s32 $0x1000;
	v28 =	vmul.f32 v27, v27;
	v27 =	vld [tilespmem:s23+$0x630];
	v30 =	vadd.f32 v29, v63;
	v29 =	vmul.f32 v62, v62;
	v14, _, _ =	vpop (xrf2)  }
.LBB2_2:
0x159: {  	p0 =	sne.s32 s24, $0x3800;
	v32 =	vld [tilespmem:s23+$0x4630]  }
0x15a: {  	v33 =	vld [tilespmem:s23+$0x8620];
	v30 =	vmul.f32 v30, v30;
	v31 =	vmul.f32 v31, v31;
	v28 =	vadd.f32 v29, v28;
	(xrf2) =	vadd.scan.msk.f32 $0xffff, v26  }
0x15b: {  	v20 =	vsub.f32 v21, v20;
	v21 =	vsub.f32 v22, v24;
	v22 =	vld [tilespmem:s23+$0x8630];
	v24, _, _ =	vpop (xrf2)  }
0x15c: {  	v26 =	vadd.f32 v31, v30;
	v29 =	vld [tilespmem:s23+$0x4690]  }
0x15d: {  	v18 =	vadd.f32 v18, v20;
	v19 =	vadd.f32 v19, v21;
	v20 =	vld [tilespmem:s23+$0x8680];
	(xrf2) =	vadd.scan.msk.f32 $0xffff, v28  }
0x15e: {  	v21 =	vsub.f32 v23, v25;
	v23 =	vsub.f32 v27, v32;
	v25 =	vld [tilespmem:s23+$0x8690];
	v27, _, _ =	vpop (xrf2)  }
0x15f: {  	v15 =	vsub.f32 v15, v17;
	v18 =	vmul.f32 v18, v18;
	v19 =	vmul.f32 v19, v19;
	v17 =	vld [tilespmem:s23+$0x46F0]  }
0x160: {  	v21 =	vadd.f32 v33, v21;
	v22 =	vadd.f32 v22, v23;
	v23 =	vld [tilespmem:s23+$0x86E0];
	(xrf2) =	vadd.scan.msk.f32 $0xffff, v26  }
0x161: {  	v18 =	vadd.f32 v19, v18;
	v16 =	vsub.f32 v16, v29;
	v19 =	vld [tilespmem:s23+$0x86F0];
	v26, _, _ =	vpop (xrf2)  }
0x162: {  	v11 =	vsub.f32 v11, v12;
	v28 =	vmul.f32 v21, v21;
	v22 =	vmul.f32 v22, v22;
	v12 =	vld [tilespmem:s23+$0x4750]  }
0x163: {  	v15 =	vadd.f32 v20, v15;
	v16 =	vadd.f32 v25, v16;
	v20 =	vld [tilespmem:s23+$0x8740];
	(xrf2) =	vadd.scan.msk.f32 $0xffff, v18  }
0x164: {  	v18 =	vadd.f32 v22, v28;
	v9 =	vsub.f32 v9, v17;
	v17 =	vld [tilespmem:s23+$0x8750];
	v21, _, _ =	vpop (xrf2)  }
0x165: {  	v7 =	vsub.f32 v7, v8;
	v15 =	vmul.f32 v15, v15;
	v22 =	vmul.f32 v16, v16;
	v8 =	vld [tilespmem:s23+$0x47B0]  }
0x166: {  	v11 =	vadd.f32 v23, v11;
	v9 =	vadd.f32 v19, v9;
	v19 =	vld [tilespmem:s23+$0x87A0];
	(xrf2) =	vadd.scan.msk.f32 $0xffff, v18  }
0x167: {  	v15 =	vadd.f32 v22, v15;
	v6 =	vsub.f32 v6, v12;
	v12 =	vld [tilespmem:s23+$0x87B0];
	v16, _, _ =	vpop (xrf2)  }
0x168: {  	v4 =	vsub.f32 v4, v5;
	v11 =	vmul.f32 v11, v11;
	v9 =	vmul.f32 v9, v9;
	v5 =	vld [tilespmem:s23+$0x7F0]  }
0x169: {  	v7 =	vadd.f32 v20, v7;
	v6 =	vadd.f32 v17, v6;
	v17 =	vld [tilespmem:s23+$0x47F0];
	(xrf2) =	vadd.scan.msk.f32 $0xffff, v15  }
0x16a: {  	v9 =	vadd.f32 v9, v11;
	v3 =	vsub.f32 v3, v8;
	v8, _, _ =	vpop (xrf2)  }
0x16b: {  	v15 =	vsub.f32 v1, v2;
	v7 =	vmul.f32 v7, v7;
	v6 =	vmul.f32 v6, v6;
	v11 =	vld [tilespmem:s23+$0x87F0]  }
0x16c: {  	v2 =	vadd.f32 v19, v4;
	v3 =	vadd.f32 v12, v3;
	(xrf2) =	vadd.scan.msk.f32 $0xffff, v9  }
0x16d: {  	v0 =	vadd.f32 v0, v15;
	v6 =	vadd.f32 v6, v7;
	v1, _, _ =	vpop (xrf2)  }
0x16e: {  	v2 =	vmul.f32 v2, v2;
	v3 =	vmul.f32 v3, v3;
	v5 =	vsub.f32 v5, v17  }
0x16f: {  	(xrf2) =	vadd.scan.msk.f32 $0xffff, v6  }
0x170: {  	v0 =	vmul.f32 v0, v0;
	v2 =	vadd.f32 v3, v2;
	v3 =	vadd.f32 v11, v5;
	v4, _, _ =	vpop (xrf2)  }
0x171: {  	v1 =	vbroadcast v1, $0xF;
	v6 =	vbroadcast v4, $0xF  }
0x172: {  	v5 =	vbroadcast v8, $0xF;
	v3 =	vmul.f32 v3, v3;
	(xrf2) =	vadd.scan.msk.f32 $0xffff, v2  }
0x173: {  	v2 =	vbroadcast v16, $0xF;
	v1 =	vsel vm0, v1, v6;
	v4, _, _ =	vpop (xrf2)  }
0x174: {  	v1 =	vsel vm1, v1, v5;
	v5 =	vbroadcast v4, $0xF;
	v0 =	vadd.f32 v3, v0  }
0x175: {  	v1 =	vsel vm2, v1, v2;
	v2 =	vbroadcast v21, $0xF  }
0x176: {  	v1 =	vsel vm3, v1, v5;
	v5 =	vbroadcast v26, $0xF;
	v4, _, _ =	vpop (xrf2);
	(xrf2) =	vadd.scan.msk.f32 $0xffff, v0  }
0x177: {  	v0 =	vsel vm4, v1, v2;
	v1 =	vbroadcast v4, $0xF  }
0x178: {  	v2 =	vbroadcast v27, $0xF;
	v0 =	vsel vm5, v0, v5  }
0x179: {  	v0 =	vsel vm6, v0, v1;
	v1 =	vbroadcast v24, $0xF;
	v3, _, _ =	vpop (xrf2)  }
0x17a: {  	v0 =	vsel vm7, v0, v2;
	v2 =	vbroadcast v3, $0xF  }
0x17b: {  	v0 =	vsel vm8, v0, v1;
	v1 =	vbroadcast v14, $0xF  }
0x17c: {  	v0 =	vsel vm9, v0, v2;
	v2 =	vbroadcast v13, $0xF;
	v3, _, _ =	vpop (xrf2)  }
0x17d: {  	v0 =	vsel vm10, v0, v1;
	v3 =	vbroadcast v3, $0xF  }
0x17e: {  	v0 =	vsel vm11, v0, v2;
	v2 =	vbroadcast v10, $0xF  }
0x17f: {  	v0 =	vsel vm12, v0, v3  }
0x180: {  	v0 =	vsel vm13, v0, v2;
	v1, _, _ =	vpop (xrf2)  }
0x181: {  	v0 =	vsel vm14, v0, v1  }
0x182: {  	v0 =	vadd.f32 $9.999999960e-13, v0;
	_ =	sdelay $0x1  }
0x183: {  	v1 =	vshrl.u32 v0, $0x1  }
0x184: {  	v1 =	vadd.s32 $0x1FBD1DF5, v1  }
0x185: {  	(erf) = vrcp.f32 v1;
	_ =	sdelay $0x8  }
0x186: {  	v2 =	vpop (erf)  }
0x187: {  	v2 =	vmul.f32 v2, v0;
	_ =	sdelay $0x1  }
0x188: {  	v1 =	vadd.f32 v1, v2;
	_ =	sdelay $0x1  }
0x189: {  	v1 =	vmul.f32 $5.000000000e-01, v1;
	_ =	sdelay $0x1  }
0x18a: {  	(erf) = vrcp.f32 v1;
	_ =	sdelay $0x8  }
0x18b: {  	v2 =	vpop (erf)  }
0x18c: {  	v2 =	vmul.f32 v2, v0;
	_ =	sdelay $0x1  }
0x18d: {  	v1 =	vadd.f32 v2, v1;
	_ =	sdelay $0x1  }
0x18e: {  	v1 =	vmul.f32 $5.000000000e-01, v1;
	_ =	sdelay $0x1  }
0x18f: {  	(erf) = vrcp.f32 v1;
	_ =	sdelay $0x8  }
0x190: {  	v2 =	vpop (erf)  }
0x191: {  	v0 =	vmul.f32 v2, v0;
	_ =	sdelay $0x1  }
0x192: {  	v0 =	vadd.f32 v0, v1;
	_ =	sdelay $0x1  }
0x193: {  	v0 =	vmul.f32 $5.000000000e-01, v0;
	_ =	sdelay $0x1  }
0x194: {  	v0 =	vsub.f32 $0.0e+00, v0  }
0x195: {  	s21 =	sadd.s32 $0x10, s21  }
0x196: {  	s23 =	sshra.s32 s24, $0x2;
	[tilespmem:s21+$0x0] =	vst v0  }
0x197: {  	v0 =	vld [tilespmem:s23+$0x87E0]  }
0x198: {  	v1 =	vld [tilespmem:s23+$0x7E0]  }
0x199: {  	v2 =	vld [tilespmem:s23+$0x47E0]  }
0x19a: {  	v10 =	vld [tilespmem:s23+$0x87C0]  }
0x19b: {  	v13 =	vld [tilespmem:s23+$0x87D0]  }
0x19c: {  	v14 =	vld [tilespmem:s23+$0x7C0]  }
0x19d: {  	v15 =	vld [tilespmem:s23+$0x47C0]  }
0x19e: {  	v16 =	vld [tilespmem:s23+$0x7D0]  }
0x19f: {  	v17 =	vld [tilespmem:s23+$0x47D0]  }
0x1a0: {  	v18 =	vld [tilespmem:s23+$0x8780]  }
0x1a1: {  	v19 =	vld [tilespmem:s23+$0x8790]  }
0x1a2: {  	v4 =	vld [tilespmem:s23+$0x7A0]  }
0x1a3: {  	v5 =	vld [tilespmem:s23+$0x47A0]  }
0x1a4: {  	v3 =	vld [tilespmem:s23+$0x7B0]  }
0x1a5: {  	v20 =	vld [tilespmem:s23+$0x8760]  }
0x1a6: {  	v21 =	vld [tilespmem:s23+$0x8770]  }
0x1a7: {  	v22 =	vld [tilespmem:s23+$0x780]  }
0x1a8: {  	v23 =	vld [tilespmem:s23+$0x4780]  }
0x1a9: {  	v24 =	vld [tilespmem:s23+$0x790]  }
0x1aa: {  	v25 =	vld [tilespmem:s23+$0x4790]  }
0x1ab: {  	v26 =	vld [tilespmem:s23+$0x760]  }
0x1ac: {  	v27 =	vld [tilespmem:s23+$0x4760]  }
0x1ad: {  	v28 =	vld [tilespmem:s23+$0x770]  }
0x1ae: {  	v29 =	vld [tilespmem:s23+$0x4770]  }
0x1af: {  	v30 =	vld [tilespmem:s23+$0x8720]  }
0x1b0: {  	v31 =	vld [tilespmem:s23+$0x8730]  }
0x1b1: {  	v7 =	vld [tilespmem:s23+$0x740]  }
0x1b2: {  	v8 =	vld [tilespmem:s23+$0x4740]  }
0x1b3: {  	v6 =	vld [tilespmem:s23+$0x750]  }
0x1b4: {  	v32 =	vld [tilespmem:s23+$0x8700]  }
0x1b5: {  	v33 =	vld [tilespmem:s23+$0x8710]  }
0x1b6: {  	v34 =	vld [tilespmem:s23+$0x720]  }
0x1b7: {  	v35 =	vld [tilespmem:s23+$0x4720]  }
0x1b8: {  	v36 =	vld [tilespmem:s23+$0x730]  }
0x1b9: {  	v37 =	vld [tilespmem:s23+$0x4730]  }
0x1ba: {  	v38 =	vld [tilespmem:s23+$0x700]  }
0x1bb: {  	v39 =	vld [tilespmem:s23+$0x4700]  }
0x1bc: {  	v40 =	vld [tilespmem:s23+$0x710]  }
0x1bd: {  	v41 =	vld [tilespmem:s23+$0x4710]  }
0x1be: {  	v42 =	vld [tilespmem:s23+$0x86C0]  }
0x1bf: {  	v43 =	vld [tilespmem:s23+$0x86D0]  }
0x1c0: {  	v11 =	vld [tilespmem:s23+$0x6E0]  }
0x1c1: {  	v12 =	vld [tilespmem:s23+$0x46E0]  }
0x1c2: {  	v9 =	vld [tilespmem:s23+$0x6F0]  }
0x1c3: {  	v44 =	vld [tilespmem:s23+$0x86A0]  }
0x1c4: {  	v45 =	vld [tilespmem:s23+$0x86B0]  }
0x1c5: {  	v46 =	vld [tilespmem:s23+$0x6C0]  }
0x1c6: {  	v47 =	vld [tilespmem:s23+$0x46C0]  }
0x1c7: {  	v48 =	vld [tilespmem:s23+$0x6D0]  }
0x1c8: {  	v49 =	vld [tilespmem:s23+$0x46D0]  }
0x1c9: {  	v50 =	vld [tilespmem:s23+$0x6A0]  }
0x1ca: {  	v14 =	vsub.f32 v14, v15;
	v15 =	vsub.f32 v16, v17;
	v51 =	vld [tilespmem:s23+$0x46A0]  }
0x1cb: {  	v52 =	vld [tilespmem:s23+$0x6B0]  }
0x1cc: {  	v10 =	vadd.f32 v10, v14;
	v13 =	vadd.f32 v13, v15;
	v53 =	vld [tilespmem:s23+$0x46B0]  }
0x1cd: {  	v16 =	vsub.f32 v22, v23;
	v17 =	vsub.f32 v24, v25;
	v14 =	vld [tilespmem:s23+$0x8660]  }
0x1ce: {  	v10 =	vmul.f32 v10, v10;
	v23 =	vld [tilespmem:s23+$0x8670]  }
0x1cf: {  	v13 =	vmul.f32 v13, v13;
	v18 =	vadd.f32 v18, v16;
	v19 =	vadd.f32 v19, v17;
	v15 =	vld [tilespmem:s23+$0x680]  }
0x1d0: {  	v22 =	vsub.f32 v26, v27;
	v24 =	vsub.f32 v28, v29;
	v17 =	vld [tilespmem:s23+$0x4680]  }
0x1d1: {  	v10 =	vadd.f32 v13, v10;
	v18 =	vmul.f32 v18, v18;
	v16 =	vld [tilespmem:s23+$0x690]  }
0x1d2: {  	v13 =	vadd.f32 v20, v22;
	v19 =	vmul.f32 v19, v19;
	v20 =	vadd.f32 v21, v24;
	v29 =	vld [tilespmem:s23+$0x8640]  }
0x1d3: {  	v21 =	vsub.f32 v34, v35;
	v22 =	vsub.f32 v36, v37;
	v54 =	vld [tilespmem:s23+$0x8650]  }
0x1d4: {  	v13 =	vmul.f32 v13, v13;
	v18 =	vadd.f32 v19, v18;
	v24 =	vld [tilespmem:s23+$0x660];
	(xrf2) =	vadd.scan.msk.f32 $0xffff, v10  }
0x1d5: {  	v20 =	vmul.f32 v20, v20;
	v19 =	vadd.f32 v31, v22;
	v10 =	vadd.f32 v30, v21;
	v25 =	vld [tilespmem:s23+$0x4660]  }
0x1d6: {  	v26 =	vsub.f32 v40, v41;
	v21 =	vsub.f32 v38, v39;
	v22 =	vld [tilespmem:s23+$0x670]  }
0x1d7: {  	v13 =	vadd.f32 v20, v13;
	v10 =	vmul.f32 v10, v10;
	v27 =	vld [tilespmem:s23+$0x4670];
	(xrf2) =	vadd.scan.msk.f32 $0xffff, v18  }
0x1d8: {  	v20 =	vadd.f32 v32, v21;
	v21 =	vadd.f32 v33, v26;
	v26 =	vmul.f32 v19, v19;
	v18 =	vld [tilespmem:s23+$0x8600]  }
0x1d9: {  	v28 =	vsub.f32 v46, v47;
	v30 =	vsub.f32 v48, v49;
	v19 =	vld [tilespmem:s23+$0x8610]  }
0x1da: {  	v20 =	vmul.f32 v20, v20;
	v10 =	vadd.f32 v26, v10;
	v31 =	vld [tilespmem:s23+$0x640];
	(xrf2) =	vadd.scan.msk.f32 $0xffff, v13  }
0x1db: {  	v21 =	vmul.f32 v21, v21;
	v13 =	vadd.f32 v42, v28;
	v28 =	vadd.f32 v43, v30;
	v26 =	vld [tilespmem:s23+$0x4640]  }
0x1dc: {  	v32 =	vsub.f32 v50, v51;
	v33 =	vsub.f32 v52, v53;
	v30 =	vld [tilespmem:s23+$0x650]  }
0x1dd: {  	v35 =	vadd.f32 v21, v20;
	v13 =	vmul.f32 v13, v13;
	v34 =	vld [tilespmem:s23+$0x4650];
	(xrf2) =	vadd.scan.msk.f32 $0xffff, v10  }
0x1de: {  	v32 =	vadd.f32 v44, v32;
	v33 =	vadd.f32 v45, v33;
	v28 =	vmul.f32 v28, v28;
	v20 =	vld [tilespmem:s23+$0x4600];
	v10, _, _ =	vpop (xrf2)  }
0x1df: {  	v25 =	vsub.f32 v24, v25;
	v27 =	vsub.f32 v22, v27;
	v21 =	vld [tilespmem:s23+$0x600]  }
.Ltmp0:
0x1e0: {  	v32 =	vmul.f32 v32, v32;
	v36 =	vadd.f32 v28, v13;
	v22 =	vld [tilespmem:s23+$0x610];
	(xrf2) =	vadd.scan.msk.f32 $0xffff, v35;
	(pc) =	sbr.rel @p0 .LBB2_2-.Ltmp0, $4  }
0x1e1: {  	v37 =	vadd.f32 v14, v25;
	v35 =	vadd.f32 v23, v27;
	v27 =	vmul.f32 v33, v33;
	v24 =	vld [tilespmem:s23+$0x4610];
	v13, _, _ =	vpop (xrf2)  }
0x1e2: {  	v31 =	vsub.f32 v31, v26;
	v23 =	vld [tilespmem:s23+$0x620];
	v33 =	vsub.f32 v30, v34  }
0x1e3: {  	v28 =	vmul.f32 v37, v37;
	v26 =	vadd.f32 v27, v32;
	v25 =	vld [tilespmem:s23+$0x4620];
	(xrf2) =	vadd.scan.msk.f32 $0xffff, v36  }
0x1e4: {  	s24 =	sadd.s32 $0x800, s24;
	v30 =	vadd.f32 v29, v31;
	v29 =	vmul.f32 v35, v35;
	v27 =	vld [tilespmem:s23+$0x630];
	v31 =	vadd.f32 v54, v33;
	v14, _, _ =	vpop (xrf2)  }
0x1e5: {  	v32 =	vld [tilespmem:s23+$0x4630]  }
0x1e6: {  	v33 =	vld [tilespmem:s23+$0x8620]  }
0x1e7: {  	v20 =	vsub.f32 v21, v20;
	v21 =	vsub.f32 v22, v24;
	v22 =	vld [tilespmem:s23+$0x8630]  }
0x1e8: {  	v15 =	vsub.f32 v15, v17;
	v24 =	vadd.f32 v29, v28;
	v29 =	vld [tilespmem:s23+$0x4690]  }
0x1e9: {  	v18 =	vadd.f32 v18, v20;
	v20 =	vld [tilespmem:s23+$0x8680];
	v19 =	vadd.f32 v19, v21  }
0x1ea: {  	v30 =	vmul.f32 v30, v30;
	v21 =	vsub.f32 v23, v25;
	v25 =	vld [tilespmem:s23+$0x8690];
	v23 =	vsub.f32 v27, v32  }
0x1eb: {  	v17 =	vld [tilespmem:s23+$0x46F0];
	v11 =	vsub.f32 v11, v12;
	v18 =	vmul.f32 v18, v18;
	v19 =	vmul.f32 v19, v19  }
0x1ec: {  	v31 =	vmul.f32 v31, v31;
	v21 =	vadd.f32 v33, v21;
	v22 =	vadd.f32 v22, v23;
	v23 =	vld [tilespmem:s23+$0x86E0]  }
0x1ed: {  	v16 =	vsub.f32 v16, v29;
	v18 =	vadd.f32 v19, v18;
	v19 =	vld [tilespmem:s23+$0x86F0]  }
0x1ee: {  	v12 =	vld [tilespmem:s23+$0x4750];
	v7 =	vsub.f32 v7, v8;
	v28 =	vadd.f32 v31, v30;
	v21 =	vmul.f32 v21, v21  }
0x1ef: {  	(xrf2) =	vadd.scan.msk.f32 $0xffff, v26;
	v8 =	vld [tilespmem:s23+$0x47B0];
	v15 =	vadd.f32 v20, v15;
	v16 =	vadd.f32 v25, v16;
	v22 =	vmul.f32 v22, v22  }
0x1f0: {  	v4 =	vsub.f32 v4, v5;
	(xrf2) =	vadd.scan.msk.f32 $0xffff, v24;
	v9 =	vsub.f32 v9, v17;
	v17 =	vld [tilespmem:s23+$0x8750]  }
0x1f1: {  	(xrf2) =	vadd.scan.msk.f32 $0xffff, v28;
	v20 =	vld [tilespmem:s23+$0x8740];
	v15 =	vmul.f32 v15, v15;
	v16 =	vmul.f32 v16, v16;
	v21 =	vadd.f32 v22, v21  }
0x1f2: {  	v5 =	vld [tilespmem:s23+$0x7F0];
	(xrf2) =	vadd.scan.msk.f32 $0xffff, v18;
	v11 =	vadd.f32 v23, v11;
	v9 =	vadd.f32 v19, v9  }
0x1f3: {  	v6 =	vsub.f32 v6, v12;
	v12 =	vld [tilespmem:s23+$0x87B0];
	v15 =	vadd.f32 v16, v15  }
0x1f4: {  	v18 =	vld [tilespmem:s23+$0x87A0];
	(xrf2) =	vadd.scan.msk.f32 $0xffff, v21;
	v11 =	vmul.f32 v11, v11;
	v9 =	vmul.f32 v9, v9  }
0x1f5: {  	v6 =	vadd.f32 v17, v6;
	v17 =	vld [tilespmem:s23+$0x47F0]  }
0x1f6: {  	v7 =	vadd.f32 v20, v7;
	v16, _, _ =	vpop (xrf2);
	v9 =	vadd.f32 v9, v11  }
0x1f7: {  	v1 =	vsub.f32 v1, v2;
	v3 =	vsub.f32 v3, v8;
	(xrf2) =	vadd.scan.msk.f32 $0xffff, v15;
	v15, _, _ =	vpop (xrf2)  }
0x1f8: {  	v7 =	vmul.f32 v7, v7;
	v8, _, _ =	vpop (xrf2)  }
0x1f9: {  	v3 =	vadd.f32 v12, v3;
	v6 =	vmul.f32 v6, v6;
	v11 =	vld [tilespmem:s23+$0x87F0];
	v2, _, _ =	vpop (xrf2)  }
0x1fa: {  	v4 =	vadd.f32 v18, v4;
	v5 =	vsub.f32 v5, v17;
	(xrf2) =	vadd.scan.msk.f32 $0xffff, v9;
	v9, _, _ =	vpop (xrf2)  }
0x1fb: {  	v0 =	vadd.f32 v0, v1;
	v6 =	vadd.f32 v6, v7;
	v1, _, _ =	vpop (xrf2)  }
0x1fc: {  	v3 =	vmul.f32 v3, v3;
	v4 =	vmul.f32 v4, v4;
	v7, _, _ =	vpop (xrf2)  }
0x1fd: {  	(xrf2) =	vadd.scan.msk.f32 $0xffff, v6;
	v6 =	vbroadcast v7, $0xF  }
0x1fe: {  	v3 =	vadd.f32 v3, v4;
	v4 =	vadd.f32 v11, v5;
	v5, _, _ =	vpop (xrf2)  }
0x1ff: {  	v5 =	vbroadcast v5, $0xF  }
0x200: {  	v1 =	vbroadcast v1, $0xF  }
0x201: {  	(xrf2) =	vadd.scan.msk.f32 $0xffff, v3;
	v4 =	vmul.f32 v4, v4;
	v3 =	vsel vm0, v6, v5;
	v5 =	vbroadcast v9, $0xF;
	v6, _, _ =	vpop (xrf2)  }
0x202: {  	v0 =	vmul.f32 v0, v0;
	v1 =	vsel vm1, v3, v1;
	v3 =	vbroadcast v6, $0xF  }
0x203: {  	v2 =	vbroadcast v2, $0xF;
	v1 =	vsel vm2, v1, v5  }
0x204: {  	v0 =	vadd.f32 v4, v0;
	v1 =	vsel vm3, v1, v3;
	v3 =	vbroadcast v8, $0xF  }
0x205: {  	v4, _, _ =	vpop (xrf2)  }
0x206: {  	(xrf2) =	vadd.scan.msk.f32 $0xffff, v0;
	v0 =	vsel vm4, v1, v2;
	v1 =	vbroadcast v4, $0xF  }
0x207: {  	v2 =	vbroadcast v15, $0xF;
	v0 =	vsel vm5, v0, v3  }
0x208: {  	v0 =	vsel vm6, v0, v1;
	v1 =	vbroadcast v16, $0xF;
	v3, _, _ =	vpop (xrf2)  }
0x209: {  	v0 =	vsel vm7, v0, v2;
	v2 =	vbroadcast v3, $0xF  }
0x20a: {  	v0 =	vsel vm8, v0, v1;
	v1 =	vbroadcast v14, $0xF  }
0x20b: {  	v3, _, _ =	vpop (xrf2);
	v0 =	vsel vm9, v0, v2  }
0x20c: {  	v2 =	vbroadcast v13, $0xF;
	v0 =	vsel vm10, v0, v1;
	v1 =	vbroadcast v3, $0xF;
	_ =	sdelay $0x1  }
0x20d: {  	v0 =	vsel vm11, v0, v2;
	v2 =	vbroadcast v10, $0xF  }
0x20e: {  	v0 =	vsel vm12, v0, v1  }
0x20f: {  	v0 =	vsel vm13, v0, v2;
	v1, _, _ =	vpop (xrf2)  }
0x210: {  	v0 =	vsel vm14, v0, v1  }
0x211: {  	v0 =	vadd.f32 $9.999999960e-13, v0;
	_ =	sdelay $0x1  }
0x212: {  	v1 =	vshrl.u32 v0, $0x1  }
0x213: {  	v1 =	vadd.s32 $0x1FBD1DF5, v1  }
0x214: {  	(erf) = vrcp.f32 v1;
	_ =	sdelay $0x8  }
0x215: {  	v2 =	vpop (erf)  }
0x216: {  	v2 =	vmul.f32 v2, v0;
	_ =	sdelay $0x1  }
0x217: {  	v1 =	vadd.f32 v1, v2;
	_ =	sdelay $0x1  }
0x218: {  	v1 =	vmul.f32 $5.000000000e-01, v1;
	_ =	sdelay $0x1  }
0x219: {  	(erf) = vrcp.f32 v1;
	_ =	sdelay $0x8  }
0x21a: {  	v2 =	vpop (erf)  }
0x21b: {  	v2 =	vmul.f32 v2, v0;
	_ =	sdelay $0x1  }
0x21c: {  	v1 =	vadd.f32 v2, v1;
	_ =	sdelay $0x1  }
0x21d: {  	v1 =	vmul.f32 $5.000000000e-01, v1;
	_ =	sdelay $0x1  }
0x21e: {  	(erf) = vrcp.f32 v1;
	_ =	sdelay $0x8  }
0x21f: {  	v2 =	vpop (erf)  }
0x220: {  	v0 =	vmul.f32 v2, v0;
	_ =	sdelay $0x1  }
0x221: {  	v0 =	vadd.f32 v0, v1;
	_ =	sdelay $0x1  }
0x222: {  	v0 =	vmul.f32 $5.000000000e-01, v0;
	_ =	sdelay $0x1  }
0x223: {  	v0 =	vsub.f32 $0.0e+00, v0  }
0x224: {  	s21 =	sadd.s32 $0x10, s21  }
0x225: {  	[tilespmem:s21+$0x0] =	vst v0;
	s21 =	simm.s32 $0x0  }
0x226: {  	v1 =	vld [tilespmem:s21+$0x17E0]  }
0x227: {  	v2 =	vld [tilespmem:s21+$0x57E0]  }
0x228: {  	v12 =	vld [tilespmem:s21+$0x97C0]  }
0x229: {  	v13 =	vld [tilespmem:s21+$0x97D0]  }
0x22a: {  	v14 =	vld [tilespmem:s21+$0x17C0]  }
0x22b: {  	v15 =	vld [tilespmem:s21+$0x57C0]  }
0x22c: {  	v16 =	vld [tilespmem:s21+$0x17D0]  }
0x22d: {  	v17 =	vld [tilespmem:s21+$0x57D0]  }
0x22e: {  	v18 =	vld [tilespmem:s21+$0x9780]  }
0x22f: {  	v19 =	vld [tilespmem:s21+$0x9790]  }
0x230: {  	v4 =	vld [tilespmem:s21+$0x17A0]  }
0x231: {  	v5 =	vld [tilespmem:s21+$0x57A0]  }
0x232: {  	v20 =	vld [tilespmem:s21+$0x9760]  }
0x233: {  	v21 =	vld [tilespmem:s21+$0x9770]  }
0x234: {  	v22 =	vld [tilespmem:s21+$0x1780]  }
0x235: {  	v23 =	vld [tilespmem:s21+$0x5780]  }
0x236: {  	v24 =	vld [tilespmem:s21+$0x1790]  }
0x237: {  	v25 =	vld [tilespmem:s21+$0x5790]  }
0x238: {  	v26 =	vld [tilespmem:s21+$0x1760]  }
0x239: {  	v27 =	vld [tilespmem:s21+$0x5760]  }
0x23a: {  	v28 =	vld [tilespmem:s21+$0x1770]  }
0x23b: {  	v29 =	vld [tilespmem:s21+$0x5770]  }
0x23c: {  	v30 =	vld [tilespmem:s21+$0x9720]  }
0x23d: {  	v31 =	vld [tilespmem:s21+$0x9730]  }
0x23e: {  	v7 =	vld [tilespmem:s21+$0x1740]  }
0x23f: {  	v8 =	vld [tilespmem:s21+$0x5740]  }
0x240: {  	v6 =	vld [tilespmem:s21+$0x1750]  }
0x241: {  	v61 =	vld [tilespmem:s21+$0x9700]  }
0x242: {  	v62 =	vld [tilespmem:s21+$0x9710]  }
0x243: {  	v34 =	vld [tilespmem:s21+$0x1720]  }
0x244: {  	v35 =	vld [tilespmem:s21+$0x5720]  }
0x245: {  	v36 =	vld [tilespmem:s21+$0x1730]  }
0x246: {  	v37 =	vld [tilespmem:s21+$0x5730]  }
0x247: {  	v38 =	vld [tilespmem:s21+$0x1700]  }
0x248: {  	v39 =	vld [tilespmem:s21+$0x5700]  }
0x249: {  	v40 =	vld [tilespmem:s21+$0x1710]  }
0x24a: {  	v41 =	vld [tilespmem:s21+$0x5710]  }
0x24b: {  	v42 =	vld [tilespmem:s21+$0x96C0]  }
0x24c: {  	v43 =	vld [tilespmem:s21+$0x96D0]  }
0x24d: {  	v10 =	vld [tilespmem:s21+$0x16E0]  }
0x24e: {  	v11 =	vld [tilespmem:s21+$0x56E0]  }
0x24f: {  	v9 =	vld [tilespmem:s21+$0x16F0]  }
0x250: {  	v44 =	vld [tilespmem:s21+$0x96A0]  }
0x251: {  	v45 =	vld [tilespmem:s21+$0x96B0]  }
0x252: {  	v46 =	vld [tilespmem:s21+$0x16C0]  }
0x253: {  	v47 =	vld [tilespmem:s21+$0x56C0]  }
0x254: {  	v48 =	vld [tilespmem:s21+$0x16D0]  }
0x255: {  	v49 =	vld [tilespmem:s21+$0x56D0]  }
0x256: {  	v50 =	vld [tilespmem:s21+$0x16A0]  }
0x257: {  	v51 =	vld [tilespmem:s21+$0x56A0]  }
0x258: {  	v52 =	vld [tilespmem:s21+$0x16B0]  }
0x259: {  	v53 =	vld [tilespmem:s21+$0x56B0]  }
0x25a: {  	v54 =	vld [tilespmem:s21+$0x9660]  }
0x25b: {  	v63 =	vld [tilespmem:s21+$0x1640]  }
0x25c: {  	v56 =	vld [tilespmem:s21+$0x1630];
	v14 =	vsub.f32 v14, v15  }
0x25d: {  	v58 =	vld [tilespmem:s21+$0x9620];
	v16 =	vsub.f32 v16, v17;
	v10 =	vsub.f32 v10, v11  }
0x25e: {  	v59 =	vld [tilespmem:s21+$0x9630];
	v7 =	vsub.f32 v7, v8;
	v12 =	vadd.f32 v12, v14  }
0x25f: {  	v15 =	vld [tilespmem:s21+$0x9670];
	v14 =	vsub.f32 v22, v23;
	v13 =	vadd.f32 v13, v16  }
0x260: {  	v17 =	vld [tilespmem:s21+$0x1680];
	v16 =	vsub.f32 v24, v25;
	v25 =	vsub.f32 v28, v29  }
0x261: {  	v22 =	vld [tilespmem:s21+$0x5680];
	v28 =	vsub.f32 v38, v39;
	v12 =	vmul.f32 v12, v12;
	v14 =	vadd.f32 v18, v14  }
0x262: {  	v24 =	vld [tilespmem:s21+$0x9650];
	v16 =	vadd.f32 v19, v16;
	v13 =	vmul.f32 v13, v13;
	v19 =	vsub.f32 v26, v27  }
0x263: {  	v29 =	vld [tilespmem:s21+$0x9600];
	v27 =	vsub.f32 v36, v37;
	v28 =	vadd.f32 v61, v28  }
0x264: {  	v18 =	vld [tilespmem:s21+$0x9640];
	v12 =	vadd.f32 v13, v12;
	v13 =	vadd.f32 v20, v19  }
0x265: {  	v26 =	vld [tilespmem:s21+$0x1660];
	v14 =	vmul.f32 v14, v14;
	v20 =	vadd.f32 v21, v25;
	v21 =	vsub.f32 v34, v35  }
0x266: {  	v16 =	vmul.f32 v16, v16;
	v19 =	vld [tilespmem:s21+$0x5660];
	v27 =	vadd.f32 v31, v27;
	v17 =	vsub.f32 v17, v22  }
0x267: {  	v25 =	vld [tilespmem:s21+$0x1670];
	v21 =	vadd.f32 v30, v21;
	v30 =	vsub.f32 v40, v41  }
0x268: {  	v14 =	vadd.f32 v16, v14;
	v16 =	vld [tilespmem:s21+$0x5670];
	v13 =	vmul.f32 v13, v13;
	v20 =	vmul.f32 v20, v20  }
0x269: {  	v27 =	vmul.f32 v27, v27;
	v41 =	vsub.f32 v46, v47;
	v46 =	vld [tilespmem:s21+$0x5640];
	v30 =	vadd.f32 v62, v30  }
0x26a: {  	v47 =	vld [tilespmem:s21+$0x1650];
	v21 =	vmul.f32 v21, v21;
	v13 =	vadd.f32 v20, v13;
	v20 =	vsub.f32 v48, v49  }
0x26b: {  	v48 =	vld [tilespmem:s21+$0x5650];
	v49 =	vsub.f32 v50, v51;
	v50 =	vsub.f32 v52, v53  }
0x26c: {  	v31 =	vld [tilespmem:s21+$0x9610];
	v19 =	vsub.f32 v26, v19;
	v21 =	vadd.f32 v27, v21  }
0x26d: {  	v28 =	vmul.f32 v28, v28;
	v51 =	vld [tilespmem:s21+$0x5600];
	v27 =	vadd.f32 v42, v41;
	v20 =	vadd.f32 v43, v20  }
0x26e: {  	v52 =	vld [tilespmem:s21+$0x1610];
	v30 =	vmul.f32 v30, v30;
	v36 =	vadd.f32 v44, v49;
	v16 =	vsub.f32 v25, v16  }
0x26f: {  	v25 =	vld [tilespmem:s21+$0x5610];
	v32 =	vsub.f32 v63, v46;
	v19 =	vadd.f32 v54, v19  }
0x270: {  	v28 =	vadd.f32 v30, v28;
	v30 =	vld [tilespmem:s21+$0x1600];
	v33 =	vsub.f32 v47, v48  }
0x271: {  	v26 =	vld [tilespmem:s21+$0x1620];
	v27 =	vmul.f32 v27, v27;
	v20 =	vmul.f32 v20, v20;
	v15 =	vadd.f32 v15, v16  }
0x272: {  	v16 =	vld [tilespmem:s21+$0x5620];
	v18 =	vadd.f32 v18, v32;
	v24 =	vadd.f32 v24, v33  }
0x273: {  	v19 =	vmul.f32 v19, v19;
	v20 =	vadd.f32 v20, v27;
	v27 =	vld [tilespmem:s21+$0x5630];
	v15 =	vmul.f32 v15, v15  }
0x274: {  	v11 =	vld [tilespmem:s21+$0x5750];
	v37 =	vadd.f32 v45, v50;
	v18 =	vmul.f32 v18, v18;
	v24 =	vmul.f32 v24, v24  }
0x275: {  	v23 =	vld [tilespmem:s21+$0x1690];
	(xrf2) =	vadd.scan.msk.f32 $0xffff, v12;
	v25 =	vsub.f32 v52, v25;
	v30 =	vsub.f32 v30, v51  }
0x276: {  	(xrf2) =	vadd.scan.msk.f32 $0xffff, v14;
	v53 =	vmul.f32 v36, v36;
	v12 =	vadd.f32 v15, v19;
	v15 =	vadd.f32 v24, v18;
	v18 =	vld [tilespmem:s21+$0x5690]  }
0x277: {  	(xrf2) =	vadd.scan.msk.f32 $0xffff, v13;
	v55 =	vmul.f32 v37, v37;
	v19 =	vadd.f32 v31, v25;
	v25 =	vld [tilespmem:s21+$0x9690];
	v14 =	vadd.f32 v29, v30  }
0x278: {  	(xrf2) =	vadd.scan.msk.f32 $0xffff, v21;
	v13 =	vsub.f32 v26, v16;
	v24 =	vld [tilespmem:s21+$0x9680];
	v16 =	vsub.f32 v56, v27  }
0x279: {  	v21 =	vld [tilespmem:s21+$0x56F0];
	v57 =	vadd.f32 v55, v53;
	(xrf2) =	vadd.scan.msk.f32 $0xffff, v28;
	v19 =	vmul.f32 v19, v19;
	v14 =	vmul.f32 v14, v14  }
0x27a: {  	v22 =	vld [tilespmem:s21+$0x96E0];
	(xrf2) =	vadd.scan.msk.f32 $0xffff, v20;
	v13 =	vadd.f32 v58, v13;
	v16 =	vadd.f32 v59, v16  }
0x27b: {  	(xrf2) =	vadd.scan.msk.f32 $0xffff, v57;
	v14 =	vadd.f32 v19, v14;
	v19 =	vld [tilespmem:s21+$0x96F0];
	v18 =	vsub.f32 v23, v18  }
0x27c: {  	v3 =	vld [tilespmem:s21+$0x17B0];
	v4 =	vsub.f32 v4, v5;
	(xrf2) =	vadd.scan.msk.f32 $0xffff, v12;
	v13 =	vmul.f32 v13, v13;
	v16 =	vmul.f32 v16, v16  }
0x27d: {  	(xrf2) =	vadd.scan.msk.f32 $0xffff, v15;
	v15 =	vld [tilespmem:s21+$0x9750];
	v12 =	vadd.f32 v24, v17;
	v17 =	vadd.f32 v25, v18  }
0x27e: {  	v8 =	vld [tilespmem:s21+$0x57B0];
	v9 =	vsub.f32 v9, v21;
	v13 =	vadd.f32 v16, v13  }
0x27f: {  	v6 =	vsub.f32 v6, v11;
	(xrf2) =	vadd.scan.msk.f32 $0xffff, v14;
	v18 =	vld [tilespmem:s21+$0x9740];
	v12 =	vmul.f32 v12, v12;
	v14 =	vmul.f32 v17, v17  }
0x280: {  	v5 =	vld [tilespmem:s21+$0x17F0];
	v10 =	vadd.f32 v22, v10;
	v9 =	vadd.f32 v19, v9  }
0x281: {  	v11 =	vld [tilespmem:s21+$0x97B0];
	v16, _, _ =	vpop (xrf2);
	v12 =	vadd.f32 v14, v12  }
0x282: {  	v10 =	vmul.f32 v10, v10;
	v6 =	vadd.f32 v15, v6;
	v15 =	vld [tilespmem:s21+$0x57F0];
	(xrf2) =	vadd.scan.msk.f32 $0xffff, v13;
	v13, _, _ =	vpop (xrf2);
	v9 =	vmul.f32 v9, v9  }
0x283: {  	v17 =	vld [tilespmem:s21+$0x97A0];
	v14, _, _ =	vpop (xrf2)  }
0x284: {  	v0 =	vld [tilespmem:s21+$0x97E0];
	v7 =	vadd.f32 v18, v7;
	v9 =	vadd.f32 v9, v10;
	v19, _, _ =	vpop (xrf2)  }
0x285: {  	v1 =	vsub.f32 v1, v2;
	v3 =	vsub.f32 v3, v8;
	(xrf2) =	vadd.scan.msk.f32 $0xffff, v12;
	v12, _, _ =	vpop (xrf2)  }
0x286: {  	v7 =	vmul.f32 v7, v7;
	v8, _, _ =	vpop (xrf2)  }
0x287: {  	v3 =	vadd.f32 v11, v3;
	v6 =	vmul.f32 v6, v6;
	v10 =	vld [tilespmem:s21+$0x97F0];
	v2, _, _ =	vpop (xrf2)  }
0x288: {  	v5 =	vsub.f32 v5, v15;
	v4 =	vadd.f32 v17, v4;
	(xrf2) =	vadd.scan.msk.f32 $0xffff, v9;
	v9, _, _ =	vpop (xrf2)  }
0x289: {  	v0 =	vadd.f32 v0, v1;
	v6 =	vadd.f32 v6, v7;
	v1, _, _ =	vpop (xrf2)  }
0x28a: {  	v3 =	vmul.f32 v3, v3;
	v4 =	vmul.f32 v4, v4;
	v7, _, _ =	vpop (xrf2)  }
0x28b: {  	(xrf2) =	vadd.scan.msk.f32 $0xffff, v6;
	v6 =	vbroadcast v7, $0xF  }
0x28c: {  	v3 =	vadd.f32 v3, v4;
	v4 =	vadd.f32 v10, v5;
	v5, _, _ =	vpop (xrf2)  }
0x28d: {  	v5 =	vbroadcast v5, $0xF  }
0x28e: {  	v1 =	vbroadcast v1, $0xF  }
0x28f: {  	v4 =	vmul.f32 v4, v4;
	(xrf2) =	vadd.scan.msk.f32 $0xffff, v3;
	v3 =	vsel vm0, v6, v5;
	v5 =	vbroadcast v9, $0xF;
	v6, _, _ =	vpop (xrf2)  }
0x290: {  	v0 =	vmul.f32 v0, v0;
	v1 =	vsel vm1, v3, v1;
	v3 =	vbroadcast v6, $0xF  }
0x291: {  	v2 =	vbroadcast v2, $0xF;
	v1 =	vsel vm2, v1, v5  }
0x292: {  	v0 =	vadd.f32 v4, v0;
	v1 =	vsel vm3, v1, v3;
	v3 =	vbroadcast v8, $0xF  }
0x293: {  	v4, _, _ =	vpop (xrf2)  }
0x294: {  	(xrf2) =	vadd.scan.msk.f32 $0xffff, v0;
	v0 =	vsel vm4, v1, v2;
	v1 =	vbroadcast v4, $0xF  }
0x295: {  	v2 =	vbroadcast v12, $0xF;
	v0 =	vsel vm5, v0, v3  }
0x296: {  	v0 =	vsel vm6, v0, v1;
	v1 =	vbroadcast v19, $0xF;
	v3, _, _ =	vpop (xrf2)  }
0x297: {  	v0 =	vsel vm7, v0, v2;
	v2 =	vbroadcast v3, $0xF  }
0x298: {  	v0 =	vsel vm8, v0, v1;
	v1 =	vbroadcast v14, $0xF  }
0x299: {  	v3, _, _ =	vpop (xrf2);
	v0 =	vsel vm9, v0, v2  }
0x29a: {  	v2 =	vbroadcast v13, $0xF;
	v0 =	vsel vm10, v0, v1;
	v1 =	vbroadcast v3, $0xF;
	_ =	sdelay $0x1  }
0x29b: {  	v0 =	vsel vm11, v0, v2;
	v2 =	vbroadcast v16, $0xF  }
0x29c: {  	v0 =	vsel vm12, v0, v1  }
0x29d: {  	v0 =	vsel vm13, v0, v2;
	v1, _, _ =	vpop (xrf2)  }
0x29e: {  	v0 =	vsel vm14, v0, v1  }
0x29f: {  	v0 =	vadd.f32 $9.999999960e-13, v0;
	_ =	sdelay $0x1  }
0x2a0: {  	v1 =	vshrl.u32 v0, $0x1  }
0x2a1: {  	v1 =	vadd.s32 $0x1FBD1DF5, v1  }
0x2a2: {  	(erf) = vrcp.f32 v1;
	_ =	sdelay $0x8  }
0x2a3: {  	v2 =	vpop (erf)  }
0x2a4: {  	v2 =	vmul.f32 v2, v0;
	_ =	sdelay $0x1  }
0x2a5: {  	v1 =	vadd.f32 v1, v2;
	_ =	sdelay $0x1  }
0x2a6: {  	v1 =	vmul.f32 $5.000000000e-01, v1;
	_ =	sdelay $0x1  }
0x2a7: {  	(erf) = vrcp.f32 v1;
	_ =	sdelay $0x8  }
0x2a8: {  	v2 =	vpop (erf)  }
0x2a9: {  	v2 =	vmul.f32 v2, v0;
	_ =	sdelay $0x1  }
0x2aa: {  	v1 =	vadd.f32 v2, v1;
	_ =	sdelay $0x1  }
0x2ab: {  	v1 =	vmul.f32 $5.000000000e-01, v1;
	_ =	sdelay $0x1  }
0x2ac: {  	(erf) = vrcp.f32 v1;
	_ =	sdelay $0x8  }
0x2ad: {  	v2 =	vpop (erf)  }
0x2ae: {  	v0 =	vmul.f32 v2, v0;
	_ =	sdelay $0x1  }
0x2af: {  	v0 =	vadd.f32 v0, v1;
	_ =	sdelay $0x1  }
0x2b0: {  	v0 =	vmul.f32 $5.000000000e-01, v0;
	_ =	sdelay $0x1  }
0x2b1: {  	v0 =	vsub.f32 $0.0e+00, v0  }
0x2b2: {  	s23 =	simm.s32 $0xC680  }
0x2b3: {  	s24 =	simm.s32 $0x200;
	[tilespmem:s23+$0x0] =	vst v0  }
0x2b4: {  	v0 =	vld [tilespmem:s24+$0x97E0]  }
0x2b5: {  	v1 =	vld [tilespmem:s24+$0x17E0]  }
0x2b6: {  	v2 =	vld [tilespmem:s24+$0x57E0]  }
0x2b7: {  	v10 =	vld [tilespmem:s24+$0x97C0]  }
0x2b8: {  	v13 =	vld [tilespmem:s24+$0x97D0]  }
0x2b9: {  	v14 =	vld [tilespmem:s24+$0x17C0]  }
0x2ba: {  	v15 =	vld [tilespmem:s24+$0x57C0]  }
0x2bb: {  	v16 =	vld [tilespmem:s24+$0x17D0]  }
0x2bc: {  	v17 =	vld [tilespmem:s24+$0x57D0]  }
0x2bd: {  	v18 =	vld [tilespmem:s24+$0x9780]  }
0x2be: {  	v19 =	vld [tilespmem:s24+$0x9790]  }
0x2bf: {  	v4 =	vld [tilespmem:s24+$0x17A0]  }
0x2c0: {  	v5 =	vld [tilespmem:s24+$0x57A0]  }
0x2c1: {  	v3 =	vld [tilespmem:s24+$0x17B0]  }
0x2c2: {  	v20 =	vld [tilespmem:s24+$0x9760]  }
0x2c3: {  	v21 =	vld [tilespmem:s24+$0x9770]  }
0x2c4: {  	v22 =	vld [tilespmem:s24+$0x1780]  }
0x2c5: {  	v23 =	vld [tilespmem:s24+$0x5780]  }
0x2c6: {  	v24 =	vld [tilespmem:s24+$0x1790]  }
0x2c7: {  	v25 =	vld [tilespmem:s24+$0x5790]  }
0x2c8: {  	v26 =	vld [tilespmem:s24+$0x1760]  }
0x2c9: {  	v27 =	vld [tilespmem:s24+$0x5760]  }
0x2ca: {  	v28 =	vld [tilespmem:s24+$0x1770]  }
0x2cb: {  	v29 =	vld [tilespmem:s24+$0x5770]  }
0x2cc: {  	v30 =	vld [tilespmem:s24+$0x9720]  }
0x2cd: {  	v31 =	vld [tilespmem:s24+$0x9730]  }
0x2ce: {  	v7 =	vld [tilespmem:s24+$0x1740]  }
0x2cf: {  	v8 =	vld [tilespmem:s24+$0x5740]  }
0x2d0: {  	v6 =	vld [tilespmem:s24+$0x1750]  }
0x2d1: {  	v32 =	vld [tilespmem:s24+$0x9700]  }
0x2d2: {  	v33 =	vld [tilespmem:s24+$0x9710]  }
0x2d3: {  	v34 =	vld [tilespmem:s24+$0x1720]  }
0x2d4: {  	v35 =	vld [tilespmem:s24+$0x5720]  }
0x2d5: {  	v36 =	vld [tilespmem:s24+$0x1730]  }
0x2d6: {  	v37 =	vld [tilespmem:s24+$0x5730]  }
0x2d7: {  	v38 =	vld [tilespmem:s24+$0x1700]  }
0x2d8: {  	v39 =	vld [tilespmem:s24+$0x5700]  }
0x2d9: {  	v40 =	vld [tilespmem:s24+$0x1710]  }
0x2da: {  	v41 =	vld [tilespmem:s24+$0x5710]  }
0x2db: {  	v42 =	vld [tilespmem:s24+$0x96C0]  }
0x2dc: {  	v43 =	vld [tilespmem:s24+$0x96D0]  }
0x2dd: {  	v11 =	vld [tilespmem:s24+$0x16E0]  }
0x2de: {  	v12 =	vld [tilespmem:s24+$0x56E0]  }
0x2df: {  	v9 =	vld [tilespmem:s24+$0x16F0]  }
0x2e0: {  	v44 =	vld [tilespmem:s24+$0x96A0]  }
0x2e1: {  	v45 =	vld [tilespmem:s24+$0x96B0]  }
0x2e2: {  	v50 =	vld [tilespmem:s24+$0x16A0]  }
0x2e3: {  	v60 =	vld [tilespmem:s24+$0x56A0]  }
0x2e4: {  	v61 =	vld [tilespmem:s24+$0x16B0]  }
0x2e5: {  	v62 =	vld [tilespmem:s24+$0x56B0]  }
0x2e6: {  	v46 =	vld [tilespmem:s24+$0x16C0]  }
0x2e7: {  	v47 =	vld [tilespmem:s24+$0x56C0]  }
0x2e8: {  	v48 =	vld [tilespmem:s24+$0x16D0]  }
0x2e9: {  	v49 =	vld [tilespmem:s24+$0x56D0];
	v14 =	vsub.f32 v14, v15;
	v16 =	vsub.f32 v16, v17  }
0x2ea: {  	v63 =	vld [tilespmem:s24+$0x9660];
	v59 =	vsub.f32 v50, v60;
	v60 =	vsub.f32 v61, v62  }
0x2eb: {  	v55 =	vld [tilespmem:s24+$0x9670];
	v10 =	vadd.f32 v10, v14;
	v14 =	vsub.f32 v22, v23  }
0x2ec: {  	v13 =	vadd.f32 v13, v16;
	v22 =	vsub.f32 v24, v25;
	v24 =	vld [tilespmem:s24+$0x1670]  }
0x2ed: {  	v25 =	vld [tilespmem:s24+$0x5670];
	v14 =	vadd.f32 v18, v14;
	v18 =	vsub.f32 v26, v27  }
0x2ee: {  	v56 =	vld [tilespmem:s24+$0x9650];
	v10 =	vmul.f32 v10, v10;
	v19 =	vadd.f32 v19, v22;
	v22 =	vsub.f32 v28, v29  }
0x2ef: {  	v15 =	vld [tilespmem:s24+$0x1680];
	v13 =	vmul.f32 v13, v13;
	v27 =	vsub.f32 v48, v49;
	v18 =	vadd.f32 v20, v18  }
0x2f0: {  	v17 =	vld [tilespmem:s24+$0x5680];
	v14 =	vmul.f32 v14, v14;
	v20 =	vadd.f32 v21, v22;
	v21 =	vsub.f32 v34, v35  }
0x2f1: {  	v61 =	vld [tilespmem:s24+$0x5650];
	v19 =	vmul.f32 v19, v19;
	v10 =	vadd.f32 v13, v10;
	v13 =	vsub.f32 v36, v37  }
0x2f2: {  	v16 =	vld [tilespmem:s24+$0x1690];
	v27 =	vadd.f32 v43, v27;
	v25 =	vsub.f32 v24, v25;
	v18 =	vmul.f32 v18, v18  }
0x2f3: {  	v23 =	vld [tilespmem:s24+$0x5660];
	v14 =	vadd.f32 v19, v14;
	v21 =	vadd.f32 v30, v21;
	v19 =	vmul.f32 v20, v20;
	(xrf2) =	vadd.scan.msk.f32 $0xffff, v10  }
0x2f4: {  	v29 =	vld [tilespmem:s24+$0x9640];
	v13 =	vadd.f32 v31, v13;
	v20 =	vsub.f32 v38, v39  }
0x2f5: {  	v28 =	vld [tilespmem:s24+$0x1640];
	v10 =	vsub.f32 v40, v41;
	v26 =	vadd.f32 v19, v18  }
0x2f6: {  	v22 =	vld [tilespmem:s24+$0x1660];
	(xrf2) =	vadd.scan.msk.f32 $0xffff, v14;
	v14 =	vsub.f32 v46, v47;
	v21 =	vmul.f32 v21, v21;
	v13 =	vmul.f32 v13, v13  }
0x2f7: {  	v24 =	vld [tilespmem:s24+$0x5610];
	v20 =	vadd.f32 v32, v20;
	v10 =	vadd.f32 v33, v10;
	(xrf2) =	vadd.scan.msk.f32 $0xffff, v26  }
0x2f8: {  	v31 =	vld [tilespmem:s24+$0x1650];
	v62 =	vadd.f32 v55, v25;
	v13 =	vadd.f32 v13, v21  }
0x2f9: {  	v25 =	vld [tilespmem:s24+$0x5620];
	v14 =	vadd.f32 v42, v14;
	v30 =	vmul.f32 v20, v20;
	v10 =	vmul.f32 v10, v10  }
0x2fa: {  	v26 =	vld [tilespmem:s24+$0x5640];
	(xrf2) =	vadd.scan.msk.f32 $0xffff, v13  }
0x2fb: {  	v27 =	vmul.f32 v27, v27;
	v18 =	vld [tilespmem:s24+$0x9600];
	v14 =	vmul.f32 v14, v14;
	v30 =	vadd.f32 v10, v30  }
0x2fc: {  	v19 =	vld [tilespmem:s24+$0x9610];
	v32 =	vadd.f32 v44, v59;
	v33 =	vadd.f32 v45, v60  }
0x2fd: {  	v23 =	vsub.f32 v22, v23;
	v22 =	vld [tilespmem:s24+$0x1610];
	v14 =	vadd.f32 v27, v14;
	v10, _, _ =	vpop (xrf2);
	(xrf2) =	vadd.scan.msk.f32 $0xffff, v30  }
0x2fe: {  	v20 =	vld [tilespmem:s24+$0x5600];
	v32 =	vmul.f32 v32, v32;
	v33 =	vmul.f32 v33, v33;
	v31 =	vsub.f32 v31, v61  }
0x2ff: {  	v21 =	vld [tilespmem:s24+$0x1600];
	v27 =	vadd.f32 v63, v23;
	v63 =	vsub.f32 v28, v26  }
0x300: {  	v31 =	vadd.f32 v56, v31;
	v23 =	vld [tilespmem:s24+$0x1620];
	v26 =	vadd.f32 v33, v32;
	v13, _, _ =	vpop (xrf2);
	(xrf2) =	vadd.scan.msk.f32 $0xffff, v14  }
0x301: {  	s25 =	simm.s32 $0x1000;
	v28 =	vmul.f32 v27, v27;
	v27 =	vld [tilespmem:s24+$0x1630];
	v30 =	vadd.f32 v29, v63;
	v29 =	vmul.f32 v62, v62;
	v14, _, _ =	vpop (xrf2)  }
.LBB2_4:
0x302: {  	p0 =	sne.s32 s25, $0x3800;
	v32 =	vld [tilespmem:s24+$0x5630]  }
0x303: {  	v33 =	vld [tilespmem:s24+$0x9620];
	v30 =	vmul.f32 v30, v30;
	v31 =	vmul.f32 v31, v31;
	v28 =	vadd.f32 v29, v28;
	(xrf2) =	vadd.scan.msk.f32 $0xffff, v26  }
0x304: {  	v20 =	vsub.f32 v21, v20;
	v21 =	vsub.f32 v22, v24;
	v22 =	vld [tilespmem:s24+$0x9630];
	v24, _, _ =	vpop (xrf2)  }
0x305: {  	v26 =	vadd.f32 v31, v30;
	v29 =	vld [tilespmem:s24+$0x5690]  }
0x306: {  	v18 =	vadd.f32 v18, v20;
	v19 =	vadd.f32 v19, v21;
	v20 =	vld [tilespmem:s24+$0x9680];
	(xrf2) =	vadd.scan.msk.f32 $0xffff, v28  }
0x307: {  	v21 =	vsub.f32 v23, v25;
	v23 =	vsub.f32 v27, v32;
	v25 =	vld [tilespmem:s24+$0x9690];
	v27, _, _ =	vpop (xrf2)  }
0x308: {  	v15 =	vsub.f32 v15, v17;
	v18 =	vmul.f32 v18, v18;
	v19 =	vmul.f32 v19, v19;
	v17 =	vld [tilespmem:s24+$0x56F0]  }
0x309: {  	v21 =	vadd.f32 v33, v21;
	v22 =	vadd.f32 v22, v23;
	v23 =	vld [tilespmem:s24+$0x96E0];
	(xrf2) =	vadd.scan.msk.f32 $0xffff, v26  }
0x30a: {  	v18 =	vadd.f32 v19, v18;
	v16 =	vsub.f32 v16, v29;
	v19 =	vld [tilespmem:s24+$0x96F0];
	v26, _, _ =	vpop (xrf2)  }
0x30b: {  	v11 =	vsub.f32 v11, v12;
	v28 =	vmul.f32 v21, v21;
	v22 =	vmul.f32 v22, v22;
	v12 =	vld [tilespmem:s24+$0x5750]  }
0x30c: {  	v15 =	vadd.f32 v20, v15;
	v16 =	vadd.f32 v25, v16;
	v20 =	vld [tilespmem:s24+$0x9740];
	(xrf2) =	vadd.scan.msk.f32 $0xffff, v18  }
0x30d: {  	v18 =	vadd.f32 v22, v28;
	v9 =	vsub.f32 v9, v17;
	v17 =	vld [tilespmem:s24+$0x9750];
	v21, _, _ =	vpop (xrf2)  }
0x30e: {  	v7 =	vsub.f32 v7, v8;
	v15 =	vmul.f32 v15, v15;
	v22 =	vmul.f32 v16, v16;
	v8 =	vld [tilespmem:s24+$0x57B0]  }
0x30f: {  	v11 =	vadd.f32 v23, v11;
	v9 =	vadd.f32 v19, v9;
	v19 =	vld [tilespmem:s24+$0x97A0];
	(xrf2) =	vadd.scan.msk.f32 $0xffff, v18  }
0x310: {  	v15 =	vadd.f32 v22, v15;
	v6 =	vsub.f32 v6, v12;
	v12 =	vld [tilespmem:s24+$0x97B0];
	v16, _, _ =	vpop (xrf2)  }
0x311: {  	v4 =	vsub.f32 v4, v5;
	v11 =	vmul.f32 v11, v11;
	v9 =	vmul.f32 v9, v9;
	v5 =	vld [tilespmem:s24+$0x17F0]  }
0x312: {  	v7 =	vadd.f32 v20, v7;
	v6 =	vadd.f32 v17, v6;
	v17 =	vld [tilespmem:s24+$0x57F0];
	(xrf2) =	vadd.scan.msk.f32 $0xffff, v15  }
0x313: {  	v9 =	vadd.f32 v9, v11;
	v3 =	vsub.f32 v3, v8;
	v8, _, _ =	vpop (xrf2)  }
0x314: {  	v15 =	vsub.f32 v1, v2;
	v7 =	vmul.f32 v7, v7;
	v6 =	vmul.f32 v6, v6;
	v11 =	vld [tilespmem:s24+$0x97F0]  }
0x315: {  	v2 =	vadd.f32 v19, v4;
	v3 =	vadd.f32 v12, v3;
	(xrf2) =	vadd.scan.msk.f32 $0xffff, v9  }
0x316: {  	v0 =	vadd.f32 v0, v15;
	v6 =	vadd.f32 v6, v7;
	v1, _, _ =	vpop (xrf2)  }
0x317: {  	v2 =	vmul.f32 v2, v2;
	v3 =	vmul.f32 v3, v3;
	v5 =	vsub.f32 v5, v17  }
0x318: {  	(xrf2) =	vadd.scan.msk.f32 $0xffff, v6  }
0x319: {  	v0 =	vmul.f32 v0, v0;
	v2 =	vadd.f32 v3, v2;
	v3 =	vadd.f32 v11, v5;
	v4, _, _ =	vpop (xrf2)  }
0x31a: {  	v1 =	vbroadcast v1, $0xF;
	v6 =	vbroadcast v4, $0xF  }
0x31b: {  	v5 =	vbroadcast v8, $0xF;
	v3 =	vmul.f32 v3, v3;
	(xrf2) =	vadd.scan.msk.f32 $0xffff, v2  }
0x31c: {  	v2 =	vbroadcast v16, $0xF;
	v1 =	vsel vm0, v1, v6;
	v4, _, _ =	vpop (xrf2)  }
0x31d: {  	v1 =	vsel vm1, v1, v5;
	v5 =	vbroadcast v4, $0xF;
	v0 =	vadd.f32 v3, v0  }
0x31e: {  	v1 =	vsel vm2, v1, v2;
	v2 =	vbroadcast v21, $0xF  }
0x31f: {  	v1 =	vsel vm3, v1, v5;
	v5 =	vbroadcast v26, $0xF;
	v4, _, _ =	vpop (xrf2);
	(xrf2) =	vadd.scan.msk.f32 $0xffff, v0  }
0x320: {  	v0 =	vsel vm4, v1, v2;
	v1 =	vbroadcast v4, $0xF  }
0x321: {  	v2 =	vbroadcast v27, $0xF;
	v0 =	vsel vm5, v0, v5  }
0x322: {  	v0 =	vsel vm6, v0, v1;
	v1 =	vbroadcast v24, $0xF;
	v3, _, _ =	vpop (xrf2)  }
0x323: {  	v0 =	vsel vm7, v0, v2;
	v2 =	vbroadcast v3, $0xF  }
0x324: {  	v0 =	vsel vm8, v0, v1;
	v1 =	vbroadcast v14, $0xF  }
0x325: {  	v0 =	vsel vm9, v0, v2;
	v2 =	vbroadcast v13, $0xF;
	v3, _, _ =	vpop (xrf2)  }
0x326: {  	v0 =	vsel vm10, v0, v1;
	v3 =	vbroadcast v3, $0xF  }
0x327: {  	v0 =	vsel vm11, v0, v2;
	v2 =	vbroadcast v10, $0xF  }
0x328: {  	v0 =	vsel vm12, v0, v3  }
0x329: {  	v0 =	vsel vm13, v0, v2;
	v1, _, _ =	vpop (xrf2)  }
0x32a: {  	v0 =	vsel vm14, v0, v1  }
0x32b: {  	v0 =	vadd.f32 $9.999999960e-13, v0;
	_ =	sdelay $0x1  }
0x32c: {  	v1 =	vshrl.u32 v0, $0x1  }
0x32d: {  	v1 =	vadd.s32 $0x1FBD1DF5, v1  }
0x32e: {  	(erf) = vrcp.f32 v1;
	_ =	sdelay $0x8  }
0x32f: {  	v2 =	vpop (erf)  }
0x330: {  	v2 =	vmul.f32 v2, v0;
	_ =	sdelay $0x1  }
0x331: {  	v1 =	vadd.f32 v1, v2;
	_ =	sdelay $0x1  }
0x332: {  	v1 =	vmul.f32 $5.000000000e-01, v1;
	_ =	sdelay $0x1  }
0x333: {  	(erf) = vrcp.f32 v1;
	_ =	sdelay $0x8  }
0x334: {  	v2 =	vpop (erf)  }
0x335: {  	v2 =	vmul.f32 v2, v0;
	_ =	sdelay $0x1  }
0x336: {  	v1 =	vadd.f32 v2, v1;
	_ =	sdelay $0x1  }
0x337: {  	v1 =	vmul.f32 $5.000000000e-01, v1;
	_ =	sdelay $0x1  }
0x338: {  	(erf) = vrcp.f32 v1;
	_ =	sdelay $0x8  }
0x339: {  	v2 =	vpop (erf)  }
0x33a: {  	v0 =	vmul.f32 v2, v0;
	_ =	sdelay $0x1  }
0x33b: {  	v0 =	vadd.f32 v0, v1;
	_ =	sdelay $0x1  }
0x33c: {  	v0 =	vmul.f32 $5.000000000e-01, v0;
	_ =	sdelay $0x1  }
0x33d: {  	v0 =	vsub.f32 $0.0e+00, v0  }
0x33e: {  	s23 =	sadd.s32 $0x10, s23  }
0x33f: {  	s24 =	sshra.s32 s25, $0x2;
	[tilespmem:s23+$0x0] =	vst v0  }
0x340: {  	v0 =	vld [tilespmem:s24+$0x97E0]  }
0x341: {  	v1 =	vld [tilespmem:s24+$0x17E0]  }
0x342: {  	v2 =	vld [tilespmem:s24+$0x57E0]  }
0x343: {  	v10 =	vld [tilespmem:s24+$0x97C0]  }
0x344: {  	v13 =	vld [tilespmem:s24+$0x97D0]  }
0x345: {  	v14 =	vld [tilespmem:s24+$0x17C0]  }
0x346: {  	v15 =	vld [tilespmem:s24+$0x57C0]  }
0x347: {  	v16 =	vld [tilespmem:s24+$0x17D0]  }
0x348: {  	v17 =	vld [tilespmem:s24+$0x57D0]  }
0x349: {  	v18 =	vld [tilespmem:s24+$0x9780]  }
0x34a: {  	v19 =	vld [tilespmem:s24+$0x9790]  }
0x34b: {  	v4 =	vld [tilespmem:s24+$0x17A0]  }
0x34c: {  	v5 =	vld [tilespmem:s24+$0x57A0]  }
0x34d: {  	v3 =	vld [tilespmem:s24+$0x17B0]  }
0x34e: {  	v20 =	vld [tilespmem:s24+$0x9760]  }
0x34f: {  	v21 =	vld [tilespmem:s24+$0x9770]  }
0x350: {  	v22 =	vld [tilespmem:s24+$0x1780]  }
0x351: {  	v23 =	vld [tilespmem:s24+$0x5780]  }
0x352: {  	v24 =	vld [tilespmem:s24+$0x1790]  }
0x353: {  	v25 =	vld [tilespmem:s24+$0x5790]  }
0x354: {  	v26 =	vld [tilespmem:s24+$0x1760]  }
0x355: {  	v27 =	vld [tilespmem:s24+$0x5760]  }
0x356: {  	v28 =	vld [tilespmem:s24+$0x1770]  }
0x357: {  	v29 =	vld [tilespmem:s24+$0x5770]  }
0x358: {  	v30 =	vld [tilespmem:s24+$0x9720]  }
0x359: {  	v31 =	vld [tilespmem:s24+$0x9730]  }
0x35a: {  	v7 =	vld [tilespmem:s24+$0x1740]  }
0x35b: {  	v8 =	vld [tilespmem:s24+$0x5740]  }
0x35c: {  	v6 =	vld [tilespmem:s24+$0x1750]  }
0x35d: {  	v32 =	vld [tilespmem:s24+$0x9700]  }
0x35e: {  	v33 =	vld [tilespmem:s24+$0x9710]  }
0x35f: {  	v34 =	vld [tilespmem:s24+$0x1720]  }
0x360: {  	v35 =	vld [tilespmem:s24+$0x5720]  }
0x361: {  	v36 =	vld [tilespmem:s24+$0x1730]  }
0x362: {  	v37 =	vld [tilespmem:s24+$0x5730]  }
0x363: {  	v38 =	vld [tilespmem:s24+$0x1700]  }
0x364: {  	v39 =	vld [tilespmem:s24+$0x5700]  }
0x365: {  	v40 =	vld [tilespmem:s24+$0x1710]  }
0x366: {  	v41 =	vld [tilespmem:s24+$0x5710]  }
0x367: {  	v42 =	vld [tilespmem:s24+$0x96C0]  }
0x368: {  	v43 =	vld [tilespmem:s24+$0x96D0]  }
0x369: {  	v11 =	vld [tilespmem:s24+$0x16E0]  }
0x36a: {  	v12 =	vld [tilespmem:s24+$0x56E0]  }
0x36b: {  	v9 =	vld [tilespmem:s24+$0x16F0]  }
0x36c: {  	v44 =	vld [tilespmem:s24+$0x96A0]  }
0x36d: {  	v45 =	vld [tilespmem:s24+$0x96B0]  }
0x36e: {  	v46 =	vld [tilespmem:s24+$0x16C0]  }
0x36f: {  	v47 =	vld [tilespmem:s24+$0x56C0]  }
0x370: {  	v48 =	vld [tilespmem:s24+$0x16D0]  }
0x371: {  	v49 =	vld [tilespmem:s24+$0x56D0]  }
0x372: {  	v50 =	vld [tilespmem:s24+$0x16A0]  }
0x373: {  	v14 =	vsub.f32 v14, v15;
	v15 =	vsub.f32 v16, v17;
	v51 =	vld [tilespmem:s24+$0x56A0]  }
0x374: {  	v52 =	vld [tilespmem:s24+$0x16B0]  }
0x375: {  	v10 =	vadd.f32 v10, v14;
	v13 =	vadd.f32 v13, v15;
	v53 =	vld [tilespmem:s24+$0x56B0]  }
0x376: {  	v16 =	vsub.f32 v22, v23;
	v17 =	vsub.f32 v24, v25;
	v14 =	vld [tilespmem:s24+$0x9660]  }
0x377: {  	v10 =	vmul.f32 v10, v10;
	v23 =	vld [tilespmem:s24+$0x9670]  }
0x378: {  	v13 =	vmul.f32 v13, v13;
	v18 =	vadd.f32 v18, v16;
	v19 =	vadd.f32 v19, v17;
	v15 =	vld [tilespmem:s24+$0x1680]  }
0x379: {  	v22 =	vsub.f32 v26, v27;
	v24 =	vsub.f32 v28, v29;
	v17 =	vld [tilespmem:s24+$0x5680]  }
0x37a: {  	v10 =	vadd.f32 v13, v10;
	v18 =	vmul.f32 v18, v18;
	v16 =	vld [tilespmem:s24+$0x1690]  }
0x37b: {  	v13 =	vadd.f32 v20, v22;
	v19 =	vmul.f32 v19, v19;
	v20 =	vadd.f32 v21, v24;
	v29 =	vld [tilespmem:s24+$0x9640]  }
0x37c: {  	v21 =	vsub.f32 v34, v35;
	v22 =	vsub.f32 v36, v37;
	v54 =	vld [tilespmem:s24+$0x9650]  }
0x37d: {  	v13 =	vmul.f32 v13, v13;
	v18 =	vadd.f32 v19, v18;
	v24 =	vld [tilespmem:s24+$0x1660];
	(xrf2) =	vadd.scan.msk.f32 $0xffff, v10  }
0x37e: {  	v20 =	vmul.f32 v20, v20;
	v19 =	vadd.f32 v31, v22;
	v10 =	vadd.f32 v30, v21;
	v25 =	vld [tilespmem:s24+$0x5660]  }
0x37f: {  	v26 =	vsub.f32 v40, v41;
	v21 =	vsub.f32 v38, v39;
	v22 =	vld [tilespmem:s24+$0x1670]  }
0x380: {  	v13 =	vadd.f32 v20, v13;
	v10 =	vmul.f32 v10, v10;
	v27 =	vld [tilespmem:s24+$0x5670];
	(xrf2) =	vadd.scan.msk.f32 $0xffff, v18  }
0x381: {  	v20 =	vadd.f32 v32, v21;
	v21 =	vadd.f32 v33, v26;
	v26 =	vmul.f32 v19, v19;
	v18 =	vld [tilespmem:s24+$0x9600]  }
0x382: {  	v28 =	vsub.f32 v46, v47;
	v30 =	vsub.f32 v48, v49;
	v19 =	vld [tilespmem:s24+$0x9610]  }
0x383: {  	v20 =	vmul.f32 v20, v20;
	v10 =	vadd.f32 v26, v10;
	v31 =	vld [tilespmem:s24+$0x1640];
	(xrf2) =	vadd.scan.msk.f32 $0xffff, v13  }
0x384: {  	v21 =	vmul.f32 v21, v21;
	v13 =	vadd.f32 v42, v28;
	v28 =	vadd.f32 v43, v30;
	v26 =	vld [tilespmem:s24+$0x5640]  }
0x385: {  	v32 =	vsub.f32 v50, v51;
	v33 =	vsub.f32 v52, v53;
	v30 =	vld [tilespmem:s24+$0x1650]  }
0x386: {  	v35 =	vadd.f32 v21, v20;
	v13 =	vmul.f32 v13, v13;
	v34 =	vld [tilespmem:s24+$0x5650];
	(xrf2) =	vadd.scan.msk.f32 $0xffff, v10  }
0x387: {  	v32 =	vadd.f32 v44, v32;
	v33 =	vadd.f32 v45, v33;
	v28 =	vmul.f32 v28, v28;
	v20 =	vld [tilespmem:s24+$0x5600];
	v10, _, _ =	vpop (xrf2)  }
0x388: {  	v25 =	vsub.f32 v24, v25;
	v27 =	vsub.f32 v22, v27;
	v21 =	vld [tilespmem:s24+$0x1600]  }
.Ltmp1:
0x389: {  	v32 =	vmul.f32 v32, v32;
	v36 =	vadd.f32 v28, v13;
	v22 =	vld [tilespmem:s24+$0x1610];
	(xrf2) =	vadd.scan.msk.f32 $0xffff, v35;
	(pc) =	sbr.rel @p0 .LBB2_4-.Ltmp1, $4  }
0x38a: {  	v37 =	vadd.f32 v14, v25;
	v35 =	vadd.f32 v23, v27;
	v27 =	vmul.f32 v33, v33;
	v24 =	vld [tilespmem:s24+$0x5610];
	v13, _, _ =	vpop (xrf2)  }
0x38b: {  	v31 =	vsub.f32 v31, v26;
	v23 =	vld [tilespmem:s24+$0x1620];
	v33 =	vsub.f32 v30, v34  }
0x38c: {  	v28 =	vmul.f32 v37, v37;
	v26 =	vadd.f32 v27, v32;
	v25 =	vld [tilespmem:s24+$0x5620];
	(xrf2) =	vadd.scan.msk.f32 $0xffff, v36  }
0x38d: {  	s25 =	sadd.s32 $0x800, s25;
	v30 =	vadd.f32 v29, v31;
	v29 =	vmul.f32 v35, v35;
	v27 =	vld [tilespmem:s24+$0x1630];
	v31 =	vadd.f32 v54, v33;
	v14, _, _ =	vpop (xrf2)  }
0x38e: {  	v32 =	vld [tilespmem:s24+$0x5630]  }
0x38f: {  	v33 =	vld [tilespmem:s24+$0x9620]  }
0x390: {  	v20 =	vsub.f32 v21, v20;
	v21 =	vsub.f32 v22, v24;
	v22 =	vld [tilespmem:s24+$0x9630]  }
0x391: {  	v15 =	vsub.f32 v15, v17;
	v24 =	vadd.f32 v29, v28;
	v29 =	vld [tilespmem:s24+$0x5690]  }
0x392: {  	v18 =	vadd.f32 v18, v20;
	v20 =	vld [tilespmem:s24+$0x9680];
	v19 =	vadd.f32 v19, v21  }
0x393: {  	v30 =	vmul.f32 v30, v30;
	v21 =	vsub.f32 v23, v25;
	v25 =	vld [tilespmem:s24+$0x9690];
	v23 =	vsub.f32 v27, v32  }
0x394: {  	v17 =	vld [tilespmem:s24+$0x56F0];
	v11 =	vsub.f32 v11, v12;
	v18 =	vmul.f32 v18, v18;
	v19 =	vmul.f32 v19, v19  }
0x395: {  	v31 =	vmul.f32 v31, v31;
	v21 =	vadd.f32 v33, v21;
	v22 =	vadd.f32 v22, v23;
	v23 =	vld [tilespmem:s24+$0x96E0]  }
0x396: {  	v16 =	vsub.f32 v16, v29;
	v18 =	vadd.f32 v19, v18;
	v19 =	vld [tilespmem:s24+$0x96F0]  }
0x397: {  	v12 =	vld [tilespmem:s24+$0x5750];
	v7 =	vsub.f32 v7, v8;
	v28 =	vadd.f32 v31, v30;
	v21 =	vmul.f32 v21, v21  }
0x398: {  	(xrf2) =	vadd.scan.msk.f32 $0xffff, v26;
	v8 =	vld [tilespmem:s24+$0x57B0];
	v15 =	vadd.f32 v20, v15;
	v16 =	vadd.f32 v25, v16;
	v22 =	vmul.f32 v22, v22  }
0x399: {  	v4 =	vsub.f32 v4, v5;
	(xrf2) =	vadd.scan.msk.f32 $0xffff, v24;
	v9 =	vsub.f32 v9, v17;
	v17 =	vld [tilespmem:s24+$0x9750]  }
0x39a: {  	(xrf2) =	vadd.scan.msk.f32 $0xffff, v28;
	v20 =	vld [tilespmem:s24+$0x9740];
	v15 =	vmul.f32 v15, v15;
	v16 =	vmul.f32 v16, v16;
	v21 =	vadd.f32 v22, v21  }
0x39b: {  	v5 =	vld [tilespmem:s24+$0x17F0];
	(xrf2) =	vadd.scan.msk.f32 $0xffff, v18;
	v11 =	vadd.f32 v23, v11;
	v9 =	vadd.f32 v19, v9  }
0x39c: {  	v6 =	vsub.f32 v6, v12;
	v12 =	vld [tilespmem:s24+$0x97B0];
	v15 =	vadd.f32 v16, v15  }
0x39d: {  	v18 =	vld [tilespmem:s24+$0x97A0];
	(xrf2) =	vadd.scan.msk.f32 $0xffff, v21;
	v11 =	vmul.f32 v11, v11;
	v9 =	vmul.f32 v9, v9  }
0x39e: {  	v6 =	vadd.f32 v17, v6;
	v17 =	vld [tilespmem:s24+$0x57F0]  }
0x39f: {  	v7 =	vadd.f32 v20, v7;
	v16, _, _ =	vpop (xrf2);
	v9 =	vadd.f32 v9, v11  }
0x3a0: {  	v1 =	vsub.f32 v1, v2;
	v3 =	vsub.f32 v3, v8;
	(xrf2) =	vadd.scan.msk.f32 $0xffff, v15;
	v15, _, _ =	vpop (xrf2)  }
0x3a1: {  	v7 =	vmul.f32 v7, v7;
	v8, _, _ =	vpop (xrf2)  }
0x3a2: {  	v3 =	vadd.f32 v12, v3;
	v6 =	vmul.f32 v6, v6;
	v11 =	vld [tilespmem:s24+$0x97F0];
	v2, _, _ =	vpop (xrf2)  }
0x3a3: {  	v4 =	vadd.f32 v18, v4;
	v5 =	vsub.f32 v5, v17;
	(xrf2) =	vadd.scan.msk.f32 $0xffff, v9;
	v9, _, _ =	vpop (xrf2)  }
0x3a4: {  	v0 =	vadd.f32 v0, v1;
	v6 =	vadd.f32 v6, v7;
	v1, _, _ =	vpop (xrf2)  }
0x3a5: {  	v3 =	vmul.f32 v3, v3;
	v4 =	vmul.f32 v4, v4;
	v7, _, _ =	vpop (xrf2)  }
0x3a6: {  	(xrf2) =	vadd.scan.msk.f32 $0xffff, v6;
	v6 =	vbroadcast v7, $0xF  }
0x3a7: {  	v3 =	vadd.f32 v3, v4;
	v4 =	vadd.f32 v11, v5;
	v5, _, _ =	vpop (xrf2)  }
0x3a8: {  	v5 =	vbroadcast v5, $0xF  }
0x3a9: {  	v1 =	vbroadcast v1, $0xF  }
0x3aa: {  	(xrf2) =	vadd.scan.msk.f32 $0xffff, v3;
	v4 =	vmul.f32 v4, v4;
	v3 =	vsel vm0, v6, v5;
	v5 =	vbroadcast v9, $0xF;
	v6, _, _ =	vpop (xrf2)  }
0x3ab: {  	v0 =	vmul.f32 v0, v0;
	v1 =	vsel vm1, v3, v1;
	v3 =	vbroadcast v6, $0xF  }
0x3ac: {  	v2 =	vbroadcast v2, $0xF;
	v1 =	vsel vm2, v1, v5  }
0x3ad: {  	v0 =	vadd.f32 v4, v0;
	v1 =	vsel vm3, v1, v3;
	v3 =	vbroadcast v8, $0xF  }
0x3ae: {  	v4, _, _ =	vpop (xrf2)  }
0x3af: {  	(xrf2) =	vadd.scan.msk.f32 $0xffff, v0;
	v0 =	vsel vm4, v1, v2;
	v1 =	vbroadcast v4, $0xF  }
0x3b0: {  	v2 =	vbroadcast v15, $0xF;
	v0 =	vsel vm5, v0, v3  }
0x3b1: {  	v0 =	vsel vm6, v0, v1;
	v1 =	vbroadcast v16, $0xF;
	v3, _, _ =	vpop (xrf2)  }
0x3b2: {  	v0 =	vsel vm7, v0, v2;
	v2 =	vbroadcast v3, $0xF  }
0x3b3: {  	v0 =	vsel vm8, v0, v1;
	v1 =	vbroadcast v14, $0xF  }
0x3b4: {  	v3, _, _ =	vpop (xrf2);
	v0 =	vsel vm9, v0, v2  }
0x3b5: {  	v2 =	vbroadcast v13, $0xF;
	v0 =	vsel vm10, v0, v1;
	v1 =	vbroadcast v3, $0xF;
	_ =	sdelay $0x1  }
0x3b6: {  	v0 =	vsel vm11, v0, v2;
	v2 =	vbroadcast v10, $0xF  }
0x3b7: {  	v0 =	vsel vm12, v0, v1  }
0x3b8: {  	v0 =	vsel vm13, v0, v2;
	v1, _, _ =	vpop (xrf2)  }
0x3b9: {  	v0 =	vsel vm14, v0, v1  }
0x3ba: {  	v0 =	vadd.f32 $9.999999960e-13, v0;
	_ =	sdelay $0x1  }
0x3bb: {  	v1 =	vshrl.u32 v0, $0x1  }
0x3bc: {  	v1 =	vadd.s32 $0x1FBD1DF5, v1  }
0x3bd: {  	(erf) = vrcp.f32 v1;
	_ =	sdelay $0x8  }
0x3be: {  	v2 =	vpop (erf)  }
0x3bf: {  	v2 =	vmul.f32 v2, v0;
	_ =	sdelay $0x1  }
0x3c0: {  	v1 =	vadd.f32 v1, v2;
	_ =	sdelay $0x1  }
0x3c1: {  	v1 =	vmul.f32 $5.000000000e-01, v1;
	_ =	sdelay $0x1  }
0x3c2: {  	(erf) = vrcp.f32 v1;
	_ =	sdelay $0x8  }
0x3c3: {  	v2 =	vpop (erf)  }
0x3c4: {  	v2 =	vmul.f32 v2, v0;
	_ =	sdelay $0x1  }
0x3c5: {  	v1 =	vadd.f32 v2, v1;
	_ =	sdelay $0x1  }
0x3c6: {  	v1 =	vmul.f32 $5.000000000e-01, v1;
	_ =	sdelay $0x1  }
0x3c7: {  	(erf) = vrcp.f32 v1;
	_ =	sdelay $0x8  }
0x3c8: {  	v2 =	vpop (erf)  }
0x3c9: {  	v0 =	vmul.f32 v2, v0;
	_ =	sdelay $0x1  }
0x3ca: {  	v0 =	vadd.f32 v0, v1;
	_ =	sdelay $0x1  }
0x3cb: {  	v0 =	vmul.f32 $5.000000000e-01, v0;
	_ =	sdelay $0x1  }
0x3cc: {  	v0 =	vsub.f32 $0.0e+00, v0  }
0x3cd: {  	s23 =	sadd.s32 $0x10, s23  }
0x3ce: {  	[tilespmem:s23+$0x0] =	vst v0  }
0x3cf: {  	v1 =	vld [tilespmem:s21+$0x27E0]  }
0x3d0: {  	v2 =	vld [tilespmem:s21+$0x67E0]  }
0x3d1: {  	v12 =	vld [tilespmem:s21+$0xA7C0]  }
0x3d2: {  	v13 =	vld [tilespmem:s21+$0xA7D0]  }
0x3d3: {  	v14 =	vld [tilespmem:s21+$0x27C0]  }
0x3d4: {  	v15 =	vld [tilespmem:s21+$0x67C0]  }
0x3d5: {  	v16 =	vld [tilespmem:s21+$0x27D0]  }
0x3d6: {  	v17 =	vld [tilespmem:s21+$0x67D0]  }
0x3d7: {  	v18 =	vld [tilespmem:s21+$0xA780]  }
0x3d8: {  	v19 =	vld [tilespmem:s21+$0xA790]  }
0x3d9: {  	v4 =	vld [tilespmem:s21+$0x27A0]  }
0x3da: {  	v5 =	vld [tilespmem:s21+$0x67A0]  }
0x3db: {  	v20 =	vld [tilespmem:s21+$0xA760]  }
0x3dc: {  	v21 =	vld [tilespmem:s21+$0xA770]  }
0x3dd: {  	v22 =	vld [tilespmem:s21+$0x2780]  }
0x3de: {  	v23 =	vld [tilespmem:s21+$0x6780]  }
0x3df: {  	v24 =	vld [tilespmem:s21+$0x2790]  }
0x3e0: {  	v25 =	vld [tilespmem:s21+$0x6790]  }
0x3e1: {  	v26 =	vld [tilespmem:s21+$0x2760]  }
0x3e2: {  	v27 =	vld [tilespmem:s21+$0x6760]  }
0x3e3: {  	v28 =	vld [tilespmem:s21+$0x2770]  }
0x3e4: {  	v29 =	vld [tilespmem:s21+$0x6770]  }
0x3e5: {  	v30 =	vld [tilespmem:s21+$0xA720]  }
0x3e6: {  	v31 =	vld [tilespmem:s21+$0xA730]  }
0x3e7: {  	v7 =	vld [tilespmem:s21+$0x2740]  }
0x3e8: {  	v8 =	vld [tilespmem:s21+$0x6740]  }
0x3e9: {  	v6 =	vld [tilespmem:s21+$0x2750]  }
0x3ea: {  	v61 =	vld [tilespmem:s21+$0xA700]  }
0x3eb: {  	v62 =	vld [tilespmem:s21+$0xA710]  }
0x3ec: {  	v34 =	vld [tilespmem:s21+$0x2720]  }
0x3ed: {  	v35 =	vld [tilespmem:s21+$0x6720]  }
0x3ee: {  	v36 =	vld [tilespmem:s21+$0x2730]  }
0x3ef: {  	v37 =	vld [tilespmem:s21+$0x6730]  }
0x3f0: {  	v38 =	vld [tilespmem:s21+$0x2700]  }
0x3f1: {  	v39 =	vld [tilespmem:s21+$0x6700]  }
0x3f2: {  	v40 =	vld [tilespmem:s21+$0x2710]  }
0x3f3: {  	v41 =	vld [tilespmem:s21+$0x6710]  }
0x3f4: {  	v42 =	vld [tilespmem:s21+$0xA6C0]  }
0x3f5: {  	v43 =	vld [tilespmem:s21+$0xA6D0]  }
0x3f6: {  	v10 =	vld [tilespmem:s21+$0x26E0]  }
0x3f7: {  	v11 =	vld [tilespmem:s21+$0x66E0]  }
0x3f8: {  	v9 =	vld [tilespmem:s21+$0x26F0]  }
0x3f9: {  	v44 =	vld [tilespmem:s21+$0xA6A0]  }
0x3fa: {  	v45 =	vld [tilespmem:s21+$0xA6B0]  }
0x3fb: {  	v46 =	vld [tilespmem:s21+$0x26C0]  }
0x3fc: {  	v47 =	vld [tilespmem:s21+$0x66C0]  }
0x3fd: {  	v48 =	vld [tilespmem:s21+$0x26D0]  }
0x3fe: {  	v49 =	vld [tilespmem:s21+$0x66D0]  }
0x3ff: {  	v50 =	vld [tilespmem:s21+$0x26A0]  }
0x400: {  	v51 =	vld [tilespmem:s21+$0x66A0]  }
0x401: {  	v52 =	vld [tilespmem:s21+$0x26B0]  }
0x402: {  	v53 =	vld [tilespmem:s21+$0x66B0]  }
0x403: {  	v54 =	vld [tilespmem:s21+$0xA660]  }
0x404: {  	v63 =	vld [tilespmem:s21+$0x2640]  }
0x405: {  	v56 =	vld [tilespmem:s21+$0x2630];
	v14 =	vsub.f32 v14, v15  }
0x406: {  	v58 =	vld [tilespmem:s21+$0xA620];
	v16 =	vsub.f32 v16, v17;
	v10 =	vsub.f32 v10, v11  }
0x407: {  	v59 =	vld [tilespmem:s21+$0xA630];
	v7 =	vsub.f32 v7, v8;
	v12 =	vadd.f32 v12, v14  }
0x408: {  	v15 =	vld [tilespmem:s21+$0xA670];
	v14 =	vsub.f32 v22, v23;
	v13 =	vadd.f32 v13, v16  }
0x409: {  	v17 =	vld [tilespmem:s21+$0x2680];
	v16 =	vsub.f32 v24, v25;
	v25 =	vsub.f32 v28, v29  }
0x40a: {  	v22 =	vld [tilespmem:s21+$0x6680];
	v28 =	vsub.f32 v38, v39;
	v12 =	vmul.f32 v12, v12;
	v14 =	vadd.f32 v18, v14  }
0x40b: {  	v24 =	vld [tilespmem:s21+$0xA650];
	v16 =	vadd.f32 v19, v16;
	v13 =	vmul.f32 v13, v13;
	v19 =	vsub.f32 v26, v27  }
0x40c: {  	v29 =	vld [tilespmem:s21+$0xA600];
	v27 =	vsub.f32 v36, v37;
	v28 =	vadd.f32 v61, v28  }
0x40d: {  	v18 =	vld [tilespmem:s21+$0xA640];
	v12 =	vadd.f32 v13, v12;
	v13 =	vadd.f32 v20, v19  }
0x40e: {  	v26 =	vld [tilespmem:s21+$0x2660];
	v14 =	vmul.f32 v14, v14;
	v20 =	vadd.f32 v21, v25;
	v21 =	vsub.f32 v34, v35  }
0x40f: {  	v16 =	vmul.f32 v16, v16;
	v19 =	vld [tilespmem:s21+$0x6660];
	v27 =	vadd.f32 v31, v27;
	v17 =	vsub.f32 v17, v22  }
0x410: {  	v25 =	vld [tilespmem:s21+$0x2670];
	v21 =	vadd.f32 v30, v21;
	v30 =	vsub.f32 v40, v41  }
0x411: {  	v14 =	vadd.f32 v16, v14;
	v16 =	vld [tilespmem:s21+$0x6670];
	v13 =	vmul.f32 v13, v13;
	v20 =	vmul.f32 v20, v20  }
0x412: {  	v27 =	vmul.f32 v27, v27;
	v41 =	vsub.f32 v46, v47;
	v46 =	vld [tilespmem:s21+$0x6640];
	v30 =	vadd.f32 v62, v30  }
0x413: {  	v47 =	vld [tilespmem:s21+$0x2650];
	v21 =	vmul.f32 v21, v21;
	v13 =	vadd.f32 v20, v13;
	v20 =	vsub.f32 v48, v49  }
0x414: {  	v48 =	vld [tilespmem:s21+$0x6650];
	v49 =	vsub.f32 v50, v51;
	v50 =	vsub.f32 v52, v53  }
0x415: {  	v31 =	vld [tilespmem:s21+$0xA610];
	v19 =	vsub.f32 v26, v19;
	v21 =	vadd.f32 v27, v21  }
0x416: {  	v28 =	vmul.f32 v28, v28;
	v51 =	vld [tilespmem:s21+$0x6600];
	v27 =	vadd.f32 v42, v41;
	v20 =	vadd.f32 v43, v20  }
0x417: {  	v52 =	vld [tilespmem:s21+$0x2610];
	v30 =	vmul.f32 v30, v30;
	v36 =	vadd.f32 v44, v49;
	v16 =	vsub.f32 v25, v16  }
0x418: {  	v25 =	vld [tilespmem:s21+$0x6610];
	v32 =	vsub.f32 v63, v46;
	v19 =	vadd.f32 v54, v19  }
0x419: {  	v28 =	vadd.f32 v30, v28;
	v30 =	vld [tilespmem:s21+$0x2600];
	v33 =	vsub.f32 v47, v48  }
0x41a: {  	v26 =	vld [tilespmem:s21+$0x2620];
	v27 =	vmul.f32 v27, v27;
	v20 =	vmul.f32 v20, v20;
	v15 =	vadd.f32 v15, v16  }
0x41b: {  	v16 =	vld [tilespmem:s21+$0x6620];
	v18 =	vadd.f32 v18, v32;
	v24 =	vadd.f32 v24, v33  }
0x41c: {  	v19 =	vmul.f32 v19, v19;
	v20 =	vadd.f32 v20, v27;
	v27 =	vld [tilespmem:s21+$0x6630];
	v15 =	vmul.f32 v15, v15  }
0x41d: {  	v11 =	vld [tilespmem:s21+$0x6750];
	v37 =	vadd.f32 v45, v50;
	v18 =	vmul.f32 v18, v18;
	v24 =	vmul.f32 v24, v24  }
0x41e: {  	v23 =	vld [tilespmem:s21+$0x2690];
	(xrf2) =	vadd.scan.msk.f32 $0xffff, v12;
	v25 =	vsub.f32 v52, v25;
	v30 =	vsub.f32 v30, v51  }
0x41f: {  	(xrf2) =	vadd.scan.msk.f32 $0xffff, v14;
	v53 =	vmul.f32 v36, v36;
	v12 =	vadd.f32 v15, v19;
	v15 =	vadd.f32 v24, v18;
	v18 =	vld [tilespmem:s21+$0x6690]  }
0x420: {  	(xrf2) =	vadd.scan.msk.f32 $0xffff, v13;
	v55 =	vmul.f32 v37, v37;
	v19 =	vadd.f32 v31, v25;
	v25 =	vld [tilespmem:s21+$0xA690];
	v14 =	vadd.f32 v29, v30  }
0x421: {  	(xrf2) =	vadd.scan.msk.f32 $0xffff, v21;
	v13 =	vsub.f32 v26, v16;
	v24 =	vld [tilespmem:s21+$0xA680];
	v16 =	vsub.f32 v56, v27  }
0x422: {  	v21 =	vld [tilespmem:s21+$0x66F0];
	v57 =	vadd.f32 v55, v53;
	(xrf2) =	vadd.scan.msk.f32 $0xffff, v28;
	v19 =	vmul.f32 v19, v19;
	v14 =	vmul.f32 v14, v14  }
0x423: {  	v22 =	vld [tilespmem:s21+$0xA6E0];
	(xrf2) =	vadd.scan.msk.f32 $0xffff, v20;
	v13 =	vadd.f32 v58, v13;
	v16 =	vadd.f32 v59, v16  }
0x424: {  	(xrf2) =	vadd.scan.msk.f32 $0xffff, v57;
	v14 =	vadd.f32 v19, v14;
	v19 =	vld [tilespmem:s21+$0xA6F0];
	v18 =	vsub.f32 v23, v18  }
0x425: {  	v3 =	vld [tilespmem:s21+$0x27B0];
	v4 =	vsub.f32 v4, v5;
	(xrf2) =	vadd.scan.msk.f32 $0xffff, v12;
	v13 =	vmul.f32 v13, v13;
	v16 =	vmul.f32 v16, v16  }
0x426: {  	(xrf2) =	vadd.scan.msk.f32 $0xffff, v15;
	v15 =	vld [tilespmem:s21+$0xA750];
	v12 =	vadd.f32 v24, v17;
	v17 =	vadd.f32 v25, v18  }
0x427: {  	v8 =	vld [tilespmem:s21+$0x67B0];
	v9 =	vsub.f32 v9, v21;
	v13 =	vadd.f32 v16, v13  }
0x428: {  	v6 =	vsub.f32 v6, v11;
	(xrf2) =	vadd.scan.msk.f32 $0xffff, v14;
	v18 =	vld [tilespmem:s21+$0xA740];
	v12 =	vmul.f32 v12, v12;
	v14 =	vmul.f32 v17, v17  }
0x429: {  	v5 =	vld [tilespmem:s21+$0x27F0];
	v10 =	vadd.f32 v22, v10;
	v9 =	vadd.f32 v19, v9  }
0x42a: {  	v11 =	vld [tilespmem:s21+$0xA7B0];
	v16, _, _ =	vpop (xrf2);
	v12 =	vadd.f32 v14, v12  }
0x42b: {  	v10 =	vmul.f32 v10, v10;
	v6 =	vadd.f32 v15, v6;
	v15 =	vld [tilespmem:s21+$0x67F0];
	(xrf2) =	vadd.scan.msk.f32 $0xffff, v13;
	v13, _, _ =	vpop (xrf2);
	v9 =	vmul.f32 v9, v9  }
0x42c: {  	v17 =	vld [tilespmem:s21+$0xA7A0];
	v14, _, _ =	vpop (xrf2)  }
0x42d: {  	v0 =	vld [tilespmem:s21+$0xA7E0];
	v7 =	vadd.f32 v18, v7;
	v9 =	vadd.f32 v9, v10;
	v19, _, _ =	vpop (xrf2)  }
0x42e: {  	v1 =	vsub.f32 v1, v2;
	v3 =	vsub.f32 v3, v8;
	(xrf2) =	vadd.scan.msk.f32 $0xffff, v12;
	v12, _, _ =	vpop (xrf2)  }
0x42f: {  	v7 =	vmul.f32 v7, v7;
	v8, _, _ =	vpop (xrf2)  }
0x430: {  	v3 =	vadd.f32 v11, v3;
	v6 =	vmul.f32 v6, v6;
	v10 =	vld [tilespmem:s21+$0xA7F0];
	v2, _, _ =	vpop (xrf2)  }
0x431: {  	v5 =	vsub.f32 v5, v15;
	v4 =	vadd.f32 v17, v4;
	(xrf2) =	vadd.scan.msk.f32 $0xffff, v9;
	v9, _, _ =	vpop (xrf2)  }
0x432: {  	v0 =	vadd.f32 v0, v1;
	v6 =	vadd.f32 v6, v7;
	v1, _, _ =	vpop (xrf2)  }
0x433: {  	v3 =	vmul.f32 v3, v3;
	v4 =	vmul.f32 v4, v4;
	v7, _, _ =	vpop (xrf2)  }
0x434: {  	(xrf2) =	vadd.scan.msk.f32 $0xffff, v6;
	v6 =	vbroadcast v7, $0xF  }
0x435: {  	v3 =	vadd.f32 v3, v4;
	v4 =	vadd.f32 v10, v5;
	v5, _, _ =	vpop (xrf2)  }
0x436: {  	v5 =	vbroadcast v5, $0xF  }
0x437: {  	v1 =	vbroadcast v1, $0xF  }
0x438: {  	v4 =	vmul.f32 v4, v4;
	(xrf2) =	vadd.scan.msk.f32 $0xffff, v3;
	v3 =	vsel vm0, v6, v5;
	v5 =	vbroadcast v9, $0xF;
	v6, _, _ =	vpop (xrf2)  }
0x439: {  	v0 =	vmul.f32 v0, v0;
	v1 =	vsel vm1, v3, v1;
	v3 =	vbroadcast v6, $0xF  }
0x43a: {  	v2 =	vbroadcast v2, $0xF;
	v1 =	vsel vm2, v1, v5  }
0x43b: {  	v0 =	vadd.f32 v4, v0;
	v1 =	vsel vm3, v1, v3;
	v3 =	vbroadcast v8, $0xF  }
0x43c: {  	v4, _, _ =	vpop (xrf2)  }
0x43d: {  	(xrf2) =	vadd.scan.msk.f32 $0xffff, v0;
	v0 =	vsel vm4, v1, v2;
	v1 =	vbroadcast v4, $0xF  }
0x43e: {  	v2 =	vbroadcast v12, $0xF;
	v0 =	vsel vm5, v0, v3  }
0x43f: {  	v0 =	vsel vm6, v0, v1;
	v1 =	vbroadcast v19, $0xF;
	v3, _, _ =	vpop (xrf2)  }
0x440: {  	v0 =	vsel vm7, v0, v2;
	v2 =	vbroadcast v3, $0xF  }
0x441: {  	v0 =	vsel vm8, v0, v1;
	v1 =	vbroadcast v14, $0xF  }
0x442: {  	v3, _, _ =	vpop (xrf2);
	v0 =	vsel vm9, v0, v2  }
0x443: {  	v2 =	vbroadcast v13, $0xF;
	v0 =	vsel vm10, v0, v1;
	v1 =	vbroadcast v3, $0xF;
	_ =	sdelay $0x1  }
0x444: {  	v0 =	vsel vm11, v0, v2;
	v2 =	vbroadcast v16, $0xF  }
0x445: {  	v0 =	vsel vm12, v0, v1  }
0x446: {  	v0 =	vsel vm13, v0, v2;
	v1, _, _ =	vpop (xrf2)  }
0x447: {  	v0 =	vsel vm14, v0, v1  }
0x448: {  	v0 =	vadd.f32 $9.999999960e-13, v0;
	_ =	sdelay $0x1  }
0x449: {  	v1 =	vshrl.u32 v0, $0x1  }
0x44a: {  	v1 =	vadd.s32 $0x1FBD1DF5, v1  }
0x44b: {  	(erf) = vrcp.f32 v1;
	_ =	sdelay $0x8  }
0x44c: {  	v2 =	vpop (erf)  }
0x44d: {  	v2 =	vmul.f32 v2, v0;
	_ =	sdelay $0x1  }
0x44e: {  	v1 =	vadd.f32 v1, v2;
	_ =	sdelay $0x1  }
0x44f: {  	v1 =	vmul.f32 $5.000000000e-01, v1;
	_ =	sdelay $0x1  }
0x450: {  	(erf) = vrcp.f32 v1;
	_ =	sdelay $0x8  }
0x451: {  	v2 =	vpop (erf)  }
0x452: {  	v2 =	vmul.f32 v2, v0;
	_ =	sdelay $0x1  }
0x453: {  	v1 =	vadd.f32 v2, v1;
	_ =	sdelay $0x1  }
0x454: {  	v1 =	vmul.f32 $5.000000000e-01, v1;
	_ =	sdelay $0x1  }
0x455: {  	(erf) = vrcp.f32 v1;
	_ =	sdelay $0x8  }
0x456: {  	v2 =	vpop (erf)  }
0x457: {  	v0 =	vmul.f32 v2, v0;
	_ =	sdelay $0x1  }
0x458: {  	v0 =	vadd.f32 v0, v1;
	_ =	sdelay $0x1  }
0x459: {  	v0 =	vmul.f32 $5.000000000e-01, v0;
	_ =	sdelay $0x1  }
0x45a: {  	v0 =	vsub.f32 $0.0e+00, v0  }
0x45b: {  	s21 =	simm.s32 $0xC700  }
0x45c: {  	s23 =	simm.s32 $0x200;
	[tilespmem:s21+$0x0] =	vst v0  }
0x45d: {  	v0 =	vld [tilespmem:s23+$0xA7E0]  }
0x45e: {  	v1 =	vld [tilespmem:s23+$0x27E0]  }
0x45f: {  	v2 =	vld [tilespmem:s23+$0x67E0]  }
0x460: {  	v10 =	vld [tilespmem:s23+$0xA7C0]  }
0x461: {  	v13 =	vld [tilespmem:s23+$0xA7D0]  }
0x462: {  	v14 =	vld [tilespmem:s23+$0x27C0]  }
0x463: {  	v15 =	vld [tilespmem:s23+$0x67C0]  }
0x464: {  	v16 =	vld [tilespmem:s23+$0x27D0]  }
0x465: {  	v17 =	vld [tilespmem:s23+$0x67D0]  }
0x466: {  	v18 =	vld [tilespmem:s23+$0xA780]  }
0x467: {  	v19 =	vld [tilespmem:s23+$0xA790]  }
0x468: {  	v4 =	vld [tilespmem:s23+$0x27A0]  }
0x469: {  	v5 =	vld [tilespmem:s23+$0x67A0]  }
0x46a: {  	v3 =	vld [tilespmem:s23+$0x27B0]  }
0x46b: {  	v20 =	vld [tilespmem:s23+$0xA760]  }
0x46c: {  	v21 =	vld [tilespmem:s23+$0xA770]  }
0x46d: {  	v22 =	vld [tilespmem:s23+$0x2780]  }
0x46e: {  	v23 =	vld [tilespmem:s23+$0x6780]  }
0x46f: {  	v24 =	vld [tilespmem:s23+$0x2790]  }
0x470: {  	v25 =	vld [tilespmem:s23+$0x6790]  }
0x471: {  	v26 =	vld [tilespmem:s23+$0x2760]  }
0x472: {  	v27 =	vld [tilespmem:s23+$0x6760]  }
0x473: {  	v28 =	vld [tilespmem:s23+$0x2770]  }
0x474: {  	v29 =	vld [tilespmem:s23+$0x6770]  }
0x475: {  	v30 =	vld [tilespmem:s23+$0xA720]  }
0x476: {  	v31 =	vld [tilespmem:s23+$0xA730]  }
0x477: {  	v7 =	vld [tilespmem:s23+$0x2740]  }
0x478: {  	v8 =	vld [tilespmem:s23+$0x6740]  }
0x479: {  	v6 =	vld [tilespmem:s23+$0x2750]  }
0x47a: {  	v32 =	vld [tilespmem:s23+$0xA700]  }
0x47b: {  	v33 =	vld [tilespmem:s23+$0xA710]  }
0x47c: {  	v34 =	vld [tilespmem:s23+$0x2720]  }
0x47d: {  	v35 =	vld [tilespmem:s23+$0x6720]  }
0x47e: {  	v36 =	vld [tilespmem:s23+$0x2730]  }
0x47f: {  	v37 =	vld [tilespmem:s23+$0x6730]  }
0x480: {  	v38 =	vld [tilespmem:s23+$0x2700]  }
0x481: {  	v39 =	vld [tilespmem:s23+$0x6700]  }
0x482: {  	v40 =	vld [tilespmem:s23+$0x2710]  }
0x483: {  	v41 =	vld [tilespmem:s23+$0x6710]  }
0x484: {  	v42 =	vld [tilespmem:s23+$0xA6C0]  }
0x485: {  	v43 =	vld [tilespmem:s23+$0xA6D0]  }
0x486: {  	v11 =	vld [tilespmem:s23+$0x26E0]  }
0x487: {  	v12 =	vld [tilespmem:s23+$0x66E0]  }
0x488: {  	v9 =	vld [tilespmem:s23+$0x26F0]  }
0x489: {  	v44 =	vld [tilespmem:s23+$0xA6A0]  }
0x48a: {  	v45 =	vld [tilespmem:s23+$0xA6B0]  }
0x48b: {  	v50 =	vld [tilespmem:s23+$0x26A0]  }
0x48c: {  	v60 =	vld [tilespmem:s23+$0x66A0]  }
0x48d: {  	v61 =	vld [tilespmem:s23+$0x26B0]  }
0x48e: {  	v62 =	vld [tilespmem:s23+$0x66B0]  }
0x48f: {  	v46 =	vld [tilespmem:s23+$0x26C0]  }
0x490: {  	v47 =	vld [tilespmem:s23+$0x66C0]  }
0x491: {  	v48 =	vld [tilespmem:s23+$0x26D0]  }
0x492: {  	v49 =	vld [tilespmem:s23+$0x66D0];
	v14 =	vsub.f32 v14, v15;
	v16 =	vsub.f32 v16, v17  }
0x493: {  	v63 =	vld [tilespmem:s23+$0xA660];
	v59 =	vsub.f32 v50, v60;
	v60 =	vsub.f32 v61, v62  }
0x494: {  	v55 =	vld [tilespmem:s23+$0xA670];
	v10 =	vadd.f32 v10, v14;
	v14 =	vsub.f32 v22, v23  }
0x495: {  	v13 =	vadd.f32 v13, v16;
	v22 =	vsub.f32 v24, v25;
	v24 =	vld [tilespmem:s23+$0x2670]  }
0x496: {  	v25 =	vld [tilespmem:s23+$0x6670];
	v14 =	vadd.f32 v18, v14;
	v18 =	vsub.f32 v26, v27  }
0x497: {  	v56 =	vld [tilespmem:s23+$0xA650];
	v10 =	vmul.f32 v10, v10;
	v19 =	vadd.f32 v19, v22;
	v22 =	vsub.f32 v28, v29  }
0x498: {  	v15 =	vld [tilespmem:s23+$0x2680];
	v13 =	vmul.f32 v13, v13;
	v27 =	vsub.f32 v48, v49;
	v18 =	vadd.f32 v20, v18  }
0x499: {  	v17 =	vld [tilespmem:s23+$0x6680];
	v14 =	vmul.f32 v14, v14;
	v20 =	vadd.f32 v21, v22;
	v21 =	vsub.f32 v34, v35  }
0x49a: {  	v61 =	vld [tilespmem:s23+$0x6650];
	v19 =	vmul.f32 v19, v19;
	v10 =	vadd.f32 v13, v10;
	v13 =	vsub.f32 v36, v37  }
0x49b: {  	v16 =	vld [tilespmem:s23+$0x2690];
	v27 =	vadd.f32 v43, v27;
	v25 =	vsub.f32 v24, v25;
	v18 =	vmul.f32 v18, v18  }
0x49c: {  	v23 =	vld [tilespmem:s23+$0x6660];
	v14 =	vadd.f32 v19, v14;
	v21 =	vadd.f32 v30, v21;
	v19 =	vmul.f32 v20, v20;
	(xrf2) =	vadd.scan.msk.f32 $0xffff, v10  }
0x49d: {  	v29 =	vld [tilespmem:s23+$0xA640];
	v13 =	vadd.f32 v31, v13;
	v20 =	vsub.f32 v38, v39  }
0x49e: {  	v28 =	vld [tilespmem:s23+$0x2640];
	v10 =	vsub.f32 v40, v41;
	v26 =	vadd.f32 v19, v18  }
0x49f: {  	v22 =	vld [tilespmem:s23+$0x2660];
	(xrf2) =	vadd.scan.msk.f32 $0xffff, v14;
	v14 =	vsub.f32 v46, v47;
	v21 =	vmul.f32 v21, v21;
	v13 =	vmul.f32 v13, v13  }
0x4a0: {  	v24 =	vld [tilespmem:s23+$0x6610];
	v20 =	vadd.f32 v32, v20;
	v10 =	vadd.f32 v33, v10;
	(xrf2) =	vadd.scan.msk.f32 $0xffff, v26  }
0x4a1: {  	v31 =	vld [tilespmem:s23+$0x2650];
	v62 =	vadd.f32 v55, v25;
	v13 =	vadd.f32 v13, v21  }
0x4a2: {  	v25 =	vld [tilespmem:s23+$0x6620];
	v14 =	vadd.f32 v42, v14;
	v30 =	vmul.f32 v20, v20;
	v10 =	vmul.f32 v10, v10  }
0x4a3: {  	v26 =	vld [tilespmem:s23+$0x6640];
	(xrf2) =	vadd.scan.msk.f32 $0xffff, v13  }
0x4a4: {  	v27 =	vmul.f32 v27, v27;
	v18 =	vld [tilespmem:s23+$0xA600];
	v14 =	vmul.f32 v14, v14;
	v30 =	vadd.f32 v10, v30  }
0x4a5: {  	v19 =	vld [tilespmem:s23+$0xA610];
	v32 =	vadd.f32 v44, v59;
	v33 =	vadd.f32 v45, v60  }
0x4a6: {  	v23 =	vsub.f32 v22, v23;
	v22 =	vld [tilespmem:s23+$0x2610];
	v14 =	vadd.f32 v27, v14;
	v10, _, _ =	vpop (xrf2);
	(xrf2) =	vadd.scan.msk.f32 $0xffff, v30  }
0x4a7: {  	v20 =	vld [tilespmem:s23+$0x6600];
	v32 =	vmul.f32 v32, v32;
	v33 =	vmul.f32 v33, v33;
	v31 =	vsub.f32 v31, v61  }
0x4a8: {  	v21 =	vld [tilespmem:s23+$0x2600];
	v27 =	vadd.f32 v63, v23;
	v63 =	vsub.f32 v28, v26  }
0x4a9: {  	v31 =	vadd.f32 v56, v31;
	v23 =	vld [tilespmem:s23+$0x2620];
	v26 =	vadd.f32 v33, v32;
	v13, _, _ =	vpop (xrf2);
	(xrf2) =	vadd.scan.msk.f32 $0xffff, v14  }
0x4aa: {  	s24 =	simm.s32 $0x1000;
	v28 =	vmul.f32 v27, v27;
	v27 =	vld [tilespmem:s23+$0x2630];
	v30 =	vadd.f32 v29, v63;
	v29 =	vmul.f32 v62, v62;
	v14, _, _ =	vpop (xrf2)  }
.LBB2_6:
0x4ab: {  	p0 =	sne.s32 s24, $0x3800;
	v32 =	vld [tilespmem:s23+$0x6630]  }
0x4ac: {  	v33 =	vld [tilespmem:s23+$0xA620];
	v30 =	vmul.f32 v30, v30;
	v31 =	vmul.f32 v31, v31;
	v28 =	vadd.f32 v29, v28;
	(xrf2) =	vadd.scan.msk.f32 $0xffff, v26  }
0x4ad: {  	v20 =	vsub.f32 v21, v20;
	v21 =	vsub.f32 v22, v24;
	v22 =	vld [tilespmem:s23+$0xA630];
	v24, _, _ =	vpop (xrf2)  }
0x4ae: {  	v26 =	vadd.f32 v31, v30;
	v29 =	vld [tilespmem:s23+$0x6690]  }
0x4af: {  	v18 =	vadd.f32 v18, v20;
	v19 =	vadd.f32 v19, v21;
	v20 =	vld [tilespmem:s23+$0xA680];
	(xrf2) =	vadd.scan.msk.f32 $0xffff, v28  }
0x4b0: {  	v21 =	vsub.f32 v23, v25;
	v23 =	vsub.f32 v27, v32;
	v25 =	vld [tilespmem:s23+$0xA690];
	v27, _, _ =	vpop (xrf2)  }
0x4b1: {  	v15 =	vsub.f32 v15, v17;
	v18 =	vmul.f32 v18, v18;
	v19 =	vmul.f32 v19, v19;
	v17 =	vld [tilespmem:s23+$0x66F0]  }
0x4b2: {  	v21 =	vadd.f32 v33, v21;
	v22 =	vadd.f32 v22, v23;
	v23 =	vld [tilespmem:s23+$0xA6E0];
	(xrf2) =	vadd.scan.msk.f32 $0xffff, v26  }
0x4b3: {  	v18 =	vadd.f32 v19, v18;
	v16 =	vsub.f32 v16, v29;
	v19 =	vld [tilespmem:s23+$0xA6F0];
	v26, _, _ =	vpop (xrf2)  }
0x4b4: {  	v11 =	vsub.f32 v11, v12;
	v28 =	vmul.f32 v21, v21;
	v22 =	vmul.f32 v22, v22;
	v12 =	vld [tilespmem:s23+$0x6750]  }
0x4b5: {  	v15 =	vadd.f32 v20, v15;
	v16 =	vadd.f32 v25, v16;
	v20 =	vld [tilespmem:s23+$0xA740];
	(xrf2) =	vadd.scan.msk.f32 $0xffff, v18  }
0x4b6: {  	v18 =	vadd.f32 v22, v28;
	v9 =	vsub.f32 v9, v17;
	v17 =	vld [tilespmem:s23+$0xA750];
	v21, _, _ =	vpop (xrf2)  }
0x4b7: {  	v7 =	vsub.f32 v7, v8;
	v15 =	vmul.f32 v15, v15;
	v22 =	vmul.f32 v16, v16;
	v8 =	vld [tilespmem:s23+$0x67B0]  }
0x4b8: {  	v11 =	vadd.f32 v23, v11;
	v9 =	vadd.f32 v19, v9;
	v19 =	vld [tilespmem:s23+$0xA7A0];
	(xrf2) =	vadd.scan.msk.f32 $0xffff, v18  }
0x4b9: {  	v15 =	vadd.f32 v22, v15;
	v6 =	vsub.f32 v6, v12;
	v12 =	vld [tilespmem:s23+$0xA7B0];
	v16, _, _ =	vpop (xrf2)  }
0x4ba: {  	v4 =	vsub.f32 v4, v5;
	v11 =	vmul.f32 v11, v11;
	v9 =	vmul.f32 v9, v9;
	v5 =	vld [tilespmem:s23+$0x27F0]  }
0x4bb: {  	v7 =	vadd.f32 v20, v7;
	v6 =	vadd.f32 v17, v6;
	v17 =	vld [tilespmem:s23+$0x67F0];
	(xrf2) =	vadd.scan.msk.f32 $0xffff, v15  }
0x4bc: {  	v9 =	vadd.f32 v9, v11;
	v3 =	vsub.f32 v3, v8;
	v8, _, _ =	vpop (xrf2)  }
0x4bd: {  	v15 =	vsub.f32 v1, v2;
	v7 =	vmul.f32 v7, v7;
	v6 =	vmul.f32 v6, v6;
	v11 =	vld [tilespmem:s23+$0xA7F0]  }
0x4be: {  	v2 =	vadd.f32 v19, v4;
	v3 =	vadd.f32 v12, v3;
	(xrf2) =	vadd.scan.msk.f32 $0xffff, v9  }
0x4bf: {  	v0 =	vadd.f32 v0, v15;
	v6 =	vadd.f32 v6, v7;
	v1, _, _ =	vpop (xrf2)  }
0x4c0: {  	v2 =	vmul.f32 v2, v2;
	v3 =	vmul.f32 v3, v3;
	v5 =	vsub.f32 v5, v17  }
0x4c1: {  	(xrf2) =	vadd.scan.msk.f32 $0xffff, v6  }
0x4c2: {  	v0 =	vmul.f32 v0, v0;
	v2 =	vadd.f32 v3, v2;
	v3 =	vadd.f32 v11, v5;
	v4, _, _ =	vpop (xrf2)  }
0x4c3: {  	v1 =	vbroadcast v1, $0xF;
	v6 =	vbroadcast v4, $0xF  }
0x4c4: {  	v5 =	vbroadcast v8, $0xF;
	v3 =	vmul.f32 v3, v3;
	(xrf2) =	vadd.scan.msk.f32 $0xffff, v2  }
0x4c5: {  	v2 =	vbroadcast v16, $0xF;
	v1 =	vsel vm0, v1, v6;
	v4, _, _ =	vpop (xrf2)  }
0x4c6: {  	v1 =	vsel vm1, v1, v5;
	v5 =	vbroadcast v4, $0xF;
	v0 =	vadd.f32 v3, v0  }
0x4c7: {  	v1 =	vsel vm2, v1, v2;
	v2 =	vbroadcast v21, $0xF  }
0x4c8: {  	v1 =	vsel vm3, v1, v5;
	v5 =	vbroadcast v26, $0xF;
	v4, _, _ =	vpop (xrf2);
	(xrf2) =	vadd.scan.msk.f32 $0xffff, v0  }
0x4c9: {  	v0 =	vsel vm4, v1, v2;
	v1 =	vbroadcast v4, $0xF  }
0x4ca: {  	v2 =	vbroadcast v27, $0xF;
	v0 =	vsel vm5, v0, v5  }
0x4cb: {  	v0 =	vsel vm6, v0, v1;
	v1 =	vbroadcast v24, $0xF;
	v3, _, _ =	vpop (xrf2)  }
0x4cc: {  	v0 =	vsel vm7, v0, v2;
	v2 =	vbroadcast v3, $0xF  }
0x4cd: {  	v0 =	vsel vm8, v0, v1;
	v1 =	vbroadcast v14, $0xF  }
0x4ce: {  	v0 =	vsel vm9, v0, v2;
	v2 =	vbroadcast v13, $0xF;
	v3, _, _ =	vpop (xrf2)  }
0x4cf: {  	v0 =	vsel vm10, v0, v1;
	v3 =	vbroadcast v3, $0xF  }
0x4d0: {  	v0 =	vsel vm11, v0, v2;
	v2 =	vbroadcast v10, $0xF  }
0x4d1: {  	v0 =	vsel vm12, v0, v3  }
0x4d2: {  	v0 =	vsel vm13, v0, v2;
	v1, _, _ =	vpop (xrf2)  }
0x4d3: {  	v0 =	vsel vm14, v0, v1  }
0x4d4: {  	v0 =	vadd.f32 $9.999999960e-13, v0;
	_ =	sdelay $0x1  }
0x4d5: {  	v1 =	vshrl.u32 v0, $0x1  }
0x4d6: {  	v1 =	vadd.s32 $0x1FBD1DF5, v1  }
0x4d7: {  	(erf) = vrcp.f32 v1;
	_ =	sdelay $0x8  }
0x4d8: {  	v2 =	vpop (erf)  }
0x4d9: {  	v2 =	vmul.f32 v2, v0;
	_ =	sdelay $0x1  }
0x4da: {  	v1 =	vadd.f32 v1, v2;
	_ =	sdelay $0x1  }
0x4db: {  	v1 =	vmul.f32 $5.000000000e-01, v1;
	_ =	sdelay $0x1  }
0x4dc: {  	(erf) = vrcp.f32 v1;
	_ =	sdelay $0x8  }
0x4dd: {  	v2 =	vpop (erf)  }
0x4de: {  	v2 =	vmul.f32 v2, v0;
	_ =	sdelay $0x1  }
0x4df: {  	v1 =	vadd.f32 v2, v1;
	_ =	sdelay $0x1  }
0x4e0: {  	v1 =	vmul.f32 $5.000000000e-01, v1;
	_ =	sdelay $0x1  }
0x4e1: {  	(erf) = vrcp.f32 v1;
	_ =	sdelay $0x8  }
0x4e2: {  	v2 =	vpop (erf)  }
0x4e3: {  	v0 =	vmul.f32 v2, v0;
	_ =	sdelay $0x1  }
0x4e4: {  	v0 =	vadd.f32 v0, v1;
	_ =	sdelay $0x1  }
0x4e5: {  	v0 =	vmul.f32 $5.000000000e-01, v0;
	_ =	sdelay $0x1  }
0x4e6: {  	v0 =	vsub.f32 $0.0e+00, v0  }
0x4e7: {  	s21 =	sadd.s32 $0x10, s21  }
0x4e8: {  	s23 =	sshra.s32 s24, $0x2;
	[tilespmem:s21+$0x0] =	vst v0  }
0x4e9: {  	v0 =	vld [tilespmem:s23+$0xA7E0]  }
0x4ea: {  	v1 =	vld [tilespmem:s23+$0x27E0]  }
0x4eb: {  	v2 =	vld [tilespmem:s23+$0x67E0]  }
0x4ec: {  	v10 =	vld [tilespmem:s23+$0xA7C0]  }
0x4ed: {  	v13 =	vld [tilespmem:s23+$0xA7D0]  }
0x4ee: {  	v14 =	vld [tilespmem:s23+$0x27C0]  }
0x4ef: {  	v15 =	vld [tilespmem:s23+$0x67C0]  }
0x4f0: {  	v16 =	vld [tilespmem:s23+$0x27D0]  }
0x4f1: {  	v17 =	vld [tilespmem:s23+$0x67D0]  }
0x4f2: {  	v18 =	vld [tilespmem:s23+$0xA780]  }
0x4f3: {  	v19 =	vld [tilespmem:s23+$0xA790]  }
0x4f4: {  	v4 =	vld [tilespmem:s23+$0x27A0]  }
0x4f5: {  	v5 =	vld [tilespmem:s23+$0x67A0]  }
0x4f6: {  	v3 =	vld [tilespmem:s23+$0x27B0]  }
0x4f7: {  	v20 =	vld [tilespmem:s23+$0xA760]  }
0x4f8: {  	v21 =	vld [tilespmem:s23+$0xA770]  }
0x4f9: {  	v22 =	vld [tilespmem:s23+$0x2780]  }
0x4fa: {  	v23 =	vld [tilespmem:s23+$0x6780]  }
0x4fb: {  	v24 =	vld [tilespmem:s23+$0x2790]  }
0x4fc: {  	v25 =	vld [tilespmem:s23+$0x6790]  }
0x4fd: {  	v26 =	vld [tilespmem:s23+$0x2760]  }
0x4fe: {  	v27 =	vld [tilespmem:s23+$0x6760]  }
0x4ff: {  	v28 =	vld [tilespmem:s23+$0x2770]  }
0x500: {  	v29 =	vld [tilespmem:s23+$0x6770]  }
0x501: {  	v30 =	vld [tilespmem:s23+$0xA720]  }
0x502: {  	v31 =	vld [tilespmem:s23+$0xA730]  }
0x503: {  	v7 =	vld [tilespmem:s23+$0x2740]  }
0x504: {  	v8 =	vld [tilespmem:s23+$0x6740]  }
0x505: {  	v6 =	vld [tilespmem:s23+$0x2750]  }
0x506: {  	v32 =	vld [tilespmem:s23+$0xA700]  }
0x507: {  	v33 =	vld [tilespmem:s23+$0xA710]  }
0x508: {  	v34 =	vld [tilespmem:s23+$0x2720]  }
0x509: {  	v35 =	vld [tilespmem:s23+$0x6720]  }
0x50a: {  	v36 =	vld [tilespmem:s23+$0x2730]  }
0x50b: {  	v37 =	vld [tilespmem:s23+$0x6730]  }
0x50c: {  	v38 =	vld [tilespmem:s23+$0x2700]  }
0x50d: {  	v39 =	vld [tilespmem:s23+$0x6700]  }
0x50e: {  	v40 =	vld [tilespmem:s23+$0x2710]  }
0x50f: {  	v41 =	vld [tilespmem:s23+$0x6710]  }
0x510: {  	v42 =	vld [tilespmem:s23+$0xA6C0]  }
0x511: {  	v43 =	vld [tilespmem:s23+$0xA6D0]  }
0x512: {  	v11 =	vld [tilespmem:s23+$0x26E0]  }
0x513: {  	v12 =	vld [tilespmem:s23+$0x66E0]  }
0x514: {  	v9 =	vld [tilespmem:s23+$0x26F0]  }
0x515: {  	v44 =	vld [tilespmem:s23+$0xA6A0]  }
0x516: {  	v45 =	vld [tilespmem:s23+$0xA6B0]  }
0x517: {  	v46 =	vld [tilespmem:s23+$0x26C0]  }
0x518: {  	v47 =	vld [tilespmem:s23+$0x66C0]  }
0x519: {  	v48 =	vld [tilespmem:s23+$0x26D0]  }
0x51a: {  	v49 =	vld [tilespmem:s23+$0x66D0]  }
0x51b: {  	v50 =	vld [tilespmem:s23+$0x26A0]  }
0x51c: {  	v14 =	vsub.f32 v14, v15;
	v15 =	vsub.f32 v16, v17;
	v51 =	vld [tilespmem:s23+$0x66A0]  }
0x51d: {  	v52 =	vld [tilespmem:s23+$0x26B0]  }
0x51e: {  	v10 =	vadd.f32 v10, v14;
	v13 =	vadd.f32 v13, v15;
	v53 =	vld [tilespmem:s23+$0x66B0]  }
0x51f: {  	v16 =	vsub.f32 v22, v23;
	v17 =	vsub.f32 v24, v25;
	v14 =	vld [tilespmem:s23+$0xA660]  }
0x520: {  	v10 =	vmul.f32 v10, v10;
	v23 =	vld [tilespmem:s23+$0xA670]  }
0x521: {  	v13 =	vmul.f32 v13, v13;
	v18 =	vadd.f32 v18, v16;
	v19 =	vadd.f32 v19, v17;
	v15 =	vld [tilespmem:s23+$0x2680]  }
0x522: {  	v22 =	vsub.f32 v26, v27;
	v24 =	vsub.f32 v28, v29;
	v17 =	vld [tilespmem:s23+$0x6680]  }
0x523: {  	v10 =	vadd.f32 v13, v10;
	v18 =	vmul.f32 v18, v18;
	v16 =	vld [tilespmem:s23+$0x2690]  }
0x524: {  	v13 =	vadd.f32 v20, v22;
	v19 =	vmul.f32 v19, v19;
	v20 =	vadd.f32 v21, v24;
	v29 =	vld [tilespmem:s23+$0xA640]  }
0x525: {  	v21 =	vsub.f32 v34, v35;
	v22 =	vsub.f32 v36, v37;
	v54 =	vld [tilespmem:s23+$0xA650]  }
0x526: {  	v13 =	vmul.f32 v13, v13;
	v18 =	vadd.f32 v19, v18;
	v24 =	vld [tilespmem:s23+$0x2660];
	(xrf2) =	vadd.scan.msk.f32 $0xffff, v10  }
0x527: {  	v20 =	vmul.f32 v20, v20;
	v19 =	vadd.f32 v31, v22;
	v10 =	vadd.f32 v30, v21;
	v25 =	vld [tilespmem:s23+$0x6660]  }
0x528: {  	v26 =	vsub.f32 v40, v41;
	v21 =	vsub.f32 v38, v39;
	v22 =	vld [tilespmem:s23+$0x2670]  }
0x529: {  	v13 =	vadd.f32 v20, v13;
	v10 =	vmul.f32 v10, v10;
	v27 =	vld [tilespmem:s23+$0x6670];
	(xrf2) =	vadd.scan.msk.f32 $0xffff, v18  }
0x52a: {  	v20 =	vadd.f32 v32, v21;
	v21 =	vadd.f32 v33, v26;
	v26 =	vmul.f32 v19, v19;
	v18 =	vld [tilespmem:s23+$0xA600]  }
0x52b: {  	v28 =	vsub.f32 v46, v47;
	v30 =	vsub.f32 v48, v49;
	v19 =	vld [tilespmem:s23+$0xA610]  }
0x52c: {  	v20 =	vmul.f32 v20, v20;
	v10 =	vadd.f32 v26, v10;
	v31 =	vld [tilespmem:s23+$0x2640];
	(xrf2) =	vadd.scan.msk.f32 $0xffff, v13  }
0x52d: {  	v21 =	vmul.f32 v21, v21;
	v13 =	vadd.f32 v42, v28;
	v28 =	vadd.f32 v43, v30;
	v26 =	vld [tilespmem:s23+$0x6640]  }
0x52e: {  	v32 =	vsub.f32 v50, v51;
	v33 =	vsub.f32 v52, v53;
	v30 =	vld [tilespmem:s23+$0x2650]  }
0x52f: {  	v35 =	vadd.f32 v21, v20;
	v13 =	vmul.f32 v13, v13;
	v34 =	vld [tilespmem:s23+$0x6650];
	(xrf2) =	vadd.scan.msk.f32 $0xffff, v10  }
0x530: {  	v32 =	vadd.f32 v44, v32;
	v33 =	vadd.f32 v45, v33;
	v28 =	vmul.f32 v28, v28;
	v20 =	vld [tilespmem:s23+$0x6600];
	v10, _, _ =	vpop (xrf2)  }
0x531: {  	v25 =	vsub.f32 v24, v25;
	v27 =	vsub.f32 v22, v27;
	v21 =	vld [tilespmem:s23+$0x2600]  }
.Ltmp2:
0x532: {  	v32 =	vmul.f32 v32, v32;
	v36 =	vadd.f32 v28, v13;
	v22 =	vld [tilespmem:s23+$0x2610];
	(xrf2) =	vadd.scan.msk.f32 $0xffff, v35;
	(pc) =	sbr.rel @p0 .LBB2_6-.Ltmp2, $4  }
0x533: {  	v37 =	vadd.f32 v14, v25;
	v35 =	vadd.f32 v23, v27;
	v27 =	vmul.f32 v33, v33;
	v24 =	vld [tilespmem:s23+$0x6610];
	v13, _, _ =	vpop (xrf2)  }
0x534: {  	v31 =	vsub.f32 v31, v26;
	v23 =	vld [tilespmem:s23+$0x2620];
	v33 =	vsub.f32 v30, v34  }
0x535: {  	v28 =	vmul.f32 v37, v37;
	v26 =	vadd.f32 v27, v32;
	v25 =	vld [tilespmem:s23+$0x6620];
	(xrf2) =	vadd.scan.msk.f32 $0xffff, v36  }
0x536: {  	s24 =	sadd.s32 $0x800, s24;
	v30 =	vadd.f32 v29, v31;
	v29 =	vmul.f32 v35, v35;
	v27 =	vld [tilespmem:s23+$0x2630];
	v31 =	vadd.f32 v54, v33;
	v14, _, _ =	vpop (xrf2)  }
0x537: {  	v32 =	vld [tilespmem:s23+$0x6630]  }
0x538: {  	v33 =	vld [tilespmem:s23+$0xA620]  }
0x539: {  	v20 =	vsub.f32 v21, v20;
	v21 =	vsub.f32 v22, v24;
	v22 =	vld [tilespmem:s23+$0xA630]  }
0x53a: {  	v15 =	vsub.f32 v15, v17;
	v24 =	vadd.f32 v29, v28;
	v29 =	vld [tilespmem:s23+$0x6690]  }
0x53b: {  	v18 =	vadd.f32 v18, v20;
	v20 =	vld [tilespmem:s23+$0xA680];
	v19 =	vadd.f32 v19, v21  }
0x53c: {  	v30 =	vmul.f32 v30, v30;
	v21 =	vsub.f32 v23, v25;
	v25 =	vld [tilespmem:s23+$0xA690];
	v23 =	vsub.f32 v27, v32  }
0x53d: {  	v17 =	vld [tilespmem:s23+$0x66F0];
	v11 =	vsub.f32 v11, v12;
	v18 =	vmul.f32 v18, v18;
	v19 =	vmul.f32 v19, v19  }
0x53e: {  	v31 =	vmul.f32 v31, v31;
	v21 =	vadd.f32 v33, v21;
	v22 =	vadd.f32 v22, v23;
	v23 =	vld [tilespmem:s23+$0xA6E0]  }
0x53f: {  	v16 =	vsub.f32 v16, v29;
	v18 =	vadd.f32 v19, v18;
	v19 =	vld [tilespmem:s23+$0xA6F0]  }
0x540: {  	v12 =	vld [tilespmem:s23+$0x6750];
	v7 =	vsub.f32 v7, v8;
	v28 =	vadd.f32 v31, v30;
	v21 =	vmul.f32 v21, v21  }
0x541: {  	(xrf2) =	vadd.scan.msk.f32 $0xffff, v26;
	v8 =	vld [tilespmem:s23+$0x67B0];
	v15 =	vadd.f32 v20, v15;
	v16 =	vadd.f32 v25, v16;
	v22 =	vmul.f32 v22, v22  }
0x542: {  	v4 =	vsub.f32 v4, v5;
	(xrf2) =	vadd.scan.msk.f32 $0xffff, v24;
	v9 =	vsub.f32 v9, v17;
	v17 =	vld [tilespmem:s23+$0xA750]  }
0x543: {  	(xrf2) =	vadd.scan.msk.f32 $0xffff, v28;
	v20 =	vld [tilespmem:s23+$0xA740];
	v15 =	vmul.f32 v15, v15;
	v16 =	vmul.f32 v16, v16;
	v21 =	vadd.f32 v22, v21  }
0x544: {  	v5 =	vld [tilespmem:s23+$0x27F0];
	(xrf2) =	vadd.scan.msk.f32 $0xffff, v18;
	v11 =	vadd.f32 v23, v11;
	v9 =	vadd.f32 v19, v9  }
0x545: {  	v6 =	vsub.f32 v6, v12;
	v12 =	vld [tilespmem:s23+$0xA7B0];
	v15 =	vadd.f32 v16, v15  }
0x546: {  	v18 =	vld [tilespmem:s23+$0xA7A0];
	(xrf2) =	vadd.scan.msk.f32 $0xffff, v21;
	v11 =	vmul.f32 v11, v11;
	v9 =	vmul.f32 v9, v9  }
0x547: {  	v6 =	vadd.f32 v17, v6;
	v17 =	vld [tilespmem:s23+$0x67F0]  }
0x548: {  	v7 =	vadd.f32 v20, v7;
	v16, _, _ =	vpop (xrf2);
	v9 =	vadd.f32 v9, v11  }
0x549: {  	v1 =	vsub.f32 v1, v2;
	v3 =	vsub.f32 v3, v8;
	(xrf2) =	vadd.scan.msk.f32 $0xffff, v15;
	v15, _, _ =	vpop (xrf2)  }
0x54a: {  	v7 =	vmul.f32 v7, v7;
	v8, _, _ =	vpop (xrf2)  }
0x54b: {  	v3 =	vadd.f32 v12, v3;
	v6 =	vmul.f32 v6, v6;
	v11 =	vld [tilespmem:s23+$0xA7F0];
	v2, _, _ =	vpop (xrf2)  }
0x54c: {  	v4 =	vadd.f32 v18, v4;
	v5 =	vsub.f32 v5, v17;
	(xrf2) =	vadd.scan.msk.f32 $0xffff, v9;
	v9, _, _ =	vpop (xrf2)  }
0x54d: {  	v0 =	vadd.f32 v0, v1;
	v6 =	vadd.f32 v6, v7;
	v1, _, _ =	vpop (xrf2)  }
0x54e: {  	v3 =	vmul.f32 v3, v3;
	v4 =	vmul.f32 v4, v4;
	v7, _, _ =	vpop (xrf2)  }
0x54f: {  	(xrf2) =	vadd.scan.msk.f32 $0xffff, v6;
	v6 =	vbroadcast v7, $0xF  }
0x550: {  	v3 =	vadd.f32 v3, v4;
	v4 =	vadd.f32 v11, v5;
	v5, _, _ =	vpop (xrf2)  }
0x551: {  	v5 =	vbroadcast v5, $0xF  }
0x552: {  	v1 =	vbroadcast v1, $0xF  }
0x553: {  	(xrf2) =	vadd.scan.msk.f32 $0xffff, v3;
	v4 =	vmul.f32 v4, v4;
	v3 =	vsel vm0, v6, v5;
	v5 =	vbroadcast v9, $0xF;
	v6, _, _ =	vpop (xrf2)  }
0x554: {  	v0 =	vmul.f32 v0, v0;
	v1 =	vsel vm1, v3, v1;
	v3 =	vbroadcast v6, $0xF  }
0x555: {  	v2 =	vbroadcast v2, $0xF;
	v1 =	vsel vm2, v1, v5  }
0x556: {  	v0 =	vadd.f32 v4, v0;
	v1 =	vsel vm3, v1, v3;
	v3 =	vbroadcast v8, $0xF  }
0x557: {  	v4, _, _ =	vpop (xrf2)  }
0x558: {  	(xrf2) =	vadd.scan.msk.f32 $0xffff, v0;
	v0 =	vsel vm4, v1, v2;
	v1 =	vbroadcast v4, $0xF  }
0x559: {  	v2 =	vbroadcast v15, $0xF;
	v0 =	vsel vm5, v0, v3  }
0x55a: {  	v0 =	vsel vm6, v0, v1;
	v1 =	vbroadcast v16, $0xF;
	v3, _, _ =	vpop (xrf2)  }
0x55b: {  	v0 =	vsel vm7, v0, v2;
	v2 =	vbroadcast v3, $0xF  }
0x55c: {  	v0 =	vsel vm8, v0, v1;
	v1 =	vbroadcast v14, $0xF  }
0x55d: {  	v3, _, _ =	vpop (xrf2);
	v0 =	vsel vm9, v0, v2  }
0x55e: {  	v2 =	vbroadcast v13, $0xF;
	v0 =	vsel vm10, v0, v1;
	v1 =	vbroadcast v3, $0xF;
	_ =	sdelay $0x1  }
0x55f: {  	v0 =	vsel vm11, v0, v2;
	v2 =	vbroadcast v10, $0xF  }
0x560: {  	v0 =	vsel vm12, v0, v1  }
0x561: {  	v0 =	vsel vm13, v0, v2;
	v1, _, _ =	vpop (xrf2)  }
0x562: {  	v0 =	vsel vm14, v0, v1  }
0x563: {  	v0 =	vadd.f32 $9.999999960e-13, v0;
	_ =	sdelay $0x1  }
0x564: {  	v1 =	vshrl.u32 v0, $0x1  }
0x565: {  	v1 =	vadd.s32 $0x1FBD1DF5, v1  }
0x566: {  	(erf) = vrcp.f32 v1;
	_ =	sdelay $0x8  }
0x567: {  	v2 =	vpop (erf)  }
0x568: {  	v2 =	vmul.f32 v2, v0;
	_ =	sdelay $0x1  }
0x569: {  	v1 =	vadd.f32 v1, v2;
	_ =	sdelay $0x1  }
0x56a: {  	v1 =	vmul.f32 $5.000000000e-01, v1;
	_ =	sdelay $0x1  }
0x56b: {  	(erf) = vrcp.f32 v1;
	_ =	sdelay $0x8  }
0x56c: {  	v2 =	vpop (erf)  }
0x56d: {  	v2 =	vmul.f32 v2, v0;
	_ =	sdelay $0x1  }
0x56e: {  	v1 =	vadd.f32 v2, v1;
	_ =	sdelay $0x1  }
0x56f: {  	v1 =	vmul.f32 $5.000000000e-01, v1;
	_ =	sdelay $0x1  }
0x570: {  	(erf) = vrcp.f32 v1;
	_ =	sdelay $0x8  }
0x571: {  	v2 =	vpop (erf)  }
0x572: {  	v0 =	vmul.f32 v2, v0;
	_ =	sdelay $0x1  }
0x573: {  	v0 =	vadd.f32 v0, v1;
	_ =	sdelay $0x1  }
0x574: {  	v0 =	vmul.f32 $5.000000000e-01, v0;
	_ =	sdelay $0x1  }
0x575: {  	v0 =	vsub.f32 $0.0e+00, v0  }
0x576: {  	s21 =	sadd.s32 $0x10, s21  }
0x577: {  	s25 =	simm.s32 $0x0;
	[tilespmem:s21+$0x0] =	vst v0  }
0x578: {  	v1 =	vld [tilespmem:s25+$0x37E0]  }
0x579: {  	v2 =	vld [tilespmem:s25+$0x77E0]  }
0x57a: {  	v12 =	vld [tilespmem:s25+$0xB7C0]  }
0x57b: {  	v13 =	vld [tilespmem:s25+$0xB7D0]  }
0x57c: {  	v14 =	vld [tilespmem:s25+$0x37C0]  }
0x57d: {  	v15 =	vld [tilespmem:s25+$0x77C0]  }
0x57e: {  	v16 =	vld [tilespmem:s25+$0x37D0]  }
0x57f: {  	v17 =	vld [tilespmem:s25+$0x77D0]  }
0x580: {  	v18 =	vld [tilespmem:s25+$0xB780]  }
0x581: {  	v19 =	vld [tilespmem:s25+$0xB790]  }
0x582: {  	v4 =	vld [tilespmem:s25+$0x37A0]  }
0x583: {  	v5 =	vld [tilespmem:s25+$0x77A0]  }
0x584: {  	v20 =	vld [tilespmem:s25+$0xB760]  }
0x585: {  	v21 =	vld [tilespmem:s25+$0xB770]  }
0x586: {  	v22 =	vld [tilespmem:s25+$0x3780]  }
0x587: {  	v23 =	vld [tilespmem:s25+$0x7780]  }
0x588: {  	v24 =	vld [tilespmem:s25+$0x3790]  }
0x589: {  	v25 =	vld [tilespmem:s25+$0x7790]  }
0x58a: {  	v26 =	vld [tilespmem:s25+$0x3760]  }
0x58b: {  	v27 =	vld [tilespmem:s25+$0x7760]  }
0x58c: {  	v28 =	vld [tilespmem:s25+$0x3770]  }
0x58d: {  	v29 =	vld [tilespmem:s25+$0x7770]  }
0x58e: {  	v30 =	vld [tilespmem:s25+$0xB720]  }
0x58f: {  	v31 =	vld [tilespmem:s25+$0xB730]  }
0x590: {  	v7 =	vld [tilespmem:s25+$0x3740]  }
0x591: {  	v8 =	vld [tilespmem:s25+$0x7740]  }
0x592: {  	v6 =	vld [tilespmem:s25+$0x3750]  }
0x593: {  	v61 =	vld [tilespmem:s25+$0xB700]  }
0x594: {  	v62 =	vld [tilespmem:s25+$0xB710]  }
0x595: {  	v34 =	vld [tilespmem:s25+$0x3720]  }
0x596: {  	v35 =	vld [tilespmem:s25+$0x7720]  }
0x597: {  	v36 =	vld [tilespmem:s25+$0x3730]  }
0x598: {  	v37 =	vld [tilespmem:s25+$0x7730]  }
0x599: {  	v38 =	vld [tilespmem:s25+$0x3700]  }
0x59a: {  	v39 =	vld [tilespmem:s25+$0x7700]  }
0x59b: {  	v40 =	vld [tilespmem:s25+$0x3710]  }
0x59c: {  	v41 =	vld [tilespmem:s25+$0x7710]  }
0x59d: {  	v42 =	vld [tilespmem:s25+$0xB6C0]  }
0x59e: {  	v43 =	vld [tilespmem:s25+$0xB6D0]  }
0x59f: {  	v10 =	vld [tilespmem:s25+$0x36E0]  }
0x5a0: {  	v11 =	vld [tilespmem:s25+$0x76E0]  }
0x5a1: {  	v9 =	vld [tilespmem:s25+$0x36F0]  }
0x5a2: {  	v44 =	vld [tilespmem:s25+$0xB6A0]  }
0x5a3: {  	v45 =	vld [tilespmem:s25+$0xB6B0]  }
0x5a4: {  	v46 =	vld [tilespmem:s25+$0x36C0]  }
0x5a5: {  	v47 =	vld [tilespmem:s25+$0x76C0]  }
0x5a6: {  	v48 =	vld [tilespmem:s25+$0x36D0]  }
0x5a7: {  	v49 =	vld [tilespmem:s25+$0x76D0]  }
0x5a8: {  	v50 =	vld [tilespmem:s25+$0x36A0]  }
0x5a9: {  	v51 =	vld [tilespmem:s25+$0x76A0]  }
0x5aa: {  	v52 =	vld [tilespmem:s25+$0x36B0]  }
0x5ab: {  	v53 =	vld [tilespmem:s25+$0x76B0]  }
0x5ac: {  	v54 =	vld [tilespmem:s25+$0xB660]  }
0x5ad: {  	v63 =	vld [tilespmem:s25+$0x3640]  }
0x5ae: {  	v56 =	vld [tilespmem:s25+$0x3630];
	v14 =	vsub.f32 v14, v15  }
0x5af: {  	v58 =	vld [tilespmem:s25+$0xB620];
	v16 =	vsub.f32 v16, v17;
	v10 =	vsub.f32 v10, v11  }
0x5b0: {  	v59 =	vld [tilespmem:s25+$0xB630];
	v7 =	vsub.f32 v7, v8;
	v12 =	vadd.f32 v12, v14  }
0x5b1: {  	v15 =	vld [tilespmem:s25+$0xB670];
	v14 =	vsub.f32 v22, v23;
	v13 =	vadd.f32 v13, v16  }
0x5b2: {  	v17 =	vld [tilespmem:s25+$0x3680];
	v16 =	vsub.f32 v24, v25;
	v25 =	vsub.f32 v28, v29  }
0x5b3: {  	v22 =	vld [tilespmem:s25+$0x7680];
	v28 =	vsub.f32 v38, v39;
	v12 =	vmul.f32 v12, v12;
	v14 =	vadd.f32 v18, v14  }
0x5b4: {  	v24 =	vld [tilespmem:s25+$0xB650];
	v16 =	vadd.f32 v19, v16;
	v13 =	vmul.f32 v13, v13;
	v19 =	vsub.f32 v26, v27  }
0x5b5: {  	v29 =	vld [tilespmem:s25+$0xB600];
	v27 =	vsub.f32 v36, v37;
	v28 =	vadd.f32 v61, v28  }
0x5b6: {  	v18 =	vld [tilespmem:s25+$0xB640];
	v12 =	vadd.f32 v13, v12;
	v13 =	vadd.f32 v20, v19  }
0x5b7: {  	v26 =	vld [tilespmem:s25+$0x3660];
	v14 =	vmul.f32 v14, v14;
	v20 =	vadd.f32 v21, v25;
	v21 =	vsub.f32 v34, v35  }
0x5b8: {  	v16 =	vmul.f32 v16, v16;
	v19 =	vld [tilespmem:s25+$0x7660];
	v27 =	vadd.f32 v31, v27;
	v17 =	vsub.f32 v17, v22  }
0x5b9: {  	v25 =	vld [tilespmem:s25+$0x3670];
	v21 =	vadd.f32 v30, v21;
	v30 =	vsub.f32 v40, v41  }
0x5ba: {  	v14 =	vadd.f32 v16, v14;
	v16 =	vld [tilespmem:s25+$0x7670];
	v13 =	vmul.f32 v13, v13;
	v20 =	vmul.f32 v20, v20  }
0x5bb: {  	v27 =	vmul.f32 v27, v27;
	v41 =	vsub.f32 v46, v47;
	v46 =	vld [tilespmem:s25+$0x7640];
	v30 =	vadd.f32 v62, v30  }
0x5bc: {  	v47 =	vld [tilespmem:s25+$0x3650];
	v21 =	vmul.f32 v21, v21;
	v13 =	vadd.f32 v20, v13;
	v20 =	vsub.f32 v48, v49  }
0x5bd: {  	v48 =	vld [tilespmem:s25+$0x7650];
	v49 =	vsub.f32 v50, v51;
	v50 =	vsub.f32 v52, v53  }
0x5be: {  	v31 =	vld [tilespmem:s25+$0xB610];
	v19 =	vsub.f32 v26, v19;
	v21 =	vadd.f32 v27, v21  }
0x5bf: {  	v28 =	vmul.f32 v28, v28;
	v51 =	vld [tilespmem:s25+$0x7600];
	v27 =	vadd.f32 v42, v41;
	v20 =	vadd.f32 v43, v20  }
0x5c0: {  	v52 =	vld [tilespmem:s25+$0x3610];
	v30 =	vmul.f32 v30, v30;
	v36 =	vadd.f32 v44, v49;
	v16 =	vsub.f32 v25, v16  }
0x5c1: {  	v25 =	vld [tilespmem:s25+$0x7610];
	v32 =	vsub.f32 v63, v46;
	v19 =	vadd.f32 v54, v19  }
0x5c2: {  	v28 =	vadd.f32 v30, v28;
	v30 =	vld [tilespmem:s25+$0x3600];
	v33 =	vsub.f32 v47, v48  }
0x5c3: {  	v26 =	vld [tilespmem:s25+$0x3620];
	v27 =	vmul.f32 v27, v27;
	v20 =	vmul.f32 v20, v20;
	v15 =	vadd.f32 v15, v16  }
0x5c4: {  	v16 =	vld [tilespmem:s25+$0x7620];
	v18 =	vadd.f32 v18, v32;
	v24 =	vadd.f32 v24, v33  }
0x5c5: {  	v19 =	vmul.f32 v19, v19;
	v20 =	vadd.f32 v20, v27;
	v27 =	vld [tilespmem:s25+$0x7630];
	v15 =	vmul.f32 v15, v15  }
0x5c6: {  	v11 =	vld [tilespmem:s25+$0x7750];
	v37 =	vadd.f32 v45, v50;
	v18 =	vmul.f32 v18, v18;
	v24 =	vmul.f32 v24, v24  }
0x5c7: {  	v23 =	vld [tilespmem:s25+$0x3690];
	(xrf2) =	vadd.scan.msk.f32 $0xffff, v12;
	v25 =	vsub.f32 v52, v25;
	v30 =	vsub.f32 v30, v51  }
0x5c8: {  	(xrf2) =	vadd.scan.msk.f32 $0xffff, v14;
	v53 =	vmul.f32 v36, v36;
	v12 =	vadd.f32 v15, v19;
	v15 =	vadd.f32 v24, v18;
	v18 =	vld [tilespmem:s25+$0x7690]  }
0x5c9: {  	(xrf2) =	vadd.scan.msk.f32 $0xffff, v13;
	v55 =	vmul.f32 v37, v37;
	v19 =	vadd.f32 v31, v25;
	v25 =	vld [tilespmem:s25+$0xB690];
	v14 =	vadd.f32 v29, v30  }
0x5ca: {  	(xrf2) =	vadd.scan.msk.f32 $0xffff, v21;
	v13 =	vsub.f32 v26, v16;
	v24 =	vld [tilespmem:s25+$0xB680];
	v16 =	vsub.f32 v56, v27  }
0x5cb: {  	v21 =	vld [tilespmem:s25+$0x76F0];
	v57 =	vadd.f32 v55, v53;
	(xrf2) =	vadd.scan.msk.f32 $0xffff, v28;
	v19 =	vmul.f32 v19, v19;
	v14 =	vmul.f32 v14, v14  }
0x5cc: {  	v22 =	vld [tilespmem:s25+$0xB6E0];
	(xrf2) =	vadd.scan.msk.f32 $0xffff, v20;
	v13 =	vadd.f32 v58, v13;
	v16 =	vadd.f32 v59, v16  }
0x5cd: {  	(xrf2) =	vadd.scan.msk.f32 $0xffff, v57;
	v14 =	vadd.f32 v19, v14;
	v19 =	vld [tilespmem:s25+$0xB6F0];
	v18 =	vsub.f32 v23, v18  }
0x5ce: {  	v3 =	vld [tilespmem:s25+$0x37B0];
	v4 =	vsub.f32 v4, v5;
	(xrf2) =	vadd.scan.msk.f32 $0xffff, v12;
	v13 =	vmul.f32 v13, v13;
	v16 =	vmul.f32 v16, v16  }
0x5cf: {  	(xrf2) =	vadd.scan.msk.f32 $0xffff, v15;
	v15 =	vld [tilespmem:s25+$0xB750];
	v12 =	vadd.f32 v24, v17;
	v17 =	vadd.f32 v25, v18  }
0x5d0: {  	v8 =	vld [tilespmem:s25+$0x77B0];
	v9 =	vsub.f32 v9, v21;
	v13 =	vadd.f32 v16, v13  }
0x5d1: {  	v6 =	vsub.f32 v6, v11;
	(xrf2) =	vadd.scan.msk.f32 $0xffff, v14;
	v18 =	vld [tilespmem:s25+$0xB740];
	v12 =	vmul.f32 v12, v12;
	v14 =	vmul.f32 v17, v17  }
0x5d2: {  	v5 =	vld [tilespmem:s25+$0x37F0];
	v10 =	vadd.f32 v22, v10;
	v9 =	vadd.f32 v19, v9  }
0x5d3: {  	v11 =	vld [tilespmem:s25+$0xB7B0];
	v16, _, _ =	vpop (xrf2);
	v12 =	vadd.f32 v14, v12  }
0x5d4: {  	v10 =	vmul.f32 v10, v10;
	v6 =	vadd.f32 v15, v6;
	v15 =	vld [tilespmem:s25+$0x77F0];
	(xrf2) =	vadd.scan.msk.f32 $0xffff, v13;
	v13, _, _ =	vpop (xrf2);
	v9 =	vmul.f32 v9, v9  }
0x5d5: {  	v17 =	vld [tilespmem:s25+$0xB7A0];
	v14, _, _ =	vpop (xrf2)  }
0x5d6: {  	v0 =	vld [tilespmem:s25+$0xB7E0];
	v7 =	vadd.f32 v18, v7;
	v9 =	vadd.f32 v9, v10;
	v19, _, _ =	vpop (xrf2)  }
0x5d7: {  	v1 =	vsub.f32 v1, v2;
	v3 =	vsub.f32 v3, v8;
	(xrf2) =	vadd.scan.msk.f32 $0xffff, v12;
	v12, _, _ =	vpop (xrf2)  }
0x5d8: {  	v7 =	vmul.f32 v7, v7;
	v8, _, _ =	vpop (xrf2)  }
0x5d9: {  	v3 =	vadd.f32 v11, v3;
	v6 =	vmul.f32 v6, v6;
	v10 =	vld [tilespmem:s25+$0xB7F0];
	v2, _, _ =	vpop (xrf2)  }
0x5da: {  	v5 =	vsub.f32 v5, v15;
	v4 =	vadd.f32 v17, v4;
	(xrf2) =	vadd.scan.msk.f32 $0xffff, v9;
	v9, _, _ =	vpop (xrf2)  }
0x5db: {  	v0 =	vadd.f32 v0, v1;
	v6 =	vadd.f32 v6, v7;
	v1, _, _ =	vpop (xrf2)  }
0x5dc: {  	v3 =	vmul.f32 v3, v3;
	v4 =	vmul.f32 v4, v4;
	v7, _, _ =	vpop (xrf2)  }
0x5dd: {  	(xrf2) =	vadd.scan.msk.f32 $0xffff, v6;
	v6 =	vbroadcast v7, $0xF  }
0x5de: {  	v3 =	vadd.f32 v3, v4;
	v4 =	vadd.f32 v10, v5;
	v5, _, _ =	vpop (xrf2)  }
0x5df: {  	v5 =	vbroadcast v5, $0xF  }
0x5e0: {  	v1 =	vbroadcast v1, $0xF  }
0x5e1: {  	v4 =	vmul.f32 v4, v4;
	(xrf2) =	vadd.scan.msk.f32 $0xffff, v3;
	v3 =	vsel vm0, v6, v5;
	v5 =	vbroadcast v9, $0xF;
	v6, _, _ =	vpop (xrf2)  }
0x5e2: {  	v0 =	vmul.f32 v0, v0;
	v1 =	vsel vm1, v3, v1;
	v3 =	vbroadcast v6, $0xF  }
0x5e3: {  	v2 =	vbroadcast v2, $0xF;
	v1 =	vsel vm2, v1, v5  }
0x5e4: {  	v0 =	vadd.f32 v4, v0;
	v1 =	vsel vm3, v1, v3;
	v3 =	vbroadcast v8, $0xF  }
0x5e5: {  	v4, _, _ =	vpop (xrf2)  }
0x5e6: {  	(xrf2) =	vadd.scan.msk.f32 $0xffff, v0;
	v0 =	vsel vm4, v1, v2;
	v1 =	vbroadcast v4, $0xF  }
0x5e7: {  	v2 =	vbroadcast v12, $0xF;
	v0 =	vsel vm5, v0, v3  }
0x5e8: {  	v0 =	vsel vm6, v0, v1;
	v1 =	vbroadcast v19, $0xF;
	v3, _, _ =	vpop (xrf2)  }
0x5e9: {  	v0 =	vsel vm7, v0, v2;
	v2 =	vbroadcast v3, $0xF  }
0x5ea: {  	v0 =	vsel vm8, v0, v1;
	v1 =	vbroadcast v14, $0xF  }
0x5eb: {  	v3, _, _ =	vpop (xrf2);
	v0 =	vsel vm9, v0, v2  }
0x5ec: {  	v2 =	vbroadcast v13, $0xF;
	v0 =	vsel vm10, v0, v1;
	v1 =	vbroadcast v3, $0xF;
	_ =	sdelay $0x1  }
0x5ed: {  	v0 =	vsel vm11, v0, v2;
	v2 =	vbroadcast v16, $0xF  }
0x5ee: {  	v0 =	vsel vm12, v0, v1  }
0x5ef: {  	v0 =	vsel vm13, v0, v2;
	v1, _, _ =	vpop (xrf2)  }
0x5f0: {  	v0 =	vsel vm14, v0, v1  }
0x5f1: {  	v0 =	vadd.f32 $9.999999960e-13, v0;
	_ =	sdelay $0x1  }
0x5f2: {  	v1 =	vshrl.u32 v0, $0x1  }
0x5f3: {  	v1 =	vadd.s32 $0x1FBD1DF5, v1  }
0x5f4: {  	(erf) = vrcp.f32 v1;
	_ =	sdelay $0x8  }
0x5f5: {  	v2 =	vpop (erf)  }
0x5f6: {  	v2 =	vmul.f32 v2, v0;
	_ =	sdelay $0x1  }
0x5f7: {  	v1 =	vadd.f32 v1, v2;
	_ =	sdelay $0x1  }
0x5f8: {  	v1 =	vmul.f32 $5.000000000e-01, v1;
	_ =	sdelay $0x1  }
0x5f9: {  	(erf) = vrcp.f32 v1;
	_ =	sdelay $0x8  }
0x5fa: {  	v2 =	vpop (erf)  }
0x5fb: {  	v2 =	vmul.f32 v2, v0;
	_ =	sdelay $0x1  }
0x5fc: {  	v1 =	vadd.f32 v2, v1;
	_ =	sdelay $0x1  }
0x5fd: {  	v1 =	vmul.f32 $5.000000000e-01, v1;
	_ =	sdelay $0x1  }
0x5fe: {  	(erf) = vrcp.f32 v1;
	_ =	sdelay $0x8  }
0x5ff: {  	v2 =	vpop (erf)  }
0x600: {  	v0 =	vmul.f32 v2, v0;
	_ =	sdelay $0x1  }
0x601: {  	v0 =	vadd.f32 v0, v1;
	_ =	sdelay $0x1  }
0x602: {  	v0 =	vmul.f32 $5.000000000e-01, v0;
	_ =	sdelay $0x1  }
0x603: {  	v0 =	vsub.f32 $0.0e+00, v0  }
0x604: {  	s21 =	simm.s32 $0xC780  }
0x605: {  	s23 =	simm.s32 $0x200;
	[tilespmem:s21+$0x0] =	vst v0  }
0x606: {  	v0 =	vld [tilespmem:s23+$0xB7E0]  }
0x607: {  	v1 =	vld [tilespmem:s23+$0x37E0]  }
0x608: {  	v2 =	vld [tilespmem:s23+$0x77E0]  }
0x609: {  	v10 =	vld [tilespmem:s23+$0xB7C0]  }
0x60a: {  	v13 =	vld [tilespmem:s23+$0xB7D0]  }
0x60b: {  	v14 =	vld [tilespmem:s23+$0x37C0]  }
0x60c: {  	v15 =	vld [tilespmem:s23+$0x77C0]  }
0x60d: {  	v16 =	vld [tilespmem:s23+$0x37D0]  }
0x60e: {  	v17 =	vld [tilespmem:s23+$0x77D0]  }
0x60f: {  	v18 =	vld [tilespmem:s23+$0xB780]  }
0x610: {  	v19 =	vld [tilespmem:s23+$0xB790]  }
0x611: {  	v4 =	vld [tilespmem:s23+$0x37A0]  }
0x612: {  	v5 =	vld [tilespmem:s23+$0x77A0]  }
0x613: {  	v3 =	vld [tilespmem:s23+$0x37B0]  }
0x614: {  	v20 =	vld [tilespmem:s23+$0xB760]  }
0x615: {  	v21 =	vld [tilespmem:s23+$0xB770]  }
0x616: {  	v22 =	vld [tilespmem:s23+$0x3780]  }
0x617: {  	v23 =	vld [tilespmem:s23+$0x7780]  }
0x618: {  	v24 =	vld [tilespmem:s23+$0x3790]  }
0x619: {  	v25 =	vld [tilespmem:s23+$0x7790]  }
0x61a: {  	v26 =	vld [tilespmem:s23+$0x3760]  }
0x61b: {  	v27 =	vld [tilespmem:s23+$0x7760]  }
0x61c: {  	v28 =	vld [tilespmem:s23+$0x3770]  }
0x61d: {  	v29 =	vld [tilespmem:s23+$0x7770]  }
0x61e: {  	v30 =	vld [tilespmem:s23+$0xB720]  }
0x61f: {  	v31 =	vld [tilespmem:s23+$0xB730]  }
0x620: {  	v7 =	vld [tilespmem:s23+$0x3740]  }
0x621: {  	v8 =	vld [tilespmem:s23+$0x7740]  }
0x622: {  	v6 =	vld [tilespmem:s23+$0x3750]  }
0x623: {  	v32 =	vld [tilespmem:s23+$0xB700]  }
0x624: {  	v33 =	vld [tilespmem:s23+$0xB710]  }
0x625: {  	v34 =	vld [tilespmem:s23+$0x3720]  }
0x626: {  	v35 =	vld [tilespmem:s23+$0x7720]  }
0x627: {  	v36 =	vld [tilespmem:s23+$0x3730]  }
0x628: {  	v37 =	vld [tilespmem:s23+$0x7730]  }
0x629: {  	v38 =	vld [tilespmem:s23+$0x3700]  }
0x62a: {  	v39 =	vld [tilespmem:s23+$0x7700]  }
0x62b: {  	v40 =	vld [tilespmem:s23+$0x3710]  }
0x62c: {  	v41 =	vld [tilespmem:s23+$0x7710]  }
0x62d: {  	v42 =	vld [tilespmem:s23+$0xB6C0]  }
0x62e: {  	v43 =	vld [tilespmem:s23+$0xB6D0]  }
0x62f: {  	v11 =	vld [tilespmem:s23+$0x36E0]  }
0x630: {  	v12 =	vld [tilespmem:s23+$0x76E0]  }
0x631: {  	v9 =	vld [tilespmem:s23+$0x36F0]  }
0x632: {  	v44 =	vld [tilespmem:s23+$0xB6A0]  }
0x633: {  	v45 =	vld [tilespmem:s23+$0xB6B0]  }
0x634: {  	v50 =	vld [tilespmem:s23+$0x36A0]  }
0x635: {  	v60 =	vld [tilespmem:s23+$0x76A0]  }
0x636: {  	v61 =	vld [tilespmem:s23+$0x36B0]  }
0x637: {  	v62 =	vld [tilespmem:s23+$0x76B0]  }
0x638: {  	v46 =	vld [tilespmem:s23+$0x36C0]  }
0x639: {  	v47 =	vld [tilespmem:s23+$0x76C0]  }
0x63a: {  	v48 =	vld [tilespmem:s23+$0x36D0]  }
0x63b: {  	v49 =	vld [tilespmem:s23+$0x76D0];
	v14 =	vsub.f32 v14, v15;
	v16 =	vsub.f32 v16, v17  }
0x63c: {  	v63 =	vld [tilespmem:s23+$0xB660];
	v59 =	vsub.f32 v50, v60;
	v60 =	vsub.f32 v61, v62  }
0x63d: {  	v55 =	vld [tilespmem:s23+$0xB670];
	v10 =	vadd.f32 v10, v14;
	v14 =	vsub.f32 v22, v23  }
0x63e: {  	v13 =	vadd.f32 v13, v16;
	v22 =	vsub.f32 v24, v25;
	v24 =	vld [tilespmem:s23+$0x3670]  }
0x63f: {  	v25 =	vld [tilespmem:s23+$0x7670];
	v14 =	vadd.f32 v18, v14;
	v18 =	vsub.f32 v26, v27  }
0x640: {  	v56 =	vld [tilespmem:s23+$0xB650];
	v10 =	vmul.f32 v10, v10;
	v19 =	vadd.f32 v19, v22;
	v22 =	vsub.f32 v28, v29  }
0x641: {  	v15 =	vld [tilespmem:s23+$0x3680];
	v13 =	vmul.f32 v13, v13;
	v27 =	vsub.f32 v48, v49;
	v18 =	vadd.f32 v20, v18  }
0x642: {  	v17 =	vld [tilespmem:s23+$0x7680];
	v14 =	vmul.f32 v14, v14;
	v20 =	vadd.f32 v21, v22;
	v21 =	vsub.f32 v34, v35  }
0x643: {  	v61 =	vld [tilespmem:s23+$0x7650];
	v19 =	vmul.f32 v19, v19;
	v10 =	vadd.f32 v13, v10;
	v13 =	vsub.f32 v36, v37  }
0x644: {  	v16 =	vld [tilespmem:s23+$0x3690];
	v27 =	vadd.f32 v43, v27;
	v25 =	vsub.f32 v24, v25;
	v18 =	vmul.f32 v18, v18  }
0x645: {  	v23 =	vld [tilespmem:s23+$0x7660];
	v14 =	vadd.f32 v19, v14;
	v21 =	vadd.f32 v30, v21;
	v19 =	vmul.f32 v20, v20;
	(xrf2) =	vadd.scan.msk.f32 $0xffff, v10  }
0x646: {  	v29 =	vld [tilespmem:s23+$0xB640];
	v13 =	vadd.f32 v31, v13;
	v20 =	vsub.f32 v38, v39  }
0x647: {  	v28 =	vld [tilespmem:s23+$0x3640];
	v10 =	vsub.f32 v40, v41;
	v26 =	vadd.f32 v19, v18  }
0x648: {  	v22 =	vld [tilespmem:s23+$0x3660];
	(xrf2) =	vadd.scan.msk.f32 $0xffff, v14;
	v14 =	vsub.f32 v46, v47;
	v21 =	vmul.f32 v21, v21;
	v13 =	vmul.f32 v13, v13  }
0x649: {  	v24 =	vld [tilespmem:s23+$0x7610];
	v20 =	vadd.f32 v32, v20;
	v10 =	vadd.f32 v33, v10;
	(xrf2) =	vadd.scan.msk.f32 $0xffff, v26  }
0x64a: {  	v31 =	vld [tilespmem:s23+$0x3650];
	v62 =	vadd.f32 v55, v25;
	v13 =	vadd.f32 v13, v21  }
0x64b: {  	v25 =	vld [tilespmem:s23+$0x7620];
	v14 =	vadd.f32 v42, v14;
	v30 =	vmul.f32 v20, v20;
	v10 =	vmul.f32 v10, v10  }
0x64c: {  	v26 =	vld [tilespmem:s23+$0x7640];
	(xrf2) =	vadd.scan.msk.f32 $0xffff, v13  }
0x64d: {  	v27 =	vmul.f32 v27, v27;
	v18 =	vld [tilespmem:s23+$0xB600];
	v14 =	vmul.f32 v14, v14;
	v30 =	vadd.f32 v10, v30  }
0x64e: {  	v19 =	vld [tilespmem:s23+$0xB610];
	v32 =	vadd.f32 v44, v59;
	v33 =	vadd.f32 v45, v60  }
0x64f: {  	v23 =	vsub.f32 v22, v23;
	v22 =	vld [tilespmem:s23+$0x3610];
	v14 =	vadd.f32 v27, v14;
	v10, _, _ =	vpop (xrf2);
	(xrf2) =	vadd.scan.msk.f32 $0xffff, v30  }
0x650: {  	v20 =	vld [tilespmem:s23+$0x7600];
	v32 =	vmul.f32 v32, v32;
	v33 =	vmul.f32 v33, v33;
	v31 =	vsub.f32 v31, v61  }
0x651: {  	v21 =	vld [tilespmem:s23+$0x3600];
	v27 =	vadd.f32 v63, v23;
	v63 =	vsub.f32 v28, v26  }
0x652: {  	v31 =	vadd.f32 v56, v31;
	v23 =	vld [tilespmem:s23+$0x3620];
	v26 =	vadd.f32 v33, v32;
	v13, _, _ =	vpop (xrf2);
	(xrf2) =	vadd.scan.msk.f32 $0xffff, v14  }
0x653: {  	s24 =	simm.s32 $0x1000;
	v28 =	vmul.f32 v27, v27;
	v27 =	vld [tilespmem:s23+$0x3630];
	v30 =	vadd.f32 v29, v63;
	v29 =	vmul.f32 v62, v62;
	v14, _, _ =	vpop (xrf2)  }
.LBB2_8:
0x654: {  	p0 =	sne.s32 s24, $0x3800;
	v32 =	vld [tilespmem:s23+$0x7630]  }
0x655: {  	v33 =	vld [tilespmem:s23+$0xB620];
	v30 =	vmul.f32 v30, v30;
	v31 =	vmul.f32 v31, v31;
	v28 =	vadd.f32 v29, v28;
	(xrf2) =	vadd.scan.msk.f32 $0xffff, v26  }
0x656: {  	v20 =	vsub.f32 v21, v20;
	v21 =	vsub.f32 v22, v24;
	v22 =	vld [tilespmem:s23+$0xB630];
	v24, _, _ =	vpop (xrf2)  }
0x657: {  	v26 =	vadd.f32 v31, v30;
	v29 =	vld [tilespmem:s23+$0x7690]  }
0x658: {  	v18 =	vadd.f32 v18, v20;
	v19 =	vadd.f32 v19, v21;
	v20 =	vld [tilespmem:s23+$0xB680];
	(xrf2) =	vadd.scan.msk.f32 $0xffff, v28  }
0x659: {  	v21 =	vsub.f32 v23, v25;
	v23 =	vsub.f32 v27, v32;
	v25 =	vld [tilespmem:s23+$0xB690];
	v27, _, _ =	vpop (xrf2)  }
0x65a: {  	v15 =	vsub.f32 v15, v17;
	v18 =	vmul.f32 v18, v18;
	v19 =	vmul.f32 v19, v19;
	v17 =	vld [tilespmem:s23+$0x76F0]  }
0x65b: {  	v21 =	vadd.f32 v33, v21;
	v22 =	vadd.f32 v22, v23;
	v23 =	vld [tilespmem:s23+$0xB6E0];
	(xrf2) =	vadd.scan.msk.f32 $0xffff, v26  }
0x65c: {  	v18 =	vadd.f32 v19, v18;
	v16 =	vsub.f32 v16, v29;
	v19 =	vld [tilespmem:s23+$0xB6F0];
	v26, _, _ =	vpop (xrf2)  }
0x65d: {  	v11 =	vsub.f32 v11, v12;
	v28 =	vmul.f32 v21, v21;
	v22 =	vmul.f32 v22, v22;
	v12 =	vld [tilespmem:s23+$0x7750]  }
0x65e: {  	v15 =	vadd.f32 v20, v15;
	v16 =	vadd.f32 v25, v16;
	v20 =	vld [tilespmem:s23+$0xB740];
	(xrf2) =	vadd.scan.msk.f32 $0xffff, v18  }
0x65f: {  	v18 =	vadd.f32 v22, v28;
	v9 =	vsub.f32 v9, v17;
	v17 =	vld [tilespmem:s23+$0xB750];
	v21, _, _ =	vpop (xrf2)  }
0x660: {  	v7 =	vsub.f32 v7, v8;
	v15 =	vmul.f32 v15, v15;
	v22 =	vmul.f32 v16, v16;
	v8 =	vld [tilespmem:s23+$0x77B0]  }
0x661: {  	v11 =	vadd.f32 v23, v11;
	v9 =	vadd.f32 v19, v9;
	v19 =	vld [tilespmem:s23+$0xB7A0];
	(xrf2) =	vadd.scan.msk.f32 $0xffff, v18  }
0x662: {  	v15 =	vadd.f32 v22, v15;
	v6 =	vsub.f32 v6, v12;
	v12 =	vld [tilespmem:s23+$0xB7B0];
	v16, _, _ =	vpop (xrf2)  }
0x663: {  	v4 =	vsub.f32 v4, v5;
	v11 =	vmul.f32 v11, v11;
	v9 =	vmul.f32 v9, v9;
	v5 =	vld [tilespmem:s23+$0x37F0]  }
0x664: {  	v7 =	vadd.f32 v20, v7;
	v6 =	vadd.f32 v17, v6;
	v17 =	vld [tilespmem:s23+$0x77F0];
	(xrf2) =	vadd.scan.msk.f32 $0xffff, v15  }
0x665: {  	v9 =	vadd.f32 v9, v11;
	v3 =	vsub.f32 v3, v8;
	v8, _, _ =	vpop (xrf2)  }
0x666: {  	v15 =	vsub.f32 v1, v2;
	v7 =	vmul.f32 v7, v7;
	v6 =	vmul.f32 v6, v6;
	v11 =	vld [tilespmem:s23+$0xB7F0]  }
0x667: {  	v2 =	vadd.f32 v19, v4;
	v3 =	vadd.f32 v12, v3;
	(xrf2) =	vadd.scan.msk.f32 $0xffff, v9  }
0x668: {  	v0 =	vadd.f32 v0, v15;
	v6 =	vadd.f32 v6, v7;
	v1, _, _ =	vpop (xrf2)  }
0x669: {  	v2 =	vmul.f32 v2, v2;
	v3 =	vmul.f32 v3, v3;
	v5 =	vsub.f32 v5, v17  }
0x66a: {  	(xrf2) =	vadd.scan.msk.f32 $0xffff, v6  }
0x66b: {  	v0 =	vmul.f32 v0, v0;
	v2 =	vadd.f32 v3, v2;
	v3 =	vadd.f32 v11, v5;
	v4, _, _ =	vpop (xrf2)  }
0x66c: {  	v1 =	vbroadcast v1, $0xF;
	v6 =	vbroadcast v4, $0xF  }
0x66d: {  	v5 =	vbroadcast v8, $0xF;
	v3 =	vmul.f32 v3, v3;
	(xrf2) =	vadd.scan.msk.f32 $0xffff, v2  }
0x66e: {  	v2 =	vbroadcast v16, $0xF;
	v1 =	vsel vm0, v1, v6;
	v4, _, _ =	vpop (xrf2)  }
0x66f: {  	v1 =	vsel vm1, v1, v5;
	v5 =	vbroadcast v4, $0xF;
	v0 =	vadd.f32 v3, v0  }
0x670: {  	v1 =	vsel vm2, v1, v2;
	v2 =	vbroadcast v21, $0xF  }
0x671: {  	v1 =	vsel vm3, v1, v5;
	v5 =	vbroadcast v26, $0xF;
	v4, _, _ =	vpop (xrf2);
	(xrf2) =	vadd.scan.msk.f32 $0xffff, v0  }
0x672: {  	v0 =	vsel vm4, v1, v2;
	v1 =	vbroadcast v4, $0xF  }
0x673: {  	v2 =	vbroadcast v27, $0xF;
	v0 =	vsel vm5, v0, v5  }
0x674: {  	v0 =	vsel vm6, v0, v1;
	v1 =	vbroadcast v24, $0xF;
	v3, _, _ =	vpop (xrf2)  }
0x675: {  	v0 =	vsel vm7, v0, v2;
	v2 =	vbroadcast v3, $0xF  }
0x676: {  	v0 =	vsel vm8, v0, v1;
	v1 =	vbroadcast v14, $0xF  }
0x677: {  	v0 =	vsel vm9, v0, v2;
	v2 =	vbroadcast v13, $0xF;
	v3, _, _ =	vpop (xrf2)  }
0x678: {  	v0 =	vsel vm10, v0, v1;
	v3 =	vbroadcast v3, $0xF  }
0x679: {  	v0 =	vsel vm11, v0, v2;
	v2 =	vbroadcast v10, $0xF  }
0x67a: {  	v0 =	vsel vm12, v0, v3  }
0x67b: {  	v0 =	vsel vm13, v0, v2;
	v1, _, _ =	vpop (xrf2)  }
0x67c: {  	v0 =	vsel vm14, v0, v1  }
0x67d: {  	v0 =	vadd.f32 $9.999999960e-13, v0;
	_ =	sdelay $0x1  }
0x67e: {  	v1 =	vshrl.u32 v0, $0x1  }
0x67f: {  	v1 =	vadd.s32 $0x1FBD1DF5, v1  }
0x680: {  	(erf) = vrcp.f32 v1;
	_ =	sdelay $0x8  }
0x681: {  	v2 =	vpop (erf)  }
0x682: {  	v2 =	vmul.f32 v2, v0;
	_ =	sdelay $0x1  }
0x683: {  	v1 =	vadd.f32 v1, v2;
	_ =	sdelay $0x1  }
0x684: {  	v1 =	vmul.f32 $5.000000000e-01, v1;
	_ =	sdelay $0x1  }
0x685: {  	(erf) = vrcp.f32 v1;
	_ =	sdelay $0x8  }
0x686: {  	v2 =	vpop (erf)  }
0x687: {  	v2 =	vmul.f32 v2, v0;
	_ =	sdelay $0x1  }
0x688: {  	v1 =	vadd.f32 v2, v1;
	_ =	sdelay $0x1  }
0x689: {  	v1 =	vmul.f32 $5.000000000e-01, v1;
	_ =	sdelay $0x1  }
0x68a: {  	(erf) = vrcp.f32 v1;
	_ =	sdelay $0x8  }
0x68b: {  	v2 =	vpop (erf)  }
0x68c: {  	v0 =	vmul.f32 v2, v0;
	_ =	sdelay $0x1  }
0x68d: {  	v0 =	vadd.f32 v0, v1;
	_ =	sdelay $0x1  }
0x68e: {  	v0 =	vmul.f32 $5.000000000e-01, v0;
	_ =	sdelay $0x1  }
0x68f: {  	v0 =	vsub.f32 $0.0e+00, v0  }
0x690: {  	s21 =	sadd.s32 $0x10, s21  }
0x691: {  	s23 =	sshra.s32 s24, $0x2;
	[tilespmem:s21+$0x0] =	vst v0  }
0x692: {  	v0 =	vld [tilespmem:s23+$0xB7E0]  }
0x693: {  	v1 =	vld [tilespmem:s23+$0x37E0]  }
0x694: {  	v2 =	vld [tilespmem:s23+$0x77E0]  }
0x695: {  	v10 =	vld [tilespmem:s23+$0xB7C0]  }
0x696: {  	v13 =	vld [tilespmem:s23+$0xB7D0]  }
0x697: {  	v14 =	vld [tilespmem:s23+$0x37C0]  }
0x698: {  	v15 =	vld [tilespmem:s23+$0x77C0]  }
0x699: {  	v16 =	vld [tilespmem:s23+$0x37D0]  }
0x69a: {  	v17 =	vld [tilespmem:s23+$0x77D0]  }
0x69b: {  	v18 =	vld [tilespmem:s23+$0xB780]  }
0x69c: {  	v19 =	vld [tilespmem:s23+$0xB790]  }
0x69d: {  	v4 =	vld [tilespmem:s23+$0x37A0]  }
0x69e: {  	v5 =	vld [tilespmem:s23+$0x77A0]  }
0x69f: {  	v3 =	vld [tilespmem:s23+$0x37B0]  }
0x6a0: {  	v20 =	vld [tilespmem:s23+$0xB760]  }
0x6a1: {  	v21 =	vld [tilespmem:s23+$0xB770]  }
0x6a2: {  	v22 =	vld [tilespmem:s23+$0x3780]  }
0x6a3: {  	v23 =	vld [tilespmem:s23+$0x7780]  }
0x6a4: {  	v24 =	vld [tilespmem:s23+$0x3790]  }
0x6a5: {  	v25 =	vld [tilespmem:s23+$0x7790]  }
0x6a6: {  	v26 =	vld [tilespmem:s23+$0x3760]  }
0x6a7: {  	v27 =	vld [tilespmem:s23+$0x7760]  }
0x6a8: {  	v28 =	vld [tilespmem:s23+$0x3770]  }
0x6a9: {  	v29 =	vld [tilespmem:s23+$0x7770]  }
0x6aa: {  	v30 =	vld [tilespmem:s23+$0xB720]  }
0x6ab: {  	v31 =	vld [tilespmem:s23+$0xB730]  }
0x6ac: {  	v7 =	vld [tilespmem:s23+$0x3740]  }
0x6ad: {  	v8 =	vld [tilespmem:s23+$0x7740]  }
0x6ae: {  	v6 =	vld [tilespmem:s23+$0x3750]  }
0x6af: {  	v32 =	vld [tilespmem:s23+$0xB700]  }
0x6b0: {  	v33 =	vld [tilespmem:s23+$0xB710]  }
0x6b1: {  	v34 =	vld [tilespmem:s23+$0x3720]  }
0x6b2: {  	v35 =	vld [tilespmem:s23+$0x7720]  }
0x6b3: {  	v36 =	vld [tilespmem:s23+$0x3730]  }
0x6b4: {  	v37 =	vld [tilespmem:s23+$0x7730]  }
0x6b5: {  	v38 =	vld [tilespmem:s23+$0x3700]  }
0x6b6: {  	v39 =	vld [tilespmem:s23+$0x7700]  }
0x6b7: {  	v40 =	vld [tilespmem:s23+$0x3710]  }
0x6b8: {  	v41 =	vld [tilespmem:s23+$0x7710]  }
0x6b9: {  	v42 =	vld [tilespmem:s23+$0xB6C0]  }
0x6ba: {  	v43 =	vld [tilespmem:s23+$0xB6D0]  }
0x6bb: {  	v11 =	vld [tilespmem:s23+$0x36E0]  }
0x6bc: {  	v12 =	vld [tilespmem:s23+$0x76E0]  }
0x6bd: {  	v9 =	vld [tilespmem:s23+$0x36F0]  }
0x6be: {  	v44 =	vld [tilespmem:s23+$0xB6A0]  }
0x6bf: {  	v45 =	vld [tilespmem:s23+$0xB6B0]  }
0x6c0: {  	v46 =	vld [tilespmem:s23+$0x36C0]  }
0x6c1: {  	v47 =	vld [tilespmem:s23+$0x76C0]  }
0x6c2: {  	v48 =	vld [tilespmem:s23+$0x36D0]  }
0x6c3: {  	v49 =	vld [tilespmem:s23+$0x76D0]  }
0x6c4: {  	v50 =	vld [tilespmem:s23+$0x36A0]  }
0x6c5: {  	v14 =	vsub.f32 v14, v15;
	v15 =	vsub.f32 v16, v17;
	v51 =	vld [tilespmem:s23+$0x76A0]  }
0x6c6: {  	v52 =	vld [tilespmem:s23+$0x36B0]  }
0x6c7: {  	v10 =	vadd.f32 v10, v14;
	v13 =	vadd.f32 v13, v15;
	v53 =	vld [tilespmem:s23+$0x76B0]  }
0x6c8: {  	v16 =	vsub.f32 v22, v23;
	v17 =	vsub.f32 v24, v25;
	v14 =	vld [tilespmem:s23+$0xB660]  }
0x6c9: {  	v10 =	vmul.f32 v10, v10;
	v23 =	vld [tilespmem:s23+$0xB670]  }
0x6ca: {  	v13 =	vmul.f32 v13, v13;
	v18 =	vadd.f32 v18, v16;
	v19 =	vadd.f32 v19, v17;
	v15 =	vld [tilespmem:s23+$0x3680]  }
0x6cb: {  	v22 =	vsub.f32 v26, v27;
	v24 =	vsub.f32 v28, v29;
	v17 =	vld [tilespmem:s23+$0x7680]  }
0x6cc: {  	v10 =	vadd.f32 v13, v10;
	v18 =	vmul.f32 v18, v18;
	v16 =	vld [tilespmem:s23+$0x3690]  }
0x6cd: {  	v13 =	vadd.f32 v20, v22;
	v19 =	vmul.f32 v19, v19;
	v20 =	vadd.f32 v21, v24;
	v29 =	vld [tilespmem:s23+$0xB640]  }
0x6ce: {  	v21 =	vsub.f32 v34, v35;
	v22 =	vsub.f32 v36, v37;
	v54 =	vld [tilespmem:s23+$0xB650]  }
0x6cf: {  	v13 =	vmul.f32 v13, v13;
	v18 =	vadd.f32 v19, v18;
	v24 =	vld [tilespmem:s23+$0x3660];
	(xrf2) =	vadd.scan.msk.f32 $0xffff, v10  }
0x6d0: {  	v20 =	vmul.f32 v20, v20;
	v19 =	vadd.f32 v31, v22;
	v10 =	vadd.f32 v30, v21;
	v25 =	vld [tilespmem:s23+$0x7660]  }
0x6d1: {  	v26 =	vsub.f32 v40, v41;
	v21 =	vsub.f32 v38, v39;
	v22 =	vld [tilespmem:s23+$0x3670]  }
0x6d2: {  	v13 =	vadd.f32 v20, v13;
	v10 =	vmul.f32 v10, v10;
	v27 =	vld [tilespmem:s23+$0x7670];
	(xrf2) =	vadd.scan.msk.f32 $0xffff, v18  }
0x6d3: {  	v20 =	vadd.f32 v32, v21;
	v21 =	vadd.f32 v33, v26;
	v26 =	vmul.f32 v19, v19;
	v18 =	vld [tilespmem:s23+$0xB600]  }
0x6d4: {  	v28 =	vsub.f32 v46, v47;
	v30 =	vsub.f32 v48, v49;
	v19 =	vld [tilespmem:s23+$0xB610]  }
0x6d5: {  	v20 =	vmul.f32 v20, v20;
	v10 =	vadd.f32 v26, v10;
	v31 =	vld [tilespmem:s23+$0x3640];
	(xrf2) =	vadd.scan.msk.f32 $0xffff, v13  }
0x6d6: {  	v21 =	vmul.f32 v21, v21;
	v13 =	vadd.f32 v42, v28;
	v28 =	vadd.f32 v43, v30;
	v26 =	vld [tilespmem:s23+$0x7640]  }
0x6d7: {  	v32 =	vsub.f32 v50, v51;
	v33 =	vsub.f32 v52, v53;
	v30 =	vld [tilespmem:s23+$0x3650]  }
0x6d8: {  	v35 =	vadd.f32 v21, v20;
	v13 =	vmul.f32 v13, v13;
	v34 =	vld [tilespmem:s23+$0x7650];
	(xrf2) =	vadd.scan.msk.f32 $0xffff, v10  }
0x6d9: {  	v32 =	vadd.f32 v44, v32;
	v33 =	vadd.f32 v45, v33;
	v28 =	vmul.f32 v28, v28;
	v20 =	vld [tilespmem:s23+$0x7600];
	v10, _, _ =	vpop (xrf2)  }
0x6da: {  	v25 =	vsub.f32 v24, v25;
	v27 =	vsub.f32 v22, v27;
	v21 =	vld [tilespmem:s23+$0x3600]  }
.Ltmp3:
0x6db: {  	v32 =	vmul.f32 v32, v32;
	v36 =	vadd.f32 v28, v13;
	v22 =	vld [tilespmem:s23+$0x3610];
	(xrf2) =	vadd.scan.msk.f32 $0xffff, v35;
	(pc) =	sbr.rel @p0 .LBB2_8-.Ltmp3, $4  }
0x6dc: {  	v37 =	vadd.f32 v14, v25;
	v35 =	vadd.f32 v23, v27;
	v27 =	vmul.f32 v33, v33;
	v24 =	vld [tilespmem:s23+$0x7610];
	v13, _, _ =	vpop (xrf2)  }
0x6dd: {  	v31 =	vsub.f32 v31, v26;
	v23 =	vld [tilespmem:s23+$0x3620];
	v33 =	vsub.f32 v30, v34  }
0x6de: {  	v28 =	vmul.f32 v37, v37;
	v26 =	vadd.f32 v27, v32;
	v25 =	vld [tilespmem:s23+$0x7620];
	(xrf2) =	vadd.scan.msk.f32 $0xffff, v36  }
0x6df: {  	s24 =	sadd.s32 $0x800, s24;
	v30 =	vadd.f32 v29, v31;
	v29 =	vmul.f32 v35, v35;
	v27 =	vld [tilespmem:s23+$0x3630];
	v31 =	vadd.f32 v54, v33;
	v14, _, _ =	vpop (xrf2)  }
0x6e0: {  	v32 =	vld [tilespmem:s23+$0x7630]  }
0x6e1: {  	v33 =	vld [tilespmem:s23+$0xB620]  }
0x6e2: {  	v20 =	vsub.f32 v21, v20;
	v52 =	vld [tilespmem:s23+$0xB630];
	v15 =	vsub.f32 v15, v17  }
0x6e3: {  	v55 =	vld [tilespmem:s23+$0x7690];
	v11 =	vsub.f32 v11, v12;
	v30 =	vmul.f32 v30, v30;
	v51 =	vsub.f32 v22, v24  }
0x6e4: {  	v56 =	vld [tilespmem:s23+$0xB680];
	v31 =	vmul.f32 v31, v31;
	v53 =	vadd.f32 v29, v28;
	v18 =	vadd.f32 v18, v20  }
0x6e5: {  	v59 =	vld [tilespmem:s23+$0xB690];
	v57 =	vsub.f32 v23, v25;
	v58 =	vsub.f32 v27, v32  }
0x6e6: {  	v60 =	vld [tilespmem:s23+$0x76F0];
	v54 =	vadd.f32 v31, v30;
	v19 =	vadd.f32 v19, v51  }
0x6e7: {  	v61 =	vld [tilespmem:s23+$0xB6E0];
	v21 =	vadd.f32 v33, v57;
	v22 =	vadd.f32 v52, v58  }
0x6e8: {  	v62 =	vld [tilespmem:s23+$0xB6F0];
	v18 =	vmul.f32 v18, v18;
	v19 =	vmul.f32 v19, v19;
	v16 =	vsub.f32 v16, v55  }
0x6e9: {  	(xrf2) =	vadd.scan.msk.f32 $0xffff, v26;
	v63 =	vld [tilespmem:s23+$0x7750];
	v15 =	vadd.f32 v56, v15;
	v21 =	vmul.f32 v21, v21;
	v22 =	vmul.f32 v22, v22  }
0x6ea: {  	v24 =	vld [tilespmem:s23+$0xB740];
	(xrf2) =	vadd.scan.msk.f32 $0xffff, v53;
	v18 =	vadd.f32 v19, v18;
	v16 =	vadd.f32 v59, v16  }
0x6eb: {  	v25 =	vld [tilespmem:s23+$0xB750];
	(xrf2) =	vadd.scan.msk.f32 $0xffff, v54;
	v9 =	vsub.f32 v9, v60;
	v21 =	vadd.f32 v22, v21  }
0x6ec: {  	v7 =	vsub.f32 v7, v8;
	v26 =	vld [tilespmem:s23+$0x77B0];
	v15 =	vmul.f32 v15, v15;
	(xrf2) =	vadd.scan.msk.f32 $0xffff, v18;
	v16 =	vmul.f32 v16, v16  }
0x6ed: {  	v28 =	vld [tilespmem:s23+$0xB7B0];
	v11 =	vadd.f32 v61, v11;
	v9 =	vadd.f32 v62, v9;
	(xrf2) =	vadd.scan.msk.f32 $0xffff, v21  }
0x6ee: {  	v27 =	vld [tilespmem:s23+$0xB7A0];
	v6 =	vsub.f32 v6, v63;
	v15 =	vadd.f32 v16, v15  }
0x6ef: {  	v4 =	vsub.f32 v4, v5;
	v29 =	vld [tilespmem:s23+$0x37F0];
	v11 =	vmul.f32 v11, v11;
	v9 =	vmul.f32 v9, v9  }
0x6f0: {  	v31 =	vld [tilespmem:s23+$0x77F0];
	v30, _, _ =	vpop (xrf2);
	v7 =	vadd.f32 v24, v7;
	v6 =	vadd.f32 v25, v6;
	(xrf2) =	vadd.scan.msk.f32 $0xffff, v15  }
0x6f1: {  	v3 =	vsub.f32 v3, v26;
	v32, _, _ =	vpop (xrf2);
	v9 =	vadd.f32 v9, v11  }
0x6f2: {  	v34 =	vld [tilespmem:s23+$0xB7F0];
	v1 =	vsub.f32 v1, v2;
	v33, _, _ =	vpop (xrf2);
	v7 =	vmul.f32 v7, v7;
	v6 =	vmul.f32 v6, v6  }
0x6f3: {  	v3 =	vadd.f32 v28, v3;
	v35, _, _ =	vpop (xrf2);
	v4 =	vadd.f32 v27, v4;
	(xrf2) =	vadd.scan.msk.f32 $0xffff, v9  }
0x6f4: {  	v0 =	vadd.f32 v0, v1;
	v6 =	vadd.f32 v6, v7;
	v36, _, _ =	vpop (xrf2)  }
0x6f5: {  	v5 =	vsub.f32 v29, v31;
	v3 =	vmul.f32 v3, v3;
	v4 =	vmul.f32 v4, v4;
	v37, _, _ =	vpop (xrf2)  }
0x6f6: {  	(xrf2) =	vadd.scan.msk.f32 $0xffff, v6;
	v38, _, _ =	vpop (xrf2)  }
0x6f7: {  	v0 =	vmul.f32 v0, v0;
	v39 =	vadd.f32 v34, v5;
	v3 =	vadd.f32 v3, v4;
	v40, _, _ =	vpop (xrf2)  }
0x6f8: {  	v41 =	vbroadcast v38, $0xF;
	v5 =	vbroadcast v40, $0xF  }
0x6f9: {  	v4 =	vmul.f32 v39, v39;
	v1 =	vbroadcast v37, $0xF;
	(xrf2) =	vadd.scan.msk.f32 $0xffff, v3  }
0x6fa: {  	v43 =	vbroadcast v36, $0xF;
	v44, _, _ =	vpop (xrf2);
	v42 =	vsel vm0, v41, v5  }
0x6fb: {  	v0 =	vadd.f32 v4, v0;
	v45 =	vbroadcast v44, $0xF;
	v1 =	vsel vm1, v42, v1  }
0x6fc: {  	v2 =	vbroadcast v35, $0xF;
	v1 =	vsel vm2, v1, v43  }
0x6fd: {  	v46 =	vbroadcast v33, $0xF;
	(xrf2) =	vadd.scan.msk.f32 $0xffff, v0;
	v47, _, _ =	vpop (xrf2);
	v1 =	vsel vm3, v1, v45  }
0x6fe: {  	v49 =	vbroadcast v47, $0xF;
	v48 =	vsel vm4, v1, v2  }
0x6ff: {  	v50 =	vbroadcast v32, $0xF;
	v0 =	vsel vm5, v48, v46  }
0x700: {  	v51 =	vbroadcast v30, $0xF;
	v52, _, _ =	vpop (xrf2);
	v0 =	vsel vm6, v0, v49  }
0x701: {  	v53 =	vbroadcast v52, $0xF;
	v0 =	vsel vm7, v0, v50  }
0x702: {  	v54 =	vbroadcast v14, $0xF;
	v0 =	vsel vm8, v0, v51  }
0x703: {  	v55 =	vbroadcast v13, $0xF;
	v56, _, _ =	vpop (xrf2);
	v0 =	vsel vm9, v0, v53  }
0x704: {  	v57 =	vbroadcast v56, $0xF;
	v0 =	vsel vm10, v0, v54  }
0x705: {  	v58 =	vbroadcast v10, $0xF;
	v0 =	vsel vm11, v0, v55  }
0x706: {  	v0 =	vsel vm12, v0, v57  }
0x707: {  	v59, _, _ =	vpop (xrf2);
	v0 =	vsel vm13, v0, v58  }
0x708: {  	v0 =	vsel vm14, v0, v59  }
0x709: {  	v0 =	vadd.f32 $9.999999960e-13, v0;
	_ =	sdelay $0x1  }
0x70a: {  	v60 =	vshrl.u32 v0, $0x1  }
0x70b: {  	v1 =	vadd.s32 $0x1FBD1DF5, v60  }
0x70c: {  	(erf) = vrcp.f32 v1;
	_ =	sdelay $0x8  }
0x70d: {  	v61 =	vpop (erf)  }
0x70e: {  	v2 =	vmul.f32 v61, v0;
	_ =	sdelay $0x1  }
0x70f: {  	v1 =	vadd.f32 v1, v2;
	_ =	sdelay $0x1  }
0x710: {  	v1 =	vmul.f32 $5.000000000e-01, v1;
	_ =	sdelay $0x1  }
0x711: {  	(erf) = vrcp.f32 v1;
	_ =	sdelay $0x8  }
0x712: {  	v62 =	vpop (erf)  }
0x713: {  	v2 =	vmul.f32 v62, v0;
	_ =	sdelay $0x1  }
0x714: {  	v1 =	vadd.f32 v2, v1;
	_ =	sdelay $0x1  }
0x715: {  	v1 =	vmul.f32 $5.000000000e-01, v1;
	_ =	sdelay $0x1  }
0x716: {  	(erf) = vrcp.f32 v1;
	_ =	sdelay $0x8  }
0x717: {  	v63 =	vpop (erf)  }
0x718: {  	v0 =	vmul.f32 v63, v0;
	_ =	sdelay $0x1  }
0x719: {  	v0 =	vadd.f32 v0, v1;
	_ =	sdelay $0x1  }
0x71a: {  	v0 =	vmul.f32 $5.000000000e-01, v0;
	_ =	sdelay $0x1  }
0x71b: {  	s20 =	sadd.s32 $0x1, s20;
	v0 =	vsub.f32 $0.0e+00, v0  }
0x71c: {  	s21 =	sadd.s32 $0x10, s21;
	p0 =	sne.s32 s20, s18  }
.Ltmp4:
0x71d: {  	[tilespmem:s21+$0x0] =	vst v0;
	(pc) =	sbr.rel @p0 .LBB2_1-.Ltmp4, $4  }
0x71e: {  	[hbm4b:s17+s1] =	stream.linear.scatter [tilespmem:s2], [sflag:$0x2], $0x200, $0x38;
	[tilespmem:$0xC800] =	vst v63  }
0x71f: {  	_ =	swait.ge [sflag:s19], $0x200  }
0x720: {  	[sflag:s19] =	ssyncset.done $0x0  }
0x721: {  	[sflag:s19] =	ssyncadd.s32 $0xFFFFFE00  }
0x722: {  	_ =	sfence.sel $0x180000  }
0x723: {  	[bflag:$0x0] =	sbarrier.arrive $0xFFFF  }
0x724: {  	_ =	strace $0x90000047  }
0x725: {  	s0 =	stileid.u32;
	[bflag:$0x2] =	sbarrier.arrive $0xFFFF  }
0x726: {  	p0 =	sne.s32 s0, $0x0;
	s0 =	rddreg [dreg:$0x2]  }
0x727: {  	s0 =	sadd.s32 @!p0 $0x100000, s0  }
0x728: {  	[sflag:s0] =	ssyncadd.tile.s32 @!p0 $0x1;
	_ =	shalt  }
.Lfunc_end2:
_tile_overlayer_lowered:
.L_overlay_start_2:
0x729: {  	(tag) =	ssettag $0x2  }
0x72a: {  	s0 =	rddreg [dreg:$0x0];
	s2 =	stileid.u32  }
0x72b: {  	s1 =	rddreg [dreg:$0x1];
	p0 =	sne.s32 s2, $0x0  }
0x72c: {  	s3 =	rddreg [dreg:$0x2];
	[bflag:$0x3] =	sbarrier.arrive $0xFFFF;
	s2 =	simm.s32 @!p0 $0x1C02  }
0x72d: {  	[timem:s3], [sflag:s2] =	dma.local @!p0 [hbm:s0], s1  }
0x72e: {  	s0 =	simm.s32 @!p0 $0x2  }
0x72f: {  	_ =	swait.ge @!p0 [sflag:s0], s1  }
0x730: {  	s1 =	ssub.s32 @!p0 $0x0, s1;
	[sflag:s0] =	ssyncset.done @!p0 $0x0  }
0x731: {  	[sflag:s0] =	ssyncadd.s32 @!p0 s1  }
0x732: {  	[bflag:$0x3] =	sbarrier.arrive $0xFFFF  }
0x733: {  	_ =	shalt  }

</sc_bundles>
